<compile_context>
chip_gen: v7x
topology: tpu7x:2x2x1
jax: 0.10.2.dev20260603
libtpu: 0.0.44.dev20260713+nightly
codegen_flags: <defaults>
</compile_context>

<pallas_src>
import functools

import jax
import jax.numpy as jnp
from jax import lax
from jax.experimental import pallas as pl
from jax.experimental.pallas import tpu as pltpu
from jax.experimental.pallas import tpu_sc as plsc

SCORE_THRESHOLD = 0.05
NMS_THRESHOLD = 0.5
MAX_DETECTIONS = 100
N_BOXES = 5000
N_PAD = 5120
NT = 16
PER = N_PAD // NT
NCH = PER // 16
SENTINEL = N_PAD
G_ROWS = N_PAD + 8

NEG = float("-inf")
BIGF = 1e9


def _bmax(v, lanes):
    for s in (1, 2, 4, 8):
        p = v.at[jnp.bitwise_xor(lanes, s)].get(mode="promise_in_bounds")
        v = jnp.maximum(v, p)
    return v


def _bmin(v, lanes):
    for s in (1, 2, 4, 8):
        p = v.at[jnp.bitwise_xor(lanes, s)].get(mode="promise_in_bounds")
        v = jnp.minimum(v, p)
    return v


def _sc_body(bt_ref, cls_ref, g_ref,
             out_rows_ref, out_scores_ref, out_oris_ref, out_valid_ref,
             bxy_v, cls_v, area_v, scores_v, ori_v,
             pub_v, lb_v, rec_s, rec_j, rec_o, idx_v, rowsw_v,
             osc_v, oori_v, oval_v,
             board, sem):
    cid = lax.axis_index("c")

    @pl.when(cid == 0)
    def _():
        sid = lax.axis_index("s")
        base = sid * PER
        basef = base.astype(jnp.float32)
        lanes = lax.iota(jnp.int32, 16)
        lanes_f = lanes.astype(jnp.float32)

        pltpu.sync_copy(bt_ref.at[pl.ds(sid * (4 * PER), 4 * PER)], bxy_v)
        pltpu.sync_copy(cls_ref.at[pl.ds(sid * (8 * PER), 8 * PER)], cls_v)

        for k in range(NCH):
            off = k * 16
            c0 = jnp.maximum(cls_v[pl.ds(0 * PER + off, 16)],
                             cls_v[pl.ds(4 * PER + off, 16)])
            c1 = jnp.maximum(cls_v[pl.ds(1 * PER + off, 16)],
                             cls_v[pl.ds(5 * PER + off, 16)])
            c2 = jnp.maximum(cls_v[pl.ds(2 * PER + off, 16)],
                             cls_v[pl.ds(6 * PER + off, 16)])
            c3 = jnp.maximum(cls_v[pl.ds(3 * PER + off, 16)],
                             cls_v[pl.ds(7 * PER + off, 16)])
            best = c0
            ori = jnp.zeros((16,), jnp.float32)
            for kk, c in ((1, c1), (2, c2), (3, c3)):
                upd = c > best
                ori = jnp.where(upd, float(kk), ori)
                best = jnp.maximum(best, c)
            scores_v[pl.ds(off, 16)] = jnp.where(
                best > SCORE_THRESHOLD, best, NEG)
            ori_v[pl.ds(off, 16)] = ori
            x1c = bxy_v[pl.ds(0 * PER + off, 16)]
            y1c = bxy_v[pl.ds(1 * PER + off, 16)]
            x2c = bxy_v[pl.ds(2 * PER + off, 16)]
            y2c = bxy_v[pl.ds(3 * PER + off, 16)]
            area_v[pl.ds(off, 16)] = (x2c - x1c) * (y2c - y1c)

        best = jnp.full((16,), NEG, jnp.float32)
        bidx = jnp.full((16,), BIGF, jnp.float32)
        for k in range(NCH):
            off = k * 16
            s = scores_v[pl.ds(off, 16)]
            gidf = (base + off).astype(jnp.float32) + lanes_f
            upd = s > best
            bidx = jnp.where(upd, gidf, bidx)
            best = jnp.maximum(best, s)


        def body(t, carry):
            count, best, bidx = carry
            m_l = _bmax(best, lanes)
            j_l = _bmin(jnp.where(best == m_l, bidx, BIGF), lanes)
            l_l = jnp.where(m_l > NEG, j_l - basef, 0.0)
            lb = l_l.astype(jnp.int32)
            x1b = plsc.load_gather(bxy_v, [lb])
            y1b = plsc.load_gather(bxy_v, [lb + PER])
            x2b = plsc.load_gather(bxy_v, [lb + 2 * PER])
            y2b = plsc.load_gather(bxy_v, [lb + 3 * PER])
            arb = plsc.load_gather(area_v, [lb])
            orb = plsc.load_gather(ori_v, [lb])
            pub = jnp.where(lanes == 0, m_l, 0.0)
            pub = jnp.where(lanes == 1, j_l, pub)
            pub = jnp.where(lanes == 2, x1b, pub)
            pub = jnp.where(lanes == 3, y1b, pub)
            pub = jnp.where(lanes == 4, x2b, pub)
            pub = jnp.where(lanes == 5, y2b, pub)
            pub = jnp.where(lanes == 6, arb, pub)
            pub = jnp.where(lanes == 7, orb, pub)
            pub_v[...] = pub
            buf = (t & 1) * 256
            pltpu.sync_copy(pub_v, board.at[pl.ds(buf + sid * 16, 16)])
            plsc.subcore_barrier()
            pltpu.sync_copy(board.at[pl.ds(buf, 256)], lb_v)

            colm = plsc.load_gather(lb_v, [lanes * 16 + 0])
            colj = plsc.load_gather(lb_v, [lanes * 16 + 1])
            m = _bmax(colm, lanes)
            jgf = _bmin(jnp.where(colm == m, colj, BIGF), lanes)
            wt = _bmin(jnp.where(colj == jgf, lanes_f, 16.0), lanes)
            wb = wt.astype(jnp.int32) * 16
            x1j = plsc.load_gather(lb_v, [wb + 2])
            y1j = plsc.load_gather(lb_v, [wb + 3])
            x2j = plsc.load_gather(lb_v, [wb + 4])
            y2j = plsc.load_gather(lb_v, [wb + 5])
            arj = plsc.load_gather(lb_v, [wb + 6])
            orj = plsc.load_gather(lb_v, [wb + 7])
            got = m > NEG

            best = jnp.full((16,), NEG, jnp.float32)
            bidx = jnp.full((16,), BIGF, jnp.float32)
            for k in range(NCH):
                off = k * 16
                x1c = bxy_v[pl.ds(0 * PER + off, 16)]
                y1c = bxy_v[pl.ds(1 * PER + off, 16)]
                x2c = bxy_v[pl.ds(2 * PER + off, 16)]
                y2c = bxy_v[pl.ds(3 * PER + off, 16)]
                arc = area_v[pl.ds(off, 16)]
                s = scores_v[pl.ds(off, 16)]
                xx1 = jnp.maximum(x1j, x1c)
                yy1 = jnp.maximum(y1j, y1c)
                xx2 = jnp.minimum(x2j, x2c)
                yy2 = jnp.minimum(y2j, y2c)
                w = jnp.maximum(0.0, xx2 - xx1)
                h = jnp.maximum(0.0, yy2 - yy1)
                inter = w * h
                iou = inter / (arj + arc - inter + 1e-9)
                gidf = (base + off).astype(jnp.float32) + lanes_f
                supp = ((iou > NMS_THRESHOLD) | (gidf == jgf)) & got
                snew = jnp.where(supp, NEG, s)
                scores_v[pl.ds(off, 16)] = snew
                upd = snew > best
                bidx = jnp.where(upd, gidf, bidx)
                best = jnp.maximum(best, snew)

            @pl.when(sid == 0)
            def _():
                tv = jnp.full((16,), t, jnp.int32)
                recm = (lanes == 0) & got
                plsc.store_scatter(rec_s, [tv], m, mask=recm)
                plsc.store_scatter(rec_j, [tv], jgf, mask=recm)
                plsc.store_scatter(rec_o, [tv], orj, mask=recm)

            return count + got.astype(jnp.int32), best, bidx

        count, _, _ = lax.fori_loop(
            0, MAX_DETECTIONS, body,
            (jnp.zeros((16,), jnp.int32), best, bidx))


        @pl.when(sid == 0)
        def _():
            for k in range(8):
                off = k * 16
                slot = off + lanes
                validm = slot < count
                sc = rec_s[pl.ds(off, 16)]
                jf = rec_j[pl.ds(off, 16)]
                orf = rec_o[pl.ds(off, 16)]
                osc_v[pl.ds(off, 16)] = jnp.where(validm, sc, -1.0)
                oori_v[pl.ds(off, 16)] = jnp.where(
                    validm, orf, -1.0).astype(jnp.int32)
                oval_v[pl.ds(off, 16)] = validm.astype(jnp.int32)
                idx_v[pl.ds(off, 16)] = jnp.where(
                    validm, jf.astype(jnp.int32), SENTINEL)
            pltpu.async_copy(g_ref.at[idx_v], rowsw_v, sem).wait()
            pltpu.sync_copy(rowsw_v, out_rows_ref)
            pltpu.sync_copy(osc_v, out_scores_ref)
            pltpu.sync_copy(oori_v, out_oris_ref)
            pltpu.sync_copy(oval_v, out_valid_ref)


@jax.jit
def _run(bt, clsT, g):
    f32 = jnp.float32
    i32 = jnp.int32
    mesh = plsc.VectorSubcoreMesh(core_axis_name="c", subcore_axis_name="s")
    kfn = functools.partial(
        pl.kernel,
        out_type=(
            jax.ShapeDtypeStruct((128, 128), f32),
            jax.ShapeDtypeStruct((128,), f32),
            jax.ShapeDtypeStruct((128,), i32),
            jax.ShapeDtypeStruct((128,), i32),
        ),
        mesh=mesh,
        compiler_params=pltpu.CompilerParams(needs_layout_passes=False),
        scratch_types=[
            pltpu.VMEM((4 * PER,), f32),
            pltpu.VMEM((8 * PER,), f32),
            pltpu.VMEM((PER,), f32),
            pltpu.VMEM((PER,), f32),
            pltpu.VMEM((PER,), f32),
            pltpu.VMEM((16,), f32),
            pltpu.VMEM((16 * 16,), f32),
            pltpu.VMEM((128,), f32),
            pltpu.VMEM((128,), f32),
            pltpu.VMEM((128,), f32),
            pltpu.VMEM((128,), i32),
            pltpu.VMEM((128, 128), f32),
            pltpu.VMEM((128,), f32),
            pltpu.VMEM((128,), i32),
            pltpu.VMEM((128,), i32),
            pltpu.VMEM_SHARED((2 * 16 * 16,), f32),
            pltpu.SemaphoreType.DMA,
        ],
    )
    return kfn(_sc_body)(bt, clsT, g)


def kernel(boxes, dimensions, classification):
    f32 = jnp.float32
    b4 = jnp.pad(boxes[:, :4], ((0, N_PAD - N_BOXES), (0, 0)))
    bt = b4.reshape(NT, PER, 4).transpose(0, 2, 1).reshape(-1)
    clsT = jnp.pad(classification, ((0, N_PAD - N_BOXES), (0, 0)))
    clsT = clsT.reshape(NT, PER, 8).transpose(0, 2, 1).reshape(-1)
    g = jnp.concatenate(
        [boxes, dimensions, jnp.zeros((N_BOXES, 1), f32)], axis=1)
    g = jnp.pad(g, ((0, G_ROWS - N_BOXES), (0, 0)), constant_values=-1.0)
    g = g.at[N_BOXES:N_PAD].set(0.0)
    g = jnp.pad(g, ((0, 0), (0, 112)))

    out_rows, out_scores, out_oris, out_valid = _run(bt, clsT, g)

    valid = out_valid[:MAX_DETECTIONS] > 0
    out_boxes = out_rows[:MAX_DETECTIONS, :12]
    out_dims = out_rows[:MAX_DETECTIONS, 12:15]
    out_s = out_scores[:MAX_DETECTIONS]
    out_labels = jnp.where(valid, 0, -1)
    out_o = out_oris[:MAX_DETECTIONS]
    return (jnp.asarray(out_boxes, dtype=jnp.float32),
            jnp.asarray(out_dims, dtype=jnp.float32),
            jnp.asarray(out_s, dtype=jnp.float32),
            jnp.asarray(out_labels, dtype=jnp.int64),
            jnp.asarray(out_o, dtype=jnp.int64))

# --- scband reference (transcript-rebuilt; emitter-appended) ---
"""Pipeline reference for scband-filter-detections-23381801960293 (READ-ONLY COPY).

The authoritative reference and input builder live on the scoring server;
editing this copy changes nothing except your own understanding.
"""

import jax, jax.numpy as jnp
import numpy as np

SCORE_THRESHOLD = 0.05
NMS_THRESHOLD = 0.5
MAX_DETECTIONS = 100
N_BOXES = 5000


def setup_inputs(seed: int = 0):
    key = jax.random.key(seed)
    k1, k2, k3, k4, k5 = jax.random.split(key, 5)
    xy = jax.random.uniform(k1, (N_BOXES, 2), minval=0.0, maxval=448.0)
    wh = jax.random.uniform(k2, (N_BOXES, 2), minval=16.0, maxval=64.0)
    rest = jax.random.uniform(k3, (N_BOXES, 8), minval=0.0, maxval=512.0)
    boxes = jnp.concatenate([xy, xy + wh, rest], axis=1).astype(jnp.float32)
    dimensions = jax.random.uniform(k4, (N_BOXES, 3), minval=0.5, maxval=4.0).astype(jnp.float32)
    classification = jax.random.uniform(k5, (N_BOXES, 8)).astype(jnp.float32)
    return {"boxes": boxes, "dimensions": dimensions, "classification": classification}


def _nms_keep(boxes4, scores, max_out, iou_thr):
    # Greedy NMS matching tf.image.non_max_suppression semantics (no +1 in area).
    boxes4 = np.asarray(boxes4, dtype=np.float64)
    scores = np.asarray(scores, dtype=np.float64)
    n = scores.shape[0]
    if n == 0:
        return np.zeros((0,), dtype=np.int64)
    order = np.argsort(-scores, kind="stable")
    x1, y1, x2, y2 = boxes4[:, 0], boxes4[:, 1], boxes4[:, 2], boxes4[:, 3]
    areas = (x2 - x1) * (y2 - y1)
    suppressed = np.zeros(n, dtype=bool)
    keep = []
    for i in order:
        if suppressed[i]:
            continue
        keep.append(int(i))
        if len(keep) >= max_out:
            break
        xx1 = np.maximum(x1[i], x1)
        yy1 = np.maximum(y1[i], y1)
        xx2 = np.minimum(x2[i], x2)
        yy2 = np.minimum(y2[i], y2)
        w = np.maximum(0.0, xx2 - xx1)
        h = np.maximum(0.0, yy2 - yy1)
        inter = w * h
        iou = inter / (areas[i] + areas - inter + 1e-9)
        suppressed |= iou > iou_thr
        suppressed[i] = True
    return np.asarray(keep, dtype=np.int64)


def reference(boxes, dimensions, classification):
    # max over the two halves -> per-box, per-orientation scores (N, 4)
    c4 = jnp.maximum(classification[:, :4], classification[:, 4:])
    # orientation argmax / max per box (num_classes == 1)
    ori_all = jnp.argmax(c4, axis=1)
    scores = jnp.max(c4, axis=1)

    x1, y1, x2, y2 = boxes[:, 0], boxes[:, 1], boxes[:, 2], boxes[:, 3]
    areas = (x2 - x1) * (y2 - y1)
    neg_inf = jnp.asarray(-jnp.inf, dtype=scores.dtype)

    # class-specific filter, single class c=0: fold into initial suppression mask
    suppressed0 = ~(scores > SCORE_THRESHOLD)

    def body(i, state):
        suppressed, keep, count = state
        avail = ~suppressed
        any_avail = jnp.any(avail)
        s = jnp.where(avail, scores, neg_inf)
        j = jnp.argmax(s)
        xx1 = jnp.maximum(x1[j], x1)
        yy1 = jnp.maximum(y1[j], y1)
        xx2 = jnp.minimum(x2[j], x2)
        yy2 = jnp.minimum(y2[j], y2)
        w = jnp.maximum(0.0, xx2 - xx1)
        h = jnp.maximum(0.0, yy2 - yy1)
        inter = w * h
        iou = inter / (areas[j] + areas - inter + 1e-9)
        new_suppressed = (suppressed | (iou > NMS_THRESHOLD)).at[j].set(True)
        suppressed = jnp.where(any_avail, new_suppressed, suppressed)
        keep = jnp.where(any_avail, keep.at[i].set(j.astype(keep.dtype)), keep)
        count = count + any_avail.astype(count.dtype)
        return suppressed, keep, count

    keep_init = jnp.full((MAX_DETECTIONS,), -1, dtype=jnp.int32)
    _, keep, count = jax.lax.fori_loop(
        0, MAX_DETECTIONS, body, (suppressed0, keep_init, jnp.int32(0))
    )

    slot_valid = jnp.arange(MAX_DETECTIONS, dtype=jnp.int32) < count
    sel = jnp.where(slot_valid, keep, 0)

    oris = ori_all[sel]
    dims_sel = dimensions[sel, 0:3]
    # scores gathered from classification_all[4*idx + ori, label] == c4[idx, ori]
    scores_sel = c4[sel, oris]

    masked_scores = jnp.where(slot_valid, scores_sel, neg_inf)
    top = jnp.argsort(-masked_scores, stable=True)
    final = sel[top]

    out_boxes = jnp.where(slot_valid[:, None], boxes[final], -1.0)
    out_dims = jnp.where(slot_valid[:, None], dims_sel[top], -1.0)
    out_scores = jnp.where(slot_valid, scores_sel[top], -1.0)
    out_labels = jnp.where(slot_valid, 0, -1)
    out_oris = jnp.where(slot_valid, oris[top], -1)

    return (jnp.asarray(out_boxes, dtype=jnp.float32),
            jnp.asarray(out_dims, dtype=jnp.float32),
            jnp.asarray(out_scores, dtype=jnp.float32),
            jnp.asarray(out_labels, dtype=jnp.int64),
            jnp.asarray(out_oris, dtype=jnp.int64))

if __name__ == "__main__":
    import jax
    _d = setup_inputs()
    print(jax.jit(kernel)(*tuple(_d.values())))

</pallas_src>

<mosaic_0001>
#map = affine_map<(d0, d1) -> (0)>
#map1 = affine_map<(d0, d1) -> (0, 0)>
module attributes {stable_mosaic.version = 14 : i64} {
  func.func @_sc_body(%arg0: i32, %arg1: i32, %arg2: memref<20480xf32, #tpu.memory_space<hbm>>, %arg3: memref<40960xf32, #tpu.memory_space<hbm>>, %arg4: memref<5128x128xf32, #tpu.memory_space<hbm>>, %arg5: memref<128x128xf32, #tpu.memory_space<hbm>>, %arg6: memref<128xf32, #tpu.memory_space<hbm>>, %arg7: memref<128xi32, #tpu.memory_space<hbm>>, %arg8: memref<128xi32, #tpu.memory_space<hbm>>, %arg9: memref<1280xf32, #tpu.memory_space<vmem>>, %arg10: memref<2560xf32, #tpu.memory_space<vmem>>, %arg11: memref<320xf32, #tpu.memory_space<vmem>>, %arg12: memref<320xf32, #tpu.memory_space<vmem>>, %arg13: memref<320xf32, #tpu.memory_space<vmem>>, %arg14: memref<16xf32, #tpu.memory_space<vmem>>, %arg15: memref<256xf32, #tpu.memory_space<vmem>>, %arg16: memref<128xf32, #tpu.memory_space<vmem>>, %arg17: memref<128xf32, #tpu.memory_space<vmem>>, %arg18: memref<128xf32, #tpu.memory_space<vmem>>, %arg19: memref<128xi32, #tpu.memory_space<vmem>>, %arg20: memref<128x128xf32, #tpu.memory_space<vmem>>, %arg21: memref<128xf32, #tpu.memory_space<vmem>>, %arg22: memref<128xi32, #tpu.memory_space<vmem>>, %arg23: memref<128xi32, #tpu.memory_space<vmem>>, %arg24: memref<512xf32, #tpu.memory_space<vmem_shared>>, %arg25: memref<!tpu.dma_semaphore, #tpu.memory_space<semaphore_mem>>) attributes {dimension_semantics = [#tpu.dimension_semantics<core_parallel>, #tpu.dimension_semantics<subcore_parallel>], iteration_bounds = array<i64: 2, 16>, scalar_prefetch = 0 : i64, scratch_operands = 17 : i64, tpu.core_type = #tpu.core_type<sc_vector_subcore>, window_params = [{transform_indices = #map}, {transform_indices = #map}, {transform_indices = #map1}, {transform_indices = #map1}, {transform_indices = #map}, {transform_indices = #map}, {transform_indices = #map}]} {
    %eq3A = arith.constant 0 : i32
    %eq3A_0 = arith.cmpi eq, %arg0, %eq3A : i32
    %convert_element_type3A = arith.extui %eq3A_0 : i1 to i32
    %cond3A = arith.constant 0 : i32
    %cond3A_1 = arith.cmpi ne, %convert_element_type3A, %cond3A : i32
    scf.if %cond3A_1 {
      %mul3A = arith.constant 320 : i32
      %mul3A_2 = arith.muli %arg1, %mul3A : i32
      %convert_element_type3A_3 = arith.sitofp %mul3A_2 : i32 to f32
      %iota3A = tpu.iota {dimensions = array<i32: 0>} : vector<16xi32>
      %convert_element_type3A_4 = arith.sitofp %iota3A : vector<16xi32> to vector<16xf32>
      %mul3A_5 = arith.constant 1280 : i32
      %mul3A_6 = arith.muli %arg1, %mul3A_5 : i32
      "tpu.region"() ({
        %run_scoped3A = tpu.sem_alloc : memref<!tpu.dma_semaphore, #tpu.memory_space<semaphore_mem>>
        %dma_start3A = tpu.memref_slice %arg2[%mul3A_6] : memref<20480xf32, #tpu.memory_space<hbm>> -> memref<1280xf32, #tpu.memory_space<hbm>>
        %dma_start3A_1416 = tpu.memref_slice %arg2[%mul3A_6] : memref<20480xf32, #tpu.memory_space<hbm>> -> memref<1280xf32, #tpu.memory_space<hbm>>
        tpu.enqueue_dma source(%dma_start3A_1416 : memref<1280xf32, #tpu.memory_space<hbm>>) target(%arg9 : memref<1280xf32, #tpu.memory_space<vmem>>) target_semaphore(%run_scoped3A : memref<!tpu.dma_semaphore, #tpu.memory_space<semaphore_mem>>)
        %dma_wait3A = tpu.memref_slice %arg2[%mul3A_6] : memref<20480xf32, #tpu.memory_space<hbm>> -> memref<1280xf32, #tpu.memory_space<hbm>>
        %dma_wait3A_1417 = tpu.memref_slice %arg2[%mul3A_6] : memref<20480xf32, #tpu.memory_space<hbm>> -> memref<1280xf32, #tpu.memory_space<hbm>>
        tpu.wait_dma2 semaphore(%run_scoped3A : memref<!tpu.dma_semaphore, #tpu.memory_space<semaphore_mem>>) src(%dma_wait3A_1417 : memref<1280xf32, #tpu.memory_space<hbm>>) dst(%arg9 : memref<1280xf32, #tpu.memory_space<vmem>>)
        tpu.yield
      }) : () -> ()
      %mul3A_7 = arith.constant 2560 : i32
      %mul3A_8 = arith.muli %arg1, %mul3A_7 : i32
      "tpu.region"() ({
        %run_scoped3A = tpu.sem_alloc : memref<!tpu.dma_semaphore, #tpu.memory_space<semaphore_mem>>
        %dma_start3A = tpu.memref_slice %arg3[%mul3A_8] : memref<40960xf32, #tpu.memory_space<hbm>> -> memref<2560xf32, #tpu.memory_space<hbm>>
        %dma_start3A_1416 = tpu.memref_slice %arg3[%mul3A_8] : memref<40960xf32, #tpu.memory_space<hbm>> -> memref<2560xf32, #tpu.memory_space<hbm>>
        tpu.enqueue_dma source(%dma_start3A_1416 : memref<2560xf32, #tpu.memory_space<hbm>>) target(%arg10 : memref<2560xf32, #tpu.memory_space<vmem>>) target_semaphore(%run_scoped3A : memref<!tpu.dma_semaphore, #tpu.memory_space<semaphore_mem>>)
        %dma_wait3A = tpu.memref_slice %arg3[%mul3A_8] : memref<40960xf32, #tpu.memory_space<hbm>> -> memref<2560xf32, #tpu.memory_space<hbm>>
        %dma_wait3A_1417 = tpu.memref_slice %arg3[%mul3A_8] : memref<40960xf32, #tpu.memory_space<hbm>> -> memref<2560xf32, #tpu.memory_space<hbm>>
        tpu.wait_dma2 semaphore(%run_scoped3A : memref<!tpu.dma_semaphore, #tpu.memory_space<semaphore_mem>>) src(%dma_wait3A_1417 : memref<2560xf32, #tpu.memory_space<hbm>>) dst(%arg10 : memref<2560xf32, #tpu.memory_space<vmem>>)
        tpu.yield
      }) : () -> ()
      %get3A = arith.constant 0 : index
      %get3A_9 = tpu.vector_load %arg10[%get3A] {strides = array<i32>} : memref<2560xf32, #tpu.memory_space<vmem>>, vector<16xf32>,
      %get3A_10 = arith.constant 1280 : index
      %get3A_11 = tpu.vector_load %arg10[%get3A_10] {strides = array<i32>} : memref<2560xf32, #tpu.memory_space<vmem>>, vector<16xf32>,
      %max3A = arith.maximumf %get3A_9, %get3A_11 : vector<16xf32>
      %get3A_12 = arith.constant 320 : index
      %get3A_13 = tpu.vector_load %arg10[%get3A_12] {strides = array<i32>} : memref<2560xf32, #tpu.memory_space<vmem>>, vector<16xf32>,
      %get3A_14 = arith.constant 1600 : index
      %get3A_15 = tpu.vector_load %arg10[%get3A_14] {strides = array<i32>} : memref<2560xf32, #tpu.memory_space<vmem>>, vector<16xf32>,
      %max3A_16 = arith.maximumf %get3A_13, %get3A_15 : vector<16xf32>
      %get3A_17 = arith.constant 640 : index
      %get3A_18 = tpu.vector_load %arg10[%get3A_17] {strides = array<i32>} : memref<2560xf32, #tpu.memory_space<vmem>>, vector<16xf32>,
      %get3A_19 = arith.constant 1920 : index
      %get3A_20 = tpu.vector_load %arg10[%get3A_19] {strides = array<i32>} : memref<2560xf32, #tpu.memory_space<vmem>>, vector<16xf32>,
      %max3A_21 = arith.maximumf %get3A_18, %get3A_20 : vector<16xf32>
      %get3A_22 = arith.constant 960 : index
      %get3A_23 = tpu.vector_load %arg10[%get3A_22] {strides = array<i32>} : memref<2560xf32, #tpu.memory_space<vmem>>, vector<16xf32>,
      %get3A_24 = arith.constant 2240 : index
      %get3A_25 = tpu.vector_load %arg10[%get3A_24] {strides = array<i32>} : memref<2560xf32, #tpu.memory_space<vmem>>, vector<16xf32>,
      %max3A_26 = arith.maximumf %get3A_23, %get3A_25 : vector<16xf32>
      %broadcast_in_dim3A = arith.constant 0.000000e+00 : f32
      %broadcast_in_dim3A_27 = vector.broadcast %broadcast_in_dim3A : f32 to vector<16xf32>
      %gt3A = arith.cmpf ogt, %max3A_16, %max3A : vector<16xf32>
      %jit3A = arith.constant 1.000000e+00 : f32
      %broadcast_in_dim3A_28 = vector.broadcast %jit3A : f32 to vector<16xf32>
      %select_n3A = arith.select %gt3A, %broadcast_in_dim3A_28, %broadcast_in_dim3A_27 : vector<16xi1>, vector<16xf32>
      %max3A_29 = arith.maximumf %max3A, %max3A_16 : vector<16xf32>
      %gt3A_30 = arith.cmpf ogt, %max3A_21, %max3A_29 : vector<16xf32>
      %jit3A_31 = arith.constant 2.000000e+00 : f32
      %broadcast_in_dim3A_32 = vector.broadcast %jit3A_31 : f32 to vector<16xf32>
      %select_n3A_33 = arith.select %gt3A_30, %broadcast_in_dim3A_32, %select_n3A : vector<16xi1>, vector<16xf32>
      %max3A_34 = arith.maximumf %max3A_29, %max3A_21 : vector<16xf32>
      %gt3A_35 = arith.cmpf ogt, %max3A_26, %max3A_34 : vector<16xf32>
      %jit3A_36 = arith.constant 3.000000e+00 : f32
      %broadcast_in_dim3A_37 = vector.broadcast %jit3A_36 : f32 to vector<16xf32>
      %select_n3A_38 = arith.select %gt3A_35, %broadcast_in_dim3A_37, %select_n3A_33 : vector<16xi1>, vector<16xf32>
      %max3A_39 = arith.maximumf %max3A_34, %max3A_26 : vector<16xf32>
      %gt3A_40 = arith.constant 5.000000e-02 : f32
      %gt3A_41 = vector.broadcast %gt3A_40 : f32 to vector<16xf32>
      %gt3A_42 = arith.cmpf ogt, %max3A_39, %gt3A_41 : vector<16xf32>
      %jit3A_43 = arith.constant 0xFF800000 : f32
      %broadcast_in_dim3A_44 = vector.broadcast %jit3A_43 : f32 to vector<16xf32>
      %select_n3A_45 = arith.select %gt3A_42, %max3A_39, %broadcast_in_dim3A_44 : vector<16xi1>, vector<16xf32>
      %swap3A = arith.constant 0 : index
      %swap3A_46 = tpu.vector_load %arg12[%swap3A] {strides = array<i32>} : memref<320xf32, #tpu.memory_space<vmem>>, vector<16xf32>,
      tpu.vector_store %arg12[%swap3A], %select_n3A_45 {strides = array<i32>} : memref<320xf32, #tpu.memory_space<vmem>>, vector<16xf32>,
      %swap3A_47 = arith.constant 0 : index
      %swap3A_48 = tpu.vector_load %arg13[%swap3A_47] {strides = array<i32>} : memref<320xf32, #tpu.memory_space<vmem>>, vector<16xf32>,
      tpu.vector_store %arg13[%swap3A_47], %select_n3A_38 {strides = array<i32>} : memref<320xf32, #tpu.memory_space<vmem>>, vector<16xf32>,
      %get3A_49 = arith.constant 0 : index
      %get3A_50 = tpu.vector_load %arg9[%get3A_49] {strides = array<i32>} : memref<1280xf32, #tpu.memory_space<vmem>>, vector<16xf32>,
      %get3A_51 = arith.constant 320 : index
      %get3A_52 = tpu.vector_load %arg9[%get3A_51] {strides = array<i32>} : memref<1280xf32, #tpu.memory_space<vmem>>, vector<16xf32>,
      %get3A_53 = arith.constant 640 : index
      %get3A_54 = tpu.vector_load %arg9[%get3A_53] {strides = array<i32>} : memref<1280xf32, #tpu.memory_space<vmem>>, vector<16xf32>,
      %get3A_55 = arith.constant 960 : index
      %get3A_56 = tpu.vector_load %arg9[%get3A_55] {strides = array<i32>} : memref<1280xf32, #tpu.memory_space<vmem>>, vector<16xf32>,
      %sub3A = arith.subf %get3A_54, %get3A_50 : vector<16xf32>
      %sub3A_57 = arith.subf %get3A_56, %get3A_52 : vector<16xf32>
      %mul3A_58 = arith.mulf %sub3A, %sub3A_57 : vector<16xf32>
      %swap3A_59 = arith.constant 0 : index
      %swap3A_60 = tpu.vector_load %arg11[%swap3A_59] {strides = array<i32>} : memref<320xf32, #tpu.memory_space<vmem>>, vector<16xf32>,
      tpu.vector_store %arg11[%swap3A_59], %mul3A_58 {strides = array<i32>} : memref<320xf32, #tpu.memory_space<vmem>>, vector<16xf32>,
      %get3A_61 = arith.constant 16 : index
      %get3A_62 = tpu.vector_load %arg10[%get3A_61] {strides = array<i32>} : memref<2560xf32, #tpu.memory_space<vmem>>, vector<16xf32>,
      %get3A_63 = arith.constant 1296 : index
      %get3A_64 = tpu.vector_load %arg10[%get3A_63] {strides = array<i32>} : memref<2560xf32, #tpu.memory_space<vmem>>, vector<16xf32>,
      %max3A_65 = arith.maximumf %get3A_62, %get3A_64 : vector<16xf32>
      %get3A_66 = arith.constant 336 : index
      %get3A_67 = tpu.vector_load %arg10[%get3A_66] {strides = array<i32>} : memref<2560xf32, #tpu.memory_space<vmem>>, vector<16xf32>,
      %get3A_68 = arith.constant 1616 : index
      %get3A_69 = tpu.vector_load %arg10[%get3A_68] {strides = array<i32>} : memref<2560xf32, #tpu.memory_space<vmem>>, vector<16xf32>,
      %max3A_70 = arith.maximumf %get3A_67, %get3A_69 : vector<16xf32>
      %get3A_71 = arith.constant 656 : index
      %get3A_72 = tpu.vector_load %arg10[%get3A_71] {strides = array<i32>} : memref<2560xf32, #tpu.memory_space<vmem>>, vector<16xf32>,
      %get3A_73 = arith.constant 1936 : index
      %get3A_74 = tpu.vector_load %arg10[%get3A_73] {strides = array<i32>} : memref<2560xf32, #tpu.memory_space<vmem>>, vector<16xf32>,
      %max3A_75 = arith.maximumf %get3A_72, %get3A_74 : vector<16xf32>
      %get3A_76 = arith.constant 976 : index
      %get3A_77 = tpu.vector_load %arg10[%get3A_76] {strides = array<i32>} : memref<2560xf32, #tpu.memory_space<vmem>>, vector<16xf32>,
      %get3A_78 = arith.constant 2256 : index
      %get3A_79 = tpu.vector_load %arg10[%get3A_78] {strides = array<i32>} : memref<2560xf32, #tpu.memory_space<vmem>>, vector<16xf32>,
      %max3A_80 = arith.maximumf %get3A_77, %get3A_79 : vector<16xf32>
      %broadcast_in_dim3A_81 = arith.constant 0.000000e+00 : f32
      %broadcast_in_dim3A_82 = vector.broadcast %broadcast_in_dim3A_81 : f32 to vector<16xf32>
      %gt3A_83 = arith.cmpf ogt, %max3A_70, %max3A_65 : vector<16xf32>
      %jit3A_84 = arith.constant 1.000000e+00 : f32
      %broadcast_in_dim3A_85 = vector.broadcast %jit3A_84 : f32 to vector<16xf32>
      %select_n3A_86 = arith.select %gt3A_83, %broadcast_in_dim3A_85, %broadcast_in_dim3A_82 : vector<16xi1>, vector<16xf32>
      %max3A_87 = arith.maximumf %max3A_65, %max3A_70 : vector<16xf32>
      %gt3A_88 = arith.cmpf ogt, %max3A_75, %max3A_87 : vector<16xf32>
      %jit3A_89 = arith.constant 2.000000e+00 : f32
      %broadcast_in_dim3A_90 = vector.broadcast %jit3A_89 : f32 to vector<16xf32>
      %select_n3A_91 = arith.select %gt3A_88, %broadcast_in_dim3A_90, %select_n3A_86 : vector<16xi1>, vector<16xf32>
      %max3A_92 = arith.maximumf %max3A_87, %max3A_75 : vector<16xf32>
      %gt3A_93 = arith.cmpf ogt, %max3A_80, %max3A_92 : vector<16xf32>
      %jit3A_94 = arith.constant 3.000000e+00 : f32
      %broadcast_in_dim3A_95 = vector.broadcast %jit3A_94 : f32 to vector<16xf32>
      %select_n3A_96 = arith.select %gt3A_93, %broadcast_in_dim3A_95, %select_n3A_91 : vector<16xi1>, vector<16xf32>
      %max3A_97 = arith.maximumf %max3A_92, %max3A_80 : vector<16xf32>
      %gt3A_98 = arith.constant 5.000000e-02 : f32
      %gt3A_99 = vector.broadcast %gt3A_98 : f32 to vector<16xf32>
      %gt3A_100 = arith.cmpf ogt, %max3A_97, %gt3A_99 : vector<16xf32>
      %jit3A_101 = arith.constant 0xFF800000 : f32
      %broadcast_in_dim3A_102 = vector.broadcast %jit3A_101 : f32 to vector<16xf32>
      %select_n3A_103 = arith.select %gt3A_100, %max3A_97, %broadcast_in_dim3A_102 : vector<16xi1>, vector<16xf32>
      %swap3A_104 = arith.constant 16 : index
      %swap3A_105 = tpu.vector_load %arg12[%swap3A_104] {strides = array<i32>} : memref<320xf32, #tpu.memory_space<vmem>>, vector<16xf32>,
      tpu.vector_store %arg12[%swap3A_104], %select_n3A_103 {strides = array<i32>} : memref<320xf32, #tpu.memory_space<vmem>>, vector<16xf32>,
      %swap3A_106 = arith.constant 16 : index
      %swap3A_107 = tpu.vector_load %arg13[%swap3A_106] {strides = array<i32>} : memref<320xf32, #tpu.memory_space<vmem>>, vector<16xf32>,
      tpu.vector_store %arg13[%swap3A_106], %select_n3A_96 {strides = array<i32>} : memref<320xf32, #tpu.memory_space<vmem>>, vector<16xf32>,
      %get3A_108 = arith.constant 16 : index
      %get3A_109 = tpu.vector_load %arg9[%get3A_108] {strides = array<i32>} : memref<1280xf32, #tpu.memory_space<vmem>>, vector<16xf32>,
      %get3A_110 = arith.constant 336 : index
      %get3A_111 = tpu.vector_load %arg9[%get3A_110] {strides = array<i32>} : memref<1280xf32, #tpu.memory_space<vmem>>, vector<16xf32>,
      %get3A_112 = arith.constant 656 : index
      %get3A_113 = tpu.vector_load %arg9[%get3A_112] {strides = array<i32>} : memref<1280xf32, #tpu.memory_space<vmem>>, vector<16xf32>,
      %get3A_114 = arith.constant 976 : index
      %get3A_115 = tpu.vector_load %arg9[%get3A_114] {strides = array<i32>} : memref<1280xf32, #tpu.memory_space<vmem>>, vector<16xf32>,
      %sub3A_116 = arith.subf %get3A_113, %get3A_109 : vector<16xf32>
      %sub3A_117 = arith.subf %get3A_115, %get3A_111 : vector<16xf32>
      %mul3A_118 = arith.mulf %sub3A_116, %sub3A_117 : vector<16xf32>
      %swap3A_119 = arith.constant 16 : index
      %swap3A_120 = tpu.vector_load %arg11[%swap3A_119] {strides = array<i32>} : memref<320xf32, #tpu.memory_space<vmem>>, vector<16xf32>,
      tpu.vector_store %arg11[%swap3A_119], %mul3A_118 {strides = array<i32>} : memref<320xf32, #tpu.memory_space<vmem>>, vector<16xf32>,
      %get3A_121 = arith.constant 32 : index
      %get3A_122 = tpu.vector_load %arg10[%get3A_121] {strides = array<i32>} : memref<2560xf32, #tpu.memory_space<vmem>>, vector<16xf32>,
      %get3A_123 = arith.constant 1312 : index
      %get3A_124 = tpu.vector_load %arg10[%get3A_123] {strides = array<i32>} : memref<2560xf32, #tpu.memory_space<vmem>>, vector<16xf32>,
      %max3A_125 = arith.maximumf %get3A_122, %get3A_124 : vector<16xf32>
      %get3A_126 = arith.constant 352 : index
      %get3A_127 = tpu.vector_load %arg10[%get3A_126] {strides = array<i32>} : memref<2560xf32, #tpu.memory_space<vmem>>, vector<16xf32>,
      %get3A_128 = arith.constant 1632 : index
      %get3A_129 = tpu.vector_load %arg10[%get3A_128] {strides = array<i32>} : memref<2560xf32, #tpu.memory_space<vmem>>, vector<16xf32>,
      %max3A_130 = arith.maximumf %get3A_127, %get3A_129 : vector<16xf32>
      %get3A_131 = arith.constant 672 : index
      %get3A_132 = tpu.vector_load %arg10[%get3A_131] {strides = array<i32>} : memref<2560xf32, #tpu.memory_space<vmem>>, vector<16xf32>,
      %get3A_133 = arith.constant 1952 : index
      %get3A_134 = tpu.vector_load %arg10[%get3A_133] {strides = array<i32>} : memref<2560xf32, #tpu.memory_space<vmem>>, vector<16xf32>,
      %max3A_135 = arith.maximumf %get3A_132, %get3A_134 : vector<16xf32>
      %get3A_136 = arith.constant 992 : index
      %get3A_137 = tpu.vector_load %arg10[%get3A_136] {strides = array<i32>} : memref<2560xf32, #tpu.memory_space<vmem>>, vector<16xf32>,
      %get3A_138 = arith.constant 2272 : index
      %get3A_139 = tpu.vector_load %arg10[%get3A_138] {strides = array<i32>} : memref<2560xf32, #tpu.memory_space<vmem>>, vector<16xf32>,
      %max3A_140 = arith.maximumf %get3A_137, %get3A_139 : vector<16xf32>
      %broadcast_in_dim3A_141 = arith.constant 0.000000e+00 : f32
      %broadcast_in_dim3A_142 = vector.broadcast %broadcast_in_dim3A_141 : f32 to vector<16xf32>
      %gt3A_143 = arith.cmpf ogt, %max3A_130, %max3A_125 : vector<16xf32>
      %jit3A_144 = arith.constant 1.000000e+00 : f32
      %broadcast_in_dim3A_145 = vector.broadcast %jit3A_144 : f32 to vector<16xf32>
      %select_n3A_146 = arith.select %gt3A_143, %broadcast_in_dim3A_145, %broadcast_in_dim3A_142 : vector<16xi1>, vector<16xf32>
      %max3A_147 = arith.maximumf %max3A_125, %max3A_130 : vector<16xf32>
      %gt3A_148 = arith.cmpf ogt, %max3A_135, %max3A_147 : vector<16xf32>
      %jit3A_149 = arith.constant 2.000000e+00 : f32
      %broadcast_in_dim3A_150 = vector.broadcast %jit3A_149 : f32 to vector<16xf32>
      %select_n3A_151 = arith.select %gt3A_148, %broadcast_in_dim3A_150, %select_n3A_146 : vector<16xi1>, vector<16xf32>
      %max3A_152 = arith.maximumf %max3A_147, %max3A_135 : vector<16xf32>
      %gt3A_153 = arith.cmpf ogt, %max3A_140, %max3A_152 : vector<16xf32>
      %jit3A_154 = arith.constant 3.000000e+00 : f32
      %broadcast_in_dim3A_155 = vector.broadcast %jit3A_154 : f32 to vector<16xf32>
      %select_n3A_156 = arith.select %gt3A_153, %broadcast_in_dim3A_155, %select_n3A_151 : vector<16xi1>, vector<16xf32>
      %max3A_157 = arith.maximumf %max3A_152, %max3A_140 : vector<16xf32>
      %gt3A_158 = arith.constant 5.000000e-02 : f32
      %gt3A_159 = vector.broadcast %gt3A_158 : f32 to vector<16xf32>
      %gt3A_160 = arith.cmpf ogt, %max3A_157, %gt3A_159 : vector<16xf32>
      %jit3A_161 = arith.constant 0xFF800000 : f32
      %broadcast_in_dim3A_162 = vector.broadcast %jit3A_161 : f32 to vector<16xf32>
      %select_n3A_163 = arith.select %gt3A_160, %max3A_157, %broadcast_in_dim3A_162 : vector<16xi1>, vector<16xf32>
      %swap3A_164 = arith.constant 32 : index
      %swap3A_165 = tpu.vector_load %arg12[%swap3A_164] {strides = array<i32>} : memref<320xf32, #tpu.memory_space<vmem>>, vector<16xf32>,
      tpu.vector_store %arg12[%swap3A_164], %select_n3A_163 {strides = array<i32>} : memref<320xf32, #tpu.memory_space<vmem>>, vector<16xf32>,
      %swap3A_166 = arith.constant 32 : index
      %swap3A_167 = tpu.vector_load %arg13[%swap3A_166] {strides = array<i32>} : memref<320xf32, #tpu.memory_space<vmem>>, vector<16xf32>,
      tpu.vector_store %arg13[%swap3A_166], %select_n3A_156 {strides = array<i32>} : memref<320xf32, #tpu.memory_space<vmem>>, vector<16xf32>,
      %get3A_168 = arith.constant 32 : index
      %get3A_169 = tpu.vector_load %arg9[%get3A_168] {strides = array<i32>} : memref<1280xf32, #tpu.memory_space<vmem>>, vector<16xf32>,
      %get3A_170 = arith.constant 352 : index
      %get3A_171 = tpu.vector_load %arg9[%get3A_170] {strides = array<i32>} : memref<1280xf32, #tpu.memory_space<vmem>>, vector<16xf32>,
      %get3A_172 = arith.constant 672 : index
      %get3A_173 = tpu.vector_load %arg9[%get3A_172] {strides = array<i32>} : memref<1280xf32, #tpu.memory_space<vmem>>, vector<16xf32>,
      %get3A_174 = arith.constant 992 : index
      %get3A_175 = tpu.vector_load %arg9[%get3A_174] {strides = array<i32>} : memref<1280xf32, #tpu.memory_space<vmem>>, vector<16xf32>,
      %sub3A_176 = arith.subf %get3A_173, %get3A_169 : vector<16xf32>
      %sub3A_177 = arith.subf %get3A_175, %get3A_171 : vector<16xf32>
      %mul3A_178 = arith.mulf %sub3A_176, %sub3A_177 : vector<16xf32>
      %swap3A_179 = arith.constant 32 : index
      %swap3A_180 = tpu.vector_load %arg11[%swap3A_179] {strides = array<i32>} : memref<320xf32, #tpu.memory_space<vmem>>, vector<16xf32>,
      tpu.vector_store %arg11[%swap3A_179], %mul3A_178 {strides = array<i32>} : memref<320xf32, #tpu.memory_space<vmem>>, vector<16xf32>,
      %get3A_181 = arith.constant 48 : index
      %get3A_182 = tpu.vector_load %arg10[%get3A_181] {strides = array<i32>} : memref<2560xf32, #tpu.memory_space<vmem>>, vector<16xf32>,
      %get3A_183 = arith.constant 1328 : index
      %get3A_184 = tpu.vector_load %arg10[%get3A_183] {strides = array<i32>} : memref<2560xf32, #tpu.memory_space<vmem>>, vector<16xf32>,
      %max3A_185 = arith.maximumf %get3A_182, %get3A_184 : vector<16xf32>
      %get3A_186 = arith.constant 368 : index
      %get3A_187 = tpu.vector_load %arg10[%get3A_186] {strides = array<i32>} : memref<2560xf32, #tpu.memory_space<vmem>>, vector<16xf32>,
      %get3A_188 = arith.constant 1648 : index
      %get3A_189 = tpu.vector_load %arg10[%get3A_188] {strides = array<i32>} : memref<2560xf32, #tpu.memory_space<vmem>>, vector<16xf32>,
      %max3A_190 = arith.maximumf %get3A_187, %get3A_189 : vector<16xf32>
      %get3A_191 = arith.constant 688 : index
      %get3A_192 = tpu.vector_load %arg10[%get3A_191] {strides = array<i32>} : memref<2560xf32, #tpu.memory_space<vmem>>, vector<16xf32>,
      %get3A_193 = arith.constant 1968 : index
      %get3A_194 = tpu.vector_load %arg10[%get3A_193] {strides = array<i32>} : memref<2560xf32, #tpu.memory_space<vmem>>, vector<16xf32>,
      %max3A_195 = arith.maximumf %get3A_192, %get3A_194 : vector<16xf32>
      %get3A_196 = arith.constant 1008 : index
      %get3A_197 = tpu.vector_load %arg10[%get3A_196] {strides = array<i32>} : memref<2560xf32, #tpu.memory_space<vmem>>, vector<16xf32>,
      %get3A_198 = arith.constant 2288 : index
      %get3A_199 = tpu.vector_load %arg10[%get3A_198] {strides = array<i32>} : memref<2560xf32, #tpu.memory_space<vmem>>, vector<16xf32>,
      %max3A_200 = arith.maximumf %get3A_197, %get3A_199 : vector<16xf32>
      %broadcast_in_dim3A_201 = arith.constant 0.000000e+00 : f32
      %broadcast_in_dim3A_202 = vector.broadcast %broadcast_in_dim3A_201 : f32 to vector<16xf32>
      %gt3A_203 = arith.cmpf ogt, %max3A_190, %max3A_185 : vector<16xf32>
      %jit3A_204 = arith.constant 1.000000e+00 : f32
      %broadcast_in_dim3A_205 = vector.broadcast %jit3A_204 : f32 to vector<16xf32>
      %select_n3A_206 = arith.select %gt3A_203, %broadcast_in_dim3A_205, %broadcast_in_dim3A_202 : vector<16xi1>, vector<16xf32>
      %max3A_207 = arith.maximumf %max3A_185, %max3A_190 : vector<16xf32>
      %gt3A_208 = arith.cmpf ogt, %max3A_195, %max3A_207 : vector<16xf32>
      %jit3A_209 = arith.constant 2.000000e+00 : f32
      %broadcast_in_dim3A_210 = vector.broadcast %jit3A_209 : f32 to vector<16xf32>
      %select_n3A_211 = arith.select %gt3A_208, %broadcast_in_dim3A_210, %select_n3A_206 : vector<16xi1>, vector<16xf32>
      %max3A_212 = arith.maximumf %max3A_207, %max3A_195 : vector<16xf32>
      %gt3A_213 = arith.cmpf ogt, %max3A_200, %max3A_212 : vector<16xf32>
      %jit3A_214 = arith.constant 3.000000e+00 : f32
      %broadcast_in_dim3A_215 = vector.broadcast %jit3A_214 : f32 to vector<16xf32>
      %select_n3A_216 = arith.select %gt3A_213, %broadcast_in_dim3A_215, %select_n3A_211 : vector<16xi1>, vector<16xf32>
      %max3A_217 = arith.maximumf %max3A_212, %max3A_200 : vector<16xf32>
      %gt3A_218 = arith.constant 5.000000e-02 : f32
      %gt3A_219 = vector.broadcast %gt3A_218 : f32 to vector<16xf32>
      %gt3A_220 = arith.cmpf ogt, %max3A_217, %gt3A_219 : vector<16xf32>
      %jit3A_221 = arith.constant 0xFF800000 : f32
      %broadcast_in_dim3A_222 = vector.broadcast %jit3A_221 : f32 to vector<16xf32>
      %select_n3A_223 = arith.select %gt3A_220, %max3A_217, %broadcast_in_dim3A_222 : vector<16xi1>, vector<16xf32>
      %swap3A_224 = arith.constant 48 : index
      %swap3A_225 = tpu.vector_load %arg12[%swap3A_224] {strides = array<i32>} : memref<320xf32, #tpu.memory_space<vmem>>, vector<16xf32>,
      tpu.vector_store %arg12[%swap3A_224], %select_n3A_223 {strides = array<i32>} : memref<320xf32, #tpu.memory_space<vmem>>, vector<16xf32>,
      %swap3A_226 = arith.constant 48 : index
      %swap3A_227 = tpu.vector_load %arg13[%swap3A_226] {strides = array<i32>} : memref<320xf32, #tpu.memory_space<vmem>>, vector<16xf32>,
      tpu.vector_store %arg13[%swap3A_226], %select_n3A_216 {strides = array<i32>} : memref<320xf32, #tpu.memory_space<vmem>>, vector<16xf32>,
      %get3A_228 = arith.constant 48 : index
      %get3A_229 = tpu.vector_load %arg9[%get3A_228] {strides = array<i32>} : memref<1280xf32, #tpu.memory_space<vmem>>, vector<16xf32>,
      %get3A_230 = arith.constant 368 : index
      %get3A_231 = tpu.vector_load %arg9[%get3A_230] {strides = array<i32>} : memref<1280xf32, #tpu.memory_space<vmem>>, vector<16xf32>,
      %get3A_232 = arith.constant 688 : index
      %get3A_233 = tpu.vector_load %arg9[%get3A_232] {strides = array<i32>} : memref<1280xf32, #tpu.memory_space<vmem>>, vector<16xf32>,
      %get3A_234 = arith.constant 1008 : index
      %get3A_235 = tpu.vector_load %arg9[%get3A_234] {strides = array<i32>} : memref<1280xf32, #tpu.memory_space<vmem>>, vector<16xf32>,
      %sub3A_236 = arith.subf %get3A_233, %get3A_229 : vector<16xf32>
      %sub3A_237 = arith.subf %get3A_235, %get3A_231 : vector<16xf32>
      %mul3A_238 = arith.mulf %sub3A_236, %sub3A_237 : vector<16xf32>
      %swap3A_239 = arith.constant 48 : index
      %swap3A_240 = tpu.vector_load %arg11[%swap3A_239] {strides = array<i32>} : memref<320xf32, #tpu.memory_space<vmem>>, vector<16xf32>,
      tpu.vector_store %arg11[%swap3A_239], %mul3A_238 {strides = array<i32>} : memref<320xf32, #tpu.memory_space<vmem>>, vector<16xf32>,
      %get3A_241 = arith.constant 64 : index
      %get3A_242 = tpu.vector_load %arg10[%get3A_241] {strides = array<i32>} : memref<2560xf32, #tpu.memory_space<vmem>>, vector<16xf32>,
      %get3A_243 = arith.constant 1344 : index
      %get3A_244 = tpu.vector_load %arg10[%get3A_243] {strides = array<i32>} : memref<2560xf32, #tpu.memory_space<vmem>>, vector<16xf32>,
      %max3A_245 = arith.maximumf %get3A_242, %get3A_244 : vector<16xf32>
      %get3A_246 = arith.constant 384 : index
      %get3A_247 = tpu.vector_load %arg10[%get3A_246] {strides = array<i32>} : memref<2560xf32, #tpu.memory_space<vmem>>, vector<16xf32>,
      %get3A_248 = arith.constant 1664 : index
      %get3A_249 = tpu.vector_load %arg10[%get3A_248] {strides = array<i32>} : memref<2560xf32, #tpu.memory_space<vmem>>, vector<16xf32>,
      %max3A_250 = arith.maximumf %get3A_247, %get3A_249 : vector<16xf32>
      %get3A_251 = arith.constant 704 : index
      %get3A_252 = tpu.vector_load %arg10[%get3A_251] {strides = array<i32>} : memref<2560xf32, #tpu.memory_space<vmem>>, vector<16xf32>,
      %get3A_253 = arith.constant 1984 : index
      %get3A_254 = tpu.vector_load %arg10[%get3A_253] {strides = array<i32>} : memref<2560xf32, #tpu.memory_space<vmem>>, vector<16xf32>,
      %max3A_255 = arith.maximumf %get3A_252, %get3A_254 : vector<16xf32>
      %get3A_256 = arith.constant 1024 : index
      %get3A_257 = tpu.vector_load %arg10[%get3A_256] {strides = array<i32>} : memref<2560xf32, #tpu.memory_space<vmem>>, vector<16xf32>,
      %get3A_258 = arith.constant 2304 : index
      %get3A_259 = tpu.vector_load %arg10[%get3A_258] {strides = array<i32>} : memref<2560xf32, #tpu.memory_space<vmem>>, vector<16xf32>,
      %max3A_260 = arith.maximumf %get3A_257, %get3A_259 : vector<16xf32>
      %broadcast_in_dim3A_261 = arith.constant 0.000000e+00 : f32
      %broadcast_in_dim3A_262 = vector.broadcast %broadcast_in_dim3A_261 : f32 to vector<16xf32>
      %gt3A_263 = arith.cmpf ogt, %max3A_250, %max3A_245 : vector<16xf32>
      %jit3A_264 = arith.constant 1.000000e+00 : f32
      %broadcast_in_dim3A_265 = vector.broadcast %jit3A_264 : f32 to vector<16xf32>
      %select_n3A_266 = arith.select %gt3A_263, %broadcast_in_dim3A_265, %broadcast_in_dim3A_262 : vector<16xi1>, vector<16xf32>
      %max3A_267 = arith.maximumf %max3A_245, %max3A_250 : vector<16xf32>
      %gt3A_268 = arith.cmpf ogt, %max3A_255, %max3A_267 : vector<16xf32>
      %jit3A_269 = arith.constant 2.000000e+00 : f32
      %broadcast_in_dim3A_270 = vector.broadcast %jit3A_269 : f32 to vector<16xf32>
      %select_n3A_271 = arith.select %gt3A_268, %broadcast_in_dim3A_270, %select_n3A_266 : vector<16xi1>, vector<16xf32>
      %max3A_272 = arith.maximumf %max3A_267, %max3A_255 : vector<16xf32>
      %gt3A_273 = arith.cmpf ogt, %max3A_260, %max3A_272 : vector<16xf32>
      %jit3A_274 = arith.constant 3.000000e+00 : f32
      %broadcast_in_dim3A_275 = vector.broadcast %jit3A_274 : f32 to vector<16xf32>
      %select_n3A_276 = arith.select %gt3A_273, %broadcast_in_dim3A_275, %select_n3A_271 : vector<16xi1>, vector<16xf32>
      %max3A_277 = arith.maximumf %max3A_272, %max3A_260 : vector<16xf32>
      %gt3A_278 = arith.constant 5.000000e-02 : f32
      %gt3A_279 = vector.broadcast %gt3A_278 : f32 to vector<16xf32>
      %gt3A_280 = arith.cmpf ogt, %max3A_277, %gt3A_279 : vector<16xf32>
      %jit3A_281 = arith.constant 0xFF800000 : f32
      %broadcast_in_dim3A_282 = vector.broadcast %jit3A_281 : f32 to vector<16xf32>
      %select_n3A_283 = arith.select %gt3A_280, %max3A_277, %broadcast_in_dim3A_282 : vector<16xi1>, vector<16xf32>
      %swap3A_284 = arith.constant 64 : index
      %swap3A_285 = tpu.vector_load %arg12[%swap3A_284] {strides = array<i32>} : memref<320xf32, #tpu.memory_space<vmem>>, vector<16xf32>,
      tpu.vector_store %arg12[%swap3A_284], %select_n3A_283 {strides = array<i32>} : memref<320xf32, #tpu.memory_space<vmem>>, vector<16xf32>,
      %swap3A_286 = arith.constant 64 : index
      %swap3A_287 = tpu.vector_load %arg13[%swap3A_286] {strides = array<i32>} : memref<320xf32, #tpu.memory_space<vmem>>, vector<16xf32>,
      tpu.vector_store %arg13[%swap3A_286], %select_n3A_276 {strides = array<i32>} : memref<320xf32, #tpu.memory_space<vmem>>, vector<16xf32>,
      %get3A_288 = arith.constant 64 : index
      %get3A_289 = tpu.vector_load %arg9[%get3A_288] {strides = array<i32>} : memref<1280xf32, #tpu.memory_space<vmem>>, vector<16xf32>,
      %get3A_290 = arith.constant 384 : index
      %get3A_291 = tpu.vector_load %arg9[%get3A_290] {strides = array<i32>} : memref<1280xf32, #tpu.memory_space<vmem>>, vector<16xf32>,
      %get3A_292 = arith.constant 704 : index
      %get3A_293 = tpu.vector_load %arg9[%get3A_292] {strides = array<i32>} : memref<1280xf32, #tpu.memory_space<vmem>>, vector<16xf32>,
      %get3A_294 = arith.constant 1024 : index
      %get3A_295 = tpu.vector_load %arg9[%get3A_294] {strides = array<i32>} : memref<1280xf32, #tpu.memory_space<vmem>>, vector<16xf32>,
      %sub3A_296 = arith.subf %get3A_293, %get3A_289 : vector<16xf32>
      %sub3A_297 = arith.subf %get3A_295, %get3A_291 : vector<16xf32>
      %mul3A_298 = arith.mulf %sub3A_296, %sub3A_297 : vector<16xf32>
      %swap3A_299 = arith.constant 64 : index
      %swap3A_300 = tpu.vector_load %arg11[%swap3A_299] {strides = array<i32>} : memref<320xf32, #tpu.memory_space<vmem>>, vector<16xf32>,
      tpu.vector_store %arg11[%swap3A_299], %mul3A_298 {strides = array<i32>} : memref<320xf32, #tpu.memory_space<vmem>>, vector<16xf32>,
      %get3A_301 = arith.constant 80 : index
      %get3A_302 = tpu.vector_load %arg10[%get3A_301] {strides = array<i32>} : memref<2560xf32, #tpu.memory_space<vmem>>, vector<16xf32>,
      %get3A_303 = arith.constant 1360 : index
      %get3A_304 = tpu.vector_load %arg10[%get3A_303] {strides = array<i32>} : memref<2560xf32, #tpu.memory_space<vmem>>, vector<16xf32>,
      %max3A_305 = arith.maximumf %get3A_302, %get3A_304 : vector<16xf32>
      %get3A_306 = arith.constant 400 : index
      %get3A_307 = tpu.vector_load %arg10[%get3A_306] {strides = array<i32>} : memref<2560xf32, #tpu.memory_space<vmem>>, vector<16xf32>,
      %get3A_308 = arith.constant 1680 : index
      %get3A_309 = tpu.vector_load %arg10[%get3A_308] {strides = array<i32>} : memref<2560xf32, #tpu.memory_space<vmem>>, vector<16xf32>,
      %max3A_310 = arith.maximumf %get3A_307, %get3A_309 : vector<16xf32>
      %get3A_311 = arith.constant 720 : index
      %get3A_312 = tpu.vector_load %arg10[%get3A_311] {strides = array<i32>} : memref<2560xf32, #tpu.memory_space<vmem>>, vector<16xf32>,
      %get3A_313 = arith.constant 2000 : index
      %get3A_314 = tpu.vector_load %arg10[%get3A_313] {strides = array<i32>} : memref<2560xf32, #tpu.memory_space<vmem>>, vector<16xf32>,
      %max3A_315 = arith.maximumf %get3A_312, %get3A_314 : vector<16xf32>
      %get3A_316 = arith.constant 1040 : index
      %get3A_317 = tpu.vector_load %arg10[%get3A_316] {strides = array<i32>} : memref<2560xf32, #tpu.memory_space<vmem>>, vector<16xf32>,
      %get3A_318 = arith.constant 2320 : index
      %get3A_319 = tpu.vector_load %arg10[%get3A_318] {strides = array<i32>} : memref<2560xf32, #tpu.memory_space<vmem>>, vector<16xf32>,
      %max3A_320 = arith.maximumf %get3A_317, %get3A_319 : vector<16xf32>
      %broadcast_in_dim3A_321 = arith.constant 0.000000e+00 : f32
      %broadcast_in_dim3A_322 = vector.broadcast %broadcast_in_dim3A_321 : f32 to vector<16xf32>
      %gt3A_323 = arith.cmpf ogt, %max3A_310, %max3A_305 : vector<16xf32>
      %jit3A_324 = arith.constant 1.000000e+00 : f32
      %broadcast_in_dim3A_325 = vector.broadcast %jit3A_324 : f32 to vector<16xf32>
      %select_n3A_326 = arith.select %gt3A_323, %broadcast_in_dim3A_325, %broadcast_in_dim3A_322 : vector<16xi1>, vector<16xf32>
      %max3A_327 = arith.maximumf %max3A_305, %max3A_310 : vector<16xf32>
      %gt3A_328 = arith.cmpf ogt, %max3A_315, %max3A_327 : vector<16xf32>
      %jit3A_329 = arith.constant 2.000000e+00 : f32
      %broadcast_in_dim3A_330 = vector.broadcast %jit3A_329 : f32 to vector<16xf32>
      %select_n3A_331 = arith.select %gt3A_328, %broadcast_in_dim3A_330, %select_n3A_326 : vector<16xi1>, vector<16xf32>
      %max3A_332 = arith.maximumf %max3A_327, %max3A_315 : vector<16xf32>
      %gt3A_333 = arith.cmpf ogt, %max3A_320, %max3A_332 : vector<16xf32>
      %jit3A_334 = arith.constant 3.000000e+00 : f32
      %broadcast_in_dim3A_335 = vector.broadcast %jit3A_334 : f32 to vector<16xf32>
      %select_n3A_336 = arith.select %gt3A_333, %broadcast_in_dim3A_335, %select_n3A_331 : vector<16xi1>, vector<16xf32>
      %max3A_337 = arith.maximumf %max3A_332, %max3A_320 : vector<16xf32>
      %gt3A_338 = arith.constant 5.000000e-02 : f32
      %gt3A_339 = vector.broadcast %gt3A_338 : f32 to vector<16xf32>
      %gt3A_340 = arith.cmpf ogt, %max3A_337, %gt3A_339 : vector<16xf32>
      %jit3A_341 = arith.constant 0xFF800000 : f32
      %broadcast_in_dim3A_342 = vector.broadcast %jit3A_341 : f32 to vector<16xf32>
      %select_n3A_343 = arith.select %gt3A_340, %max3A_337, %broadcast_in_dim3A_342 : vector<16xi1>, vector<16xf32>
      %swap3A_344 = arith.constant 80 : index
      %swap3A_345 = tpu.vector_load %arg12[%swap3A_344] {strides = array<i32>} : memref<320xf32, #tpu.memory_space<vmem>>, vector<16xf32>,
      tpu.vector_store %arg12[%swap3A_344], %select_n3A_343 {strides = array<i32>} : memref<320xf32, #tpu.memory_space<vmem>>, vector<16xf32>,
      %swap3A_346 = arith.constant 80 : index
      %swap3A_347 = tpu.vector_load %arg13[%swap3A_346] {strides = array<i32>} : memref<320xf32, #tpu.memory_space<vmem>>, vector<16xf32>,
      tpu.vector_store %arg13[%swap3A_346], %select_n3A_336 {strides = array<i32>} : memref<320xf32, #tpu.memory_space<vmem>>, vector<16xf32>,
      %get3A_348 = arith.constant 80 : index
      %get3A_349 = tpu.vector_load %arg9[%get3A_348] {strides = array<i32>} : memref<1280xf32, #tpu.memory_space<vmem>>, vector<16xf32>,
      %get3A_350 = arith.constant 400 : index
      %get3A_351 = tpu.vector_load %arg9[%get3A_350] {strides = array<i32>} : memref<1280xf32, #tpu.memory_space<vmem>>, vector<16xf32>,
      %get3A_352 = arith.constant 720 : index
      %get3A_353 = tpu.vector_load %arg9[%get3A_352] {strides = array<i32>} : memref<1280xf32, #tpu.memory_space<vmem>>, vector<16xf32>,
      %get3A_354 = arith.constant 1040 : index
      %get3A_355 = tpu.vector_load %arg9[%get3A_354] {strides = array<i32>} : memref<1280xf32, #tpu.memory_space<vmem>>, vector<16xf32>,
      %sub3A_356 = arith.subf %get3A_353, %get3A_349 : vector<16xf32>
      %sub3A_357 = arith.subf %get3A_355, %get3A_351 : vector<16xf32>
      %mul3A_358 = arith.mulf %sub3A_356, %sub3A_357 : vector<16xf32>
      %swap3A_359 = arith.constant 80 : index
      %swap3A_360 = tpu.vector_load %arg11[%swap3A_359] {strides = array<i32>} : memref<320xf32, #tpu.memory_space<vmem>>, vector<16xf32>,
      tpu.vector_store %arg11[%swap3A_359], %mul3A_358 {strides = array<i32>} : memref<320xf32, #tpu.memory_space<vmem>>, vector<16xf32>,
      %get3A_361 = arith.constant 96 : index
      %get3A_362 = tpu.vector_load %arg10[%get3A_361] {strides = array<i32>} : memref<2560xf32, #tpu.memory_space<vmem>>, vector<16xf32>,
      %get3A_363 = arith.constant 1376 : index
      %get3A_364 = tpu.vector_load %arg10[%get3A_363] {strides = array<i32>} : memref<2560xf32, #tpu.memory_space<vmem>>, vector<16xf32>,
      %max3A_365 = arith.maximumf %get3A_362, %get3A_364 : vector<16xf32>
      %get3A_366 = arith.constant 416 : index
      %get3A_367 = tpu.vector_load %arg10[%get3A_366] {strides = array<i32>} : memref<2560xf32, #tpu.memory_space<vmem>>, vector<16xf32>,
      %get3A_368 = arith.constant 1696 : index
      %get3A_369 = tpu.vector_load %arg10[%get3A_368] {strides = array<i32>} : memref<2560xf32, #tpu.memory_space<vmem>>, vector<16xf32>,
      %max3A_370 = arith.maximumf %get3A_367, %get3A_369 : vector<16xf32>
      %get3A_371 = arith.constant 736 : index
      %get3A_372 = tpu.vector_load %arg10[%get3A_371] {strides = array<i32>} : memref<2560xf32, #tpu.memory_space<vmem>>, vector<16xf32>,
      %get3A_373 = arith.constant 2016 : index
      %get3A_374 = tpu.vector_load %arg10[%get3A_373] {strides = array<i32>} : memref<2560xf32, #tpu.memory_space<vmem>>, vector<16xf32>,
      %max3A_375 = arith.maximumf %get3A_372, %get3A_374 : vector<16xf32>
      %get3A_376 = arith.constant 1056 : index
      %get3A_377 = tpu.vector_load %arg10[%get3A_376] {strides = array<i32>} : memref<2560xf32, #tpu.memory_space<vmem>>, vector<16xf32>,
      %get3A_378 = arith.constant 2336 : index
      %get3A_379 = tpu.vector_load %arg10[%get3A_378] {strides = array<i32>} : memref<2560xf32, #tpu.memory_space<vmem>>, vector<16xf32>,
      %max3A_380 = arith.maximumf %get3A_377, %get3A_379 : vector<16xf32>
      %broadcast_in_dim3A_381 = arith.constant 0.000000e+00 : f32
      %broadcast_in_dim3A_382 = vector.broadcast %broadcast_in_dim3A_381 : f32 to vector<16xf32>
      %gt3A_383 = arith.cmpf ogt, %max3A_370, %max3A_365 : vector<16xf32>
      %jit3A_384 = arith.constant 1.000000e+00 : f32
      %broadcast_in_dim3A_385 = vector.broadcast %jit3A_384 : f32 to vector<16xf32>
      %select_n3A_386 = arith.select %gt3A_383, %broadcast_in_dim3A_385, %broadcast_in_dim3A_382 : vector<16xi1>, vector<16xf32>
      %max3A_387 = arith.maximumf %max3A_365, %max3A_370 : vector<16xf32>
      %gt3A_388 = arith.cmpf ogt, %max3A_375, %max3A_387 : vector<16xf32>
      %jit3A_389 = arith.constant 2.000000e+00 : f32
      %broadcast_in_dim3A_390 = vector.broadcast %jit3A_389 : f32 to vector<16xf32>
      %select_n3A_391 = arith.select %gt3A_388, %broadcast_in_dim3A_390, %select_n3A_386 : vector<16xi1>, vector<16xf32>
      %max3A_392 = arith.maximumf %max3A_387, %max3A_375 : vector<16xf32>
      %gt3A_393 = arith.cmpf ogt, %max3A_380, %max3A_392 : vector<16xf32>
      %jit3A_394 = arith.constant 3.000000e+00 : f32
      %broadcast_in_dim3A_395 = vector.broadcast %jit3A_394 : f32 to vector<16xf32>
      %select_n3A_396 = arith.select %gt3A_393, %broadcast_in_dim3A_395, %select_n3A_391 : vector<16xi1>, vector<16xf32>
      %max3A_397 = arith.maximumf %max3A_392, %max3A_380 : vector<16xf32>
      %gt3A_398 = arith.constant 5.000000e-02 : f32
      %gt3A_399 = vector.broadcast %gt3A_398 : f32 to vector<16xf32>
      %gt3A_400 = arith.cmpf ogt, %max3A_397, %gt3A_399 : vector<16xf32>
      %jit3A_401 = arith.constant 0xFF800000 : f32
      %broadcast_in_dim3A_402 = vector.broadcast %jit3A_401 : f32 to vector<16xf32>
      %select_n3A_403 = arith.select %gt3A_400, %max3A_397, %broadcast_in_dim3A_402 : vector<16xi1>, vector<16xf32>
      %swap3A_404 = arith.constant 96 : index
      %swap3A_405 = tpu.vector_load %arg12[%swap3A_404] {strides = array<i32>} : memref<320xf32, #tpu.memory_space<vmem>>, vector<16xf32>,
      tpu.vector_store %arg12[%swap3A_404], %select_n3A_403 {strides = array<i32>} : memref<320xf32, #tpu.memory_space<vmem>>, vector<16xf32>,
      %swap3A_406 = arith.constant 96 : index
      %swap3A_407 = tpu.vector_load %arg13[%swap3A_406] {strides = array<i32>} : memref<320xf32, #tpu.memory_space<vmem>>, vector<16xf32>,
      tpu.vector_store %arg13[%swap3A_406], %select_n3A_396 {strides = array<i32>} : memref<320xf32, #tpu.memory_space<vmem>>, vector<16xf32>,
      %get3A_408 = arith.constant 96 : index
      %get3A_409 = tpu.vector_load %arg9[%get3A_408] {strides = array<i32>} : memref<1280xf32, #tpu.memory_space<vmem>>, vector<16xf32>,
      %get3A_410 = arith.constant 416 : index
      %get3A_411 = tpu.vector_load %arg9[%get3A_410] {strides = array<i32>} : memref<1280xf32, #tpu.memory_space<vmem>>, vector<16xf32>,
      %get3A_412 = arith.constant 736 : index
      %get3A_413 = tpu.vector_load %arg9[%get3A_412] {strides = array<i32>} : memref<1280xf32, #tpu.memory_space<vmem>>, vector<16xf32>,
      %get3A_414 = arith.constant 1056 : index
      %get3A_415 = tpu.vector_load %arg9[%get3A_414] {strides = array<i32>} : memref<1280xf32, #tpu.memory_space<vmem>>, vector<16xf32>,
      %sub3A_416 = arith.subf %get3A_413, %get3A_409 : vector<16xf32>
      %sub3A_417 = arith.subf %get3A_415, %get3A_411 : vector<16xf32>
      %mul3A_418 = arith.mulf %sub3A_416, %sub3A_417 : vector<16xf32>
      %swap3A_419 = arith.constant 96 : index
      %swap3A_420 = tpu.vector_load %arg11[%swap3A_419] {strides = array<i32>} : memref<320xf32, #tpu.memory_space<vmem>>, vector<16xf32>,
      tpu.vector_store %arg11[%swap3A_419], %mul3A_418 {strides = array<i32>} : memref<320xf32, #tpu.memory_space<vmem>>, vector<16xf32>,
      %get3A_421 = arith.constant 112 : index
      %get3A_422 = tpu.vector_load %arg10[%get3A_421] {strides = array<i32>} : memref<2560xf32, #tpu.memory_space<vmem>>, vector<16xf32>,
      %get3A_423 = arith.constant 1392 : index
      %get3A_424 = tpu.vector_load %arg10[%get3A_423] {strides = array<i32>} : memref<2560xf32, #tpu.memory_space<vmem>>, vector<16xf32>,
      %max3A_425 = arith.maximumf %get3A_422, %get3A_424 : vector<16xf32>
      %get3A_426 = arith.constant 432 : index
      %get3A_427 = tpu.vector_load %arg10[%get3A_426] {strides = array<i32>} : memref<2560xf32, #tpu.memory_space<vmem>>, vector<16xf32>,
      %get3A_428 = arith.constant 1712 : index
      %get3A_429 = tpu.vector_load %arg10[%get3A_428] {strides = array<i32>} : memref<2560xf32, #tpu.memory_space<vmem>>, vector<16xf32>,
      %max3A_430 = arith.maximumf %get3A_427, %get3A_429 : vector<16xf32>
      %get3A_431 = arith.constant 752 : index
      %get3A_432 = tpu.vector_load %arg10[%get3A_431] {strides = array<i32>} : memref<2560xf32, #tpu.memory_space<vmem>>, vector<16xf32>,
      %get3A_433 = arith.constant 2032 : index
      %get3A_434 = tpu.vector_load %arg10[%get3A_433] {strides = array<i32>} : memref<2560xf32, #tpu.memory_space<vmem>>, vector<16xf32>,
      %max3A_435 = arith.maximumf %get3A_432, %get3A_434 : vector<16xf32>
      %get3A_436 = arith.constant 1072 : index
      %get3A_437 = tpu.vector_load %arg10[%get3A_436] {strides = array<i32>} : memref<2560xf32, #tpu.memory_space<vmem>>, vector<16xf32>,
      %get3A_438 = arith.constant 2352 : index
      %get3A_439 = tpu.vector_load %arg10[%get3A_438] {strides = array<i32>} : memref<2560xf32, #tpu.memory_space<vmem>>, vector<16xf32>,
      %max3A_440 = arith.maximumf %get3A_437, %get3A_439 : vector<16xf32>
      %broadcast_in_dim3A_441 = arith.constant 0.000000e+00 : f32
      %broadcast_in_dim3A_442 = vector.broadcast %broadcast_in_dim3A_441 : f32 to vector<16xf32>
      %gt3A_443 = arith.cmpf ogt, %max3A_430, %max3A_425 : vector<16xf32>
      %jit3A_444 = arith.constant 1.000000e+00 : f32
      %broadcast_in_dim3A_445 = vector.broadcast %jit3A_444 : f32 to vector<16xf32>
      %select_n3A_446 = arith.select %gt3A_443, %broadcast_in_dim3A_445, %broadcast_in_dim3A_442 : vector<16xi1>, vector<16xf32>
      %max3A_447 = arith.maximumf %max3A_425, %max3A_430 : vector<16xf32>
      %gt3A_448 = arith.cmpf ogt, %max3A_435, %max3A_447 : vector<16xf32>
      %jit3A_449 = arith.constant 2.000000e+00 : f32
      %broadcast_in_dim3A_450 = vector.broadcast %jit3A_449 : f32 to vector<16xf32>
      %select_n3A_451 = arith.select %gt3A_448, %broadcast_in_dim3A_450, %select_n3A_446 : vector<16xi1>, vector<16xf32>
      %max3A_452 = arith.maximumf %max3A_447, %max3A_435 : vector<16xf32>
      %gt3A_453 = arith.cmpf ogt, %max3A_440, %max3A_452 : vector<16xf32>
      %jit3A_454 = arith.constant 3.000000e+00 : f32
      %broadcast_in_dim3A_455 = vector.broadcast %jit3A_454 : f32 to vector<16xf32>
      %select_n3A_456 = arith.select %gt3A_453, %broadcast_in_dim3A_455, %select_n3A_451 : vector<16xi1>, vector<16xf32>
      %max3A_457 = arith.maximumf %max3A_452, %max3A_440 : vector<16xf32>
      %gt3A_458 = arith.constant 5.000000e-02 : f32
      %gt3A_459 = vector.broadcast %gt3A_458 : f32 to vector<16xf32>
      %gt3A_460 = arith.cmpf ogt, %max3A_457, %gt3A_459 : vector<16xf32>
      %jit3A_461 = arith.constant 0xFF800000 : f32
      %broadcast_in_dim3A_462 = vector.broadcast %jit3A_461 : f32 to vector<16xf32>
      %select_n3A_463 = arith.select %gt3A_460, %max3A_457, %broadcast_in_dim3A_462 : vector<16xi1>, vector<16xf32>
      %swap3A_464 = arith.constant 112 : index
      %swap3A_465 = tpu.vector_load %arg12[%swap3A_464] {strides = array<i32>} : memref<320xf32, #tpu.memory_space<vmem>>, vector<16xf32>,
      tpu.vector_store %arg12[%swap3A_464], %select_n3A_463 {strides = array<i32>} : memref<320xf32, #tpu.memory_space<vmem>>, vector<16xf32>,
      %swap3A_466 = arith.constant 112 : index
      %swap3A_467 = tpu.vector_load %arg13[%swap3A_466] {strides = array<i32>} : memref<320xf32, #tpu.memory_space<vmem>>, vector<16xf32>,
      tpu.vector_store %arg13[%swap3A_466], %select_n3A_456 {strides = array<i32>} : memref<320xf32, #tpu.memory_space<vmem>>, vector<16xf32>,
      %get3A_468 = arith.constant 112 : index
      %get3A_469 = tpu.vector_load %arg9[%get3A_468] {strides = array<i32>} : memref<1280xf32, #tpu.memory_space<vmem>>, vector<16xf32>,
      %get3A_470 = arith.constant 432 : index
      %get3A_471 = tpu.vector_load %arg9[%get3A_470] {strides = array<i32>} : memref<1280xf32, #tpu.memory_space<vmem>>, vector<16xf32>,
      %get3A_472 = arith.constant 752 : index
      %get3A_473 = tpu.vector_load %arg9[%get3A_472] {strides = array<i32>} : memref<1280xf32, #tpu.memory_space<vmem>>, vector<16xf32>,
      %get3A_474 = arith.constant 1072 : index
      %get3A_475 = tpu.vector_load %arg9[%get3A_474] {strides = array<i32>} : memref<1280xf32, #tpu.memory_space<vmem>>, vector<16xf32>,
      %sub3A_476 = arith.subf %get3A_473, %get3A_469 : vector<16xf32>
      %sub3A_477 = arith.subf %get3A_475, %get3A_471 : vector<16xf32>
      %mul3A_478 = arith.mulf %sub3A_476, %sub3A_477 : vector<16xf32>
      %swap3A_479 = arith.constant 112 : index
      %swap3A_480 = tpu.vector_load %arg11[%swap3A_479] {strides = array<i32>} : memref<320xf32, #tpu.memory_space<vmem>>, vector<16xf32>,
      tpu.vector_store %arg11[%swap3A_479], %mul3A_478 {strides = array<i32>} : memref<320xf32, #tpu.memory_space<vmem>>, vector<16xf32>,
      %get3A_481 = arith.constant 128 : index
      %get3A_482 = tpu.vector_load %arg10[%get3A_481] {strides = array<i32>} : memref<2560xf32, #tpu.memory_space<vmem>>, vector<16xf32>,
      %get3A_483 = arith.constant 1408 : index
      %get3A_484 = tpu.vector_load %arg10[%get3A_483] {strides = array<i32>} : memref<2560xf32, #tpu.memory_space<vmem>>, vector<16xf32>,
      %max3A_485 = arith.maximumf %get3A_482, %get3A_484 : vector<16xf32>
      %get3A_486 = arith.constant 448 : index
      %get3A_487 = tpu.vector_load %arg10[%get3A_486] {strides = array<i32>} : memref<2560xf32, #tpu.memory_space<vmem>>, vector<16xf32>,
      %get3A_488 = arith.constant 1728 : index
      %get3A_489 = tpu.vector_load %arg10[%get3A_488] {strides = array<i32>} : memref<2560xf32, #tpu.memory_space<vmem>>, vector<16xf32>,
      %max3A_490 = arith.maximumf %get3A_487, %get3A_489 : vector<16xf32>
      %get3A_491 = arith.constant 768 : index
      %get3A_492 = tpu.vector_load %arg10[%get3A_491] {strides = array<i32>} : memref<2560xf32, #tpu.memory_space<vmem>>, vector<16xf32>,
      %get3A_493 = arith.constant 2048 : index
      %get3A_494 = tpu.vector_load %arg10[%get3A_493] {strides = array<i32>} : memref<2560xf32, #tpu.memory_space<vmem>>, vector<16xf32>,
      %max3A_495 = arith.maximumf %get3A_492, %get3A_494 : vector<16xf32>
      %get3A_496 = arith.constant 1088 : index
      %get3A_497 = tpu.vector_load %arg10[%get3A_496] {strides = array<i32>} : memref<2560xf32, #tpu.memory_space<vmem>>, vector<16xf32>,
      %get3A_498 = arith.constant 2368 : index
      %get3A_499 = tpu.vector_load %arg10[%get3A_498] {strides = array<i32>} : memref<2560xf32, #tpu.memory_space<vmem>>, vector<16xf32>,
      %max3A_500 = arith.maximumf %get3A_497, %get3A_499 : vector<16xf32>
      %broadcast_in_dim3A_501 = arith.constant 0.000000e+00 : f32
      %broadcast_in_dim3A_502 = vector.broadcast %broadcast_in_dim3A_501 : f32 to vector<16xf32>
      %gt3A_503 = arith.cmpf ogt, %max3A_490, %max3A_485 : vector<16xf32>
      %jit3A_504 = arith.constant 1.000000e+00 : f32
      %broadcast_in_dim3A_505 = vector.broadcast %jit3A_504 : f32 to vector<16xf32>
      %select_n3A_506 = arith.select %gt3A_503, %broadcast_in_dim3A_505, %broadcast_in_dim3A_502 : vector<16xi1>, vector<16xf32>
      %max3A_507 = arith.maximumf %max3A_485, %max3A_490 : vector<16xf32>
      %gt3A_508 = arith.cmpf ogt, %max3A_495, %max3A_507 : vector<16xf32>
      %jit3A_509 = arith.constant 2.000000e+00 : f32
      %broadcast_in_dim3A_510 = vector.broadcast %jit3A_509 : f32 to vector<16xf32>
      %select_n3A_511 = arith.select %gt3A_508, %broadcast_in_dim3A_510, %select_n3A_506 : vector<16xi1>, vector<16xf32>
      %max3A_512 = arith.maximumf %max3A_507, %max3A_495 : vector<16xf32>
      %gt3A_513 = arith.cmpf ogt, %max3A_500, %max3A_512 : vector<16xf32>
      %jit3A_514 = arith.constant 3.000000e+00 : f32
      %broadcast_in_dim3A_515 = vector.broadcast %jit3A_514 : f32 to vector<16xf32>
      %select_n3A_516 = arith.select %gt3A_513, %broadcast_in_dim3A_515, %select_n3A_511 : vector<16xi1>, vector<16xf32>
      %max3A_517 = arith.maximumf %max3A_512, %max3A_500 : vector<16xf32>
      %gt3A_518 = arith.constant 5.000000e-02 : f32
      %gt3A_519 = vector.broadcast %gt3A_518 : f32 to vector<16xf32>
      %gt3A_520 = arith.cmpf ogt, %max3A_517, %gt3A_519 : vector<16xf32>
      %jit3A_521 = arith.constant 0xFF800000 : f32
      %broadcast_in_dim3A_522 = vector.broadcast %jit3A_521 : f32 to vector<16xf32>
      %select_n3A_523 = arith.select %gt3A_520, %max3A_517, %broadcast_in_dim3A_522 : vector<16xi1>, vector<16xf32>
      %swap3A_524 = arith.constant 128 : index
      %swap3A_525 = tpu.vector_load %arg12[%swap3A_524] {strides = array<i32>} : memref<320xf32, #tpu.memory_space<vmem>>, vector<16xf32>,
      tpu.vector_store %arg12[%swap3A_524], %select_n3A_523 {strides = array<i32>} : memref<320xf32, #tpu.memory_space<vmem>>, vector<16xf32>,
      %swap3A_526 = arith.constant 128 : index
      %swap3A_527 = tpu.vector_load %arg13[%swap3A_526] {strides = array<i32>} : memref<320xf32, #tpu.memory_space<vmem>>, vector<16xf32>,
      tpu.vector_store %arg13[%swap3A_526], %select_n3A_516 {strides = array<i32>} : memref<320xf32, #tpu.memory_space<vmem>>, vector<16xf32>,
      %get3A_528 = arith.constant 128 : index
      %get3A_529 = tpu.vector_load %arg9[%get3A_528] {strides = array<i32>} : memref<1280xf32, #tpu.memory_space<vmem>>, vector<16xf32>,
      %get3A_530 = arith.constant 448 : index
      %get3A_531 = tpu.vector_load %arg9[%get3A_530] {strides = array<i32>} : memref<1280xf32, #tpu.memory_space<vmem>>, vector<16xf32>,
      %get3A_532 = arith.constant 768 : index
      %get3A_533 = tpu.vector_load %arg9[%get3A_532] {strides = array<i32>} : memref<1280xf32, #tpu.memory_space<vmem>>, vector<16xf32>,
      %get3A_534 = arith.constant 1088 : index
      %get3A_535 = tpu.vector_load %arg9[%get3A_534] {strides = array<i32>} : memref<1280xf32, #tpu.memory_space<vmem>>, vector<16xf32>,
      %sub3A_536 = arith.subf %get3A_533, %get3A_529 : vector<16xf32>
      %sub3A_537 = arith.subf %get3A_535, %get3A_531 : vector<16xf32>
      %mul3A_538 = arith.mulf %sub3A_536, %sub3A_537 : vector<16xf32>
      %swap3A_539 = arith.constant 128 : index
      %swap3A_540 = tpu.vector_load %arg11[%swap3A_539] {strides = array<i32>} : memref<320xf32, #tpu.memory_space<vmem>>, vector<16xf32>,
      tpu.vector_store %arg11[%swap3A_539], %mul3A_538 {strides = array<i32>} : memref<320xf32, #tpu.memory_space<vmem>>, vector<16xf32>,
      %get3A_541 = arith.constant 144 : index
      %get3A_542 = tpu.vector_load %arg10[%get3A_541] {strides = array<i32>} : memref<2560xf32, #tpu.memory_space<vmem>>, vector<16xf32>,
      %get3A_543 = arith.constant 1424 : index
      %get3A_544 = tpu.vector_load %arg10[%get3A_543] {strides = array<i32>} : memref<2560xf32, #tpu.memory_space<vmem>>, vector<16xf32>,
      %max3A_545 = arith.maximumf %get3A_542, %get3A_544 : vector<16xf32>
      %get3A_546 = arith.constant 464 : index
      %get3A_547 = tpu.vector_load %arg10[%get3A_546] {strides = array<i32>} : memref<2560xf32, #tpu.memory_space<vmem>>, vector<16xf32>,
      %get3A_548 = arith.constant 1744 : index
      %get3A_549 = tpu.vector_load %arg10[%get3A_548] {strides = array<i32>} : memref<2560xf32, #tpu.memory_space<vmem>>, vector<16xf32>,
      %max3A_550 = arith.maximumf %get3A_547, %get3A_549 : vector<16xf32>
      %get3A_551 = arith.constant 784 : index
      %get3A_552 = tpu.vector_load %arg10[%get3A_551] {strides = array<i32>} : memref<2560xf32, #tpu.memory_space<vmem>>, vector<16xf32>,
      %get3A_553 = arith.constant 2064 : index
      %get3A_554 = tpu.vector_load %arg10[%get3A_553] {strides = array<i32>} : memref<2560xf32, #tpu.memory_space<vmem>>, vector<16xf32>,
      %max3A_555 = arith.maximumf %get3A_552, %get3A_554 : vector<16xf32>
      %get3A_556 = arith.constant 1104 : index
      %get3A_557 = tpu.vector_load %arg10[%get3A_556] {strides = array<i32>} : memref<2560xf32, #tpu.memory_space<vmem>>, vector<16xf32>,
      %get3A_558 = arith.constant 2384 : index
      %get3A_559 = tpu.vector_load %arg10[%get3A_558] {strides = array<i32>} : memref<2560xf32, #tpu.memory_space<vmem>>, vector<16xf32>,
      %max3A_560 = arith.maximumf %get3A_557, %get3A_559 : vector<16xf32>
      %broadcast_in_dim3A_561 = arith.constant 0.000000e+00 : f32
      %broadcast_in_dim3A_562 = vector.broadcast %broadcast_in_dim3A_561 : f32 to vector<16xf32>
      %gt3A_563 = arith.cmpf ogt, %max3A_550, %max3A_545 : vector<16xf32>
      %jit3A_564 = arith.constant 1.000000e+00 : f32
      %broadcast_in_dim3A_565 = vector.broadcast %jit3A_564 : f32 to vector<16xf32>
      %select_n3A_566 = arith.select %gt3A_563, %broadcast_in_dim3A_565, %broadcast_in_dim3A_562 : vector<16xi1>, vector<16xf32>
      %max3A_567 = arith.maximumf %max3A_545, %max3A_550 : vector<16xf32>
      %gt3A_568 = arith.cmpf ogt, %max3A_555, %max3A_567 : vector<16xf32>
      %jit3A_569 = arith.constant 2.000000e+00 : f32
      %broadcast_in_dim3A_570 = vector.broadcast %jit3A_569 : f32 to vector<16xf32>
      %select_n3A_571 = arith.select %gt3A_568, %broadcast_in_dim3A_570, %select_n3A_566 : vector<16xi1>, vector<16xf32>
      %max3A_572 = arith.maximumf %max3A_567, %max3A_555 : vector<16xf32>
      %gt3A_573 = arith.cmpf ogt, %max3A_560, %max3A_572 : vector<16xf32>
      %jit3A_574 = arith.constant 3.000000e+00 : f32
      %broadcast_in_dim3A_575 = vector.broadcast %jit3A_574 : f32 to vector<16xf32>
      %select_n3A_576 = arith.select %gt3A_573, %broadcast_in_dim3A_575, %select_n3A_571 : vector<16xi1>, vector<16xf32>
      %max3A_577 = arith.maximumf %max3A_572, %max3A_560 : vector<16xf32>
      %gt3A_578 = arith.constant 5.000000e-02 : f32
      %gt3A_579 = vector.broadcast %gt3A_578 : f32 to vector<16xf32>
      %gt3A_580 = arith.cmpf ogt, %max3A_577, %gt3A_579 : vector<16xf32>
      %jit3A_581 = arith.constant 0xFF800000 : f32
      %broadcast_in_dim3A_582 = vector.broadcast %jit3A_581 : f32 to vector<16xf32>
      %select_n3A_583 = arith.select %gt3A_580, %max3A_577, %broadcast_in_dim3A_582 : vector<16xi1>, vector<16xf32>
      %swap3A_584 = arith.constant 144 : index
      %swap3A_585 = tpu.vector_load %arg12[%swap3A_584] {strides = array<i32>} : memref<320xf32, #tpu.memory_space<vmem>>, vector<16xf32>,
      tpu.vector_store %arg12[%swap3A_584], %select_n3A_583 {strides = array<i32>} : memref<320xf32, #tpu.memory_space<vmem>>, vector<16xf32>,
      %swap3A_586 = arith.constant 144 : index
      %swap3A_587 = tpu.vector_load %arg13[%swap3A_586] {strides = array<i32>} : memref<320xf32, #tpu.memory_space<vmem>>, vector<16xf32>,
      tpu.vector_store %arg13[%swap3A_586], %select_n3A_576 {strides = array<i32>} : memref<320xf32, #tpu.memory_space<vmem>>, vector<16xf32>,
      %get3A_588 = arith.constant 144 : index
      %get3A_589 = tpu.vector_load %arg9[%get3A_588] {strides = array<i32>} : memref<1280xf32, #tpu.memory_space<vmem>>, vector<16xf32>,
      %get3A_590 = arith.constant 464 : index
      %get3A_591 = tpu.vector_load %arg9[%get3A_590] {strides = array<i32>} : memref<1280xf32, #tpu.memory_space<vmem>>, vector<16xf32>,
      %get3A_592 = arith.constant 784 : index
      %get3A_593 = tpu.vector_load %arg9[%get3A_592] {strides = array<i32>} : memref<1280xf32, #tpu.memory_space<vmem>>, vector<16xf32>,
      %get3A_594 = arith.constant 1104 : index
      %get3A_595 = tpu.vector_load %arg9[%get3A_594] {strides = array<i32>} : memref<1280xf32, #tpu.memory_space<vmem>>, vector<16xf32>,
      %sub3A_596 = arith.subf %get3A_593, %get3A_589 : vector<16xf32>
      %sub3A_597 = arith.subf %get3A_595, %get3A_591 : vector<16xf32>
      %mul3A_598 = arith.mulf %sub3A_596, %sub3A_597 : vector<16xf32>
      %swap3A_599 = arith.constant 144 : index
      %swap3A_600 = tpu.vector_load %arg11[%swap3A_599] {strides = array<i32>} : memref<320xf32, #tpu.memory_space<vmem>>, vector<16xf32>,
      tpu.vector_store %arg11[%swap3A_599], %mul3A_598 {strides = array<i32>} : memref<320xf32, #tpu.memory_space<vmem>>, vector<16xf32>,
      %get3A_601 = arith.constant 160 : index
      %get3A_602 = tpu.vector_load %arg10[%get3A_601] {strides = array<i32>} : memref<2560xf32, #tpu.memory_space<vmem>>, vector<16xf32>,
      %get3A_603 = arith.constant 1440 : index
      %get3A_604 = tpu.vector_load %arg10[%get3A_603] {strides = array<i32>} : memref<2560xf32, #tpu.memory_space<vmem>>, vector<16xf32>,
      %max3A_605 = arith.maximumf %get3A_602, %get3A_604 : vector<16xf32>
      %get3A_606 = arith.constant 480 : index
      %get3A_607 = tpu.vector_load %arg10[%get3A_606] {strides = array<i32>} : memref<2560xf32, #tpu.memory_space<vmem>>, vector<16xf32>,
      %get3A_608 = arith.constant 1760 : index
      %get3A_609 = tpu.vector_load %arg10[%get3A_608] {strides = array<i32>} : memref<2560xf32, #tpu.memory_space<vmem>>, vector<16xf32>,
      %max3A_610 = arith.maximumf %get3A_607, %get3A_609 : vector<16xf32>
      %get3A_611 = arith.constant 800 : index
      %get3A_612 = tpu.vector_load %arg10[%get3A_611] {strides = array<i32>} : memref<2560xf32, #tpu.memory_space<vmem>>, vector<16xf32>,
      %get3A_613 = arith.constant 2080 : index
      %get3A_614 = tpu.vector_load %arg10[%get3A_613] {strides = array<i32>} : memref<2560xf32, #tpu.memory_space<vmem>>, vector<16xf32>,
      %max3A_615 = arith.maximumf %get3A_612, %get3A_614 : vector<16xf32>
      %get3A_616 = arith.constant 1120 : index
      %get3A_617 = tpu.vector_load %arg10[%get3A_616] {strides = array<i32>} : memref<2560xf32, #tpu.memory_space<vmem>>, vector<16xf32>,
      %get3A_618 = arith.constant 2400 : index
      %get3A_619 = tpu.vector_load %arg10[%get3A_618] {strides = array<i32>} : memref<2560xf32, #tpu.memory_space<vmem>>, vector<16xf32>,
      %max3A_620 = arith.maximumf %get3A_617, %get3A_619 : vector<16xf32>
      %broadcast_in_dim3A_621 = arith.constant 0.000000e+00 : f32
      %broadcast_in_dim3A_622 = vector.broadcast %broadcast_in_dim3A_621 : f32 to vector<16xf32>
      %gt3A_623 = arith.cmpf ogt, %max3A_610, %max3A_605 : vector<16xf32>
      %jit3A_624 = arith.constant 1.000000e+00 : f32
      %broadcast_in_dim3A_625 = vector.broadcast %jit3A_624 : f32 to vector<16xf32>
      %select_n3A_626 = arith.select %gt3A_623, %broadcast_in_dim3A_625, %broadcast_in_dim3A_622 : vector<16xi1>, vector<16xf32>
      %max3A_627 = arith.maximumf %max3A_605, %max3A_610 : vector<16xf32>
      %gt3A_628 = arith.cmpf ogt, %max3A_615, %max3A_627 : vector<16xf32>
      %jit3A_629 = arith.constant 2.000000e+00 : f32
      %broadcast_in_dim3A_630 = vector.broadcast %jit3A_629 : f32 to vector<16xf32>
      %select_n3A_631 = arith.select %gt3A_628, %broadcast_in_dim3A_630, %select_n3A_626 : vector<16xi1>, vector<16xf32>
      %max3A_632 = arith.maximumf %max3A_627, %max3A_615 : vector<16xf32>
      %gt3A_633 = arith.cmpf ogt, %max3A_620, %max3A_632 : vector<16xf32>
      %jit3A_634 = arith.constant 3.000000e+00 : f32
      %broadcast_in_dim3A_635 = vector.broadcast %jit3A_634 : f32 to vector<16xf32>
      %select_n3A_636 = arith.select %gt3A_633, %broadcast_in_dim3A_635, %select_n3A_631 : vector<16xi1>, vector<16xf32>
      %max3A_637 = arith.maximumf %max3A_632, %max3A_620 : vector<16xf32>
      %gt3A_638 = arith.constant 5.000000e-02 : f32
      %gt3A_639 = vector.broadcast %gt3A_638 : f32 to vector<16xf32>
      %gt3A_640 = arith.cmpf ogt, %max3A_637, %gt3A_639 : vector<16xf32>
      %jit3A_641 = arith.constant 0xFF800000 : f32
      %broadcast_in_dim3A_642 = vector.broadcast %jit3A_641 : f32 to vector<16xf32>
      %select_n3A_643 = arith.select %gt3A_640, %max3A_637, %broadcast_in_dim3A_642 : vector<16xi1>, vector<16xf32>
      %swap3A_644 = arith.constant 160 : index
      %swap3A_645 = tpu.vector_load %arg12[%swap3A_644] {strides = array<i32>} : memref<320xf32, #tpu.memory_space<vmem>>, vector<16xf32>,
      tpu.vector_store %arg12[%swap3A_644], %select_n3A_643 {strides = array<i32>} : memref<320xf32, #tpu.memory_space<vmem>>, vector<16xf32>,
      %swap3A_646 = arith.constant 160 : index
      %swap3A_647 = tpu.vector_load %arg13[%swap3A_646] {strides = array<i32>} : memref<320xf32, #tpu.memory_space<vmem>>, vector<16xf32>,
      tpu.vector_store %arg13[%swap3A_646], %select_n3A_636 {strides = array<i32>} : memref<320xf32, #tpu.memory_space<vmem>>, vector<16xf32>,
      %get3A_648 = arith.constant 160 : index
      %get3A_649 = tpu.vector_load %arg9[%get3A_648] {strides = array<i32>} : memref<1280xf32, #tpu.memory_space<vmem>>, vector<16xf32>,
      %get3A_650 = arith.constant 480 : index
      %get3A_651 = tpu.vector_load %arg9[%get3A_650] {strides = array<i32>} : memref<1280xf32, #tpu.memory_space<vmem>>, vector<16xf32>,
      %get3A_652 = arith.constant 800 : index
      %get3A_653 = tpu.vector_load %arg9[%get3A_652] {strides = array<i32>} : memref<1280xf32, #tpu.memory_space<vmem>>, vector<16xf32>,
      %get3A_654 = arith.constant 1120 : index
      %get3A_655 = tpu.vector_load %arg9[%get3A_654] {strides = array<i32>} : memref<1280xf32, #tpu.memory_space<vmem>>, vector<16xf32>,
      %sub3A_656 = arith.subf %get3A_653, %get3A_649 : vector<16xf32>
      %sub3A_657 = arith.subf %get3A_655, %get3A_651 : vector<16xf32>
      %mul3A_658 = arith.mulf %sub3A_656, %sub3A_657 : vector<16xf32>
      %swap3A_659 = arith.constant 160 : index
      %swap3A_660 = tpu.vector_load %arg11[%swap3A_659] {strides = array<i32>} : memref<320xf32, #tpu.memory_space<vmem>>, vector<16xf32>,
      tpu.vector_store %arg11[%swap3A_659], %mul3A_658 {strides = array<i32>} : memref<320xf32, #tpu.memory_space<vmem>>, vector<16xf32>,
      %get3A_661 = arith.constant 176 : index
      %get3A_662 = tpu.vector_load %arg10[%get3A_661] {strides = array<i32>} : memref<2560xf32, #tpu.memory_space<vmem>>, vector<16xf32>,
      %get3A_663 = arith.constant 1456 : index
      %get3A_664 = tpu.vector_load %arg10[%get3A_663] {strides = array<i32>} : memref<2560xf32, #tpu.memory_space<vmem>>, vector<16xf32>,
      %max3A_665 = arith.maximumf %get3A_662, %get3A_664 : vector<16xf32>
      %get3A_666 = arith.constant 496 : index
      %get3A_667 = tpu.vector_load %arg10[%get3A_666] {strides = array<i32>} : memref<2560xf32, #tpu.memory_space<vmem>>, vector<16xf32>,
      %get3A_668 = arith.constant 1776 : index
      %get3A_669 = tpu.vector_load %arg10[%get3A_668] {strides = array<i32>} : memref<2560xf32, #tpu.memory_space<vmem>>, vector<16xf32>,
      %max3A_670 = arith.maximumf %get3A_667, %get3A_669 : vector<16xf32>
      %get3A_671 = arith.constant 816 : index
      %get3A_672 = tpu.vector_load %arg10[%get3A_671] {strides = array<i32>} : memref<2560xf32, #tpu.memory_space<vmem>>, vector<16xf32>,
      %get3A_673 = arith.constant 2096 : index
      %get3A_674 = tpu.vector_load %arg10[%get3A_673] {strides = array<i32>} : memref<2560xf32, #tpu.memory_space<vmem>>, vector<16xf32>,
      %max3A_675 = arith.maximumf %get3A_672, %get3A_674 : vector<16xf32>
      %get3A_676 = arith.constant 1136 : index
      %get3A_677 = tpu.vector_load %arg10[%get3A_676] {strides = array<i32>} : memref<2560xf32, #tpu.memory_space<vmem>>, vector<16xf32>,
      %get3A_678 = arith.constant 2416 : index
      %get3A_679 = tpu.vector_load %arg10[%get3A_678] {strides = array<i32>} : memref<2560xf32, #tpu.memory_space<vmem>>, vector<16xf32>,
      %max3A_680 = arith.maximumf %get3A_677, %get3A_679 : vector<16xf32>
      %broadcast_in_dim3A_681 = arith.constant 0.000000e+00 : f32
      %broadcast_in_dim3A_682 = vector.broadcast %broadcast_in_dim3A_681 : f32 to vector<16xf32>
      %gt3A_683 = arith.cmpf ogt, %max3A_670, %max3A_665 : vector<16xf32>
      %jit3A_684 = arith.constant 1.000000e+00 : f32
      %broadcast_in_dim3A_685 = vector.broadcast %jit3A_684 : f32 to vector<16xf32>
      %select_n3A_686 = arith.select %gt3A_683, %broadcast_in_dim3A_685, %broadcast_in_dim3A_682 : vector<16xi1>, vector<16xf32>
      %max3A_687 = arith.maximumf %max3A_665, %max3A_670 : vector<16xf32>
      %gt3A_688 = arith.cmpf ogt, %max3A_675, %max3A_687 : vector<16xf32>
      %jit3A_689 = arith.constant 2.000000e+00 : f32
      %broadcast_in_dim3A_690 = vector.broadcast %jit3A_689 : f32 to vector<16xf32>
      %select_n3A_691 = arith.select %gt3A_688, %broadcast_in_dim3A_690, %select_n3A_686 : vector<16xi1>, vector<16xf32>
      %max3A_692 = arith.maximumf %max3A_687, %max3A_675 : vector<16xf32>
      %gt3A_693 = arith.cmpf ogt, %max3A_680, %max3A_692 : vector<16xf32>
      %jit3A_694 = arith.constant 3.000000e+00 : f32
      %broadcast_in_dim3A_695 = vector.broadcast %jit3A_694 : f32 to vector<16xf32>
      %select_n3A_696 = arith.select %gt3A_693, %broadcast_in_dim3A_695, %select_n3A_691 : vector<16xi1>, vector<16xf32>
      %max3A_697 = arith.maximumf %max3A_692, %max3A_680 : vector<16xf32>
      %gt3A_698 = arith.constant 5.000000e-02 : f32
      %gt3A_699 = vector.broadcast %gt3A_698 : f32 to vector<16xf32>
      %gt3A_700 = arith.cmpf ogt, %max3A_697, %gt3A_699 : vector<16xf32>
      %jit3A_701 = arith.constant 0xFF800000 : f32
      %broadcast_in_dim3A_702 = vector.broadcast %jit3A_701 : f32 to vector<16xf32>
      %select_n3A_703 = arith.select %gt3A_700, %max3A_697, %broadcast_in_dim3A_702 : vector<16xi1>, vector<16xf32>
      %swap3A_704 = arith.constant 176 : index
      %swap3A_705 = tpu.vector_load %arg12[%swap3A_704] {strides = array<i32>} : memref<320xf32, #tpu.memory_space<vmem>>, vector<16xf32>,
      tpu.vector_store %arg12[%swap3A_704], %select_n3A_703 {strides = array<i32>} : memref<320xf32, #tpu.memory_space<vmem>>, vector<16xf32>,
      %swap3A_706 = arith.constant 176 : index
      %swap3A_707 = tpu.vector_load %arg13[%swap3A_706] {strides = array<i32>} : memref<320xf32, #tpu.memory_space<vmem>>, vector<16xf32>,
      tpu.vector_store %arg13[%swap3A_706], %select_n3A_696 {strides = array<i32>} : memref<320xf32, #tpu.memory_space<vmem>>, vector<16xf32>,
      %get3A_708 = arith.constant 176 : index
      %get3A_709 = tpu.vector_load %arg9[%get3A_708] {strides = array<i32>} : memref<1280xf32, #tpu.memory_space<vmem>>, vector<16xf32>,
      %get3A_710 = arith.constant 496 : index
      %get3A_711 = tpu.vector_load %arg9[%get3A_710] {strides = array<i32>} : memref<1280xf32, #tpu.memory_space<vmem>>, vector<16xf32>,
      %get3A_712 = arith.constant 816 : index
      %get3A_713 = tpu.vector_load %arg9[%get3A_712] {strides = array<i32>} : memref<1280xf32, #tpu.memory_space<vmem>>, vector<16xf32>,
      %get3A_714 = arith.constant 1136 : index
      %get3A_715 = tpu.vector_load %arg9[%get3A_714] {strides = array<i32>} : memref<1280xf32, #tpu.memory_space<vmem>>, vector<16xf32>,
      %sub3A_716 = arith.subf %get3A_713, %get3A_709 : vector<16xf32>
      %sub3A_717 = arith.subf %get3A_715, %get3A_711 : vector<16xf32>
      %mul3A_718 = arith.mulf %sub3A_716, %sub3A_717 : vector<16xf32>
      %swap3A_719 = arith.constant 176 : index
      %swap3A_720 = tpu.vector_load %arg11[%swap3A_719] {strides = array<i32>} : memref<320xf32, #tpu.memory_space<vmem>>, vector<16xf32>,
      tpu.vector_store %arg11[%swap3A_719], %mul3A_718 {strides = array<i32>} : memref<320xf32, #tpu.memory_space<vmem>>, vector<16xf32>,
      %get3A_721 = arith.constant 192 : index
      %get3A_722 = tpu.vector_load %arg10[%get3A_721] {strides = array<i32>} : memref<2560xf32, #tpu.memory_space<vmem>>, vector<16xf32>,
      %get3A_723 = arith.constant 1472 : index
      %get3A_724 = tpu.vector_load %arg10[%get3A_723] {strides = array<i32>} : memref<2560xf32, #tpu.memory_space<vmem>>, vector<16xf32>,
      %max3A_725 = arith.maximumf %get3A_722, %get3A_724 : vector<16xf32>
      %get3A_726 = arith.constant 512 : index
      %get3A_727 = tpu.vector_load %arg10[%get3A_726] {strides = array<i32>} : memref<2560xf32, #tpu.memory_space<vmem>>, vector<16xf32>,
      %get3A_728 = arith.constant 1792 : index
      %get3A_729 = tpu.vector_load %arg10[%get3A_728] {strides = array<i32>} : memref<2560xf32, #tpu.memory_space<vmem>>, vector<16xf32>,
      %max3A_730 = arith.maximumf %get3A_727, %get3A_729 : vector<16xf32>
      %get3A_731 = arith.constant 832 : index
      %get3A_732 = tpu.vector_load %arg10[%get3A_731] {strides = array<i32>} : memref<2560xf32, #tpu.memory_space<vmem>>, vector<16xf32>,
      %get3A_733 = arith.constant 2112 : index
      %get3A_734 = tpu.vector_load %arg10[%get3A_733] {strides = array<i32>} : memref<2560xf32, #tpu.memory_space<vmem>>, vector<16xf32>,
      %max3A_735 = arith.maximumf %get3A_732, %get3A_734 : vector<16xf32>
      %get3A_736 = arith.constant 1152 : index
      %get3A_737 = tpu.vector_load %arg10[%get3A_736] {strides = array<i32>} : memref<2560xf32, #tpu.memory_space<vmem>>, vector<16xf32>,
      %get3A_738 = arith.constant 2432 : index
      %get3A_739 = tpu.vector_load %arg10[%get3A_738] {strides = array<i32>} : memref<2560xf32, #tpu.memory_space<vmem>>, vector<16xf32>,
      %max3A_740 = arith.maximumf %get3A_737, %get3A_739 : vector<16xf32>
      %broadcast_in_dim3A_741 = arith.constant 0.000000e+00 : f32
      %broadcast_in_dim3A_742 = vector.broadcast %broadcast_in_dim3A_741 : f32 to vector<16xf32>
      %gt3A_743 = arith.cmpf ogt, %max3A_730, %max3A_725 : vector<16xf32>
      %jit3A_744 = arith.constant 1.000000e+00 : f32
      %broadcast_in_dim3A_745 = vector.broadcast %jit3A_744 : f32 to vector<16xf32>
      %select_n3A_746 = arith.select %gt3A_743, %broadcast_in_dim3A_745, %broadcast_in_dim3A_742 : vector<16xi1>, vector<16xf32>
      %max3A_747 = arith.maximumf %max3A_725, %max3A_730 : vector<16xf32>
      %gt3A_748 = arith.cmpf ogt, %max3A_735, %max3A_747 : vector<16xf32>
      %jit3A_749 = arith.constant 2.000000e+00 : f32
      %broadcast_in_dim3A_750 = vector.broadcast %jit3A_749 : f32 to vector<16xf32>
      %select_n3A_751 = arith.select %gt3A_748, %broadcast_in_dim3A_750, %select_n3A_746 : vector<16xi1>, vector<16xf32>
      %max3A_752 = arith.maximumf %max3A_747, %max3A_735 : vector<16xf32>
      %gt3A_753 = arith.cmpf ogt, %max3A_740, %max3A_752 : vector<16xf32>
      %jit3A_754 = arith.constant 3.000000e+00 : f32
      %broadcast_in_dim3A_755 = vector.broadcast %jit3A_754 : f32 to vector<16xf32>
      %select_n3A_756 = arith.select %gt3A_753, %broadcast_in_dim3A_755, %select_n3A_751 : vector<16xi1>, vector<16xf32>
      %max3A_757 = arith.maximumf %max3A_752, %max3A_740 : vector<16xf32>
      %gt3A_758 = arith.constant 5.000000e-02 : f32
      %gt3A_759 = vector.broadcast %gt3A_758 : f32 to vector<16xf32>
      %gt3A_760 = arith.cmpf ogt, %max3A_757, %gt3A_759 : vector<16xf32>
      %jit3A_761 = arith.constant 0xFF800000 : f32
      %broadcast_in_dim3A_762 = vector.broadcast %jit3A_761 : f32 to vector<16xf32>
      %select_n3A_763 = arith.select %gt3A_760, %max3A_757, %broadcast_in_dim3A_762 : vector<16xi1>, vector<16xf32>
      %swap3A_764 = arith.constant 192 : index
      %swap3A_765 = tpu.vector_load %arg12[%swap3A_764] {strides = array<i32>} : memref<320xf32, #tpu.memory_space<vmem>>, vector<16xf32>,
      tpu.vector_store %arg12[%swap3A_764], %select_n3A_763 {strides = array<i32>} : memref<320xf32, #tpu.memory_space<vmem>>, vector<16xf32>,
      %swap3A_766 = arith.constant 192 : index
      %swap3A_767 = tpu.vector_load %arg13[%swap3A_766] {strides = array<i32>} : memref<320xf32, #tpu.memory_space<vmem>>, vector<16xf32>,
      tpu.vector_store %arg13[%swap3A_766], %select_n3A_756 {strides = array<i32>} : memref<320xf32, #tpu.memory_space<vmem>>, vector<16xf32>,
      %get3A_768 = arith.constant 192 : index
      %get3A_769 = tpu.vector_load %arg9[%get3A_768] {strides = array<i32>} : memref<1280xf32, #tpu.memory_space<vmem>>, vector<16xf32>,
      %get3A_770 = arith.constant 512 : index
      %get3A_771 = tpu.vector_load %arg9[%get3A_770] {strides = array<i32>} : memref<1280xf32, #tpu.memory_space<vmem>>, vector<16xf32>,
      %get3A_772 = arith.constant 832 : index
      %get3A_773 = tpu.vector_load %arg9[%get3A_772] {strides = array<i32>} : memref<1280xf32, #tpu.memory_space<vmem>>, vector<16xf32>,
      %get3A_774 = arith.constant 1152 : index
      %get3A_775 = tpu.vector_load %arg9[%get3A_774] {strides = array<i32>} : memref<1280xf32, #tpu.memory_space<vmem>>, vector<16xf32>,
      %sub3A_776 = arith.subf %get3A_773, %get3A_769 : vector<16xf32>
      %sub3A_777 = arith.subf %get3A_775, %get3A_771 : vector<16xf32>
      %mul3A_778 = arith.mulf %sub3A_776, %sub3A_777 : vector<16xf32>
      %swap3A_779 = arith.constant 192 : index
      %swap3A_780 = tpu.vector_load %arg11[%swap3A_779] {strides = array<i32>} : memref<320xf32, #tpu.memory_space<vmem>>, vector<16xf32>,
      tpu.vector_store %arg11[%swap3A_779], %mul3A_778 {strides = array<i32>} : memref<320xf32, #tpu.memory_space<vmem>>, vector<16xf32>,
      %get3A_781 = arith.constant 208 : index
      %get3A_782 = tpu.vector_load %arg10[%get3A_781] {strides = array<i32>} : memref<2560xf32, #tpu.memory_space<vmem>>, vector<16xf32>,
      %get3A_783 = arith.constant 1488 : index
      %get3A_784 = tpu.vector_load %arg10[%get3A_783] {strides = array<i32>} : memref<2560xf32, #tpu.memory_space<vmem>>, vector<16xf32>,
      %max3A_785 = arith.maximumf %get3A_782, %get3A_784 : vector<16xf32>
      %get3A_786 = arith.constant 528 : index
      %get3A_787 = tpu.vector_load %arg10[%get3A_786] {strides = array<i32>} : memref<2560xf32, #tpu.memory_space<vmem>>, vector<16xf32>,
      %get3A_788 = arith.constant 1808 : index
      %get3A_789 = tpu.vector_load %arg10[%get3A_788] {strides = array<i32>} : memref<2560xf32, #tpu.memory_space<vmem>>, vector<16xf32>,
      %max3A_790 = arith.maximumf %get3A_787, %get3A_789 : vector<16xf32>
      %get3A_791 = arith.constant 848 : index
      %get3A_792 = tpu.vector_load %arg10[%get3A_791] {strides = array<i32>} : memref<2560xf32, #tpu.memory_space<vmem>>, vector<16xf32>,
      %get3A_793 = arith.constant 2128 : index
      %get3A_794 = tpu.vector_load %arg10[%get3A_793] {strides = array<i32>} : memref<2560xf32, #tpu.memory_space<vmem>>, vector<16xf32>,
      %max3A_795 = arith.maximumf %get3A_792, %get3A_794 : vector<16xf32>
      %get3A_796 = arith.constant 1168 : index
      %get3A_797 = tpu.vector_load %arg10[%get3A_796] {strides = array<i32>} : memref<2560xf32, #tpu.memory_space<vmem>>, vector<16xf32>,
      %get3A_798 = arith.constant 2448 : index
      %get3A_799 = tpu.vector_load %arg10[%get3A_798] {strides = array<i32>} : memref<2560xf32, #tpu.memory_space<vmem>>, vector<16xf32>,
      %max3A_800 = arith.maximumf %get3A_797, %get3A_799 : vector<16xf32>
      %broadcast_in_dim3A_801 = arith.constant 0.000000e+00 : f32
      %broadcast_in_dim3A_802 = vector.broadcast %broadcast_in_dim3A_801 : f32 to vector<16xf32>
      %gt3A_803 = arith.cmpf ogt, %max3A_790, %max3A_785 : vector<16xf32>
      %jit3A_804 = arith.constant 1.000000e+00 : f32
      %broadcast_in_dim3A_805 = vector.broadcast %jit3A_804 : f32 to vector<16xf32>
      %select_n3A_806 = arith.select %gt3A_803, %broadcast_in_dim3A_805, %broadcast_in_dim3A_802 : vector<16xi1>, vector<16xf32>
      %max3A_807 = arith.maximumf %max3A_785, %max3A_790 : vector<16xf32>
      %gt3A_808 = arith.cmpf ogt, %max3A_795, %max3A_807 : vector<16xf32>
      %jit3A_809 = arith.constant 2.000000e+00 : f32
      %broadcast_in_dim3A_810 = vector.broadcast %jit3A_809 : f32 to vector<16xf32>
      %select_n3A_811 = arith.select %gt3A_808, %broadcast_in_dim3A_810, %select_n3A_806 : vector<16xi1>, vector<16xf32>
      %max3A_812 = arith.maximumf %max3A_807, %max3A_795 : vector<16xf32>
      %gt3A_813 = arith.cmpf ogt, %max3A_800, %max3A_812 : vector<16xf32>
      %jit3A_814 = arith.constant 3.000000e+00 : f32
      %broadcast_in_dim3A_815 = vector.broadcast %jit3A_814 : f32 to vector<16xf32>
      %select_n3A_816 = arith.select %gt3A_813, %broadcast_in_dim3A_815, %select_n3A_811 : vector<16xi1>, vector<16xf32>
      %max3A_817 = arith.maximumf %max3A_812, %max3A_800 : vector<16xf32>
      %gt3A_818 = arith.constant 5.000000e-02 : f32
      %gt3A_819 = vector.broadcast %gt3A_818 : f32 to vector<16xf32>
      %gt3A_820 = arith.cmpf ogt, %max3A_817, %gt3A_819 : vector<16xf32>
      %jit3A_821 = arith.constant 0xFF800000 : f32
      %broadcast_in_dim3A_822 = vector.broadcast %jit3A_821 : f32 to vector<16xf32>
      %select_n3A_823 = arith.select %gt3A_820, %max3A_817, %broadcast_in_dim3A_822 : vector<16xi1>, vector<16xf32>
      %swap3A_824 = arith.constant 208 : index
      %swap3A_825 = tpu.vector_load %arg12[%swap3A_824] {strides = array<i32>} : memref<320xf32, #tpu.memory_space<vmem>>, vector<16xf32>,
      tpu.vector_store %arg12[%swap3A_824], %select_n3A_823 {strides = array<i32>} : memref<320xf32, #tpu.memory_space<vmem>>, vector<16xf32>,
      %swap3A_826 = arith.constant 208 : index
      %swap3A_827 = tpu.vector_load %arg13[%swap3A_826] {strides = array<i32>} : memref<320xf32, #tpu.memory_space<vmem>>, vector<16xf32>,
      tpu.vector_store %arg13[%swap3A_826], %select_n3A_816 {strides = array<i32>} : memref<320xf32, #tpu.memory_space<vmem>>, vector<16xf32>,
      %get3A_828 = arith.constant 208 : index
      %get3A_829 = tpu.vector_load %arg9[%get3A_828] {strides = array<i32>} : memref<1280xf32, #tpu.memory_space<vmem>>, vector<16xf32>,
      %get3A_830 = arith.constant 528 : index
      %get3A_831 = tpu.vector_load %arg9[%get3A_830] {strides = array<i32>} : memref<1280xf32, #tpu.memory_space<vmem>>, vector<16xf32>,
      %get3A_832 = arith.constant 848 : index
      %get3A_833 = tpu.vector_load %arg9[%get3A_832] {strides = array<i32>} : memref<1280xf32, #tpu.memory_space<vmem>>, vector<16xf32>,
      %get3A_834 = arith.constant 1168 : index
      %get3A_835 = tpu.vector_load %arg9[%get3A_834] {strides = array<i32>} : memref<1280xf32, #tpu.memory_space<vmem>>, vector<16xf32>,
      %sub3A_836 = arith.subf %get3A_833, %get3A_829 : vector<16xf32>
      %sub3A_837 = arith.subf %get3A_835, %get3A_831 : vector<16xf32>
      %mul3A_838 = arith.mulf %sub3A_836, %sub3A_837 : vector<16xf32>
      %swap3A_839 = arith.constant 208 : index
      %swap3A_840 = tpu.vector_load %arg11[%swap3A_839] {strides = array<i32>} : memref<320xf32, #tpu.memory_space<vmem>>, vector<16xf32>,
      tpu.vector_store %arg11[%swap3A_839], %mul3A_838 {strides = array<i32>} : memref<320xf32, #tpu.memory_space<vmem>>, vector<16xf32>,
      %get3A_841 = arith.constant 224 : index
      %get3A_842 = tpu.vector_load %arg10[%get3A_841] {strides = array<i32>} : memref<2560xf32, #tpu.memory_space<vmem>>, vector<16xf32>,
      %get3A_843 = arith.constant 1504 : index
      %get3A_844 = tpu.vector_load %arg10[%get3A_843] {strides = array<i32>} : memref<2560xf32, #tpu.memory_space<vmem>>, vector<16xf32>,
      %max3A_845 = arith.maximumf %get3A_842, %get3A_844 : vector<16xf32>
      %get3A_846 = arith.constant 544 : index
      %get3A_847 = tpu.vector_load %arg10[%get3A_846] {strides = array<i32>} : memref<2560xf32, #tpu.memory_space<vmem>>, vector<16xf32>,
      %get3A_848 = arith.constant 1824 : index
      %get3A_849 = tpu.vector_load %arg10[%get3A_848] {strides = array<i32>} : memref<2560xf32, #tpu.memory_space<vmem>>, vector<16xf32>,
      %max3A_850 = arith.maximumf %get3A_847, %get3A_849 : vector<16xf32>
      %get3A_851 = arith.constant 864 : index
      %get3A_852 = tpu.vector_load %arg10[%get3A_851] {strides = array<i32>} : memref<2560xf32, #tpu.memory_space<vmem>>, vector<16xf32>,
      %get3A_853 = arith.constant 2144 : index
      %get3A_854 = tpu.vector_load %arg10[%get3A_853] {strides = array<i32>} : memref<2560xf32, #tpu.memory_space<vmem>>, vector<16xf32>,
      %max3A_855 = arith.maximumf %get3A_852, %get3A_854 : vector<16xf32>
      %get3A_856 = arith.constant 1184 : index
      %get3A_857 = tpu.vector_load %arg10[%get3A_856] {strides = array<i32>} : memref<2560xf32, #tpu.memory_space<vmem>>, vector<16xf32>,
      %get3A_858 = arith.constant 2464 : index
      %get3A_859 = tpu.vector_load %arg10[%get3A_858] {strides = array<i32>} : memref<2560xf32, #tpu.memory_space<vmem>>, vector<16xf32>,
      %max3A_860 = arith.maximumf %get3A_857, %get3A_859 : vector<16xf32>
      %broadcast_in_dim3A_861 = arith.constant 0.000000e+00 : f32
      %broadcast_in_dim3A_862 = vector.broadcast %broadcast_in_dim3A_861 : f32 to vector<16xf32>
      %gt3A_863 = arith.cmpf ogt, %max3A_850, %max3A_845 : vector<16xf32>
      %jit3A_864 = arith.constant 1.000000e+00 : f32
      %broadcast_in_dim3A_865 = vector.broadcast %jit3A_864 : f32 to vector<16xf32>
      %select_n3A_866 = arith.select %gt3A_863, %broadcast_in_dim3A_865, %broadcast_in_dim3A_862 : vector<16xi1>, vector<16xf32>
      %max3A_867 = arith.maximumf %max3A_845, %max3A_850 : vector<16xf32>
      %gt3A_868 = arith.cmpf ogt, %max3A_855, %max3A_867 : vector<16xf32>
      %jit3A_869 = arith.constant 2.000000e+00 : f32
      %broadcast_in_dim3A_870 = vector.broadcast %jit3A_869 : f32 to vector<16xf32>
      %select_n3A_871 = arith.select %gt3A_868, %broadcast_in_dim3A_870, %select_n3A_866 : vector<16xi1>, vector<16xf32>
      %max3A_872 = arith.maximumf %max3A_867, %max3A_855 : vector<16xf32>
      %gt3A_873 = arith.cmpf ogt, %max3A_860, %max3A_872 : vector<16xf32>
      %jit3A_874 = arith.constant 3.000000e+00 : f32
      %broadcast_in_dim3A_875 = vector.broadcast %jit3A_874 : f32 to vector<16xf32>
      %select_n3A_876 = arith.select %gt3A_873, %broadcast_in_dim3A_875, %select_n3A_871 : vector<16xi1>, vector<16xf32>
      %max3A_877 = arith.maximumf %max3A_872, %max3A_860 : vector<16xf32>
      %gt3A_878 = arith.constant 5.000000e-02 : f32
      %gt3A_879 = vector.broadcast %gt3A_878 : f32 to vector<16xf32>
      %gt3A_880 = arith.cmpf ogt, %max3A_877, %gt3A_879 : vector<16xf32>
      %jit3A_881 = arith.constant 0xFF800000 : f32
      %broadcast_in_dim3A_882 = vector.broadcast %jit3A_881 : f32 to vector<16xf32>
      %select_n3A_883 = arith.select %gt3A_880, %max3A_877, %broadcast_in_dim3A_882 : vector<16xi1>, vector<16xf32>
      %swap3A_884 = arith.constant 224 : index
      %swap3A_885 = tpu.vector_load %arg12[%swap3A_884] {strides = array<i32>} : memref<320xf32, #tpu.memory_space<vmem>>, vector<16xf32>,
      tpu.vector_store %arg12[%swap3A_884], %select_n3A_883 {strides = array<i32>} : memref<320xf32, #tpu.memory_space<vmem>>, vector<16xf32>,
      %swap3A_886 = arith.constant 224 : index
      %swap3A_887 = tpu.vector_load %arg13[%swap3A_886] {strides = array<i32>} : memref<320xf32, #tpu.memory_space<vmem>>, vector<16xf32>,
      tpu.vector_store %arg13[%swap3A_886], %select_n3A_876 {strides = array<i32>} : memref<320xf32, #tpu.memory_space<vmem>>, vector<16xf32>,
      %get3A_888 = arith.constant 224 : index
      %get3A_889 = tpu.vector_load %arg9[%get3A_888] {strides = array<i32>} : memref<1280xf32, #tpu.memory_space<vmem>>, vector<16xf32>,
      %get3A_890 = arith.constant 544 : index
      %get3A_891 = tpu.vector_load %arg9[%get3A_890] {strides = array<i32>} : memref<1280xf32, #tpu.memory_space<vmem>>, vector<16xf32>,
      %get3A_892 = arith.constant 864 : index
      %get3A_893 = tpu.vector_load %arg9[%get3A_892] {strides = array<i32>} : memref<1280xf32, #tpu.memory_space<vmem>>, vector<16xf32>,
      %get3A_894 = arith.constant 1184 : index
      %get3A_895 = tpu.vector_load %arg9[%get3A_894] {strides = array<i32>} : memref<1280xf32, #tpu.memory_space<vmem>>, vector<16xf32>,
      %sub3A_896 = arith.subf %get3A_893, %get3A_889 : vector<16xf32>
      %sub3A_897 = arith.subf %get3A_895, %get3A_891 : vector<16xf32>
      %mul3A_898 = arith.mulf %sub3A_896, %sub3A_897 : vector<16xf32>
      %swap3A_899 = arith.constant 224 : index
      %swap3A_900 = tpu.vector_load %arg11[%swap3A_899] {strides = array<i32>} : memref<320xf32, #tpu.memory_space<vmem>>, vector<16xf32>,
      tpu.vector_store %arg11[%swap3A_899], %mul3A_898 {strides = array<i32>} : memref<320xf32, #tpu.memory_space<vmem>>, vector<16xf32>,
      %get3A_901 = arith.constant 240 : index
      %get3A_902 = tpu.vector_load %arg10[%get3A_901] {strides = array<i32>} : memref<2560xf32, #tpu.memory_space<vmem>>, vector<16xf32>,
      %get3A_903 = arith.constant 1520 : index
      %get3A_904 = tpu.vector_load %arg10[%get3A_903] {strides = array<i32>} : memref<2560xf32, #tpu.memory_space<vmem>>, vector<16xf32>,
      %max3A_905 = arith.maximumf %get3A_902, %get3A_904 : vector<16xf32>
      %get3A_906 = arith.constant 560 : index
      %get3A_907 = tpu.vector_load %arg10[%get3A_906] {strides = array<i32>} : memref<2560xf32, #tpu.memory_space<vmem>>, vector<16xf32>,
      %get3A_908 = arith.constant 1840 : index
      %get3A_909 = tpu.vector_load %arg10[%get3A_908] {strides = array<i32>} : memref<2560xf32, #tpu.memory_space<vmem>>, vector<16xf32>,
      %max3A_910 = arith.maximumf %get3A_907, %get3A_909 : vector<16xf32>
      %get3A_911 = arith.constant 880 : index
      %get3A_912 = tpu.vector_load %arg10[%get3A_911] {strides = array<i32>} : memref<2560xf32, #tpu.memory_space<vmem>>, vector<16xf32>,
      %get3A_913 = arith.constant 2160 : index
      %get3A_914 = tpu.vector_load %arg10[%get3A_913] {strides = array<i32>} : memref<2560xf32, #tpu.memory_space<vmem>>, vector<16xf32>,
      %max3A_915 = arith.maximumf %get3A_912, %get3A_914 : vector<16xf32>
      %get3A_916 = arith.constant 1200 : index
      %get3A_917 = tpu.vector_load %arg10[%get3A_916] {strides = array<i32>} : memref<2560xf32, #tpu.memory_space<vmem>>, vector<16xf32>,
      %get3A_918 = arith.constant 2480 : index
      %get3A_919 = tpu.vector_load %arg10[%get3A_918] {strides = array<i32>} : memref<2560xf32, #tpu.memory_space<vmem>>, vector<16xf32>,
      %max3A_920 = arith.maximumf %get3A_917, %get3A_919 : vector<16xf32>
      %broadcast_in_dim3A_921 = arith.constant 0.000000e+00 : f32
      %broadcast_in_dim3A_922 = vector.broadcast %broadcast_in_dim3A_921 : f32 to vector<16xf32>
      %gt3A_923 = arith.cmpf ogt, %max3A_910, %max3A_905 : vector<16xf32>
      %jit3A_924 = arith.constant 1.000000e+00 : f32
      %broadcast_in_dim3A_925 = vector.broadcast %jit3A_924 : f32 to vector<16xf32>
      %select_n3A_926 = arith.select %gt3A_923, %broadcast_in_dim3A_925, %broadcast_in_dim3A_922 : vector<16xi1>, vector<16xf32>
      %max3A_927 = arith.maximumf %max3A_905, %max3A_910 : vector<16xf32>
      %gt3A_928 = arith.cmpf ogt, %max3A_915, %max3A_927 : vector<16xf32>
      %jit3A_929 = arith.constant 2.000000e+00 : f32
      %broadcast_in_dim3A_930 = vector.broadcast %jit3A_929 : f32 to vector<16xf32>
      %select_n3A_931 = arith.select %gt3A_928, %broadcast_in_dim3A_930, %select_n3A_926 : vector<16xi1>, vector<16xf32>
      %max3A_932 = arith.maximumf %max3A_927, %max3A_915 : vector<16xf32>
      %gt3A_933 = arith.cmpf ogt, %max3A_920, %max3A_932 : vector<16xf32>
      %jit3A_934 = arith.constant 3.000000e+00 : f32
      %broadcast_in_dim3A_935 = vector.broadcast %jit3A_934 : f32 to vector<16xf32>
      %select_n3A_936 = arith.select %gt3A_933, %broadcast_in_dim3A_935, %select_n3A_931 : vector<16xi1>, vector<16xf32>
      %max3A_937 = arith.maximumf %max3A_932, %max3A_920 : vector<16xf32>
      %gt3A_938 = arith.constant 5.000000e-02 : f32
      %gt3A_939 = vector.broadcast %gt3A_938 : f32 to vector<16xf32>
      %gt3A_940 = arith.cmpf ogt, %max3A_937, %gt3A_939 : vector<16xf32>
      %jit3A_941 = arith.constant 0xFF800000 : f32
      %broadcast_in_dim3A_942 = vector.broadcast %jit3A_941 : f32 to vector<16xf32>
      %select_n3A_943 = arith.select %gt3A_940, %max3A_937, %broadcast_in_dim3A_942 : vector<16xi1>, vector<16xf32>
      %swap3A_944 = arith.constant 240 : index
      %swap3A_945 = tpu.vector_load %arg12[%swap3A_944] {strides = array<i32>} : memref<320xf32, #tpu.memory_space<vmem>>, vector<16xf32>,
      tpu.vector_store %arg12[%swap3A_944], %select_n3A_943 {strides = array<i32>} : memref<320xf32, #tpu.memory_space<vmem>>, vector<16xf32>,
      %swap3A_946 = arith.constant 240 : index
      %swap3A_947 = tpu.vector_load %arg13[%swap3A_946] {strides = array<i32>} : memref<320xf32, #tpu.memory_space<vmem>>, vector<16xf32>,
      tpu.vector_store %arg13[%swap3A_946], %select_n3A_936 {strides = array<i32>} : memref<320xf32, #tpu.memory_space<vmem>>, vector<16xf32>,
      %get3A_948 = arith.constant 240 : index
      %get3A_949 = tpu.vector_load %arg9[%get3A_948] {strides = array<i32>} : memref<1280xf32, #tpu.memory_space<vmem>>, vector<16xf32>,
      %get3A_950 = arith.constant 560 : index
      %get3A_951 = tpu.vector_load %arg9[%get3A_950] {strides = array<i32>} : memref<1280xf32, #tpu.memory_space<vmem>>, vector<16xf32>,
      %get3A_952 = arith.constant 880 : index
      %get3A_953 = tpu.vector_load %arg9[%get3A_952] {strides = array<i32>} : memref<1280xf32, #tpu.memory_space<vmem>>, vector<16xf32>,
      %get3A_954 = arith.constant 1200 : index
      %get3A_955 = tpu.vector_load %arg9[%get3A_954] {strides = array<i32>} : memref<1280xf32, #tpu.memory_space<vmem>>, vector<16xf32>,
      %sub3A_956 = arith.subf %get3A_953, %get3A_949 : vector<16xf32>
      %sub3A_957 = arith.subf %get3A_955, %get3A_951 : vector<16xf32>
      %mul3A_958 = arith.mulf %sub3A_956, %sub3A_957 : vector<16xf32>
      %swap3A_959 = arith.constant 240 : index
      %swap3A_960 = tpu.vector_load %arg11[%swap3A_959] {strides = array<i32>} : memref<320xf32, #tpu.memory_space<vmem>>, vector<16xf32>,
      tpu.vector_store %arg11[%swap3A_959], %mul3A_958 {strides = array<i32>} : memref<320xf32, #tpu.memory_space<vmem>>, vector<16xf32>,
      %get3A_961 = arith.constant 256 : index
      %get3A_962 = tpu.vector_load %arg10[%get3A_961] {strides = array<i32>} : memref<2560xf32, #tpu.memory_space<vmem>>, vector<16xf32>,
      %get3A_963 = arith.constant 1536 : index
      %get3A_964 = tpu.vector_load %arg10[%get3A_963] {strides = array<i32>} : memref<2560xf32, #tpu.memory_space<vmem>>, vector<16xf32>,
      %max3A_965 = arith.maximumf %get3A_962, %get3A_964 : vector<16xf32>
      %get3A_966 = arith.constant 576 : index
      %get3A_967 = tpu.vector_load %arg10[%get3A_966] {strides = array<i32>} : memref<2560xf32, #tpu.memory_space<vmem>>, vector<16xf32>,
      %get3A_968 = arith.constant 1856 : index
      %get3A_969 = tpu.vector_load %arg10[%get3A_968] {strides = array<i32>} : memref<2560xf32, #tpu.memory_space<vmem>>, vector<16xf32>,
      %max3A_970 = arith.maximumf %get3A_967, %get3A_969 : vector<16xf32>
      %get3A_971 = arith.constant 896 : index
      %get3A_972 = tpu.vector_load %arg10[%get3A_971] {strides = array<i32>} : memref<2560xf32, #tpu.memory_space<vmem>>, vector<16xf32>,
      %get3A_973 = arith.constant 2176 : index
      %get3A_974 = tpu.vector_load %arg10[%get3A_973] {strides = array<i32>} : memref<2560xf32, #tpu.memory_space<vmem>>, vector<16xf32>,
      %max3A_975 = arith.maximumf %get3A_972, %get3A_974 : vector<16xf32>
      %get3A_976 = arith.constant 1216 : index
      %get3A_977 = tpu.vector_load %arg10[%get3A_976] {strides = array<i32>} : memref<2560xf32, #tpu.memory_space<vmem>>, vector<16xf32>,
      %get3A_978 = arith.constant 2496 : index
      %get3A_979 = tpu.vector_load %arg10[%get3A_978] {strides = array<i32>} : memref<2560xf32, #tpu.memory_space<vmem>>, vector<16xf32>,
      %max3A_980 = arith.maximumf %get3A_977, %get3A_979 : vector<16xf32>
      %broadcast_in_dim3A_981 = arith.constant 0.000000e+00 : f32
      %broadcast_in_dim3A_982 = vector.broadcast %broadcast_in_dim3A_981 : f32 to vector<16xf32>
      %gt3A_983 = arith.cmpf ogt, %max3A_970, %max3A_965 : vector<16xf32>
      %jit3A_984 = arith.constant 1.000000e+00 : f32
      %broadcast_in_dim3A_985 = vector.broadcast %jit3A_984 : f32 to vector<16xf32>
      %select_n3A_986 = arith.select %gt3A_983, %broadcast_in_dim3A_985, %broadcast_in_dim3A_982 : vector<16xi1>, vector<16xf32>
      %max3A_987 = arith.maximumf %max3A_965, %max3A_970 : vector<16xf32>
      %gt3A_988 = arith.cmpf ogt, %max3A_975, %max3A_987 : vector<16xf32>
      %jit3A_989 = arith.constant 2.000000e+00 : f32
      %broadcast_in_dim3A_990 = vector.broadcast %jit3A_989 : f32 to vector<16xf32>
      %select_n3A_991 = arith.select %gt3A_988, %broadcast_in_dim3A_990, %select_n3A_986 : vector<16xi1>, vector<16xf32>
      %max3A_992 = arith.maximumf %max3A_987, %max3A_975 : vector<16xf32>
      %gt3A_993 = arith.cmpf ogt, %max3A_980, %max3A_992 : vector<16xf32>
      %jit3A_994 = arith.constant 3.000000e+00 : f32
      %broadcast_in_dim3A_995 = vector.broadcast %jit3A_994 : f32 to vector<16xf32>
      %select_n3A_996 = arith.select %gt3A_993, %broadcast_in_dim3A_995, %select_n3A_991 : vector<16xi1>, vector<16xf32>
      %max3A_997 = arith.maximumf %max3A_992, %max3A_980 : vector<16xf32>
      %gt3A_998 = arith.constant 5.000000e-02 : f32
      %gt3A_999 = vector.broadcast %gt3A_998 : f32 to vector<16xf32>
      %gt3A_1000 = arith.cmpf ogt, %max3A_997, %gt3A_999 : vector<16xf32>
      %jit3A_1001 = arith.constant 0xFF800000 : f32
      %broadcast_in_dim3A_1002 = vector.broadcast %jit3A_1001 : f32 to vector<16xf32>
      %select_n3A_1003 = arith.select %gt3A_1000, %max3A_997, %broadcast_in_dim3A_1002 : vector<16xi1>, vector<16xf32>
      %swap3A_1004 = arith.constant 256 : index
      %swap3A_1005 = tpu.vector_load %arg12[%swap3A_1004] {strides = array<i32>} : memref<320xf32, #tpu.memory_space<vmem>>, vector<16xf32>,
      tpu.vector_store %arg12[%swap3A_1004], %select_n3A_1003 {strides = array<i32>} : memref<320xf32, #tpu.memory_space<vmem>>, vector<16xf32>,
      %swap3A_1006 = arith.constant 256 : index
      %swap3A_1007 = tpu.vector_load %arg13[%swap3A_1006] {strides = array<i32>} : memref<320xf32, #tpu.memory_space<vmem>>, vector<16xf32>,
      tpu.vector_store %arg13[%swap3A_1006], %select_n3A_996 {strides = array<i32>} : memref<320xf32, #tpu.memory_space<vmem>>, vector<16xf32>,
      %get3A_1008 = arith.constant 256 : index
      %get3A_1009 = tpu.vector_load %arg9[%get3A_1008] {strides = array<i32>} : memref<1280xf32, #tpu.memory_space<vmem>>, vector<16xf32>,
      %get3A_1010 = arith.constant 576 : index
      %get3A_1011 = tpu.vector_load %arg9[%get3A_1010] {strides = array<i32>} : memref<1280xf32, #tpu.memory_space<vmem>>, vector<16xf32>,
      %get3A_1012 = arith.constant 896 : index
      %get3A_1013 = tpu.vector_load %arg9[%get3A_1012] {strides = array<i32>} : memref<1280xf32, #tpu.memory_space<vmem>>, vector<16xf32>,
      %get3A_1014 = arith.constant 1216 : index
      %get3A_1015 = tpu.vector_load %arg9[%get3A_1014] {strides = array<i32>} : memref<1280xf32, #tpu.memory_space<vmem>>, vector<16xf32>,
      %sub3A_1016 = arith.subf %get3A_1013, %get3A_1009 : vector<16xf32>
      %sub3A_1017 = arith.subf %get3A_1015, %get3A_1011 : vector<16xf32>
      %mul3A_1018 = arith.mulf %sub3A_1016, %sub3A_1017 : vector<16xf32>
      %swap3A_1019 = arith.constant 256 : index
      %swap3A_1020 = tpu.vector_load %arg11[%swap3A_1019] {strides = array<i32>} : memref<320xf32, #tpu.memory_space<vmem>>, vector<16xf32>,
      tpu.vector_store %arg11[%swap3A_1019], %mul3A_1018 {strides = array<i32>} : memref<320xf32, #tpu.memory_space<vmem>>, vector<16xf32>,
      %get3A_1021 = arith.constant 272 : index
      %get3A_1022 = tpu.vector_load %arg10[%get3A_1021] {strides = array<i32>} : memref<2560xf32, #tpu.memory_space<vmem>>, vector<16xf32>,
      %get3A_1023 = arith.constant 1552 : index
      %get3A_1024 = tpu.vector_load %arg10[%get3A_1023] {strides = array<i32>} : memref<2560xf32, #tpu.memory_space<vmem>>, vector<16xf32>,
      %max3A_1025 = arith.maximumf %get3A_1022, %get3A_1024 : vector<16xf32>
      %get3A_1026 = arith.constant 592 : index
      %get3A_1027 = tpu.vector_load %arg10[%get3A_1026] {strides = array<i32>} : memref<2560xf32, #tpu.memory_space<vmem>>, vector<16xf32>,
      %get3A_1028 = arith.constant 1872 : index
      %get3A_1029 = tpu.vector_load %arg10[%get3A_1028] {strides = array<i32>} : memref<2560xf32, #tpu.memory_space<vmem>>, vector<16xf32>,
      %max3A_1030 = arith.maximumf %get3A_1027, %get3A_1029 : vector<16xf32>
      %get3A_1031 = arith.constant 912 : index
      %get3A_1032 = tpu.vector_load %arg10[%get3A_1031] {strides = array<i32>} : memref<2560xf32, #tpu.memory_space<vmem>>, vector<16xf32>,
      %get3A_1033 = arith.constant 2192 : index
      %get3A_1034 = tpu.vector_load %arg10[%get3A_1033] {strides = array<i32>} : memref<2560xf32, #tpu.memory_space<vmem>>, vector<16xf32>,
      %max3A_1035 = arith.maximumf %get3A_1032, %get3A_1034 : vector<16xf32>
      %get3A_1036 = arith.constant 1232 : index
      %get3A_1037 = tpu.vector_load %arg10[%get3A_1036] {strides = array<i32>} : memref<2560xf32, #tpu.memory_space<vmem>>, vector<16xf32>,
      %get3A_1038 = arith.constant 2512 : index
      %get3A_1039 = tpu.vector_load %arg10[%get3A_1038] {strides = array<i32>} : memref<2560xf32, #tpu.memory_space<vmem>>, vector<16xf32>,
      %max3A_1040 = arith.maximumf %get3A_1037, %get3A_1039 : vector<16xf32>
      %broadcast_in_dim3A_1041 = arith.constant 0.000000e+00 : f32
      %broadcast_in_dim3A_1042 = vector.broadcast %broadcast_in_dim3A_1041 : f32 to vector<16xf32>
      %gt3A_1043 = arith.cmpf ogt, %max3A_1030, %max3A_1025 : vector<16xf32>
      %jit3A_1044 = arith.constant 1.000000e+00 : f32
      %broadcast_in_dim3A_1045 = vector.broadcast %jit3A_1044 : f32 to vector<16xf32>
      %select_n3A_1046 = arith.select %gt3A_1043, %broadcast_in_dim3A_1045, %broadcast_in_dim3A_1042 : vector<16xi1>, vector<16xf32>
      %max3A_1047 = arith.maximumf %max3A_1025, %max3A_1030 : vector<16xf32>
      %gt3A_1048 = arith.cmpf ogt, %max3A_1035, %max3A_1047 : vector<16xf32>
      %jit3A_1049 = arith.constant 2.000000e+00 : f32
      %broadcast_in_dim3A_1050 = vector.broadcast %jit3A_1049 : f32 to vector<16xf32>
      %select_n3A_1051 = arith.select %gt3A_1048, %broadcast_in_dim3A_1050, %select_n3A_1046 : vector<16xi1>, vector<16xf32>
      %max3A_1052 = arith.maximumf %max3A_1047, %max3A_1035 : vector<16xf32>
      %gt3A_1053 = arith.cmpf ogt, %max3A_1040, %max3A_1052 : vector<16xf32>
      %jit3A_1054 = arith.constant 3.000000e+00 : f32
      %broadcast_in_dim3A_1055 = vector.broadcast %jit3A_1054 : f32 to vector<16xf32>
      %select_n3A_1056 = arith.select %gt3A_1053, %broadcast_in_dim3A_1055, %select_n3A_1051 : vector<16xi1>, vector<16xf32>
      %max3A_1057 = arith.maximumf %max3A_1052, %max3A_1040 : vector<16xf32>
      %gt3A_1058 = arith.constant 5.000000e-02 : f32
      %gt3A_1059 = vector.broadcast %gt3A_1058 : f32 to vector<16xf32>
      %gt3A_1060 = arith.cmpf ogt, %max3A_1057, %gt3A_1059 : vector<16xf32>
      %jit3A_1061 = arith.constant 0xFF800000 : f32
      %broadcast_in_dim3A_1062 = vector.broadcast %jit3A_1061 : f32 to vector<16xf32>
      %select_n3A_1063 = arith.select %gt3A_1060, %max3A_1057, %broadcast_in_dim3A_1062 : vector<16xi1>, vector<16xf32>
      %swap3A_1064 = arith.constant 272 : index
      %swap3A_1065 = tpu.vector_load %arg12[%swap3A_1064] {strides = array<i32>} : memref<320xf32, #tpu.memory_space<vmem>>, vector<16xf32>,
      tpu.vector_store %arg12[%swap3A_1064], %select_n3A_1063 {strides = array<i32>} : memref<320xf32, #tpu.memory_space<vmem>>, vector<16xf32>,
      %swap3A_1066 = arith.constant 272 : index
      %swap3A_1067 = tpu.vector_load %arg13[%swap3A_1066] {strides = array<i32>} : memref<320xf32, #tpu.memory_space<vmem>>, vector<16xf32>,
      tpu.vector_store %arg13[%swap3A_1066], %select_n3A_1056 {strides = array<i32>} : memref<320xf32, #tpu.memory_space<vmem>>, vector<16xf32>,
      %get3A_1068 = arith.constant 272 : index
      %get3A_1069 = tpu.vector_load %arg9[%get3A_1068] {strides = array<i32>} : memref<1280xf32, #tpu.memory_space<vmem>>, vector<16xf32>,
      %get3A_1070 = arith.constant 592 : index
      %get3A_1071 = tpu.vector_load %arg9[%get3A_1070] {strides = array<i32>} : memref<1280xf32, #tpu.memory_space<vmem>>, vector<16xf32>,
      %get3A_1072 = arith.constant 912 : index
      %get3A_1073 = tpu.vector_load %arg9[%get3A_1072] {strides = array<i32>} : memref<1280xf32, #tpu.memory_space<vmem>>, vector<16xf32>,
      %get3A_1074 = arith.constant 1232 : index
      %get3A_1075 = tpu.vector_load %arg9[%get3A_1074] {strides = array<i32>} : memref<1280xf32, #tpu.memory_space<vmem>>, vector<16xf32>,
      %sub3A_1076 = arith.subf %get3A_1073, %get3A_1069 : vector<16xf32>
      %sub3A_1077 = arith.subf %get3A_1075, %get3A_1071 : vector<16xf32>
      %mul3A_1078 = arith.mulf %sub3A_1076, %sub3A_1077 : vector<16xf32>
      %swap3A_1079 = arith.constant 272 : index
      %swap3A_1080 = tpu.vector_load %arg11[%swap3A_1079] {strides = array<i32>} : memref<320xf32, #tpu.memory_space<vmem>>, vector<16xf32>,
      tpu.vector_store %arg11[%swap3A_1079], %mul3A_1078 {strides = array<i32>} : memref<320xf32, #tpu.memory_space<vmem>>, vector<16xf32>,
      %get3A_1081 = arith.constant 288 : index
      %get3A_1082 = tpu.vector_load %arg10[%get3A_1081] {strides = array<i32>} : memref<2560xf32, #tpu.memory_space<vmem>>, vector<16xf32>,
      %get3A_1083 = arith.constant 1568 : index
      %get3A_1084 = tpu.vector_load %arg10[%get3A_1083] {strides = array<i32>} : memref<2560xf32, #tpu.memory_space<vmem>>, vector<16xf32>,
      %max3A_1085 = arith.maximumf %get3A_1082, %get3A_1084 : vector<16xf32>
      %get3A_1086 = arith.constant 608 : index
      %get3A_1087 = tpu.vector_load %arg10[%get3A_1086] {strides = array<i32>} : memref<2560xf32, #tpu.memory_space<vmem>>, vector<16xf32>,
      %get3A_1088 = arith.constant 1888 : index
      %get3A_1089 = tpu.vector_load %arg10[%get3A_1088] {strides = array<i32>} : memref<2560xf32, #tpu.memory_space<vmem>>, vector<16xf32>,
      %max3A_1090 = arith.maximumf %get3A_1087, %get3A_1089 : vector<16xf32>
      %get3A_1091 = arith.constant 928 : index
      %get3A_1092 = tpu.vector_load %arg10[%get3A_1091] {strides = array<i32>} : memref<2560xf32, #tpu.memory_space<vmem>>, vector<16xf32>,
      %get3A_1093 = arith.constant 2208 : index
      %get3A_1094 = tpu.vector_load %arg10[%get3A_1093] {strides = array<i32>} : memref<2560xf32, #tpu.memory_space<vmem>>, vector<16xf32>,
      %max3A_1095 = arith.maximumf %get3A_1092, %get3A_1094 : vector<16xf32>
      %get3A_1096 = arith.constant 1248 : index
      %get3A_1097 = tpu.vector_load %arg10[%get3A_1096] {strides = array<i32>} : memref<2560xf32, #tpu.memory_space<vmem>>, vector<16xf32>,
      %get3A_1098 = arith.constant 2528 : index
      %get3A_1099 = tpu.vector_load %arg10[%get3A_1098] {strides = array<i32>} : memref<2560xf32, #tpu.memory_space<vmem>>, vector<16xf32>,
      %max3A_1100 = arith.maximumf %get3A_1097, %get3A_1099 : vector<16xf32>
      %broadcast_in_dim3A_1101 = arith.constant 0.000000e+00 : f32
      %broadcast_in_dim3A_1102 = vector.broadcast %broadcast_in_dim3A_1101 : f32 to vector<16xf32>
      %gt3A_1103 = arith.cmpf ogt, %max3A_1090, %max3A_1085 : vector<16xf32>
      %jit3A_1104 = arith.constant 1.000000e+00 : f32
      %broadcast_in_dim3A_1105 = vector.broadcast %jit3A_1104 : f32 to vector<16xf32>
      %select_n3A_1106 = arith.select %gt3A_1103, %broadcast_in_dim3A_1105, %broadcast_in_dim3A_1102 : vector<16xi1>, vector<16xf32>
      %max3A_1107 = arith.maximumf %max3A_1085, %max3A_1090 : vector<16xf32>
      %gt3A_1108 = arith.cmpf ogt, %max3A_1095, %max3A_1107 : vector<16xf32>
      %jit3A_1109 = arith.constant 2.000000e+00 : f32
      %broadcast_in_dim3A_1110 = vector.broadcast %jit3A_1109 : f32 to vector<16xf32>
      %select_n3A_1111 = arith.select %gt3A_1108, %broadcast_in_dim3A_1110, %select_n3A_1106 : vector<16xi1>, vector<16xf32>
      %max3A_1112 = arith.maximumf %max3A_1107, %max3A_1095 : vector<16xf32>
      %gt3A_1113 = arith.cmpf ogt, %max3A_1100, %max3A_1112 : vector<16xf32>
      %jit3A_1114 = arith.constant 3.000000e+00 : f32
      %broadcast_in_dim3A_1115 = vector.broadcast %jit3A_1114 : f32 to vector<16xf32>
      %select_n3A_1116 = arith.select %gt3A_1113, %broadcast_in_dim3A_1115, %select_n3A_1111 : vector<16xi1>, vector<16xf32>
      %max3A_1117 = arith.maximumf %max3A_1112, %max3A_1100 : vector<16xf32>
      %gt3A_1118 = arith.constant 5.000000e-02 : f32
      %gt3A_1119 = vector.broadcast %gt3A_1118 : f32 to vector<16xf32>
      %gt3A_1120 = arith.cmpf ogt, %max3A_1117, %gt3A_1119 : vector<16xf32>
      %jit3A_1121 = arith.constant 0xFF800000 : f32
      %broadcast_in_dim3A_1122 = vector.broadcast %jit3A_1121 : f32 to vector<16xf32>
      %select_n3A_1123 = arith.select %gt3A_1120, %max3A_1117, %broadcast_in_dim3A_1122 : vector<16xi1>, vector<16xf32>
      %swap3A_1124 = arith.constant 288 : index
      %swap3A_1125 = tpu.vector_load %arg12[%swap3A_1124] {strides = array<i32>} : memref<320xf32, #tpu.memory_space<vmem>>, vector<16xf32>,
      tpu.vector_store %arg12[%swap3A_1124], %select_n3A_1123 {strides = array<i32>} : memref<320xf32, #tpu.memory_space<vmem>>, vector<16xf32>,
      %swap3A_1126 = arith.constant 288 : index
      %swap3A_1127 = tpu.vector_load %arg13[%swap3A_1126] {strides = array<i32>} : memref<320xf32, #tpu.memory_space<vmem>>, vector<16xf32>,
      tpu.vector_store %arg13[%swap3A_1126], %select_n3A_1116 {strides = array<i32>} : memref<320xf32, #tpu.memory_space<vmem>>, vector<16xf32>,
      %get3A_1128 = arith.constant 288 : index
      %get3A_1129 = tpu.vector_load %arg9[%get3A_1128] {strides = array<i32>} : memref<1280xf32, #tpu.memory_space<vmem>>, vector<16xf32>,
      %get3A_1130 = arith.constant 608 : index
      %get3A_1131 = tpu.vector_load %arg9[%get3A_1130] {strides = array<i32>} : memref<1280xf32, #tpu.memory_space<vmem>>, vector<16xf32>,
      %get3A_1132 = arith.constant 928 : index
      %get3A_1133 = tpu.vector_load %arg9[%get3A_1132] {strides = array<i32>} : memref<1280xf32, #tpu.memory_space<vmem>>, vector<16xf32>,
      %get3A_1134 = arith.constant 1248 : index
      %get3A_1135 = tpu.vector_load %arg9[%get3A_1134] {strides = array<i32>} : memref<1280xf32, #tpu.memory_space<vmem>>, vector<16xf32>,
      %sub3A_1136 = arith.subf %get3A_1133, %get3A_1129 : vector<16xf32>
      %sub3A_1137 = arith.subf %get3A_1135, %get3A_1131 : vector<16xf32>
      %mul3A_1138 = arith.mulf %sub3A_1136, %sub3A_1137 : vector<16xf32>
      %swap3A_1139 = arith.constant 288 : index
      %swap3A_1140 = tpu.vector_load %arg11[%swap3A_1139] {strides = array<i32>} : memref<320xf32, #tpu.memory_space<vmem>>, vector<16xf32>,
      tpu.vector_store %arg11[%swap3A_1139], %mul3A_1138 {strides = array<i32>} : memref<320xf32, #tpu.memory_space<vmem>>, vector<16xf32>,
      %get3A_1141 = arith.constant 304 : index
      %get3A_1142 = tpu.vector_load %arg10[%get3A_1141] {strides = array<i32>} : memref<2560xf32, #tpu.memory_space<vmem>>, vector<16xf32>,
      %get3A_1143 = arith.constant 1584 : index
      %get3A_1144 = tpu.vector_load %arg10[%get3A_1143] {strides = array<i32>} : memref<2560xf32, #tpu.memory_space<vmem>>, vector<16xf32>,
      %max3A_1145 = arith.maximumf %get3A_1142, %get3A_1144 : vector<16xf32>
      %get3A_1146 = arith.constant 624 : index
      %get3A_1147 = tpu.vector_load %arg10[%get3A_1146] {strides = array<i32>} : memref<2560xf32, #tpu.memory_space<vmem>>, vector<16xf32>,
      %get3A_1148 = arith.constant 1904 : index
      %get3A_1149 = tpu.vector_load %arg10[%get3A_1148] {strides = array<i32>} : memref<2560xf32, #tpu.memory_space<vmem>>, vector<16xf32>,
      %max3A_1150 = arith.maximumf %get3A_1147, %get3A_1149 : vector<16xf32>
      %get3A_1151 = arith.constant 944 : index
      %get3A_1152 = tpu.vector_load %arg10[%get3A_1151] {strides = array<i32>} : memref<2560xf32, #tpu.memory_space<vmem>>, vector<16xf32>,
      %get3A_1153 = arith.constant 2224 : index
      %get3A_1154 = tpu.vector_load %arg10[%get3A_1153] {strides = array<i32>} : memref<2560xf32, #tpu.memory_space<vmem>>, vector<16xf32>,
      %max3A_1155 = arith.maximumf %get3A_1152, %get3A_1154 : vector<16xf32>
      %get3A_1156 = arith.constant 1264 : index
      %get3A_1157 = tpu.vector_load %arg10[%get3A_1156] {strides = array<i32>} : memref<2560xf32, #tpu.memory_space<vmem>>, vector<16xf32>,
      %get3A_1158 = arith.constant 2544 : index
      %get3A_1159 = tpu.vector_load %arg10[%get3A_1158] {strides = array<i32>} : memref<2560xf32, #tpu.memory_space<vmem>>, vector<16xf32>,
      %max3A_1160 = arith.maximumf %get3A_1157, %get3A_1159 : vector<16xf32>
      %broadcast_in_dim3A_1161 = arith.constant 0.000000e+00 : f32
      %broadcast_in_dim3A_1162 = vector.broadcast %broadcast_in_dim3A_1161 : f32 to vector<16xf32>
      %gt3A_1163 = arith.cmpf ogt, %max3A_1150, %max3A_1145 : vector<16xf32>
      %jit3A_1164 = arith.constant 1.000000e+00 : f32
      %broadcast_in_dim3A_1165 = vector.broadcast %jit3A_1164 : f32 to vector<16xf32>
      %select_n3A_1166 = arith.select %gt3A_1163, %broadcast_in_dim3A_1165, %broadcast_in_dim3A_1162 : vector<16xi1>, vector<16xf32>
      %max3A_1167 = arith.maximumf %max3A_1145, %max3A_1150 : vector<16xf32>
      %gt3A_1168 = arith.cmpf ogt, %max3A_1155, %max3A_1167 : vector<16xf32>
      %jit3A_1169 = arith.constant 2.000000e+00 : f32
      %broadcast_in_dim3A_1170 = vector.broadcast %jit3A_1169 : f32 to vector<16xf32>
      %select_n3A_1171 = arith.select %gt3A_1168, %broadcast_in_dim3A_1170, %select_n3A_1166 : vector<16xi1>, vector<16xf32>
      %max3A_1172 = arith.maximumf %max3A_1167, %max3A_1155 : vector<16xf32>
      %gt3A_1173 = arith.cmpf ogt, %max3A_1160, %max3A_1172 : vector<16xf32>
      %jit3A_1174 = arith.constant 3.000000e+00 : f32
      %broadcast_in_dim3A_1175 = vector.broadcast %jit3A_1174 : f32 to vector<16xf32>
      %select_n3A_1176 = arith.select %gt3A_1173, %broadcast_in_dim3A_1175, %select_n3A_1171 : vector<16xi1>, vector<16xf32>
      %max3A_1177 = arith.maximumf %max3A_1172, %max3A_1160 : vector<16xf32>
      %gt3A_1178 = arith.constant 5.000000e-02 : f32
      %gt3A_1179 = vector.broadcast %gt3A_1178 : f32 to vector<16xf32>
      %gt3A_1180 = arith.cmpf ogt, %max3A_1177, %gt3A_1179 : vector<16xf32>
      %jit3A_1181 = arith.constant 0xFF800000 : f32
      %broadcast_in_dim3A_1182 = vector.broadcast %jit3A_1181 : f32 to vector<16xf32>
      %select_n3A_1183 = arith.select %gt3A_1180, %max3A_1177, %broadcast_in_dim3A_1182 : vector<16xi1>, vector<16xf32>
      %swap3A_1184 = arith.constant 304 : index
      %swap3A_1185 = tpu.vector_load %arg12[%swap3A_1184] {strides = array<i32>} : memref<320xf32, #tpu.memory_space<vmem>>, vector<16xf32>,
      tpu.vector_store %arg12[%swap3A_1184], %select_n3A_1183 {strides = array<i32>} : memref<320xf32, #tpu.memory_space<vmem>>, vector<16xf32>,
      %swap3A_1186 = arith.constant 304 : index
      %swap3A_1187 = tpu.vector_load %arg13[%swap3A_1186] {strides = array<i32>} : memref<320xf32, #tpu.memory_space<vmem>>, vector<16xf32>,
      tpu.vector_store %arg13[%swap3A_1186], %select_n3A_1176 {strides = array<i32>} : memref<320xf32, #tpu.memory_space<vmem>>, vector<16xf32>,
      %get3A_1188 = arith.constant 304 : index
      %get3A_1189 = tpu.vector_load %arg9[%get3A_1188] {strides = array<i32>} : memref<1280xf32, #tpu.memory_space<vmem>>, vector<16xf32>,
      %get3A_1190 = arith.constant 624 : index
      %get3A_1191 = tpu.vector_load %arg9[%get3A_1190] {strides = array<i32>} : memref<1280xf32, #tpu.memory_space<vmem>>, vector<16xf32>,
      %get3A_1192 = arith.constant 944 : index
      %get3A_1193 = tpu.vector_load %arg9[%get3A_1192] {strides = array<i32>} : memref<1280xf32, #tpu.memory_space<vmem>>, vector<16xf32>,
      %get3A_1194 = arith.constant 1264 : index
      %get3A_1195 = tpu.vector_load %arg9[%get3A_1194] {strides = array<i32>} : memref<1280xf32, #tpu.memory_space<vmem>>, vector<16xf32>,
      %sub3A_1196 = arith.subf %get3A_1193, %get3A_1189 : vector<16xf32>
      %sub3A_1197 = arith.subf %get3A_1195, %get3A_1191 : vector<16xf32>
      %mul3A_1198 = arith.mulf %sub3A_1196, %sub3A_1197 : vector<16xf32>
      %swap3A_1199 = arith.constant 304 : index
      %swap3A_1200 = tpu.vector_load %arg11[%swap3A_1199] {strides = array<i32>} : memref<320xf32, #tpu.memory_space<vmem>>, vector<16xf32>,
      tpu.vector_store %arg11[%swap3A_1199], %mul3A_1198 {strides = array<i32>} : memref<320xf32, #tpu.memory_space<vmem>>, vector<16xf32>,
      %broadcast_in_dim3A_1201 = arith.constant 0xFF800000 : f32
      %broadcast_in_dim3A_1202 = vector.broadcast %broadcast_in_dim3A_1201 : f32 to vector<16xf32>
      %broadcast_in_dim3A_1203 = arith.constant 1.000000e+09 : f32
      %broadcast_in_dim3A_1204 = vector.broadcast %broadcast_in_dim3A_1203 : f32 to vector<16xf32>
      %get3A_1205 = arith.constant 0 : index
      %get3A_1206 = tpu.vector_load %arg12[%get3A_1205] {strides = array<i32>} : memref<320xf32, #tpu.memory_space<vmem>>, vector<16xf32>,
      %add3A = arith.constant 0 : i32
      %add3A_1207 = arith.addi %mul3A_2, %add3A : i32
      %convert_element_type3A_1208 = arith.sitofp %add3A_1207 : i32 to f32
      %add3A_1209 = vector.broadcast %convert_element_type3A_1208 : f32 to vector<16xf32>
      %add3A_1210 = arith.addf %add3A_1209, %convert_element_type3A_4 : vector<16xf32>
      %gt3A_1211 = arith.cmpf ogt, %get3A_1206, %broadcast_in_dim3A_1202 : vector<16xf32>
      %select_n3A_1212 = arith.select %gt3A_1211, %add3A_1210, %broadcast_in_dim3A_1204 : vector<16xi1>, vector<16xf32>
      %max3A_1213 = arith.maximumf %broadcast_in_dim3A_1202, %get3A_1206 : vector<16xf32>
      %get3A_1214 = arith.constant 16 : index
      %get3A_1215 = tpu.vector_load %arg12[%get3A_1214] {strides = array<i32>} : memref<320xf32, #tpu.memory_space<vmem>>, vector<16xf32>,
      %add3A_1216 = arith.constant 16 : i32
      %add3A_1217 = arith.addi %mul3A_2, %add3A_1216 : i32
      %convert_element_type3A_1218 = arith.sitofp %add3A_1217 : i32 to f32
      %add3A_1219 = vector.broadcast %convert_element_type3A_1218 : f32 to vector<16xf32>
      %add3A_1220 = arith.addf %add3A_1219, %convert_element_type3A_4 : vector<16xf32>
      %gt3A_1221 = arith.cmpf ogt, %get3A_1215, %max3A_1213 : vector<16xf32>
      %select_n3A_1222 = arith.select %gt3A_1221, %add3A_1220, %select_n3A_1212 : vector<16xi1>, vector<16xf32>
      %max3A_1223 = arith.maximumf %max3A_1213, %get3A_1215 : vector<16xf32>
      %get3A_1224 = arith.constant 32 : index
      %get3A_1225 = tpu.vector_load %arg12[%get3A_1224] {strides = array<i32>} : memref<320xf32, #tpu.memory_space<vmem>>, vector<16xf32>,
      %add3A_1226 = arith.constant 32 : i32
      %add3A_1227 = arith.addi %mul3A_2, %add3A_1226 : i32
      %convert_element_type3A_1228 = arith.sitofp %add3A_1227 : i32 to f32
      %add3A_1229 = vector.broadcast %convert_element_type3A_1228 : f32 to vector<16xf32>
      %add3A_1230 = arith.addf %add3A_1229, %convert_element_type3A_4 : vector<16xf32>
      %gt3A_1231 = arith.cmpf ogt, %get3A_1225, %max3A_1223 : vector<16xf32>
      %select_n3A_1232 = arith.select %gt3A_1231, %add3A_1230, %select_n3A_1222 : vector<16xi1>, vector<16xf32>
      %max3A_1233 = arith.maximumf %max3A_1223, %get3A_1225 : vector<16xf32>
      %get3A_1234 = arith.constant 48 : index
      %get3A_1235 = tpu.vector_load %arg12[%get3A_1234] {strides = array<i32>} : memref<320xf32, #tpu.memory_space<vmem>>, vector<16xf32>,
      %add3A_1236 = arith.constant 48 : i32
      %add3A_1237 = arith.addi %mul3A_2, %add3A_1236 : i32
      %convert_element_type3A_1238 = arith.sitofp %add3A_1237 : i32 to f32
      %add3A_1239 = vector.broadcast %convert_element_type3A_1238 : f32 to vector<16xf32>
      %add3A_1240 = arith.addf %add3A_1239, %convert_element_type3A_4 : vector<16xf32>
      %gt3A_1241 = arith.cmpf ogt, %get3A_1235, %max3A_1233 : vector<16xf32>
      %select_n3A_1242 = arith.select %gt3A_1241, %add3A_1240, %select_n3A_1232 : vector<16xi1>, vector<16xf32>
      %max3A_1243 = arith.maximumf %max3A_1233, %get3A_1235 : vector<16xf32>
      %get3A_1244 = arith.constant 64 : index
      %get3A_1245 = tpu.vector_load %arg12[%get3A_1244] {strides = array<i32>} : memref<320xf32, #tpu.memory_space<vmem>>, vector<16xf32>,
      %add3A_1246 = arith.constant 64 : i32
      %add3A_1247 = arith.addi %mul3A_2, %add3A_1246 : i32
      %convert_element_type3A_1248 = arith.sitofp %add3A_1247 : i32 to f32
      %add3A_1249 = vector.broadcast %convert_element_type3A_1248 : f32 to vector<16xf32>
      %add3A_1250 = arith.addf %add3A_1249, %convert_element_type3A_4 : vector<16xf32>
      %gt3A_1251 = arith.cmpf ogt, %get3A_1245, %max3A_1243 : vector<16xf32>
      %select_n3A_1252 = arith.select %gt3A_1251, %add3A_1250, %select_n3A_1242 : vector<16xi1>, vector<16xf32>
      %max3A_1253 = arith.maximumf %max3A_1243, %get3A_1245 : vector<16xf32>
      %get3A_1254 = arith.constant 80 : index
      %get3A_1255 = tpu.vector_load %arg12[%get3A_1254] {strides = array<i32>} : memref<320xf32, #tpu.memory_space<vmem>>, vector<16xf32>,
      %add3A_1256 = arith.constant 80 : i32
      %add3A_1257 = arith.addi %mul3A_2, %add3A_1256 : i32
      %convert_element_type3A_1258 = arith.sitofp %add3A_1257 : i32 to f32
      %add3A_1259 = vector.broadcast %convert_element_type3A_1258 : f32 to vector<16xf32>
      %add3A_1260 = arith.addf %add3A_1259, %convert_element_type3A_4 : vector<16xf32>
      %gt3A_1261 = arith.cmpf ogt, %get3A_1255, %max3A_1253 : vector<16xf32>
      %select_n3A_1262 = arith.select %gt3A_1261, %add3A_1260, %select_n3A_1252 : vector<16xi1>, vector<16xf32>
      %max3A_1263 = arith.maximumf %max3A_1253, %get3A_1255 : vector<16xf32>
      %get3A_1264 = arith.constant 96 : index
      %get3A_1265 = tpu.vector_load %arg12[%get3A_1264] {strides = array<i32>} : memref<320xf32, #tpu.memory_space<vmem>>, vector<16xf32>,
      %add3A_1266 = arith.constant 96 : i32
      %add3A_1267 = arith.addi %mul3A_2, %add3A_1266 : i32
      %convert_element_type3A_1268 = arith.sitofp %add3A_1267 : i32 to f32
      %add3A_1269 = vector.broadcast %convert_element_type3A_1268 : f32 to vector<16xf32>
      %add3A_1270 = arith.addf %add3A_1269, %convert_element_type3A_4 : vector<16xf32>
      %gt3A_1271 = arith.cmpf ogt, %get3A_1265, %max3A_1263 : vector<16xf32>
      %select_n3A_1272 = arith.select %gt3A_1271, %add3A_1270, %select_n3A_1262 : vector<16xi1>, vector<16xf32>
      %max3A_1273 = arith.maximumf %max3A_1263, %get3A_1265 : vector<16xf32>
      %get3A_1274 = arith.constant 112 : index
      %get3A_1275 = tpu.vector_load %arg12[%get3A_1274] {strides = array<i32>} : memref<320xf32, #tpu.memory_space<vmem>>, vector<16xf32>,
      %add3A_1276 = arith.constant 112 : i32
      %add3A_1277 = arith.addi %mul3A_2, %add3A_1276 : i32
      %convert_element_type3A_1278 = arith.sitofp %add3A_1277 : i32 to f32
      %add3A_1279 = vector.broadcast %convert_element_type3A_1278 : f32 to vector<16xf32>
      %add3A_1280 = arith.addf %add3A_1279, %convert_element_type3A_4 : vector<16xf32>
      %gt3A_1281 = arith.cmpf ogt, %get3A_1275, %max3A_1273 : vector<16xf32>
      %select_n3A_1282 = arith.select %gt3A_1281, %add3A_1280, %select_n3A_1272 : vector<16xi1>, vector<16xf32>
      %max3A_1283 = arith.maximumf %max3A_1273, %get3A_1275 : vector<16xf32>
      %get3A_1284 = arith.constant 128 : index
      %get3A_1285 = tpu.vector_load %arg12[%get3A_1284] {strides = array<i32>} : memref<320xf32, #tpu.memory_space<vmem>>, vector<16xf32>,
      %add3A_1286 = arith.constant 128 : i32
      %add3A_1287 = arith.addi %mul3A_2, %add3A_1286 : i32
      %convert_element_type3A_1288 = arith.sitofp %add3A_1287 : i32 to f32
      %add3A_1289 = vector.broadcast %convert_element_type3A_1288 : f32 to vector<16xf32>
      %add3A_1290 = arith.addf %add3A_1289, %convert_element_type3A_4 : vector<16xf32>
      %gt3A_1291 = arith.cmpf ogt, %get3A_1285, %max3A_1283 : vector<16xf32>
      %select_n3A_1292 = arith.select %gt3A_1291, %add3A_1290, %select_n3A_1282 : vector<16xi1>, vector<16xf32>
      %max3A_1293 = arith.maximumf %max3A_1283, %get3A_1285 : vector<16xf32>
      %get3A_1294 = arith.constant 144 : index
      %get3A_1295 = tpu.vector_load %arg12[%get3A_1294] {strides = array<i32>} : memref<320xf32, #tpu.memory_space<vmem>>, vector<16xf32>,
      %add3A_1296 = arith.constant 144 : i32
      %add3A_1297 = arith.addi %mul3A_2, %add3A_1296 : i32
      %convert_element_type3A_1298 = arith.sitofp %add3A_1297 : i32 to f32
      %add3A_1299 = vector.broadcast %convert_element_type3A_1298 : f32 to vector<16xf32>
      %add3A_1300 = arith.addf %add3A_1299, %convert_element_type3A_4 : vector<16xf32>
      %gt3A_1301 = arith.cmpf ogt, %get3A_1295, %max3A_1293 : vector<16xf32>
      %select_n3A_1302 = arith.select %gt3A_1301, %add3A_1300, %select_n3A_1292 : vector<16xi1>, vector<16xf32>
      %max3A_1303 = arith.maximumf %max3A_1293, %get3A_1295 : vector<16xf32>
      %get3A_1304 = arith.constant 160 : index
      %get3A_1305 = tpu.vector_load %arg12[%get3A_1304] {strides = array<i32>} : memref<320xf32, #tpu.memory_space<vmem>>, vector<16xf32>,
      %add3A_1306 = arith.constant 160 : i32
      %add3A_1307 = arith.addi %mul3A_2, %add3A_1306 : i32
      %convert_element_type3A_1308 = arith.sitofp %add3A_1307 : i32 to f32
      %add3A_1309 = vector.broadcast %convert_element_type3A_1308 : f32 to vector<16xf32>
      %add3A_1310 = arith.addf %add3A_1309, %convert_element_type3A_4 : vector<16xf32>
      %gt3A_1311 = arith.cmpf ogt, %get3A_1305, %max3A_1303 : vector<16xf32>
      %select_n3A_1312 = arith.select %gt3A_1311, %add3A_1310, %select_n3A_1302 : vector<16xi1>, vector<16xf32>
      %max3A_1313 = arith.maximumf %max3A_1303, %get3A_1305 : vector<16xf32>
      %get3A_1314 = arith.constant 176 : index
      %get3A_1315 = tpu.vector_load %arg12[%get3A_1314] {strides = array<i32>} : memref<320xf32, #tpu.memory_space<vmem>>, vector<16xf32>,
      %add3A_1316 = arith.constant 176 : i32
      %add3A_1317 = arith.addi %mul3A_2, %add3A_1316 : i32
      %convert_element_type3A_1318 = arith.sitofp %add3A_1317 : i32 to f32
      %add3A_1319 = vector.broadcast %convert_element_type3A_1318 : f32 to vector<16xf32>
      %add3A_1320 = arith.addf %add3A_1319, %convert_element_type3A_4 : vector<16xf32>
      %gt3A_1321 = arith.cmpf ogt, %get3A_1315, %max3A_1313 : vector<16xf32>
      %select_n3A_1322 = arith.select %gt3A_1321, %add3A_1320, %select_n3A_1312 : vector<16xi1>, vector<16xf32>
      %max3A_1323 = arith.maximumf %max3A_1313, %get3A_1315 : vector<16xf32>
      %get3A_1324 = arith.constant 192 : index
      %get3A_1325 = tpu.vector_load %arg12[%get3A_1324] {strides = array<i32>} : memref<320xf32, #tpu.memory_space<vmem>>, vector<16xf32>,
      %add3A_1326 = arith.constant 192 : i32
      %add3A_1327 = arith.addi %mul3A_2, %add3A_1326 : i32
      %convert_element_type3A_1328 = arith.sitofp %add3A_1327 : i32 to f32
      %add3A_1329 = vector.broadcast %convert_element_type3A_1328 : f32 to vector<16xf32>
      %add3A_1330 = arith.addf %add3A_1329, %convert_element_type3A_4 : vector<16xf32>
      %gt3A_1331 = arith.cmpf ogt, %get3A_1325, %max3A_1323 : vector<16xf32>
      %select_n3A_1332 = arith.select %gt3A_1331, %add3A_1330, %select_n3A_1322 : vector<16xi1>, vector<16xf32>
      %max3A_1333 = arith.maximumf %max3A_1323, %get3A_1325 : vector<16xf32>
      %get3A_1334 = arith.constant 208 : index
      %get3A_1335 = tpu.vector_load %arg12[%get3A_1334] {strides = array<i32>} : memref<320xf32, #tpu.memory_space<vmem>>, vector<16xf32>,
      %add3A_1336 = arith.constant 208 : i32
      %add3A_1337 = arith.addi %mul3A_2, %add3A_1336 : i32
      %convert_element_type3A_1338 = arith.sitofp %add3A_1337 : i32 to f32
      %add3A_1339 = vector.broadcast %convert_element_type3A_1338 : f32 to vector<16xf32>
      %add3A_1340 = arith.addf %add3A_1339, %convert_element_type3A_4 : vector<16xf32>
      %gt3A_1341 = arith.cmpf ogt, %get3A_1335, %max3A_1333 : vector<16xf32>
      %select_n3A_1342 = arith.select %gt3A_1341, %add3A_1340, %select_n3A_1332 : vector<16xi1>, vector<16xf32>
      %max3A_1343 = arith.maximumf %max3A_1333, %get3A_1335 : vector<16xf32>
      %get3A_1344 = arith.constant 224 : index
      %get3A_1345 = tpu.vector_load %arg12[%get3A_1344] {strides = array<i32>} : memref<320xf32, #tpu.memory_space<vmem>>, vector<16xf32>,
      %add3A_1346 = arith.constant 224 : i32
      %add3A_1347 = arith.addi %mul3A_2, %add3A_1346 : i32
      %convert_element_type3A_1348 = arith.sitofp %add3A_1347 : i32 to f32
      %add3A_1349 = vector.broadcast %convert_element_type3A_1348 : f32 to vector<16xf32>
      %add3A_1350 = arith.addf %add3A_1349, %convert_element_type3A_4 : vector<16xf32>
      %gt3A_1351 = arith.cmpf ogt, %get3A_1345, %max3A_1343 : vector<16xf32>
      %select_n3A_1352 = arith.select %gt3A_1351, %add3A_1350, %select_n3A_1342 : vector<16xi1>, vector<16xf32>
      %max3A_1353 = arith.maximumf %max3A_1343, %get3A_1345 : vector<16xf32>
      %get3A_1354 = arith.constant 240 : index
      %get3A_1355 = tpu.vector_load %arg12[%get3A_1354] {strides = array<i32>} : memref<320xf32, #tpu.memory_space<vmem>>, vector<16xf32>,
      %add3A_1356 = arith.constant 240 : i32
      %add3A_1357 = arith.addi %mul3A_2, %add3A_1356 : i32
      %convert_element_type3A_1358 = arith.sitofp %add3A_1357 : i32 to f32
      %add3A_1359 = vector.broadcast %convert_element_type3A_1358 : f32 to vector<16xf32>
      %add3A_1360 = arith.addf %add3A_1359, %convert_element_type3A_4 : vector<16xf32>
      %gt3A_1361 = arith.cmpf ogt, %get3A_1355, %max3A_1353 : vector<16xf32>
      %select_n3A_1362 = arith.select %gt3A_1361, %add3A_1360, %select_n3A_1352 : vector<16xi1>, vector<16xf32>
      %max3A_1363 = arith.maximumf %max3A_1353, %get3A_1355 : vector<16xf32>
      %get3A_1364 = arith.constant 256 : index
      %get3A_1365 = tpu.vector_load %arg12[%get3A_1364] {strides = array<i32>} : memref<320xf32, #tpu.memory_space<vmem>>, vector<16xf32>,
      %add3A_1366 = arith.constant 256 : i32
      %add3A_1367 = arith.addi %mul3A_2, %add3A_1366 : i32
      %convert_element_type3A_1368 = arith.sitofp %add3A_1367 : i32 to f32
      %add3A_1369 = vector.broadcast %convert_element_type3A_1368 : f32 to vector<16xf32>
      %add3A_1370 = arith.addf %add3A_1369, %convert_element_type3A_4 : vector<16xf32>
      %gt3A_1371 = arith.cmpf ogt, %get3A_1365, %max3A_1363 : vector<16xf32>
      %select_n3A_1372 = arith.select %gt3A_1371, %add3A_1370, %select_n3A_1362 : vector<16xi1>, vector<16xf32>
      %max3A_1373 = arith.maximumf %max3A_1363, %get3A_1365 : vector<16xf32>
      %get3A_1374 = arith.constant 272 : index
      %get3A_1375 = tpu.vector_load %arg12[%get3A_1374] {strides = array<i32>} : memref<320xf32, #tpu.memory_space<vmem>>, vector<16xf32>,
      %add3A_1376 = arith.constant 272 : i32
      %add3A_1377 = arith.addi %mul3A_2, %add3A_1376 : i32
      %convert_element_type3A_1378 = arith.sitofp %add3A_1377 : i32 to f32
      %add3A_1379 = vector.broadcast %convert_element_type3A_1378 : f32 to vector<16xf32>
      %add3A_1380 = arith.addf %add3A_1379, %convert_element_type3A_4 : vector<16xf32>
      %gt3A_1381 = arith.cmpf ogt, %get3A_1375, %max3A_1373 : vector<16xf32>
      %select_n3A_1382 = arith.select %gt3A_1381, %add3A_1380, %select_n3A_1372 : vector<16xi1>, vector<16xf32>
      %max3A_1383 = arith.maximumf %max3A_1373, %get3A_1375 : vector<16xf32>
      %get3A_1384 = arith.constant 288 : index
      %get3A_1385 = tpu.vector_load %arg12[%get3A_1384] {strides = array<i32>} : memref<320xf32, #tpu.memory_space<vmem>>, vector<16xf32>,
      %add3A_1386 = arith.constant 288 : i32
      %add3A_1387 = arith.addi %mul3A_2, %add3A_1386 : i32
      %convert_element_type3A_1388 = arith.sitofp %add3A_1387 : i32 to f32
      %add3A_1389 = vector.broadcast %convert_element_type3A_1388 : f32 to vector<16xf32>
      %add3A_1390 = arith.addf %add3A_1389, %convert_element_type3A_4 : vector<16xf32>
      %gt3A_1391 = arith.cmpf ogt, %get3A_1385, %max3A_1383 : vector<16xf32>
      %select_n3A_1392 = arith.select %gt3A_1391, %add3A_1390, %select_n3A_1382 : vector<16xi1>, vector<16xf32>
      %max3A_1393 = arith.maximumf %max3A_1383, %get3A_1385 : vector<16xf32>
      %get3A_1394 = arith.constant 304 : index
      %get3A_1395 = tpu.vector_load %arg12[%get3A_1394] {strides = array<i32>} : memref<320xf32, #tpu.memory_space<vmem>>, vector<16xf32>,
      %add3A_1396 = arith.constant 304 : i32
      %add3A_1397 = arith.addi %mul3A_2, %add3A_1396 : i32
      %convert_element_type3A_1398 = arith.sitofp %add3A_1397 : i32 to f32
      %add3A_1399 = vector.broadcast %convert_element_type3A_1398 : f32 to vector<16xf32>
      %add3A_1400 = arith.addf %add3A_1399, %convert_element_type3A_4 : vector<16xf32>
      %gt3A_1401 = arith.cmpf ogt, %get3A_1395, %max3A_1393 : vector<16xf32>
      %select_n3A_1402 = arith.select %gt3A_1401, %add3A_1400, %select_n3A_1392 : vector<16xi1>, vector<16xf32>
      %max3A_1403 = arith.maximumf %max3A_1393, %get3A_1395 : vector<16xf32>
      %broadcast_in_dim3A_1404 = arith.constant 0 : i32
      %broadcast_in_dim3A_1405 = vector.broadcast %broadcast_in_dim3A_1404 : i32 to vector<16xi32>
      %scan3A = arith.constant 0 : i32
      %scan3A_1406 = arith.constant 100 : i32
      %scan3A_1407 = arith.addi %scan3A, %scan3A_1406 : i32
      %scan3A_1408 = arith.constant 1 : i32
      %scan3A_1409:3 = scf.for %scan3A_1416 = %scan3A to %scan3A_1407 step %scan3A_1408 iter_args(%scan3A_1417 = %broadcast_in_dim3A_1405, %scan3A_1418 = %max3A_1403, %scan3A_1419 = %select_n3A_1402) -> (vector<16xi32>, vector<16xf32>, vector<16xf32>)  : i32 {
        %xor3A = arith.constant 1 : i32
        %xor3A_1420 = vector.broadcast %xor3A : i32 to vector<16xi32>
        %xor3A_1421 = arith.xori %iota3A, %xor3A_1420 : vector<16xi32>
        %lt3A = arith.constant 0 : i32
        %lt3A_1422 = vector.broadcast %lt3A : i32 to vector<16xi32>
        %lt3A_1423 = arith.cmpi slt, %xor3A_1421, %lt3A_1422 : vector<16xi32>
        %add3A_1424 = arith.constant 16 : i32
        %add3A_1425 = vector.broadcast %add3A_1424 : i32 to vector<16xi32>
        %add3A_1426 = arith.addi %xor3A_1421, %add3A_1425 : vector<16xi32>
        %select_n3A_1427 = arith.select %lt3A_1423, %add3A_1426, %xor3A_1421 : vector<16xi1>, vector<16xi32>
        %broadcast_in_dim3A_1428 = vector.shape_cast %select_n3A_1427 : vector<16xi32> to vector<16x1xi32>
        %gather3A = vector.shape_cast %broadcast_in_dim3A_1428 : vector<16x1xi32> to vector<16xi32>
        %gather3A_1429 = tpu.dynamic_gather %scan3A_1418[%gather3A] in [0] : vector<16xf32>, vector<16xi32> -> vector<16xf32>
        %max3A_1430 = arith.maximumf %scan3A_1418, %gather3A_1429 : vector<16xf32>
        %xor3A_1431 = arith.constant 2 : i32
        %xor3A_1432 = vector.broadcast %xor3A_1431 : i32 to vector<16xi32>
        %xor3A_1433 = arith.xori %iota3A, %xor3A_1432 : vector<16xi32>
        %lt3A_1434 = arith.constant 0 : i32
        %lt3A_1435 = vector.broadcast %lt3A_1434 : i32 to vector<16xi32>
        %lt3A_1436 = arith.cmpi slt, %xor3A_1433, %lt3A_1435 : vector<16xi32>
        %add3A_1437 = arith.constant 16 : i32
        %add3A_1438 = vector.broadcast %add3A_1437 : i32 to vector<16xi32>
        %add3A_1439 = arith.addi %xor3A_1433, %add3A_1438 : vector<16xi32>
        %select_n3A_1440 = arith.select %lt3A_1436, %add3A_1439, %xor3A_1433 : vector<16xi1>, vector<16xi32>
        %broadcast_in_dim3A_1441 = vector.shape_cast %select_n3A_1440 : vector<16xi32> to vector<16x1xi32>
        %gather3A_1442 = vector.shape_cast %broadcast_in_dim3A_1441 : vector<16x1xi32> to vector<16xi32>
        %gather3A_1443 = tpu.dynamic_gather %max3A_1430[%gather3A_1442] in [0] : vector<16xf32>, vector<16xi32> -> vector<16xf32>
        %max3A_1444 = arith.maximumf %max3A_1430, %gather3A_1443 : vector<16xf32>
        %xor3A_1445 = arith.constant 4 : i32
        %xor3A_1446 = vector.broadcast %xor3A_1445 : i32 to vector<16xi32>
        %xor3A_1447 = arith.xori %iota3A, %xor3A_1446 : vector<16xi32>
        %lt3A_1448 = arith.constant 0 : i32
        %lt3A_1449 = vector.broadcast %lt3A_1448 : i32 to vector<16xi32>
        %lt3A_1450 = arith.cmpi slt, %xor3A_1447, %lt3A_1449 : vector<16xi32>
        %add3A_1451 = arith.constant 16 : i32
        %add3A_1452 = vector.broadcast %add3A_1451 : i32 to vector<16xi32>
        %add3A_1453 = arith.addi %xor3A_1447, %add3A_1452 : vector<16xi32>
        %select_n3A_1454 = arith.select %lt3A_1450, %add3A_1453, %xor3A_1447 : vector<16xi1>, vector<16xi32>
        %broadcast_in_dim3A_1455 = vector.shape_cast %select_n3A_1454 : vector<16xi32> to vector<16x1xi32>
        %gather3A_1456 = vector.shape_cast %broadcast_in_dim3A_1455 : vector<16x1xi32> to vector<16xi32>
        %gather3A_1457 = tpu.dynamic_gather %max3A_1444[%gather3A_1456] in [0] : vector<16xf32>, vector<16xi32> -> vector<16xf32>
        %max3A_1458 = arith.maximumf %max3A_1444, %gather3A_1457 : vector<16xf32>
        %xor3A_1459 = arith.constant 8 : i32
        %xor3A_1460 = vector.broadcast %xor3A_1459 : i32 to vector<16xi32>
        %xor3A_1461 = arith.xori %iota3A, %xor3A_1460 : vector<16xi32>
        %lt3A_1462 = arith.constant 0 : i32
        %lt3A_1463 = vector.broadcast %lt3A_1462 : i32 to vector<16xi32>
        %lt3A_1464 = arith.cmpi slt, %xor3A_1461, %lt3A_1463 : vector<16xi32>
        %add3A_1465 = arith.constant 16 : i32
        %add3A_1466 = vector.broadcast %add3A_1465 : i32 to vector<16xi32>
        %add3A_1467 = arith.addi %xor3A_1461, %add3A_1466 : vector<16xi32>
        %select_n3A_1468 = arith.select %lt3A_1464, %add3A_1467, %xor3A_1461 : vector<16xi1>, vector<16xi32>
        %broadcast_in_dim3A_1469 = vector.shape_cast %select_n3A_1468 : vector<16xi32> to vector<16x1xi32>
        %gather3A_1470 = vector.shape_cast %broadcast_in_dim3A_1469 : vector<16x1xi32> to vector<16xi32>
        %gather3A_1471 = tpu.dynamic_gather %max3A_1458[%gather3A_1470] in [0] : vector<16xf32>, vector<16xi32> -> vector<16xf32>
        %max3A_1472 = arith.maximumf %max3A_1458, %gather3A_1471 : vector<16xf32>
        %eq3A_1473 = arith.cmpf oeq, %scan3A_1418, %max3A_1472 : vector<16xf32>
        %jit3A_1474 = arith.constant 1.000000e+09 : f32
        %broadcast_in_dim3A_1475 = vector.broadcast %jit3A_1474 : f32 to vector<16xf32>
        %select_n3A_1476 = arith.select %eq3A_1473, %scan3A_1419, %broadcast_in_dim3A_1475 : vector<16xi1>, vector<16xf32>
        %xor3A_1477 = arith.constant 1 : i32
        %xor3A_1478 = vector.broadcast %xor3A_1477 : i32 to vector<16xi32>
        %xor3A_1479 = arith.xori %iota3A, %xor3A_1478 : vector<16xi32>
        %lt3A_1480 = arith.constant 0 : i32
        %lt3A_1481 = vector.broadcast %lt3A_1480 : i32 to vector<16xi32>
        %lt3A_1482 = arith.cmpi slt, %xor3A_1479, %lt3A_1481 : vector<16xi32>
        %add3A_1483 = arith.constant 16 : i32
        %add3A_1484 = vector.broadcast %add3A_1483 : i32 to vector<16xi32>
        %add3A_1485 = arith.addi %xor3A_1479, %add3A_1484 : vector<16xi32>
        %select_n3A_1486 = arith.select %lt3A_1482, %add3A_1485, %xor3A_1479 : vector<16xi1>, vector<16xi32>
        %broadcast_in_dim3A_1487 = vector.shape_cast %select_n3A_1486 : vector<16xi32> to vector<16x1xi32>
        %gather3A_1488 = vector.shape_cast %broadcast_in_dim3A_1487 : vector<16x1xi32> to vector<16xi32>
        %gather3A_1489 = tpu.dynamic_gather %select_n3A_1476[%gather3A_1488] in [0] : vector<16xf32>, vector<16xi32> -> vector<16xf32>
        %min3A = arith.minimumf %select_n3A_1476, %gather3A_1489 : vector<16xf32>
        %xor3A_1490 = arith.constant 2 : i32
        %xor3A_1491 = vector.broadcast %xor3A_1490 : i32 to vector<16xi32>
        %xor3A_1492 = arith.xori %iota3A, %xor3A_1491 : vector<16xi32>
        %lt3A_1493 = arith.constant 0 : i32
        %lt3A_1494 = vector.broadcast %lt3A_1493 : i32 to vector<16xi32>
        %lt3A_1495 = arith.cmpi slt, %xor3A_1492, %lt3A_1494 : vector<16xi32>
        %add3A_1496 = arith.constant 16 : i32
        %add3A_1497 = vector.broadcast %add3A_1496 : i32 to vector<16xi32>
        %add3A_1498 = arith.addi %xor3A_1492, %add3A_1497 : vector<16xi32>
        %select_n3A_1499 = arith.select %lt3A_1495, %add3A_1498, %xor3A_1492 : vector<16xi1>, vector<16xi32>
        %broadcast_in_dim3A_1500 = vector.shape_cast %select_n3A_1499 : vector<16xi32> to vector<16x1xi32>
        %gather3A_1501 = vector.shape_cast %broadcast_in_dim3A_1500 : vector<16x1xi32> to vector<16xi32>
        %gather3A_1502 = tpu.dynamic_gather %min3A[%gather3A_1501] in [0] : vector<16xf32>, vector<16xi32> -> vector<16xf32>
        %min3A_1503 = arith.minimumf %min3A, %gather3A_1502 : vector<16xf32>
        %xor3A_1504 = arith.constant 4 : i32
        %xor3A_1505 = vector.broadcast %xor3A_1504 : i32 to vector<16xi32>
        %xor3A_1506 = arith.xori %iota3A, %xor3A_1505 : vector<16xi32>
        %lt3A_1507 = arith.constant 0 : i32
        %lt3A_1508 = vector.broadcast %lt3A_1507 : i32 to vector<16xi32>
        %lt3A_1509 = arith.cmpi slt, %xor3A_1506, %lt3A_1508 : vector<16xi32>
        %add3A_1510 = arith.constant 16 : i32
        %add3A_1511 = vector.broadcast %add3A_1510 : i32 to vector<16xi32>
        %add3A_1512 = arith.addi %xor3A_1506, %add3A_1511 : vector<16xi32>
        %select_n3A_1513 = arith.select %lt3A_1509, %add3A_1512, %xor3A_1506 : vector<16xi1>, vector<16xi32>
        %broadcast_in_dim3A_1514 = vector.shape_cast %select_n3A_1513 : vector<16xi32> to vector<16x1xi32>
        %gather3A_1515 = vector.shape_cast %broadcast_in_dim3A_1514 : vector<16x1xi32> to vector<16xi32>
        %gather3A_1516 = tpu.dynamic_gather %min3A_1503[%gather3A_1515] in [0] : vector<16xf32>, vector<16xi32> -> vector<16xf32>
        %min3A_1517 = arith.minimumf %min3A_1503, %gather3A_1516 : vector<16xf32>
        %xor3A_1518 = arith.constant 8 : i32
        %xor3A_1519 = vector.broadcast %xor3A_1518 : i32 to vector<16xi32>
        %xor3A_1520 = arith.xori %iota3A, %xor3A_1519 : vector<16xi32>
        %lt3A_1521 = arith.constant 0 : i32
        %lt3A_1522 = vector.broadcast %lt3A_1521 : i32 to vector<16xi32>
        %lt3A_1523 = arith.cmpi slt, %xor3A_1520, %lt3A_1522 : vector<16xi32>
        %add3A_1524 = arith.constant 16 : i32
        %add3A_1525 = vector.broadcast %add3A_1524 : i32 to vector<16xi32>
        %add3A_1526 = arith.addi %xor3A_1520, %add3A_1525 : vector<16xi32>
        %select_n3A_1527 = arith.select %lt3A_1523, %add3A_1526, %xor3A_1520 : vector<16xi1>, vector<16xi32>
        %broadcast_in_dim3A_1528 = vector.shape_cast %select_n3A_1527 : vector<16xi32> to vector<16x1xi32>
        %gather3A_1529 = vector.shape_cast %broadcast_in_dim3A_1528 : vector<16x1xi32> to vector<16xi32>
        %gather3A_1530 = tpu.dynamic_gather %min3A_1517[%gather3A_1529] in [0] : vector<16xf32>, vector<16xi32> -> vector<16xf32>
        %min3A_1531 = arith.minimumf %min3A_1517, %gather3A_1530 : vector<16xf32>
        %gt3A_1532 = arith.constant 0xFF800000 : f32
        %gt3A_1533 = vector.broadcast %gt3A_1532 : f32 to vector<16xf32>
        %gt3A_1534 = arith.cmpf ogt, %max3A_1472, %gt3A_1533 : vector<16xf32>
        %sub3A_1535 = vector.broadcast %convert_element_type3A_3 : f32 to vector<16xf32>
        %sub3A_1536 = arith.subf %min3A_1531, %sub3A_1535 : vector<16xf32>
        %jit3A_1537 = arith.constant 0.000000e+00 : f32
        %broadcast_in_dim3A_1538 = vector.broadcast %jit3A_1537 : f32 to vector<16xf32>
        %select_n3A_1539 = arith.select %gt3A_1534, %sub3A_1536, %broadcast_in_dim3A_1538 : vector<16xi1>, vector<16xf32>
        %convert_element_type3A_1540 = arith.fptosi %select_n3A_1539 : vector<16xf32> to vector<16xi32>
        %gather3A_1541 = tpu.vector_load_idx %arg9[%convert_element_type3A_1540] : memref<1280xf32, #tpu.memory_space<vmem>>[vector<16xi32>], vector<16xf32>,
        %add3A_1542 = arith.constant 320 : i32
        %add3A_1543 = vector.broadcast %add3A_1542 : i32 to vector<16xi32>
        %add3A_1544 = arith.addi %convert_element_type3A_1540, %add3A_1543 : vector<16xi32>
        %gather3A_1545 = tpu.vector_load_idx %arg9[%add3A_1544] : memref<1280xf32, #tpu.memory_space<vmem>>[vector<16xi32>], vector<16xf32>,
        %add3A_1546 = arith.constant 640 : i32
        %add3A_1547 = vector.broadcast %add3A_1546 : i32 to vector<16xi32>
        %add3A_1548 = arith.addi %convert_element_type3A_1540, %add3A_1547 : vector<16xi32>
        %gather3A_1549 = tpu.vector_load_idx %arg9[%add3A_1548] : memref<1280xf32, #tpu.memory_space<vmem>>[vector<16xi32>], vector<16xf32>,
        %add3A_1550 = arith.constant 960 : i32
        %add3A_1551 = vector.broadcast %add3A_1550 : i32 to vector<16xi32>
        %add3A_1552 = arith.addi %convert_element_type3A_1540, %add3A_1551 : vector<16xi32>
        %gather3A_1553 = tpu.vector_load_idx %arg9[%add3A_1552] : memref<1280xf32, #tpu.memory_space<vmem>>[vector<16xi32>], vector<16xf32>,
        %gather3A_1554 = tpu.vector_load_idx %arg11[%convert_element_type3A_1540] : memref<320xf32, #tpu.memory_space<vmem>>[vector<16xi32>], vector<16xf32>,
        %gather3A_1555 = tpu.vector_load_idx %arg13[%convert_element_type3A_1540] : memref<320xf32, #tpu.memory_space<vmem>>[vector<16xi32>], vector<16xf32>,
        %eq3A_1556 = arith.constant 0 : i32
        %eq3A_1557 = vector.broadcast %eq3A_1556 : i32 to vector<16xi32>
        %eq3A_1558 = arith.cmpi eq, %iota3A, %eq3A_1557 : vector<16xi32>
        %jit3A_1559 = arith.constant 0.000000e+00 : f32
        %broadcast_in_dim3A_1560 = vector.broadcast %jit3A_1559 : f32 to vector<16xf32>
        %select_n3A_1561 = arith.select %eq3A_1558, %max3A_1472, %broadcast_in_dim3A_1560 : vector<16xi1>, vector<16xf32>
        %eq3A_1562 = arith.constant 1 : i32
        %eq3A_1563 = vector.broadcast %eq3A_1562 : i32 to vector<16xi32>
        %eq3A_1564 = arith.cmpi eq, %iota3A, %eq3A_1563 : vector<16xi32>
        %select_n3A_1565 = arith.select %eq3A_1564, %min3A_1531, %select_n3A_1561 : vector<16xi1>, vector<16xf32>
        %eq3A_1566 = arith.constant 2 : i32
        %eq3A_1567 = vector.broadcast %eq3A_1566 : i32 to vector<16xi32>
        %eq3A_1568 = arith.cmpi eq, %iota3A, %eq3A_1567 : vector<16xi32>
        %select_n3A_1569 = arith.select %eq3A_1568, %gather3A_1541, %select_n3A_1565 : vector<16xi1>, vector<16xf32>
        %eq3A_1570 = arith.constant 3 : i32
        %eq3A_1571 = vector.broadcast %eq3A_1570 : i32 to vector<16xi32>
        %eq3A_1572 = arith.cmpi eq, %iota3A, %eq3A_1571 : vector<16xi32>
        %select_n3A_1573 = arith.select %eq3A_1572, %gather3A_1545, %select_n3A_1569 : vector<16xi1>, vector<16xf32>
        %eq3A_1574 = arith.constant 4 : i32
        %eq3A_1575 = vector.broadcast %eq3A_1574 : i32 to vector<16xi32>
        %eq3A_1576 = arith.cmpi eq, %iota3A, %eq3A_1575 : vector<16xi32>
        %select_n3A_1577 = arith.select %eq3A_1576, %gather3A_1549, %select_n3A_1573 : vector<16xi1>, vector<16xf32>
        %eq3A_1578 = arith.constant 5 : i32
        %eq3A_1579 = vector.broadcast %eq3A_1578 : i32 to vector<16xi32>
        %eq3A_1580 = arith.cmpi eq, %iota3A, %eq3A_1579 : vector<16xi32>
        %select_n3A_1581 = arith.select %eq3A_1580, %gather3A_1553, %select_n3A_1577 : vector<16xi1>, vector<16xf32>
        %eq3A_1582 = arith.constant 6 : i32
        %eq3A_1583 = vector.broadcast %eq3A_1582 : i32 to vector<16xi32>
        %eq3A_1584 = arith.cmpi eq, %iota3A, %eq3A_1583 : vector<16xi32>
        %select_n3A_1585 = arith.select %eq3A_1584, %gather3A_1554, %select_n3A_1581 : vector<16xi1>, vector<16xf32>
        %eq3A_1586 = arith.constant 7 : i32
        %eq3A_1587 = vector.broadcast %eq3A_1586 : i32 to vector<16xi32>
        %eq3A_1588 = arith.cmpi eq, %iota3A, %eq3A_1587 : vector<16xi32>
        %select_n3A_1589 = arith.select %eq3A_1588, %gather3A_1555, %select_n3A_1585 : vector<16xi1>, vector<16xf32>
        %swap3A_1590 = arith.constant 0 : index
        %swap3A_1591 = tpu.vector_load %arg14[%swap3A_1590] {strides = array<i32>} : memref<16xf32, #tpu.memory_space<vmem>>, vector<16xf32>,
        tpu.vector_store %arg14[%swap3A_1590], %select_n3A_1589 {strides = array<i32>} : memref<16xf32, #tpu.memory_space<vmem>>, vector<16xf32>,
        %and3A = arith.constant 1 : i32
        %and3A_1592 = arith.andi %scan3A_1416, %and3A : i32
        %mul3A_1593 = arith.constant 256 : i32
        %mul3A_1594 = arith.muli %and3A_1592, %mul3A_1593 : i32
        %mul3A_1595 = arith.constant 16 : i32
        %mul3A_1596 = arith.muli %arg1, %mul3A_1595 : i32
        %add3A_1597 = arith.addi %mul3A_1594, %mul3A_1596 : i32
        "tpu.region"() ({
          %run_scoped3A = tpu.sem_alloc : memref<!tpu.dma_semaphore, #tpu.memory_space<semaphore_mem>>
          %dma_start3A = tpu.memref_slice %arg24[%add3A_1597] : memref<512xf32, #tpu.memory_space<vmem_shared>> -> memref<16xf32, #tpu.memory_space<vmem_shared>>
          %dma_start3A_2828 = tpu.memref_slice %arg24[%add3A_1597] : memref<512xf32, #tpu.memory_space<vmem_shared>> -> memref<16xf32, #tpu.memory_space<vmem_shared>>
          tpu.enqueue_dma source(%arg14 : memref<16xf32, #tpu.memory_space<vmem>>) target(%dma_start3A_2828 : memref<16xf32, #tpu.memory_space<vmem_shared>>) target_semaphore(%run_scoped3A : memref<!tpu.dma_semaphore, #tpu.memory_space<semaphore_mem>>)
          %dma_wait3A = tpu.memref_slice %arg24[%add3A_1597] : memref<512xf32, #tpu.memory_space<vmem_shared>> -> memref<16xf32, #tpu.memory_space<vmem_shared>>
          %dma_wait3A_2829 = tpu.memref_slice %arg24[%add3A_1597] : memref<512xf32, #tpu.memory_space<vmem_shared>> -> memref<16xf32, #tpu.memory_space<vmem_shared>>
          tpu.wait_dma2 semaphore(%run_scoped3A : memref<!tpu.dma_semaphore, #tpu.memory_space<semaphore_mem>>) src(%arg14 : memref<16xf32, #tpu.memory_space<vmem>>) dst(%dma_wait3A_2829 : memref<16xf32, #tpu.memory_space<vmem_shared>>)
          tpu.yield
        }) : () -> ()
        %barrier3A = arith.constant 0 : index
        tpu.barrier barrier_id(%barrier3A)
        "tpu.region"() ({
          %run_scoped3A = tpu.sem_alloc : memref<!tpu.dma_semaphore, #tpu.memory_space<semaphore_mem>>
          %dma_start3A = tpu.memref_slice %arg24[%mul3A_1594] : memref<512xf32, #tpu.memory_space<vmem_shared>> -> memref<256xf32, #tpu.memory_space<vmem_shared>>
          %dma_start3A_2828 = tpu.memref_slice %arg24[%mul3A_1594] : memref<512xf32, #tpu.memory_space<vmem_shared>> -> memref<256xf32, #tpu.memory_space<vmem_shared>>
          tpu.enqueue_dma source(%dma_start3A_2828 : memref<256xf32, #tpu.memory_space<vmem_shared>>) target(%arg15 : memref<256xf32, #tpu.memory_space<vmem>>) target_semaphore(%run_scoped3A : memref<!tpu.dma_semaphore, #tpu.memory_space<semaphore_mem>>)
          %dma_wait3A = tpu.memref_slice %arg24[%mul3A_1594] : memref<512xf32, #tpu.memory_space<vmem_shared>> -> memref<256xf32, #tpu.memory_space<vmem_shared>>
          %dma_wait3A_2829 = tpu.memref_slice %arg24[%mul3A_1594] : memref<512xf32, #tpu.memory_space<vmem_shared>> -> memref<256xf32, #tpu.memory_space<vmem_shared>>
          tpu.wait_dma2 semaphore(%run_scoped3A : memref<!tpu.dma_semaphore, #tpu.memory_space<semaphore_mem>>) src(%dma_wait3A_2829 : memref<256xf32, #tpu.memory_space<vmem_shared>>) dst(%arg15 : memref<256xf32, #tpu.memory_space<vmem>>)
          tpu.yield
        }) : () -> ()
        %mul3A_1598 = arith.constant 16 : i32
        %mul3A_1599 = vector.broadcast %mul3A_1598 : i32 to vector<16xi32>
        %mul3A_1600 = arith.muli %iota3A, %mul3A_1599 : vector<16xi32>
        %add3A_1601 = arith.constant 0 : i32
        %add3A_1602 = vector.broadcast %add3A_1601 : i32 to vector<16xi32>
        %add3A_1603 = arith.addi %mul3A_1600, %add3A_1602 : vector<16xi32>
        %gather3A_1604 = tpu.vector_load_idx %arg15[%add3A_1603] : memref<256xf32, #tpu.memory_space<vmem>>[vector<16xi32>], vector<16xf32>,
        %mul3A_1605 = arith.constant 16 : i32
        %mul3A_1606 = vector.broadcast %mul3A_1605 : i32 to vector<16xi32>
        %mul3A_1607 = arith.muli %iota3A, %mul3A_1606 : vector<16xi32>
        %add3A_1608 = arith.constant 1 : i32
        %add3A_1609 = vector.broadcast %add3A_1608 : i32 to vector<16xi32>
        %add3A_1610 = arith.addi %mul3A_1607, %add3A_1609 : vector<16xi32>
        %gather3A_1611 = tpu.vector_load_idx %arg15[%add3A_1610] : memref<256xf32, #tpu.memory_space<vmem>>[vector<16xi32>], vector<16xf32>,
        %xor3A_1612 = arith.constant 1 : i32
        %xor3A_1613 = vector.broadcast %xor3A_1612 : i32 to vector<16xi32>
        %xor3A_1614 = arith.xori %iota3A, %xor3A_1613 : vector<16xi32>
        %lt3A_1615 = arith.constant 0 : i32
        %lt3A_1616 = vector.broadcast %lt3A_1615 : i32 to vector<16xi32>
        %lt3A_1617 = arith.cmpi slt, %xor3A_1614, %lt3A_1616 : vector<16xi32>
        %add3A_1618 = arith.constant 16 : i32
        %add3A_1619 = vector.broadcast %add3A_1618 : i32 to vector<16xi32>
        %add3A_1620 = arith.addi %xor3A_1614, %add3A_1619 : vector<16xi32>
        %select_n3A_1621 = arith.select %lt3A_1617, %add3A_1620, %xor3A_1614 : vector<16xi1>, vector<16xi32>
        %broadcast_in_dim3A_1622 = vector.shape_cast %select_n3A_1621 : vector<16xi32> to vector<16x1xi32>
        %gather3A_1623 = vector.shape_cast %broadcast_in_dim3A_1622 : vector<16x1xi32> to vector<16xi32>
        %gather3A_1624 = tpu.dynamic_gather %gather3A_1604[%gather3A_1623] in [0] : vector<16xf32>, vector<16xi32> -> vector<16xf32>
        %max3A_1625 = arith.maximumf %gather3A_1604, %gather3A_1624 : vector<16xf32>
        %xor3A_1626 = arith.constant 2 : i32
        %xor3A_1627 = vector.broadcast %xor3A_1626 : i32 to vector<16xi32>
        %xor3A_1628 = arith.xori %iota3A, %xor3A_1627 : vector<16xi32>
        %lt3A_1629 = arith.constant 0 : i32
        %lt3A_1630 = vector.broadcast %lt3A_1629 : i32 to vector<16xi32>
        %lt3A_1631 = arith.cmpi slt, %xor3A_1628, %lt3A_1630 : vector<16xi32>
        %add3A_1632 = arith.constant 16 : i32
        %add3A_1633 = vector.broadcast %add3A_1632 : i32 to vector<16xi32>
        %add3A_1634 = arith.addi %xor3A_1628, %add3A_1633 : vector<16xi32>
        %select_n3A_1635 = arith.select %lt3A_1631, %add3A_1634, %xor3A_1628 : vector<16xi1>, vector<16xi32>
        %broadcast_in_dim3A_1636 = vector.shape_cast %select_n3A_1635 : vector<16xi32> to vector<16x1xi32>
        %gather3A_1637 = vector.shape_cast %broadcast_in_dim3A_1636 : vector<16x1xi32> to vector<16xi32>
        %gather3A_1638 = tpu.dynamic_gather %max3A_1625[%gather3A_1637] in [0] : vector<16xf32>, vector<16xi32> -> vector<16xf32>
        %max3A_1639 = arith.maximumf %max3A_1625, %gather3A_1638 : vector<16xf32>
        %xor3A_1640 = arith.constant 4 : i32
        %xor3A_1641 = vector.broadcast %xor3A_1640 : i32 to vector<16xi32>
        %xor3A_1642 = arith.xori %iota3A, %xor3A_1641 : vector<16xi32>
        %lt3A_1643 = arith.constant 0 : i32
        %lt3A_1644 = vector.broadcast %lt3A_1643 : i32 to vector<16xi32>
        %lt3A_1645 = arith.cmpi slt, %xor3A_1642, %lt3A_1644 : vector<16xi32>
        %add3A_1646 = arith.constant 16 : i32
        %add3A_1647 = vector.broadcast %add3A_1646 : i32 to vector<16xi32>
        %add3A_1648 = arith.addi %xor3A_1642, %add3A_1647 : vector<16xi32>
        %select_n3A_1649 = arith.select %lt3A_1645, %add3A_1648, %xor3A_1642 : vector<16xi1>, vector<16xi32>
        %broadcast_in_dim3A_1650 = vector.shape_cast %select_n3A_1649 : vector<16xi32> to vector<16x1xi32>
        %gather3A_1651 = vector.shape_cast %broadcast_in_dim3A_1650 : vector<16x1xi32> to vector<16xi32>
        %gather3A_1652 = tpu.dynamic_gather %max3A_1639[%gather3A_1651] in [0] : vector<16xf32>, vector<16xi32> -> vector<16xf32>
        %max3A_1653 = arith.maximumf %max3A_1639, %gather3A_1652 : vector<16xf32>
        %xor3A_1654 = arith.constant 8 : i32
        %xor3A_1655 = vector.broadcast %xor3A_1654 : i32 to vector<16xi32>
        %xor3A_1656 = arith.xori %iota3A, %xor3A_1655 : vector<16xi32>
        %lt3A_1657 = arith.constant 0 : i32
        %lt3A_1658 = vector.broadcast %lt3A_1657 : i32 to vector<16xi32>
        %lt3A_1659 = arith.cmpi slt, %xor3A_1656, %lt3A_1658 : vector<16xi32>
        %add3A_1660 = arith.constant 16 : i32
        %add3A_1661 = vector.broadcast %add3A_1660 : i32 to vector<16xi32>
        %add3A_1662 = arith.addi %xor3A_1656, %add3A_1661 : vector<16xi32>
        %select_n3A_1663 = arith.select %lt3A_1659, %add3A_1662, %xor3A_1656 : vector<16xi1>, vector<16xi32>
        %broadcast_in_dim3A_1664 = vector.shape_cast %select_n3A_1663 : vector<16xi32> to vector<16x1xi32>
        %gather3A_1665 = vector.shape_cast %broadcast_in_dim3A_1664 : vector<16x1xi32> to vector<16xi32>
        %gather3A_1666 = tpu.dynamic_gather %max3A_1653[%gather3A_1665] in [0] : vector<16xf32>, vector<16xi32> -> vector<16xf32>
        %max3A_1667 = arith.maximumf %max3A_1653, %gather3A_1666 : vector<16xf32>
        %eq3A_1668 = arith.cmpf oeq, %gather3A_1604, %max3A_1667 : vector<16xf32>
        %jit3A_1669 = arith.constant 1.000000e+09 : f32
        %broadcast_in_dim3A_1670 = vector.broadcast %jit3A_1669 : f32 to vector<16xf32>
        %select_n3A_1671 = arith.select %eq3A_1668, %gather3A_1611, %broadcast_in_dim3A_1670 : vector<16xi1>, vector<16xf32>
        %xor3A_1672 = arith.constant 1 : i32
        %xor3A_1673 = vector.broadcast %xor3A_1672 : i32 to vector<16xi32>
        %xor3A_1674 = arith.xori %iota3A, %xor3A_1673 : vector<16xi32>
        %lt3A_1675 = arith.constant 0 : i32
        %lt3A_1676 = vector.broadcast %lt3A_1675 : i32 to vector<16xi32>
        %lt3A_1677 = arith.cmpi slt, %xor3A_1674, %lt3A_1676 : vector<16xi32>
        %add3A_1678 = arith.constant 16 : i32
        %add3A_1679 = vector.broadcast %add3A_1678 : i32 to vector<16xi32>
        %add3A_1680 = arith.addi %xor3A_1674, %add3A_1679 : vector<16xi32>
        %select_n3A_1681 = arith.select %lt3A_1677, %add3A_1680, %xor3A_1674 : vector<16xi1>, vector<16xi32>
        %broadcast_in_dim3A_1682 = vector.shape_cast %select_n3A_1681 : vector<16xi32> to vector<16x1xi32>
        %gather3A_1683 = vector.shape_cast %broadcast_in_dim3A_1682 : vector<16x1xi32> to vector<16xi32>
        %gather3A_1684 = tpu.dynamic_gather %select_n3A_1671[%gather3A_1683] in [0] : vector<16xf32>, vector<16xi32> -> vector<16xf32>
        %min3A_1685 = arith.minimumf %select_n3A_1671, %gather3A_1684 : vector<16xf32>
        %xor3A_1686 = arith.constant 2 : i32
        %xor3A_1687 = vector.broadcast %xor3A_1686 : i32 to vector<16xi32>
        %xor3A_1688 = arith.xori %iota3A, %xor3A_1687 : vector<16xi32>
        %lt3A_1689 = arith.constant 0 : i32
        %lt3A_1690 = vector.broadcast %lt3A_1689 : i32 to vector<16xi32>
        %lt3A_1691 = arith.cmpi slt, %xor3A_1688, %lt3A_1690 : vector<16xi32>
        %add3A_1692 = arith.constant 16 : i32
        %add3A_1693 = vector.broadcast %add3A_1692 : i32 to vector<16xi32>
        %add3A_1694 = arith.addi %xor3A_1688, %add3A_1693 : vector<16xi32>
        %select_n3A_1695 = arith.select %lt3A_1691, %add3A_1694, %xor3A_1688 : vector<16xi1>, vector<16xi32>
        %broadcast_in_dim3A_1696 = vector.shape_cast %select_n3A_1695 : vector<16xi32> to vector<16x1xi32>
        %gather3A_1697 = vector.shape_cast %broadcast_in_dim3A_1696 : vector<16x1xi32> to vector<16xi32>
        %gather3A_1698 = tpu.dynamic_gather %min3A_1685[%gather3A_1697] in [0] : vector<16xf32>, vector<16xi32> -> vector<16xf32>
        %min3A_1699 = arith.minimumf %min3A_1685, %gather3A_1698 : vector<16xf32>
        %xor3A_1700 = arith.constant 4 : i32
        %xor3A_1701 = vector.broadcast %xor3A_1700 : i32 to vector<16xi32>
        %xor3A_1702 = arith.xori %iota3A, %xor3A_1701 : vector<16xi32>
        %lt3A_1703 = arith.constant 0 : i32
        %lt3A_1704 = vector.broadcast %lt3A_1703 : i32 to vector<16xi32>
        %lt3A_1705 = arith.cmpi slt, %xor3A_1702, %lt3A_1704 : vector<16xi32>
        %add3A_1706 = arith.constant 16 : i32
        %add3A_1707 = vector.broadcast %add3A_1706 : i32 to vector<16xi32>
        %add3A_1708 = arith.addi %xor3A_1702, %add3A_1707 : vector<16xi32>
        %select_n3A_1709 = arith.select %lt3A_1705, %add3A_1708, %xor3A_1702 : vector<16xi1>, vector<16xi32>
        %broadcast_in_dim3A_1710 = vector.shape_cast %select_n3A_1709 : vector<16xi32> to vector<16x1xi32>
        %gather3A_1711 = vector.shape_cast %broadcast_in_dim3A_1710 : vector<16x1xi32> to vector<16xi32>
        %gather3A_1712 = tpu.dynamic_gather %min3A_1699[%gather3A_1711] in [0] : vector<16xf32>, vector<16xi32> -> vector<16xf32>
        %min3A_1713 = arith.minimumf %min3A_1699, %gather3A_1712 : vector<16xf32>
        %xor3A_1714 = arith.constant 8 : i32
        %xor3A_1715 = vector.broadcast %xor3A_1714 : i32 to vector<16xi32>
        %xor3A_1716 = arith.xori %iota3A, %xor3A_1715 : vector<16xi32>
        %lt3A_1717 = arith.constant 0 : i32
        %lt3A_1718 = vector.broadcast %lt3A_1717 : i32 to vector<16xi32>
        %lt3A_1719 = arith.cmpi slt, %xor3A_1716, %lt3A_1718 : vector<16xi32>
        %add3A_1720 = arith.constant 16 : i32
        %add3A_1721 = vector.broadcast %add3A_1720 : i32 to vector<16xi32>
        %add3A_1722 = arith.addi %xor3A_1716, %add3A_1721 : vector<16xi32>
        %select_n3A_1723 = arith.select %lt3A_1719, %add3A_1722, %xor3A_1716 : vector<16xi1>, vector<16xi32>
        %broadcast_in_dim3A_1724 = vector.shape_cast %select_n3A_1723 : vector<16xi32> to vector<16x1xi32>
        %gather3A_1725 = vector.shape_cast %broadcast_in_dim3A_1724 : vector<16x1xi32> to vector<16xi32>
        %gather3A_1726 = tpu.dynamic_gather %min3A_1713[%gather3A_1725] in [0] : vector<16xf32>, vector<16xi32> -> vector<16xf32>
        %min3A_1727 = arith.minimumf %min3A_1713, %gather3A_1726 : vector<16xf32>
        %eq3A_1728 = arith.cmpf oeq, %gather3A_1611, %min3A_1727 : vector<16xf32>
        %jit3A_1729 = arith.constant 1.600000e+01 : f32
        %broadcast_in_dim3A_1730 = vector.broadcast %jit3A_1729 : f32 to vector<16xf32>
        %select_n3A_1731 = arith.select %eq3A_1728, %convert_element_type3A_4, %broadcast_in_dim3A_1730 : vector<16xi1>, vector<16xf32>
        %xor3A_1732 = arith.constant 1 : i32
        %xor3A_1733 = vector.broadcast %xor3A_1732 : i32 to vector<16xi32>
        %xor3A_1734 = arith.xori %iota3A, %xor3A_1733 : vector<16xi32>
        %lt3A_1735 = arith.constant 0 : i32
        %lt3A_1736 = vector.broadcast %lt3A_1735 : i32 to vector<16xi32>
        %lt3A_1737 = arith.cmpi slt, %xor3A_1734, %lt3A_1736 : vector<16xi32>
        %add3A_1738 = arith.constant 16 : i32
        %add3A_1739 = vector.broadcast %add3A_1738 : i32 to vector<16xi32>
        %add3A_1740 = arith.addi %xor3A_1734, %add3A_1739 : vector<16xi32>
        %select_n3A_1741 = arith.select %lt3A_1737, %add3A_1740, %xor3A_1734 : vector<16xi1>, vector<16xi32>
        %broadcast_in_dim3A_1742 = vector.shape_cast %select_n3A_1741 : vector<16xi32> to vector<16x1xi32>
        %gather3A_1743 = vector.shape_cast %broadcast_in_dim3A_1742 : vector<16x1xi32> to vector<16xi32>
        %gather3A_1744 = tpu.dynamic_gather %select_n3A_1731[%gather3A_1743] in [0] : vector<16xf32>, vector<16xi32> -> vector<16xf32>
        %min3A_1745 = arith.minimumf %select_n3A_1731, %gather3A_1744 : vector<16xf32>
        %xor3A_1746 = arith.constant 2 : i32
        %xor3A_1747 = vector.broadcast %xor3A_1746 : i32 to vector<16xi32>
        %xor3A_1748 = arith.xori %iota3A, %xor3A_1747 : vector<16xi32>
        %lt3A_1749 = arith.constant 0 : i32
        %lt3A_1750 = vector.broadcast %lt3A_1749 : i32 to vector<16xi32>
        %lt3A_1751 = arith.cmpi slt, %xor3A_1748, %lt3A_1750 : vector<16xi32>
        %add3A_1752 = arith.constant 16 : i32
        %add3A_1753 = vector.broadcast %add3A_1752 : i32 to vector<16xi32>
        %add3A_1754 = arith.addi %xor3A_1748, %add3A_1753 : vector<16xi32>
        %select_n3A_1755 = arith.select %lt3A_1751, %add3A_1754, %xor3A_1748 : vector<16xi1>, vector<16xi32>
        %broadcast_in_dim3A_1756 = vector.shape_cast %select_n3A_1755 : vector<16xi32> to vector<16x1xi32>
        %gather3A_1757 = vector.shape_cast %broadcast_in_dim3A_1756 : vector<16x1xi32> to vector<16xi32>
        %gather3A_1758 = tpu.dynamic_gather %min3A_1745[%gather3A_1757] in [0] : vector<16xf32>, vector<16xi32> -> vector<16xf32>
        %min3A_1759 = arith.minimumf %min3A_1745, %gather3A_1758 : vector<16xf32>
        %xor3A_1760 = arith.constant 4 : i32
        %xor3A_1761 = vector.broadcast %xor3A_1760 : i32 to vector<16xi32>
        %xor3A_1762 = arith.xori %iota3A, %xor3A_1761 : vector<16xi32>
        %lt3A_1763 = arith.constant 0 : i32
        %lt3A_1764 = vector.broadcast %lt3A_1763 : i32 to vector<16xi32>
        %lt3A_1765 = arith.cmpi slt, %xor3A_1762, %lt3A_1764 : vector<16xi32>
        %add3A_1766 = arith.constant 16 : i32
        %add3A_1767 = vector.broadcast %add3A_1766 : i32 to vector<16xi32>
        %add3A_1768 = arith.addi %xor3A_1762, %add3A_1767 : vector<16xi32>
        %select_n3A_1769 = arith.select %lt3A_1765, %add3A_1768, %xor3A_1762 : vector<16xi1>, vector<16xi32>
        %broadcast_in_dim3A_1770 = vector.shape_cast %select_n3A_1769 : vector<16xi32> to vector<16x1xi32>
        %gather3A_1771 = vector.shape_cast %broadcast_in_dim3A_1770 : vector<16x1xi32> to vector<16xi32>
        %gather3A_1772 = tpu.dynamic_gather %min3A_1759[%gather3A_1771] in [0] : vector<16xf32>, vector<16xi32> -> vector<16xf32>
        %min3A_1773 = arith.minimumf %min3A_1759, %gather3A_1772 : vector<16xf32>
        %xor3A_1774 = arith.constant 8 : i32
        %xor3A_1775 = vector.broadcast %xor3A_1774 : i32 to vector<16xi32>
        %xor3A_1776 = arith.xori %iota3A, %xor3A_1775 : vector<16xi32>
        %lt3A_1777 = arith.constant 0 : i32
        %lt3A_1778 = vector.broadcast %lt3A_1777 : i32 to vector<16xi32>
        %lt3A_1779 = arith.cmpi slt, %xor3A_1776, %lt3A_1778 : vector<16xi32>
        %add3A_1780 = arith.constant 16 : i32
        %add3A_1781 = vector.broadcast %add3A_1780 : i32 to vector<16xi32>
        %add3A_1782 = arith.addi %xor3A_1776, %add3A_1781 : vector<16xi32>
        %select_n3A_1783 = arith.select %lt3A_1779, %add3A_1782, %xor3A_1776 : vector<16xi1>, vector<16xi32>
        %broadcast_in_dim3A_1784 = vector.shape_cast %select_n3A_1783 : vector<16xi32> to vector<16x1xi32>
        %gather3A_1785 = vector.shape_cast %broadcast_in_dim3A_1784 : vector<16x1xi32> to vector<16xi32>
        %gather3A_1786 = tpu.dynamic_gather %min3A_1773[%gather3A_1785] in [0] : vector<16xf32>, vector<16xi32> -> vector<16xf32>
        %min3A_1787 = arith.minimumf %min3A_1773, %gather3A_1786 : vector<16xf32>
        %convert_element_type3A_1788 = arith.fptosi %min3A_1787 : vector<16xf32> to vector<16xi32>
        %mul3A_1789 = arith.constant 16 : i32
        %mul3A_1790 = vector.broadcast %mul3A_1789 : i32 to vector<16xi32>
        %mul3A_1791 = arith.muli %convert_element_type3A_1788, %mul3A_1790 : vector<16xi32>
        %add3A_1792 = arith.constant 2 : i32
        %add3A_1793 = vector.broadcast %add3A_1792 : i32 to vector<16xi32>
        %add3A_1794 = arith.addi %mul3A_1791, %add3A_1793 : vector<16xi32>
        %gather3A_1795 = tpu.vector_load_idx %arg15[%add3A_1794] : memref<256xf32, #tpu.memory_space<vmem>>[vector<16xi32>], vector<16xf32>,
        %add3A_1796 = arith.constant 3 : i32
        %add3A_1797 = vector.broadcast %add3A_1796 : i32 to vector<16xi32>
        %add3A_1798 = arith.addi %mul3A_1791, %add3A_1797 : vector<16xi32>
        %gather3A_1799 = tpu.vector_load_idx %arg15[%add3A_1798] : memref<256xf32, #tpu.memory_space<vmem>>[vector<16xi32>], vector<16xf32>,
        %add3A_1800 = arith.constant 4 : i32
        %add3A_1801 = vector.broadcast %add3A_1800 : i32 to vector<16xi32>
        %add3A_1802 = arith.addi %mul3A_1791, %add3A_1801 : vector<16xi32>
        %gather3A_1803 = tpu.vector_load_idx %arg15[%add3A_1802] : memref<256xf32, #tpu.memory_space<vmem>>[vector<16xi32>], vector<16xf32>,
        %add3A_1804 = arith.constant 5 : i32
        %add3A_1805 = vector.broadcast %add3A_1804 : i32 to vector<16xi32>
        %add3A_1806 = arith.addi %mul3A_1791, %add3A_1805 : vector<16xi32>
        %gather3A_1807 = tpu.vector_load_idx %arg15[%add3A_1806] : memref<256xf32, #tpu.memory_space<vmem>>[vector<16xi32>], vector<16xf32>,
        %add3A_1808 = arith.constant 6 : i32
        %add3A_1809 = vector.broadcast %add3A_1808 : i32 to vector<16xi32>
        %add3A_1810 = arith.addi %mul3A_1791, %add3A_1809 : vector<16xi32>
        %gather3A_1811 = tpu.vector_load_idx %arg15[%add3A_1810] : memref<256xf32, #tpu.memory_space<vmem>>[vector<16xi32>], vector<16xf32>,
        %add3A_1812 = arith.constant 7 : i32
        %add3A_1813 = vector.broadcast %add3A_1812 : i32 to vector<16xi32>
        %add3A_1814 = arith.addi %mul3A_1791, %add3A_1813 : vector<16xi32>
        %gather3A_1815 = tpu.vector_load_idx %arg15[%add3A_1814] : memref<256xf32, #tpu.memory_space<vmem>>[vector<16xi32>], vector<16xf32>,
        %gt3A_1816 = arith.constant 0xFF800000 : f32
        %gt3A_1817 = vector.broadcast %gt3A_1816 : f32 to vector<16xf32>
        %gt3A_1818 = arith.cmpf ogt, %max3A_1667, %gt3A_1817 : vector<16xf32>
        %broadcast_in_dim3A_1819 = arith.constant 0xFF800000 : f32
        %broadcast_in_dim3A_1820 = vector.broadcast %broadcast_in_dim3A_1819 : f32 to vector<16xf32>
        %broadcast_in_dim3A_1821 = arith.constant 1.000000e+09 : f32
        %broadcast_in_dim3A_1822 = vector.broadcast %broadcast_in_dim3A_1821 : f32 to vector<16xf32>
        %get3A_1823 = arith.constant 0 : index
        %get3A_1824 = tpu.vector_load %arg9[%get3A_1823] {strides = array<i32>} : memref<1280xf32, #tpu.memory_space<vmem>>, vector<16xf32>,
        %get3A_1825 = arith.constant 320 : index
        %get3A_1826 = tpu.vector_load %arg9[%get3A_1825] {strides = array<i32>} : memref<1280xf32, #tpu.memory_space<vmem>>, vector<16xf32>,
        %get3A_1827 = arith.constant 640 : index
        %get3A_1828 = tpu.vector_load %arg9[%get3A_1827] {strides = array<i32>} : memref<1280xf32, #tpu.memory_space<vmem>>, vector<16xf32>,
        %get3A_1829 = arith.constant 960 : index
        %get3A_1830 = tpu.vector_load %arg9[%get3A_1829] {strides = array<i32>} : memref<1280xf32, #tpu.memory_space<vmem>>, vector<16xf32>,
        %get3A_1831 = arith.constant 0 : index
        %get3A_1832 = tpu.vector_load %arg11[%get3A_1831] {strides = array<i32>} : memref<320xf32, #tpu.memory_space<vmem>>, vector<16xf32>,
        %get3A_1833 = arith.constant 0 : index
        %get3A_1834 = tpu.vector_load %arg12[%get3A_1833] {strides = array<i32>} : memref<320xf32, #tpu.memory_space<vmem>>, vector<16xf32>,
        %max3A_1835 = arith.maximumf %gather3A_1795, %get3A_1824 : vector<16xf32>
        %max3A_1836 = arith.maximumf %gather3A_1799, %get3A_1826 : vector<16xf32>
        %min3A_1837 = arith.minimumf %gather3A_1803, %get3A_1828 : vector<16xf32>
        %min3A_1838 = arith.minimumf %gather3A_1807, %get3A_1830 : vector<16xf32>
        %sub3A_1839 = arith.subf %min3A_1837, %max3A_1835 : vector<16xf32>
        %max3A_1840 = arith.constant 0.000000e+00 : f32
        %max3A_1841 = vector.broadcast %max3A_1840 : f32 to vector<16xf32>
        %max3A_1842 = arith.maximumf %max3A_1841, %sub3A_1839 : vector<16xf32>
        %sub3A_1843 = arith.subf %min3A_1838, %max3A_1836 : vector<16xf32>
        %max3A_1844 = arith.constant 0.000000e+00 : f32
        %max3A_1845 = vector.broadcast %max3A_1844 : f32 to vector<16xf32>
        %max3A_1846 = arith.maximumf %max3A_1845, %sub3A_1843 : vector<16xf32>
        %mul3A_1847 = arith.mulf %max3A_1842, %max3A_1846 : vector<16xf32>
        %add3A_1848 = arith.addf %gather3A_1811, %get3A_1832 : vector<16xf32>
        %sub3A_1849 = arith.subf %add3A_1848, %mul3A_1847 : vector<16xf32>
        %add3A_1850 = arith.constant 9.99999971E-10 : f32
        %add3A_1851 = vector.broadcast %add3A_1850 : f32 to vector<16xf32>
        %add3A_1852 = arith.addf %sub3A_1849, %add3A_1851 : vector<16xf32>
        %div3A = arith.divf %mul3A_1847, %add3A_1852 : vector<16xf32>
        %add3A_1853 = arith.constant 0 : i32
        %add3A_1854 = arith.addi %mul3A_2, %add3A_1853 : i32
        %convert_element_type3A_1855 = arith.sitofp %add3A_1854 : i32 to f32
        %add3A_1856 = vector.broadcast %convert_element_type3A_1855 : f32 to vector<16xf32>
        %add3A_1857 = arith.addf %add3A_1856, %convert_element_type3A_4 : vector<16xf32>
        %gt3A_1858 = arith.constant 5.000000e-01 : f32
        %gt3A_1859 = vector.broadcast %gt3A_1858 : f32 to vector<16xf32>
        %gt3A_1860 = arith.cmpf ogt, %div3A, %gt3A_1859 : vector<16xf32>
        %eq3A_1861 = arith.cmpf oeq, %add3A_1857, %min3A_1727 : vector<16xf32>
        %or3A = arith.ori %gt3A_1860, %eq3A_1861 : vector<16xi1>
        %and3A_1862 = arith.andi %or3A, %gt3A_1818 : vector<16xi1>
        %jit3A_1863 = arith.constant 0xFF800000 : f32
        %broadcast_in_dim3A_1864 = vector.broadcast %jit3A_1863 : f32 to vector<16xf32>
        %select_n3A_1865 = arith.select %and3A_1862, %broadcast_in_dim3A_1864, %get3A_1834 : vector<16xi1>, vector<16xf32>
        %swap3A_1866 = arith.constant 0 : index
        %swap3A_1867 = tpu.vector_load %arg12[%swap3A_1866] {strides = array<i32>} : memref<320xf32, #tpu.memory_space<vmem>>, vector<16xf32>,
        tpu.vector_store %arg12[%swap3A_1866], %select_n3A_1865 {strides = array<i32>} : memref<320xf32, #tpu.memory_space<vmem>>, vector<16xf32>,
        %gt3A_1868 = arith.cmpf ogt, %select_n3A_1865, %broadcast_in_dim3A_1820 : vector<16xf32>
        %select_n3A_1869 = arith.select %gt3A_1868, %add3A_1857, %broadcast_in_dim3A_1822 : vector<16xi1>, vector<16xf32>
        %max3A_1870 = arith.maximumf %broadcast_in_dim3A_1820, %select_n3A_1865 : vector<16xf32>
        %get3A_1871 = arith.constant 16 : index
        %get3A_1872 = tpu.vector_load %arg9[%get3A_1871] {strides = array<i32>} : memref<1280xf32, #tpu.memory_space<vmem>>, vector<16xf32>,
        %get3A_1873 = arith.constant 336 : index
        %get3A_1874 = tpu.vector_load %arg9[%get3A_1873] {strides = array<i32>} : memref<1280xf32, #tpu.memory_space<vmem>>, vector<16xf32>,
        %get3A_1875 = arith.constant 656 : index
        %get3A_1876 = tpu.vector_load %arg9[%get3A_1875] {strides = array<i32>} : memref<1280xf32, #tpu.memory_space<vmem>>, vector<16xf32>,
        %get3A_1877 = arith.constant 976 : index
        %get3A_1878 = tpu.vector_load %arg9[%get3A_1877] {strides = array<i32>} : memref<1280xf32, #tpu.memory_space<vmem>>, vector<16xf32>,
        %get3A_1879 = arith.constant 16 : index
        %get3A_1880 = tpu.vector_load %arg11[%get3A_1879] {strides = array<i32>} : memref<320xf32, #tpu.memory_space<vmem>>, vector<16xf32>,
        %get3A_1881 = arith.constant 16 : index
        %get3A_1882 = tpu.vector_load %arg12[%get3A_1881] {strides = array<i32>} : memref<320xf32, #tpu.memory_space<vmem>>, vector<16xf32>,
        %max3A_1883 = arith.maximumf %gather3A_1795, %get3A_1872 : vector<16xf32>
        %max3A_1884 = arith.maximumf %gather3A_1799, %get3A_1874 : vector<16xf32>
        %min3A_1885 = arith.minimumf %gather3A_1803, %get3A_1876 : vector<16xf32>
        %min3A_1886 = arith.minimumf %gather3A_1807, %get3A_1878 : vector<16xf32>
        %sub3A_1887 = arith.subf %min3A_1885, %max3A_1883 : vector<16xf32>
        %max3A_1888 = arith.constant 0.000000e+00 : f32
        %max3A_1889 = vector.broadcast %max3A_1888 : f32 to vector<16xf32>
        %max3A_1890 = arith.maximumf %max3A_1889, %sub3A_1887 : vector<16xf32>
        %sub3A_1891 = arith.subf %min3A_1886, %max3A_1884 : vector<16xf32>
        %max3A_1892 = arith.constant 0.000000e+00 : f32
        %max3A_1893 = vector.broadcast %max3A_1892 : f32 to vector<16xf32>
        %max3A_1894 = arith.maximumf %max3A_1893, %sub3A_1891 : vector<16xf32>
        %mul3A_1895 = arith.mulf %max3A_1890, %max3A_1894 : vector<16xf32>
        %add3A_1896 = arith.addf %gather3A_1811, %get3A_1880 : vector<16xf32>
        %sub3A_1897 = arith.subf %add3A_1896, %mul3A_1895 : vector<16xf32>
        %add3A_1898 = arith.constant 9.99999971E-10 : f32
        %add3A_1899 = vector.broadcast %add3A_1898 : f32 to vector<16xf32>
        %add3A_1900 = arith.addf %sub3A_1897, %add3A_1899 : vector<16xf32>
        %div3A_1901 = arith.divf %mul3A_1895, %add3A_1900 : vector<16xf32>
        %add3A_1902 = arith.constant 16 : i32
        %add3A_1903 = arith.addi %mul3A_2, %add3A_1902 : i32
        %convert_element_type3A_1904 = arith.sitofp %add3A_1903 : i32 to f32
        %add3A_1905 = vector.broadcast %convert_element_type3A_1904 : f32 to vector<16xf32>
        %add3A_1906 = arith.addf %add3A_1905, %convert_element_type3A_4 : vector<16xf32>
        %gt3A_1907 = arith.constant 5.000000e-01 : f32
        %gt3A_1908 = vector.broadcast %gt3A_1907 : f32 to vector<16xf32>
        %gt3A_1909 = arith.cmpf ogt, %div3A_1901, %gt3A_1908 : vector<16xf32>
        %eq3A_1910 = arith.cmpf oeq, %add3A_1906, %min3A_1727 : vector<16xf32>
        %or3A_1911 = arith.ori %gt3A_1909, %eq3A_1910 : vector<16xi1>
        %and3A_1912 = arith.andi %or3A_1911, %gt3A_1818 : vector<16xi1>
        %jit3A_1913 = arith.constant 0xFF800000 : f32
        %broadcast_in_dim3A_1914 = vector.broadcast %jit3A_1913 : f32 to vector<16xf32>
        %select_n3A_1915 = arith.select %and3A_1912, %broadcast_in_dim3A_1914, %get3A_1882 : vector<16xi1>, vector<16xf32>
        %swap3A_1916 = arith.constant 16 : index
        %swap3A_1917 = tpu.vector_load %arg12[%swap3A_1916] {strides = array<i32>} : memref<320xf32, #tpu.memory_space<vmem>>, vector<16xf32>,
        tpu.vector_store %arg12[%swap3A_1916], %select_n3A_1915 {strides = array<i32>} : memref<320xf32, #tpu.memory_space<vmem>>, vector<16xf32>,
        %gt3A_1918 = arith.cmpf ogt, %select_n3A_1915, %max3A_1870 : vector<16xf32>
        %select_n3A_1919 = arith.select %gt3A_1918, %add3A_1906, %select_n3A_1869 : vector<16xi1>, vector<16xf32>
        %max3A_1920 = arith.maximumf %max3A_1870, %select_n3A_1915 : vector<16xf32>
        %get3A_1921 = arith.constant 32 : index
        %get3A_1922 = tpu.vector_load %arg9[%get3A_1921] {strides = array<i32>} : memref<1280xf32, #tpu.memory_space<vmem>>, vector<16xf32>,
        %get3A_1923 = arith.constant 352 : index
        %get3A_1924 = tpu.vector_load %arg9[%get3A_1923] {strides = array<i32>} : memref<1280xf32, #tpu.memory_space<vmem>>, vector<16xf32>,
        %get3A_1925 = arith.constant 672 : index
        %get3A_1926 = tpu.vector_load %arg9[%get3A_1925] {strides = array<i32>} : memref<1280xf32, #tpu.memory_space<vmem>>, vector<16xf32>,
        %get3A_1927 = arith.constant 992 : index
        %get3A_1928 = tpu.vector_load %arg9[%get3A_1927] {strides = array<i32>} : memref<1280xf32, #tpu.memory_space<vmem>>, vector<16xf32>,
        %get3A_1929 = arith.constant 32 : index
        %get3A_1930 = tpu.vector_load %arg11[%get3A_1929] {strides = array<i32>} : memref<320xf32, #tpu.memory_space<vmem>>, vector<16xf32>,
        %get3A_1931 = arith.constant 32 : index
        %get3A_1932 = tpu.vector_load %arg12[%get3A_1931] {strides = array<i32>} : memref<320xf32, #tpu.memory_space<vmem>>, vector<16xf32>,
        %max3A_1933 = arith.maximumf %gather3A_1795, %get3A_1922 : vector<16xf32>
        %max3A_1934 = arith.maximumf %gather3A_1799, %get3A_1924 : vector<16xf32>
        %min3A_1935 = arith.minimumf %gather3A_1803, %get3A_1926 : vector<16xf32>
        %min3A_1936 = arith.minimumf %gather3A_1807, %get3A_1928 : vector<16xf32>
        %sub3A_1937 = arith.subf %min3A_1935, %max3A_1933 : vector<16xf32>
        %max3A_1938 = arith.constant 0.000000e+00 : f32
        %max3A_1939 = vector.broadcast %max3A_1938 : f32 to vector<16xf32>
        %max3A_1940 = arith.maximumf %max3A_1939, %sub3A_1937 : vector<16xf32>
        %sub3A_1941 = arith.subf %min3A_1936, %max3A_1934 : vector<16xf32>
        %max3A_1942 = arith.constant 0.000000e+00 : f32
        %max3A_1943 = vector.broadcast %max3A_1942 : f32 to vector<16xf32>
        %max3A_1944 = arith.maximumf %max3A_1943, %sub3A_1941 : vector<16xf32>
        %mul3A_1945 = arith.mulf %max3A_1940, %max3A_1944 : vector<16xf32>
        %add3A_1946 = arith.addf %gather3A_1811, %get3A_1930 : vector<16xf32>
        %sub3A_1947 = arith.subf %add3A_1946, %mul3A_1945 : vector<16xf32>
        %add3A_1948 = arith.constant 9.99999971E-10 : f32
        %add3A_1949 = vector.broadcast %add3A_1948 : f32 to vector<16xf32>
        %add3A_1950 = arith.addf %sub3A_1947, %add3A_1949 : vector<16xf32>
        %div3A_1951 = arith.divf %mul3A_1945, %add3A_1950 : vector<16xf32>
        %add3A_1952 = arith.constant 32 : i32
        %add3A_1953 = arith.addi %mul3A_2, %add3A_1952 : i32
        %convert_element_type3A_1954 = arith.sitofp %add3A_1953 : i32 to f32
        %add3A_1955 = vector.broadcast %convert_element_type3A_1954 : f32 to vector<16xf32>
        %add3A_1956 = arith.addf %add3A_1955, %convert_element_type3A_4 : vector<16xf32>
        %gt3A_1957 = arith.constant 5.000000e-01 : f32
        %gt3A_1958 = vector.broadcast %gt3A_1957 : f32 to vector<16xf32>
        %gt3A_1959 = arith.cmpf ogt, %div3A_1951, %gt3A_1958 : vector<16xf32>
        %eq3A_1960 = arith.cmpf oeq, %add3A_1956, %min3A_1727 : vector<16xf32>
        %or3A_1961 = arith.ori %gt3A_1959, %eq3A_1960 : vector<16xi1>
        %and3A_1962 = arith.andi %or3A_1961, %gt3A_1818 : vector<16xi1>
        %jit3A_1963 = arith.constant 0xFF800000 : f32
        %broadcast_in_dim3A_1964 = vector.broadcast %jit3A_1963 : f32 to vector<16xf32>
        %select_n3A_1965 = arith.select %and3A_1962, %broadcast_in_dim3A_1964, %get3A_1932 : vector<16xi1>, vector<16xf32>
        %swap3A_1966 = arith.constant 32 : index
        %swap3A_1967 = tpu.vector_load %arg12[%swap3A_1966] {strides = array<i32>} : memref<320xf32, #tpu.memory_space<vmem>>, vector<16xf32>,
        tpu.vector_store %arg12[%swap3A_1966], %select_n3A_1965 {strides = array<i32>} : memref<320xf32, #tpu.memory_space<vmem>>, vector<16xf32>,
        %gt3A_1968 = arith.cmpf ogt, %select_n3A_1965, %max3A_1920 : vector<16xf32>
        %select_n3A_1969 = arith.select %gt3A_1968, %add3A_1956, %select_n3A_1919 : vector<16xi1>, vector<16xf32>
        %max3A_1970 = arith.maximumf %max3A_1920, %select_n3A_1965 : vector<16xf32>
        %get3A_1971 = arith.constant 48 : index
        %get3A_1972 = tpu.vector_load %arg9[%get3A_1971] {strides = array<i32>} : memref<1280xf32, #tpu.memory_space<vmem>>, vector<16xf32>,
        %get3A_1973 = arith.constant 368 : index
        %get3A_1974 = tpu.vector_load %arg9[%get3A_1973] {strides = array<i32>} : memref<1280xf32, #tpu.memory_space<vmem>>, vector<16xf32>,
        %get3A_1975 = arith.constant 688 : index
        %get3A_1976 = tpu.vector_load %arg9[%get3A_1975] {strides = array<i32>} : memref<1280xf32, #tpu.memory_space<vmem>>, vector<16xf32>,
        %get3A_1977 = arith.constant 1008 : index
        %get3A_1978 = tpu.vector_load %arg9[%get3A_1977] {strides = array<i32>} : memref<1280xf32, #tpu.memory_space<vmem>>, vector<16xf32>,
        %get3A_1979 = arith.constant 48 : index
        %get3A_1980 = tpu.vector_load %arg11[%get3A_1979] {strides = array<i32>} : memref<320xf32, #tpu.memory_space<vmem>>, vector<16xf32>,
        %get3A_1981 = arith.constant 48 : index
        %get3A_1982 = tpu.vector_load %arg12[%get3A_1981] {strides = array<i32>} : memref<320xf32, #tpu.memory_space<vmem>>, vector<16xf32>,
        %max3A_1983 = arith.maximumf %gather3A_1795, %get3A_1972 : vector<16xf32>
        %max3A_1984 = arith.maximumf %gather3A_1799, %get3A_1974 : vector<16xf32>
        %min3A_1985 = arith.minimumf %gather3A_1803, %get3A_1976 : vector<16xf32>
        %min3A_1986 = arith.minimumf %gather3A_1807, %get3A_1978 : vector<16xf32>
        %sub3A_1987 = arith.subf %min3A_1985, %max3A_1983 : vector<16xf32>
        %max3A_1988 = arith.constant 0.000000e+00 : f32
        %max3A_1989 = vector.broadcast %max3A_1988 : f32 to vector<16xf32>
        %max3A_1990 = arith.maximumf %max3A_1989, %sub3A_1987 : vector<16xf32>
        %sub3A_1991 = arith.subf %min3A_1986, %max3A_1984 : vector<16xf32>
        %max3A_1992 = arith.constant 0.000000e+00 : f32
        %max3A_1993 = vector.broadcast %max3A_1992 : f32 to vector<16xf32>
        %max3A_1994 = arith.maximumf %max3A_1993, %sub3A_1991 : vector<16xf32>
        %mul3A_1995 = arith.mulf %max3A_1990, %max3A_1994 : vector<16xf32>
        %add3A_1996 = arith.addf %gather3A_1811, %get3A_1980 : vector<16xf32>
        %sub3A_1997 = arith.subf %add3A_1996, %mul3A_1995 : vector<16xf32>
        %add3A_1998 = arith.constant 9.99999971E-10 : f32
        %add3A_1999 = vector.broadcast %add3A_1998 : f32 to vector<16xf32>
        %add3A_2000 = arith.addf %sub3A_1997, %add3A_1999 : vector<16xf32>
        %div3A_2001 = arith.divf %mul3A_1995, %add3A_2000 : vector<16xf32>
        %add3A_2002 = arith.constant 48 : i32
        %add3A_2003 = arith.addi %mul3A_2, %add3A_2002 : i32
        %convert_element_type3A_2004 = arith.sitofp %add3A_2003 : i32 to f32
        %add3A_2005 = vector.broadcast %convert_element_type3A_2004 : f32 to vector<16xf32>
        %add3A_2006 = arith.addf %add3A_2005, %convert_element_type3A_4 : vector<16xf32>
        %gt3A_2007 = arith.constant 5.000000e-01 : f32
        %gt3A_2008 = vector.broadcast %gt3A_2007 : f32 to vector<16xf32>
        %gt3A_2009 = arith.cmpf ogt, %div3A_2001, %gt3A_2008 : vector<16xf32>
        %eq3A_2010 = arith.cmpf oeq, %add3A_2006, %min3A_1727 : vector<16xf32>
        %or3A_2011 = arith.ori %gt3A_2009, %eq3A_2010 : vector<16xi1>
        %and3A_2012 = arith.andi %or3A_2011, %gt3A_1818 : vector<16xi1>
        %jit3A_2013 = arith.constant 0xFF800000 : f32
        %broadcast_in_dim3A_2014 = vector.broadcast %jit3A_2013 : f32 to vector<16xf32>
        %select_n3A_2015 = arith.select %and3A_2012, %broadcast_in_dim3A_2014, %get3A_1982 : vector<16xi1>, vector<16xf32>
        %swap3A_2016 = arith.constant 48 : index
        %swap3A_2017 = tpu.vector_load %arg12[%swap3A_2016] {strides = array<i32>} : memref<320xf32, #tpu.memory_space<vmem>>, vector<16xf32>,
        tpu.vector_store %arg12[%swap3A_2016], %select_n3A_2015 {strides = array<i32>} : memref<320xf32, #tpu.memory_space<vmem>>, vector<16xf32>,
        %gt3A_2018 = arith.cmpf ogt, %select_n3A_2015, %max3A_1970 : vector<16xf32>
        %select_n3A_2019 = arith.select %gt3A_2018, %add3A_2006, %select_n3A_1969 : vector<16xi1>, vector<16xf32>
        %max3A_2020 = arith.maximumf %max3A_1970, %select_n3A_2015 : vector<16xf32>
        %get3A_2021 = arith.constant 64 : index
        %get3A_2022 = tpu.vector_load %arg9[%get3A_2021] {strides = array<i32>} : memref<1280xf32, #tpu.memory_space<vmem>>, vector<16xf32>,
        %get3A_2023 = arith.constant 384 : index
        %get3A_2024 = tpu.vector_load %arg9[%get3A_2023] {strides = array<i32>} : memref<1280xf32, #tpu.memory_space<vmem>>, vector<16xf32>,
        %get3A_2025 = arith.constant 704 : index
        %get3A_2026 = tpu.vector_load %arg9[%get3A_2025] {strides = array<i32>} : memref<1280xf32, #tpu.memory_space<vmem>>, vector<16xf32>,
        %get3A_2027 = arith.constant 1024 : index
        %get3A_2028 = tpu.vector_load %arg9[%get3A_2027] {strides = array<i32>} : memref<1280xf32, #tpu.memory_space<vmem>>, vector<16xf32>,
        %get3A_2029 = arith.constant 64 : index
        %get3A_2030 = tpu.vector_load %arg11[%get3A_2029] {strides = array<i32>} : memref<320xf32, #tpu.memory_space<vmem>>, vector<16xf32>,
        %get3A_2031 = arith.constant 64 : index
        %get3A_2032 = tpu.vector_load %arg12[%get3A_2031] {strides = array<i32>} : memref<320xf32, #tpu.memory_space<vmem>>, vector<16xf32>,
        %max3A_2033 = arith.maximumf %gather3A_1795, %get3A_2022 : vector<16xf32>
        %max3A_2034 = arith.maximumf %gather3A_1799, %get3A_2024 : vector<16xf32>
        %min3A_2035 = arith.minimumf %gather3A_1803, %get3A_2026 : vector<16xf32>
        %min3A_2036 = arith.minimumf %gather3A_1807, %get3A_2028 : vector<16xf32>
        %sub3A_2037 = arith.subf %min3A_2035, %max3A_2033 : vector<16xf32>
        %max3A_2038 = arith.constant 0.000000e+00 : f32
        %max3A_2039 = vector.broadcast %max3A_2038 : f32 to vector<16xf32>
        %max3A_2040 = arith.maximumf %max3A_2039, %sub3A_2037 : vector<16xf32>
        %sub3A_2041 = arith.subf %min3A_2036, %max3A_2034 : vector<16xf32>
        %max3A_2042 = arith.constant 0.000000e+00 : f32
        %max3A_2043 = vector.broadcast %max3A_2042 : f32 to vector<16xf32>
        %max3A_2044 = arith.maximumf %max3A_2043, %sub3A_2041 : vector<16xf32>
        %mul3A_2045 = arith.mulf %max3A_2040, %max3A_2044 : vector<16xf32>
        %add3A_2046 = arith.addf %gather3A_1811, %get3A_2030 : vector<16xf32>
        %sub3A_2047 = arith.subf %add3A_2046, %mul3A_2045 : vector<16xf32>
        %add3A_2048 = arith.constant 9.99999971E-10 : f32
        %add3A_2049 = vector.broadcast %add3A_2048 : f32 to vector<16xf32>
        %add3A_2050 = arith.addf %sub3A_2047, %add3A_2049 : vector<16xf32>
        %div3A_2051 = arith.divf %mul3A_2045, %add3A_2050 : vector<16xf32>
        %add3A_2052 = arith.constant 64 : i32
        %add3A_2053 = arith.addi %mul3A_2, %add3A_2052 : i32
        %convert_element_type3A_2054 = arith.sitofp %add3A_2053 : i32 to f32
        %add3A_2055 = vector.broadcast %convert_element_type3A_2054 : f32 to vector<16xf32>
        %add3A_2056 = arith.addf %add3A_2055, %convert_element_type3A_4 : vector<16xf32>
        %gt3A_2057 = arith.constant 5.000000e-01 : f32
        %gt3A_2058 = vector.broadcast %gt3A_2057 : f32 to vector<16xf32>
        %gt3A_2059 = arith.cmpf ogt, %div3A_2051, %gt3A_2058 : vector<16xf32>
        %eq3A_2060 = arith.cmpf oeq, %add3A_2056, %min3A_1727 : vector<16xf32>
        %or3A_2061 = arith.ori %gt3A_2059, %eq3A_2060 : vector<16xi1>
        %and3A_2062 = arith.andi %or3A_2061, %gt3A_1818 : vector<16xi1>
        %jit3A_2063 = arith.constant 0xFF800000 : f32
        %broadcast_in_dim3A_2064 = vector.broadcast %jit3A_2063 : f32 to vector<16xf32>
        %select_n3A_2065 = arith.select %and3A_2062, %broadcast_in_dim3A_2064, %get3A_2032 : vector<16xi1>, vector<16xf32>
        %swap3A_2066 = arith.constant 64 : index
        %swap3A_2067 = tpu.vector_load %arg12[%swap3A_2066] {strides = array<i32>} : memref<320xf32, #tpu.memory_space<vmem>>, vector<16xf32>,
        tpu.vector_store %arg12[%swap3A_2066], %select_n3A_2065 {strides = array<i32>} : memref<320xf32, #tpu.memory_space<vmem>>, vector<16xf32>,
        %gt3A_2068 = arith.cmpf ogt, %select_n3A_2065, %max3A_2020 : vector<16xf32>
        %select_n3A_2069 = arith.select %gt3A_2068, %add3A_2056, %select_n3A_2019 : vector<16xi1>, vector<16xf32>
        %max3A_2070 = arith.maximumf %max3A_2020, %select_n3A_2065 : vector<16xf32>
        %get3A_2071 = arith.constant 80 : index
        %get3A_2072 = tpu.vector_load %arg9[%get3A_2071] {strides = array<i32>} : memref<1280xf32, #tpu.memory_space<vmem>>, vector<16xf32>,
        %get3A_2073 = arith.constant 400 : index
        %get3A_2074 = tpu.vector_load %arg9[%get3A_2073] {strides = array<i32>} : memref<1280xf32, #tpu.memory_space<vmem>>, vector<16xf32>,
        %get3A_2075 = arith.constant 720 : index
        %get3A_2076 = tpu.vector_load %arg9[%get3A_2075] {strides = array<i32>} : memref<1280xf32, #tpu.memory_space<vmem>>, vector<16xf32>,
        %get3A_2077 = arith.constant 1040 : index
        %get3A_2078 = tpu.vector_load %arg9[%get3A_2077] {strides = array<i32>} : memref<1280xf32, #tpu.memory_space<vmem>>, vector<16xf32>,
        %get3A_2079 = arith.constant 80 : index
        %get3A_2080 = tpu.vector_load %arg11[%get3A_2079] {strides = array<i32>} : memref<320xf32, #tpu.memory_space<vmem>>, vector<16xf32>,
        %get3A_2081 = arith.constant 80 : index
        %get3A_2082 = tpu.vector_load %arg12[%get3A_2081] {strides = array<i32>} : memref<320xf32, #tpu.memory_space<vmem>>, vector<16xf32>,
        %max3A_2083 = arith.maximumf %gather3A_1795, %get3A_2072 : vector<16xf32>
        %max3A_2084 = arith.maximumf %gather3A_1799, %get3A_2074 : vector<16xf32>
        %min3A_2085 = arith.minimumf %gather3A_1803, %get3A_2076 : vector<16xf32>
        %min3A_2086 = arith.minimumf %gather3A_1807, %get3A_2078 : vector<16xf32>
        %sub3A_2087 = arith.subf %min3A_2085, %max3A_2083 : vector<16xf32>
        %max3A_2088 = arith.constant 0.000000e+00 : f32
        %max3A_2089 = vector.broadcast %max3A_2088 : f32 to vector<16xf32>
        %max3A_2090 = arith.maximumf %max3A_2089, %sub3A_2087 : vector<16xf32>
        %sub3A_2091 = arith.subf %min3A_2086, %max3A_2084 : vector<16xf32>
        %max3A_2092 = arith.constant 0.000000e+00 : f32
        %max3A_2093 = vector.broadcast %max3A_2092 : f32 to vector<16xf32>
        %max3A_2094 = arith.maximumf %max3A_2093, %sub3A_2091 : vector<16xf32>
        %mul3A_2095 = arith.mulf %max3A_2090, %max3A_2094 : vector<16xf32>
        %add3A_2096 = arith.addf %gather3A_1811, %get3A_2080 : vector<16xf32>
        %sub3A_2097 = arith.subf %add3A_2096, %mul3A_2095 : vector<16xf32>
        %add3A_2098 = arith.constant 9.99999971E-10 : f32
        %add3A_2099 = vector.broadcast %add3A_2098 : f32 to vector<16xf32>
        %add3A_2100 = arith.addf %sub3A_2097, %add3A_2099 : vector<16xf32>
        %div3A_2101 = arith.divf %mul3A_2095, %add3A_2100 : vector<16xf32>
        %add3A_2102 = arith.constant 80 : i32
        %add3A_2103 = arith.addi %mul3A_2, %add3A_2102 : i32
        %convert_element_type3A_2104 = arith.sitofp %add3A_2103 : i32 to f32
        %add3A_2105 = vector.broadcast %convert_element_type3A_2104 : f32 to vector<16xf32>
        %add3A_2106 = arith.addf %add3A_2105, %convert_element_type3A_4 : vector<16xf32>
        %gt3A_2107 = arith.constant 5.000000e-01 : f32
        %gt3A_2108 = vector.broadcast %gt3A_2107 : f32 to vector<16xf32>
        %gt3A_2109 = arith.cmpf ogt, %div3A_2101, %gt3A_2108 : vector<16xf32>
        %eq3A_2110 = arith.cmpf oeq, %add3A_2106, %min3A_1727 : vector<16xf32>
        %or3A_2111 = arith.ori %gt3A_2109, %eq3A_2110 : vector<16xi1>
        %and3A_2112 = arith.andi %or3A_2111, %gt3A_1818 : vector<16xi1>
        %jit3A_2113 = arith.constant 0xFF800000 : f32
        %broadcast_in_dim3A_2114 = vector.broadcast %jit3A_2113 : f32 to vector<16xf32>
        %select_n3A_2115 = arith.select %and3A_2112, %broadcast_in_dim3A_2114, %get3A_2082 : vector<16xi1>, vector<16xf32>
        %swap3A_2116 = arith.constant 80 : index
        %swap3A_2117 = tpu.vector_load %arg12[%swap3A_2116] {strides = array<i32>} : memref<320xf32, #tpu.memory_space<vmem>>, vector<16xf32>,
        tpu.vector_store %arg12[%swap3A_2116], %select_n3A_2115 {strides = array<i32>} : memref<320xf32, #tpu.memory_space<vmem>>, vector<16xf32>,
        %gt3A_2118 = arith.cmpf ogt, %select_n3A_2115, %max3A_2070 : vector<16xf32>
        %select_n3A_2119 = arith.select %gt3A_2118, %add3A_2106, %select_n3A_2069 : vector<16xi1>, vector<16xf32>
        %max3A_2120 = arith.maximumf %max3A_2070, %select_n3A_2115 : vector<16xf32>
        %get3A_2121 = arith.constant 96 : index
        %get3A_2122 = tpu.vector_load %arg9[%get3A_2121] {strides = array<i32>} : memref<1280xf32, #tpu.memory_space<vmem>>, vector<16xf32>,
        %get3A_2123 = arith.constant 416 : index
        %get3A_2124 = tpu.vector_load %arg9[%get3A_2123] {strides = array<i32>} : memref<1280xf32, #tpu.memory_space<vmem>>, vector<16xf32>,
        %get3A_2125 = arith.constant 736 : index
        %get3A_2126 = tpu.vector_load %arg9[%get3A_2125] {strides = array<i32>} : memref<1280xf32, #tpu.memory_space<vmem>>, vector<16xf32>,
        %get3A_2127 = arith.constant 1056 : index
        %get3A_2128 = tpu.vector_load %arg9[%get3A_2127] {strides = array<i32>} : memref<1280xf32, #tpu.memory_space<vmem>>, vector<16xf32>,
        %get3A_2129 = arith.constant 96 : index
        %get3A_2130 = tpu.vector_load %arg11[%get3A_2129] {strides = array<i32>} : memref<320xf32, #tpu.memory_space<vmem>>, vector<16xf32>,
        %get3A_2131 = arith.constant 96 : index
        %get3A_2132 = tpu.vector_load %arg12[%get3A_2131] {strides = array<i32>} : memref<320xf32, #tpu.memory_space<vmem>>, vector<16xf32>,
        %max3A_2133 = arith.maximumf %gather3A_1795, %get3A_2122 : vector<16xf32>
        %max3A_2134 = arith.maximumf %gather3A_1799, %get3A_2124 : vector<16xf32>
        %min3A_2135 = arith.minimumf %gather3A_1803, %get3A_2126 : vector<16xf32>
        %min3A_2136 = arith.minimumf %gather3A_1807, %get3A_2128 : vector<16xf32>
        %sub3A_2137 = arith.subf %min3A_2135, %max3A_2133 : vector<16xf32>
        %max3A_2138 = arith.constant 0.000000e+00 : f32
        %max3A_2139 = vector.broadcast %max3A_2138 : f32 to vector<16xf32>
        %max3A_2140 = arith.maximumf %max3A_2139, %sub3A_2137 : vector<16xf32>
        %sub3A_2141 = arith.subf %min3A_2136, %max3A_2134 : vector<16xf32>
        %max3A_2142 = arith.constant 0.000000e+00 : f32
        %max3A_2143 = vector.broadcast %max3A_2142 : f32 to vector<16xf32>
        %max3A_2144 = arith.maximumf %max3A_2143, %sub3A_2141 : vector<16xf32>
        %mul3A_2145 = arith.mulf %max3A_2140, %max3A_2144 : vector<16xf32>
        %add3A_2146 = arith.addf %gather3A_1811, %get3A_2130 : vector<16xf32>
        %sub3A_2147 = arith.subf %add3A_2146, %mul3A_2145 : vector<16xf32>
        %add3A_2148 = arith.constant 9.99999971E-10 : f32
        %add3A_2149 = vector.broadcast %add3A_2148 : f32 to vector<16xf32>
        %add3A_2150 = arith.addf %sub3A_2147, %add3A_2149 : vector<16xf32>
        %div3A_2151 = arith.divf %mul3A_2145, %add3A_2150 : vector<16xf32>
        %add3A_2152 = arith.constant 96 : i32
        %add3A_2153 = arith.addi %mul3A_2, %add3A_2152 : i32
        %convert_element_type3A_2154 = arith.sitofp %add3A_2153 : i32 to f32
        %add3A_2155 = vector.broadcast %convert_element_type3A_2154 : f32 to vector<16xf32>
        %add3A_2156 = arith.addf %add3A_2155, %convert_element_type3A_4 : vector<16xf32>
        %gt3A_2157 = arith.constant 5.000000e-01 : f32
        %gt3A_2158 = vector.broadcast %gt3A_2157 : f32 to vector<16xf32>
        %gt3A_2159 = arith.cmpf ogt, %div3A_2151, %gt3A_2158 : vector<16xf32>
        %eq3A_2160 = arith.cmpf oeq, %add3A_2156, %min3A_1727 : vector<16xf32>
        %or3A_2161 = arith.ori %gt3A_2159, %eq3A_2160 : vector<16xi1>
        %and3A_2162 = arith.andi %or3A_2161, %gt3A_1818 : vector<16xi1>
        %jit3A_2163 = arith.constant 0xFF800000 : f32
        %broadcast_in_dim3A_2164 = vector.broadcast %jit3A_2163 : f32 to vector<16xf32>
        %select_n3A_2165 = arith.select %and3A_2162, %broadcast_in_dim3A_2164, %get3A_2132 : vector<16xi1>, vector<16xf32>
        %swap3A_2166 = arith.constant 96 : index
        %swap3A_2167 = tpu.vector_load %arg12[%swap3A_2166] {strides = array<i32>} : memref<320xf32, #tpu.memory_space<vmem>>, vector<16xf32>,
        tpu.vector_store %arg12[%swap3A_2166], %select_n3A_2165 {strides = array<i32>} : memref<320xf32, #tpu.memory_space<vmem>>, vector<16xf32>,
        %gt3A_2168 = arith.cmpf ogt, %select_n3A_2165, %max3A_2120 : vector<16xf32>
        %select_n3A_2169 = arith.select %gt3A_2168, %add3A_2156, %select_n3A_2119 : vector<16xi1>, vector<16xf32>
        %max3A_2170 = arith.maximumf %max3A_2120, %select_n3A_2165 : vector<16xf32>
        %get3A_2171 = arith.constant 112 : index
        %get3A_2172 = tpu.vector_load %arg9[%get3A_2171] {strides = array<i32>} : memref<1280xf32, #tpu.memory_space<vmem>>, vector<16xf32>,
        %get3A_2173 = arith.constant 432 : index
        %get3A_2174 = tpu.vector_load %arg9[%get3A_2173] {strides = array<i32>} : memref<1280xf32, #tpu.memory_space<vmem>>, vector<16xf32>,
        %get3A_2175 = arith.constant 752 : index
        %get3A_2176 = tpu.vector_load %arg9[%get3A_2175] {strides = array<i32>} : memref<1280xf32, #tpu.memory_space<vmem>>, vector<16xf32>,
        %get3A_2177 = arith.constant 1072 : index
        %get3A_2178 = tpu.vector_load %arg9[%get3A_2177] {strides = array<i32>} : memref<1280xf32, #tpu.memory_space<vmem>>, vector<16xf32>,
        %get3A_2179 = arith.constant 112 : index
        %get3A_2180 = tpu.vector_load %arg11[%get3A_2179] {strides = array<i32>} : memref<320xf32, #tpu.memory_space<vmem>>, vector<16xf32>,
        %get3A_2181 = arith.constant 112 : index
        %get3A_2182 = tpu.vector_load %arg12[%get3A_2181] {strides = array<i32>} : memref<320xf32, #tpu.memory_space<vmem>>, vector<16xf32>,
        %max3A_2183 = arith.maximumf %gather3A_1795, %get3A_2172 : vector<16xf32>
        %max3A_2184 = arith.maximumf %gather3A_1799, %get3A_2174 : vector<16xf32>
        %min3A_2185 = arith.minimumf %gather3A_1803, %get3A_2176 : vector<16xf32>
        %min3A_2186 = arith.minimumf %gather3A_1807, %get3A_2178 : vector<16xf32>
        %sub3A_2187 = arith.subf %min3A_2185, %max3A_2183 : vector<16xf32>
        %max3A_2188 = arith.constant 0.000000e+00 : f32
        %max3A_2189 = vector.broadcast %max3A_2188 : f32 to vector<16xf32>
        %max3A_2190 = arith.maximumf %max3A_2189, %sub3A_2187 : vector<16xf32>
        %sub3A_2191 = arith.subf %min3A_2186, %max3A_2184 : vector<16xf32>
        %max3A_2192 = arith.constant 0.000000e+00 : f32
        %max3A_2193 = vector.broadcast %max3A_2192 : f32 to vector<16xf32>
        %max3A_2194 = arith.maximumf %max3A_2193, %sub3A_2191 : vector<16xf32>
        %mul3A_2195 = arith.mulf %max3A_2190, %max3A_2194 : vector<16xf32>
        %add3A_2196 = arith.addf %gather3A_1811, %get3A_2180 : vector<16xf32>
        %sub3A_2197 = arith.subf %add3A_2196, %mul3A_2195 : vector<16xf32>
        %add3A_2198 = arith.constant 9.99999971E-10 : f32
        %add3A_2199 = vector.broadcast %add3A_2198 : f32 to vector<16xf32>
        %add3A_2200 = arith.addf %sub3A_2197, %add3A_2199 : vector<16xf32>
        %div3A_2201 = arith.divf %mul3A_2195, %add3A_2200 : vector<16xf32>
        %add3A_2202 = arith.constant 112 : i32
        %add3A_2203 = arith.addi %mul3A_2, %add3A_2202 : i32
        %convert_element_type3A_2204 = arith.sitofp %add3A_2203 : i32 to f32
        %add3A_2205 = vector.broadcast %convert_element_type3A_2204 : f32 to vector<16xf32>
        %add3A_2206 = arith.addf %add3A_2205, %convert_element_type3A_4 : vector<16xf32>
        %gt3A_2207 = arith.constant 5.000000e-01 : f32
        %gt3A_2208 = vector.broadcast %gt3A_2207 : f32 to vector<16xf32>
        %gt3A_2209 = arith.cmpf ogt, %div3A_2201, %gt3A_2208 : vector<16xf32>
        %eq3A_2210 = arith.cmpf oeq, %add3A_2206, %min3A_1727 : vector<16xf32>
        %or3A_2211 = arith.ori %gt3A_2209, %eq3A_2210 : vector<16xi1>
        %and3A_2212 = arith.andi %or3A_2211, %gt3A_1818 : vector<16xi1>
        %jit3A_2213 = arith.constant 0xFF800000 : f32
        %broadcast_in_dim3A_2214 = vector.broadcast %jit3A_2213 : f32 to vector<16xf32>
        %select_n3A_2215 = arith.select %and3A_2212, %broadcast_in_dim3A_2214, %get3A_2182 : vector<16xi1>, vector<16xf32>
        %swap3A_2216 = arith.constant 112 : index
        %swap3A_2217 = tpu.vector_load %arg12[%swap3A_2216] {strides = array<i32>} : memref<320xf32, #tpu.memory_space<vmem>>, vector<16xf32>,
        tpu.vector_store %arg12[%swap3A_2216], %select_n3A_2215 {strides = array<i32>} : memref<320xf32, #tpu.memory_space<vmem>>, vector<16xf32>,
        %gt3A_2218 = arith.cmpf ogt, %select_n3A_2215, %max3A_2170 : vector<16xf32>
        %select_n3A_2219 = arith.select %gt3A_2218, %add3A_2206, %select_n3A_2169 : vector<16xi1>, vector<16xf32>
        %max3A_2220 = arith.maximumf %max3A_2170, %select_n3A_2215 : vector<16xf32>
        %get3A_2221 = arith.constant 128 : index
        %get3A_2222 = tpu.vector_load %arg9[%get3A_2221] {strides = array<i32>} : memref<1280xf32, #tpu.memory_space<vmem>>, vector<16xf32>,
        %get3A_2223 = arith.constant 448 : index
        %get3A_2224 = tpu.vector_load %arg9[%get3A_2223] {strides = array<i32>} : memref<1280xf32, #tpu.memory_space<vmem>>, vector<16xf32>,
        %get3A_2225 = arith.constant 768 : index
        %get3A_2226 = tpu.vector_load %arg9[%get3A_2225] {strides = array<i32>} : memref<1280xf32, #tpu.memory_space<vmem>>, vector<16xf32>,
        %get3A_2227 = arith.constant 1088 : index
        %get3A_2228 = tpu.vector_load %arg9[%get3A_2227] {strides = array<i32>} : memref<1280xf32, #tpu.memory_space<vmem>>, vector<16xf32>,
        %get3A_2229 = arith.constant 128 : index
        %get3A_2230 = tpu.vector_load %arg11[%get3A_2229] {strides = array<i32>} : memref<320xf32, #tpu.memory_space<vmem>>, vector<16xf32>,
        %get3A_2231 = arith.constant 128 : index
        %get3A_2232 = tpu.vector_load %arg12[%get3A_2231] {strides = array<i32>} : memref<320xf32, #tpu.memory_space<vmem>>, vector<16xf32>,
        %max3A_2233 = arith.maximumf %gather3A_1795, %get3A_2222 : vector<16xf32>
        %max3A_2234 = arith.maximumf %gather3A_1799, %get3A_2224 : vector<16xf32>
        %min3A_2235 = arith.minimumf %gather3A_1803, %get3A_2226 : vector<16xf32>
        %min3A_2236 = arith.minimumf %gather3A_1807, %get3A_2228 : vector<16xf32>
        %sub3A_2237 = arith.subf %min3A_2235, %max3A_2233 : vector<16xf32>
        %max3A_2238 = arith.constant 0.000000e+00 : f32
        %max3A_2239 = vector.broadcast %max3A_2238 : f32 to vector<16xf32>
        %max3A_2240 = arith.maximumf %max3A_2239, %sub3A_2237 : vector<16xf32>
        %sub3A_2241 = arith.subf %min3A_2236, %max3A_2234 : vector<16xf32>
        %max3A_2242 = arith.constant 0.000000e+00 : f32
        %max3A_2243 = vector.broadcast %max3A_2242 : f32 to vector<16xf32>
        %max3A_2244 = arith.maximumf %max3A_2243, %sub3A_2241 : vector<16xf32>
        %mul3A_2245 = arith.mulf %max3A_2240, %max3A_2244 : vector<16xf32>
        %add3A_2246 = arith.addf %gather3A_1811, %get3A_2230 : vector<16xf32>
        %sub3A_2247 = arith.subf %add3A_2246, %mul3A_2245 : vector<16xf32>
        %add3A_2248 = arith.constant 9.99999971E-10 : f32
        %add3A_2249 = vector.broadcast %add3A_2248 : f32 to vector<16xf32>
        %add3A_2250 = arith.addf %sub3A_2247, %add3A_2249 : vector<16xf32>
        %div3A_2251 = arith.divf %mul3A_2245, %add3A_2250 : vector<16xf32>
        %add3A_2252 = arith.constant 128 : i32
        %add3A_2253 = arith.addi %mul3A_2, %add3A_2252 : i32
        %convert_element_type3A_2254 = arith.sitofp %add3A_2253 : i32 to f32
        %add3A_2255 = vector.broadcast %convert_element_type3A_2254 : f32 to vector<16xf32>
        %add3A_2256 = arith.addf %add3A_2255, %convert_element_type3A_4 : vector<16xf32>
        %gt3A_2257 = arith.constant 5.000000e-01 : f32
        %gt3A_2258 = vector.broadcast %gt3A_2257 : f32 to vector<16xf32>
        %gt3A_2259 = arith.cmpf ogt, %div3A_2251, %gt3A_2258 : vector<16xf32>
        %eq3A_2260 = arith.cmpf oeq, %add3A_2256, %min3A_1727 : vector<16xf32>
        %or3A_2261 = arith.ori %gt3A_2259, %eq3A_2260 : vector<16xi1>
        %and3A_2262 = arith.andi %or3A_2261, %gt3A_1818 : vector<16xi1>
        %jit3A_2263 = arith.constant 0xFF800000 : f32
        %broadcast_in_dim3A_2264 = vector.broadcast %jit3A_2263 : f32 to vector<16xf32>
        %select_n3A_2265 = arith.select %and3A_2262, %broadcast_in_dim3A_2264, %get3A_2232 : vector<16xi1>, vector<16xf32>
        %swap3A_2266 = arith.constant 128 : index
        %swap3A_2267 = tpu.vector_load %arg12[%swap3A_2266] {strides = array<i32>} : memref<320xf32, #tpu.memory_space<vmem>>, vector<16xf32>,
        tpu.vector_store %arg12[%swap3A_2266], %select_n3A_2265 {strides = array<i32>} : memref<320xf32, #tpu.memory_space<vmem>>, vector<16xf32>,
        %gt3A_2268 = arith.cmpf ogt, %select_n3A_2265, %max3A_2220 : vector<16xf32>
        %select_n3A_2269 = arith.select %gt3A_2268, %add3A_2256, %select_n3A_2219 : vector<16xi1>, vector<16xf32>
        %max3A_2270 = arith.maximumf %max3A_2220, %select_n3A_2265 : vector<16xf32>
        %get3A_2271 = arith.constant 144 : index
        %get3A_2272 = tpu.vector_load %arg9[%get3A_2271] {strides = array<i32>} : memref<1280xf32, #tpu.memory_space<vmem>>, vector<16xf32>,
        %get3A_2273 = arith.constant 464 : index
        %get3A_2274 = tpu.vector_load %arg9[%get3A_2273] {strides = array<i32>} : memref<1280xf32, #tpu.memory_space<vmem>>, vector<16xf32>,
        %get3A_2275 = arith.constant 784 : index
        %get3A_2276 = tpu.vector_load %arg9[%get3A_2275] {strides = array<i32>} : memref<1280xf32, #tpu.memory_space<vmem>>, vector<16xf32>,
        %get3A_2277 = arith.constant 1104 : index
        %get3A_2278 = tpu.vector_load %arg9[%get3A_2277] {strides = array<i32>} : memref<1280xf32, #tpu.memory_space<vmem>>, vector<16xf32>,
        %get3A_2279 = arith.constant 144 : index
        %get3A_2280 = tpu.vector_load %arg11[%get3A_2279] {strides = array<i32>} : memref<320xf32, #tpu.memory_space<vmem>>, vector<16xf32>,
        %get3A_2281 = arith.constant 144 : index
        %get3A_2282 = tpu.vector_load %arg12[%get3A_2281] {strides = array<i32>} : memref<320xf32, #tpu.memory_space<vmem>>, vector<16xf32>,
        %max3A_2283 = arith.maximumf %gather3A_1795, %get3A_2272 : vector<16xf32>
        %max3A_2284 = arith.maximumf %gather3A_1799, %get3A_2274 : vector<16xf32>
        %min3A_2285 = arith.minimumf %gather3A_1803, %get3A_2276 : vector<16xf32>
        %min3A_2286 = arith.minimumf %gather3A_1807, %get3A_2278 : vector<16xf32>
        %sub3A_2287 = arith.subf %min3A_2285, %max3A_2283 : vector<16xf32>
        %max3A_2288 = arith.constant 0.000000e+00 : f32
        %max3A_2289 = vector.broadcast %max3A_2288 : f32 to vector<16xf32>
        %max3A_2290 = arith.maximumf %max3A_2289, %sub3A_2287 : vector<16xf32>
        %sub3A_2291 = arith.subf %min3A_2286, %max3A_2284 : vector<16xf32>
        %max3A_2292 = arith.constant 0.000000e+00 : f32
        %max3A_2293 = vector.broadcast %max3A_2292 : f32 to vector<16xf32>
        %max3A_2294 = arith.maximumf %max3A_2293, %sub3A_2291 : vector<16xf32>
        %mul3A_2295 = arith.mulf %max3A_2290, %max3A_2294 : vector<16xf32>
        %add3A_2296 = arith.addf %gather3A_1811, %get3A_2280 : vector<16xf32>
        %sub3A_2297 = arith.subf %add3A_2296, %mul3A_2295 : vector<16xf32>
        %add3A_2298 = arith.constant 9.99999971E-10 : f32
        %add3A_2299 = vector.broadcast %add3A_2298 : f32 to vector<16xf32>
        %add3A_2300 = arith.addf %sub3A_2297, %add3A_2299 : vector<16xf32>
        %div3A_2301 = arith.divf %mul3A_2295, %add3A_2300 : vector<16xf32>
        %add3A_2302 = arith.constant 144 : i32
        %add3A_2303 = arith.addi %mul3A_2, %add3A_2302 : i32
        %convert_element_type3A_2304 = arith.sitofp %add3A_2303 : i32 to f32
        %add3A_2305 = vector.broadcast %convert_element_type3A_2304 : f32 to vector<16xf32>
        %add3A_2306 = arith.addf %add3A_2305, %convert_element_type3A_4 : vector<16xf32>
        %gt3A_2307 = arith.constant 5.000000e-01 : f32
        %gt3A_2308 = vector.broadcast %gt3A_2307 : f32 to vector<16xf32>
        %gt3A_2309 = arith.cmpf ogt, %div3A_2301, %gt3A_2308 : vector<16xf32>
        %eq3A_2310 = arith.cmpf oeq, %add3A_2306, %min3A_1727 : vector<16xf32>
        %or3A_2311 = arith.ori %gt3A_2309, %eq3A_2310 : vector<16xi1>
        %and3A_2312 = arith.andi %or3A_2311, %gt3A_1818 : vector<16xi1>
        %jit3A_2313 = arith.constant 0xFF800000 : f32
        %broadcast_in_dim3A_2314 = vector.broadcast %jit3A_2313 : f32 to vector<16xf32>
        %select_n3A_2315 = arith.select %and3A_2312, %broadcast_in_dim3A_2314, %get3A_2282 : vector<16xi1>, vector<16xf32>
        %swap3A_2316 = arith.constant 144 : index
        %swap3A_2317 = tpu.vector_load %arg12[%swap3A_2316] {strides = array<i32>} : memref<320xf32, #tpu.memory_space<vmem>>, vector<16xf32>,
        tpu.vector_store %arg12[%swap3A_2316], %select_n3A_2315 {strides = array<i32>} : memref<320xf32, #tpu.memory_space<vmem>>, vector<16xf32>,
        %gt3A_2318 = arith.cmpf ogt, %select_n3A_2315, %max3A_2270 : vector<16xf32>
        %select_n3A_2319 = arith.select %gt3A_2318, %add3A_2306, %select_n3A_2269 : vector<16xi1>, vector<16xf32>
        %max3A_2320 = arith.maximumf %max3A_2270, %select_n3A_2315 : vector<16xf32>
        %get3A_2321 = arith.constant 160 : index
        %get3A_2322 = tpu.vector_load %arg9[%get3A_2321] {strides = array<i32>} : memref<1280xf32, #tpu.memory_space<vmem>>, vector<16xf32>,
        %get3A_2323 = arith.constant 480 : index
        %get3A_2324 = tpu.vector_load %arg9[%get3A_2323] {strides = array<i32>} : memref<1280xf32, #tpu.memory_space<vmem>>, vector<16xf32>,
        %get3A_2325 = arith.constant 800 : index
        %get3A_2326 = tpu.vector_load %arg9[%get3A_2325] {strides = array<i32>} : memref<1280xf32, #tpu.memory_space<vmem>>, vector<16xf32>,
        %get3A_2327 = arith.constant 1120 : index
        %get3A_2328 = tpu.vector_load %arg9[%get3A_2327] {strides = array<i32>} : memref<1280xf32, #tpu.memory_space<vmem>>, vector<16xf32>,
        %get3A_2329 = arith.constant 160 : index
        %get3A_2330 = tpu.vector_load %arg11[%get3A_2329] {strides = array<i32>} : memref<320xf32, #tpu.memory_space<vmem>>, vector<16xf32>,
        %get3A_2331 = arith.constant 160 : index
        %get3A_2332 = tpu.vector_load %arg12[%get3A_2331] {strides = array<i32>} : memref<320xf32, #tpu.memory_space<vmem>>, vector<16xf32>,
        %max3A_2333 = arith.maximumf %gather3A_1795, %get3A_2322 : vector<16xf32>
        %max3A_2334 = arith.maximumf %gather3A_1799, %get3A_2324 : vector<16xf32>
        %min3A_2335 = arith.minimumf %gather3A_1803, %get3A_2326 : vector<16xf32>
        %min3A_2336 = arith.minimumf %gather3A_1807, %get3A_2328 : vector<16xf32>
        %sub3A_2337 = arith.subf %min3A_2335, %max3A_2333 : vector<16xf32>
        %max3A_2338 = arith.constant 0.000000e+00 : f32
        %max3A_2339 = vector.broadcast %max3A_2338 : f32 to vector<16xf32>
        %max3A_2340 = arith.maximumf %max3A_2339, %sub3A_2337 : vector<16xf32>
        %sub3A_2341 = arith.subf %min3A_2336, %max3A_2334 : vector<16xf32>
        %max3A_2342 = arith.constant 0.000000e+00 : f32
        %max3A_2343 = vector.broadcast %max3A_2342 : f32 to vector<16xf32>
        %max3A_2344 = arith.maximumf %max3A_2343, %sub3A_2341 : vector<16xf32>
        %mul3A_2345 = arith.mulf %max3A_2340, %max3A_2344 : vector<16xf32>
        %add3A_2346 = arith.addf %gather3A_1811, %get3A_2330 : vector<16xf32>
        %sub3A_2347 = arith.subf %add3A_2346, %mul3A_2345 : vector<16xf32>
        %add3A_2348 = arith.constant 9.99999971E-10 : f32
        %add3A_2349 = vector.broadcast %add3A_2348 : f32 to vector<16xf32>
        %add3A_2350 = arith.addf %sub3A_2347, %add3A_2349 : vector<16xf32>
        %div3A_2351 = arith.divf %mul3A_2345, %add3A_2350 : vector<16xf32>
        %add3A_2352 = arith.constant 160 : i32
        %add3A_2353 = arith.addi %mul3A_2, %add3A_2352 : i32
        %convert_element_type3A_2354 = arith.sitofp %add3A_2353 : i32 to f32
        %add3A_2355 = vector.broadcast %convert_element_type3A_2354 : f32 to vector<16xf32>
        %add3A_2356 = arith.addf %add3A_2355, %convert_element_type3A_4 : vector<16xf32>
        %gt3A_2357 = arith.constant 5.000000e-01 : f32
        %gt3A_2358 = vector.broadcast %gt3A_2357 : f32 to vector<16xf32>
        %gt3A_2359 = arith.cmpf ogt, %div3A_2351, %gt3A_2358 : vector<16xf32>
        %eq3A_2360 = arith.cmpf oeq, %add3A_2356, %min3A_1727 : vector<16xf32>
        %or3A_2361 = arith.ori %gt3A_2359, %eq3A_2360 : vector<16xi1>
        %and3A_2362 = arith.andi %or3A_2361, %gt3A_1818 : vector<16xi1>
        %jit3A_2363 = arith.constant 0xFF800000 : f32
        %broadcast_in_dim3A_2364 = vector.broadcast %jit3A_2363 : f32 to vector<16xf32>
        %select_n3A_2365 = arith.select %and3A_2362, %broadcast_in_dim3A_2364, %get3A_2332 : vector<16xi1>, vector<16xf32>
        %swap3A_2366 = arith.constant 160 : index
        %swap3A_2367 = tpu.vector_load %arg12[%swap3A_2366] {strides = array<i32>} : memref<320xf32, #tpu.memory_space<vmem>>, vector<16xf32>,
        tpu.vector_store %arg12[%swap3A_2366], %select_n3A_2365 {strides = array<i32>} : memref<320xf32, #tpu.memory_space<vmem>>, vector<16xf32>,
        %gt3A_2368 = arith.cmpf ogt, %select_n3A_2365, %max3A_2320 : vector<16xf32>
        %select_n3A_2369 = arith.select %gt3A_2368, %add3A_2356, %select_n3A_2319 : vector<16xi1>, vector<16xf32>
        %max3A_2370 = arith.maximumf %max3A_2320, %select_n3A_2365 : vector<16xf32>
        %get3A_2371 = arith.constant 176 : index
        %get3A_2372 = tpu.vector_load %arg9[%get3A_2371] {strides = array<i32>} : memref<1280xf32, #tpu.memory_space<vmem>>, vector<16xf32>,
        %get3A_2373 = arith.constant 496 : index
        %get3A_2374 = tpu.vector_load %arg9[%get3A_2373] {strides = array<i32>} : memref<1280xf32, #tpu.memory_space<vmem>>, vector<16xf32>,
        %get3A_2375 = arith.constant 816 : index
        %get3A_2376 = tpu.vector_load %arg9[%get3A_2375] {strides = array<i32>} : memref<1280xf32, #tpu.memory_space<vmem>>, vector<16xf32>,
        %get3A_2377 = arith.constant 1136 : index
        %get3A_2378 = tpu.vector_load %arg9[%get3A_2377] {strides = array<i32>} : memref<1280xf32, #tpu.memory_space<vmem>>, vector<16xf32>,
        %get3A_2379 = arith.constant 176 : index
        %get3A_2380 = tpu.vector_load %arg11[%get3A_2379] {strides = array<i32>} : memref<320xf32, #tpu.memory_space<vmem>>, vector<16xf32>,
        %get3A_2381 = arith.constant 176 : index
        %get3A_2382 = tpu.vector_load %arg12[%get3A_2381] {strides = array<i32>} : memref<320xf32, #tpu.memory_space<vmem>>, vector<16xf32>,
        %max3A_2383 = arith.maximumf %gather3A_1795, %get3A_2372 : vector<16xf32>
        %max3A_2384 = arith.maximumf %gather3A_1799, %get3A_2374 : vector<16xf32>
        %min3A_2385 = arith.minimumf %gather3A_1803, %get3A_2376 : vector<16xf32>
        %min3A_2386 = arith.minimumf %gather3A_1807, %get3A_2378 : vector<16xf32>
        %sub3A_2387 = arith.subf %min3A_2385, %max3A_2383 : vector<16xf32>
        %max3A_2388 = arith.constant 0.000000e+00 : f32
        %max3A_2389 = vector.broadcast %max3A_2388 : f32 to vector<16xf32>
        %max3A_2390 = arith.maximumf %max3A_2389, %sub3A_2387 : vector<16xf32>
        %sub3A_2391 = arith.subf %min3A_2386, %max3A_2384 : vector<16xf32>
        %max3A_2392 = arith.constant 0.000000e+00 : f32
        %max3A_2393 = vector.broadcast %max3A_2392 : f32 to vector<16xf32>
        %max3A_2394 = arith.maximumf %max3A_2393, %sub3A_2391 : vector<16xf32>
        %mul3A_2395 = arith.mulf %max3A_2390, %max3A_2394 : vector<16xf32>
        %add3A_2396 = arith.addf %gather3A_1811, %get3A_2380 : vector<16xf32>
        %sub3A_2397 = arith.subf %add3A_2396, %mul3A_2395 : vector<16xf32>
        %add3A_2398 = arith.constant 9.99999971E-10 : f32
        %add3A_2399 = vector.broadcast %add3A_2398 : f32 to vector<16xf32>
        %add3A_2400 = arith.addf %sub3A_2397, %add3A_2399 : vector<16xf32>
        %div3A_2401 = arith.divf %mul3A_2395, %add3A_2400 : vector<16xf32>
        %add3A_2402 = arith.constant 176 : i32
        %add3A_2403 = arith.addi %mul3A_2, %add3A_2402 : i32
        %convert_element_type3A_2404 = arith.sitofp %add3A_2403 : i32 to f32
        %add3A_2405 = vector.broadcast %convert_element_type3A_2404 : f32 to vector<16xf32>
        %add3A_2406 = arith.addf %add3A_2405, %convert_element_type3A_4 : vector<16xf32>
        %gt3A_2407 = arith.constant 5.000000e-01 : f32
        %gt3A_2408 = vector.broadcast %gt3A_2407 : f32 to vector<16xf32>
        %gt3A_2409 = arith.cmpf ogt, %div3A_2401, %gt3A_2408 : vector<16xf32>
        %eq3A_2410 = arith.cmpf oeq, %add3A_2406, %min3A_1727 : vector<16xf32>
        %or3A_2411 = arith.ori %gt3A_2409, %eq3A_2410 : vector<16xi1>
        %and3A_2412 = arith.andi %or3A_2411, %gt3A_1818 : vector<16xi1>
        %jit3A_2413 = arith.constant 0xFF800000 : f32
        %broadcast_in_dim3A_2414 = vector.broadcast %jit3A_2413 : f32 to vector<16xf32>
        %select_n3A_2415 = arith.select %and3A_2412, %broadcast_in_dim3A_2414, %get3A_2382 : vector<16xi1>, vector<16xf32>
        %swap3A_2416 = arith.constant 176 : index
        %swap3A_2417 = tpu.vector_load %arg12[%swap3A_2416] {strides = array<i32>} : memref<320xf32, #tpu.memory_space<vmem>>, vector<16xf32>,
        tpu.vector_store %arg12[%swap3A_2416], %select_n3A_2415 {strides = array<i32>} : memref<320xf32, #tpu.memory_space<vmem>>, vector<16xf32>,
        %gt3A_2418 = arith.cmpf ogt, %select_n3A_2415, %max3A_2370 : vector<16xf32>
        %select_n3A_2419 = arith.select %gt3A_2418, %add3A_2406, %select_n3A_2369 : vector<16xi1>, vector<16xf32>
        %max3A_2420 = arith.maximumf %max3A_2370, %select_n3A_2415 : vector<16xf32>
        %get3A_2421 = arith.constant 192 : index
        %get3A_2422 = tpu.vector_load %arg9[%get3A_2421] {strides = array<i32>} : memref<1280xf32, #tpu.memory_space<vmem>>, vector<16xf32>,
        %get3A_2423 = arith.constant 512 : index
        %get3A_2424 = tpu.vector_load %arg9[%get3A_2423] {strides = array<i32>} : memref<1280xf32, #tpu.memory_space<vmem>>, vector<16xf32>,
        %get3A_2425 = arith.constant 832 : index
        %get3A_2426 = tpu.vector_load %arg9[%get3A_2425] {strides = array<i32>} : memref<1280xf32, #tpu.memory_space<vmem>>, vector<16xf32>,
        %get3A_2427 = arith.constant 1152 : index
        %get3A_2428 = tpu.vector_load %arg9[%get3A_2427] {strides = array<i32>} : memref<1280xf32, #tpu.memory_space<vmem>>, vector<16xf32>,
        %get3A_2429 = arith.constant 192 : index
        %get3A_2430 = tpu.vector_load %arg11[%get3A_2429] {strides = array<i32>} : memref<320xf32, #tpu.memory_space<vmem>>, vector<16xf32>,
        %get3A_2431 = arith.constant 192 : index
        %get3A_2432 = tpu.vector_load %arg12[%get3A_2431] {strides = array<i32>} : memref<320xf32, #tpu.memory_space<vmem>>, vector<16xf32>,
        %max3A_2433 = arith.maximumf %gather3A_1795, %get3A_2422 : vector<16xf32>
        %max3A_2434 = arith.maximumf %gather3A_1799, %get3A_2424 : vector<16xf32>
        %min3A_2435 = arith.minimumf %gather3A_1803, %get3A_2426 : vector<16xf32>
        %min3A_2436 = arith.minimumf %gather3A_1807, %get3A_2428 : vector<16xf32>
        %sub3A_2437 = arith.subf %min3A_2435, %max3A_2433 : vector<16xf32>
        %max3A_2438 = arith.constant 0.000000e+00 : f32
        %max3A_2439 = vector.broadcast %max3A_2438 : f32 to vector<16xf32>
        %max3A_2440 = arith.maximumf %max3A_2439, %sub3A_2437 : vector<16xf32>
        %sub3A_2441 = arith.subf %min3A_2436, %max3A_2434 : vector<16xf32>
        %max3A_2442 = arith.constant 0.000000e+00 : f32
        %max3A_2443 = vector.broadcast %max3A_2442 : f32 to vector<16xf32>
        %max3A_2444 = arith.maximumf %max3A_2443, %sub3A_2441 : vector<16xf32>
        %mul3A_2445 = arith.mulf %max3A_2440, %max3A_2444 : vector<16xf32>
        %add3A_2446 = arith.addf %gather3A_1811, %get3A_2430 : vector<16xf32>
        %sub3A_2447 = arith.subf %add3A_2446, %mul3A_2445 : vector<16xf32>
        %add3A_2448 = arith.constant 9.99999971E-10 : f32
        %add3A_2449 = vector.broadcast %add3A_2448 : f32 to vector<16xf32>
        %add3A_2450 = arith.addf %sub3A_2447, %add3A_2449 : vector<16xf32>
        %div3A_2451 = arith.divf %mul3A_2445, %add3A_2450 : vector<16xf32>
        %add3A_2452 = arith.constant 192 : i32
        %add3A_2453 = arith.addi %mul3A_2, %add3A_2452 : i32
        %convert_element_type3A_2454 = arith.sitofp %add3A_2453 : i32 to f32
        %add3A_2455 = vector.broadcast %convert_element_type3A_2454 : f32 to vector<16xf32>
        %add3A_2456 = arith.addf %add3A_2455, %convert_element_type3A_4 : vector<16xf32>
        %gt3A_2457 = arith.constant 5.000000e-01 : f32
        %gt3A_2458 = vector.broadcast %gt3A_2457 : f32 to vector<16xf32>
        %gt3A_2459 = arith.cmpf ogt, %div3A_2451, %gt3A_2458 : vector<16xf32>
        %eq3A_2460 = arith.cmpf oeq, %add3A_2456, %min3A_1727 : vector<16xf32>
        %or3A_2461 = arith.ori %gt3A_2459, %eq3A_2460 : vector<16xi1>
        %and3A_2462 = arith.andi %or3A_2461, %gt3A_1818 : vector<16xi1>
        %jit3A_2463 = arith.constant 0xFF800000 : f32
        %broadcast_in_dim3A_2464 = vector.broadcast %jit3A_2463 : f32 to vector<16xf32>
        %select_n3A_2465 = arith.select %and3A_2462, %broadcast_in_dim3A_2464, %get3A_2432 : vector<16xi1>, vector<16xf32>
        %swap3A_2466 = arith.constant 192 : index
        %swap3A_2467 = tpu.vector_load %arg12[%swap3A_2466] {strides = array<i32>} : memref<320xf32, #tpu.memory_space<vmem>>, vector<16xf32>,
        tpu.vector_store %arg12[%swap3A_2466], %select_n3A_2465 {strides = array<i32>} : memref<320xf32, #tpu.memory_space<vmem>>, vector<16xf32>,
        %gt3A_2468 = arith.cmpf ogt, %select_n3A_2465, %max3A_2420 : vector<16xf32>
        %select_n3A_2469 = arith.select %gt3A_2468, %add3A_2456, %select_n3A_2419 : vector<16xi1>, vector<16xf32>
        %max3A_2470 = arith.maximumf %max3A_2420, %select_n3A_2465 : vector<16xf32>
        %get3A_2471 = arith.constant 208 : index
        %get3A_2472 = tpu.vector_load %arg9[%get3A_2471] {strides = array<i32>} : memref<1280xf32, #tpu.memory_space<vmem>>, vector<16xf32>,
        %get3A_2473 = arith.constant 528 : index
        %get3A_2474 = tpu.vector_load %arg9[%get3A_2473] {strides = array<i32>} : memref<1280xf32, #tpu.memory_space<vmem>>, vector<16xf32>,
        %get3A_2475 = arith.constant 848 : index
        %get3A_2476 = tpu.vector_load %arg9[%get3A_2475] {strides = array<i32>} : memref<1280xf32, #tpu.memory_space<vmem>>, vector<16xf32>,
        %get3A_2477 = arith.constant 1168 : index
        %get3A_2478 = tpu.vector_load %arg9[%get3A_2477] {strides = array<i32>} : memref<1280xf32, #tpu.memory_space<vmem>>, vector<16xf32>,
        %get3A_2479 = arith.constant 208 : index
        %get3A_2480 = tpu.vector_load %arg11[%get3A_2479] {strides = array<i32>} : memref<320xf32, #tpu.memory_space<vmem>>, vector<16xf32>,
        %get3A_2481 = arith.constant 208 : index
        %get3A_2482 = tpu.vector_load %arg12[%get3A_2481] {strides = array<i32>} : memref<320xf32, #tpu.memory_space<vmem>>, vector<16xf32>,
        %max3A_2483 = arith.maximumf %gather3A_1795, %get3A_2472 : vector<16xf32>
        %max3A_2484 = arith.maximumf %gather3A_1799, %get3A_2474 : vector<16xf32>
        %min3A_2485 = arith.minimumf %gather3A_1803, %get3A_2476 : vector<16xf32>
        %min3A_2486 = arith.minimumf %gather3A_1807, %get3A_2478 : vector<16xf32>
        %sub3A_2487 = arith.subf %min3A_2485, %max3A_2483 : vector<16xf32>
        %max3A_2488 = arith.constant 0.000000e+00 : f32
        %max3A_2489 = vector.broadcast %max3A_2488 : f32 to vector<16xf32>
        %max3A_2490 = arith.maximumf %max3A_2489, %sub3A_2487 : vector<16xf32>
        %sub3A_2491 = arith.subf %min3A_2486, %max3A_2484 : vector<16xf32>
        %max3A_2492 = arith.constant 0.000000e+00 : f32
        %max3A_2493 = vector.broadcast %max3A_2492 : f32 to vector<16xf32>
        %max3A_2494 = arith.maximumf %max3A_2493, %sub3A_2491 : vector<16xf32>
        %mul3A_2495 = arith.mulf %max3A_2490, %max3A_2494 : vector<16xf32>
        %add3A_2496 = arith.addf %gather3A_1811, %get3A_2480 : vector<16xf32>
        %sub3A_2497 = arith.subf %add3A_2496, %mul3A_2495 : vector<16xf32>
        %add3A_2498 = arith.constant 9.99999971E-10 : f32
        %add3A_2499 = vector.broadcast %add3A_2498 : f32 to vector<16xf32>
        %add3A_2500 = arith.addf %sub3A_2497, %add3A_2499 : vector<16xf32>
        %div3A_2501 = arith.divf %mul3A_2495, %add3A_2500 : vector<16xf32>
        %add3A_2502 = arith.constant 208 : i32
        %add3A_2503 = arith.addi %mul3A_2, %add3A_2502 : i32
        %convert_element_type3A_2504 = arith.sitofp %add3A_2503 : i32 to f32
        %add3A_2505 = vector.broadcast %convert_element_type3A_2504 : f32 to vector<16xf32>
        %add3A_2506 = arith.addf %add3A_2505, %convert_element_type3A_4 : vector<16xf32>
        %gt3A_2507 = arith.constant 5.000000e-01 : f32
        %gt3A_2508 = vector.broadcast %gt3A_2507 : f32 to vector<16xf32>
        %gt3A_2509 = arith.cmpf ogt, %div3A_2501, %gt3A_2508 : vector<16xf32>
        %eq3A_2510 = arith.cmpf oeq, %add3A_2506, %min3A_1727 : vector<16xf32>
        %or3A_2511 = arith.ori %gt3A_2509, %eq3A_2510 : vector<16xi1>
        %and3A_2512 = arith.andi %or3A_2511, %gt3A_1818 : vector<16xi1>
        %jit3A_2513 = arith.constant 0xFF800000 : f32
        %broadcast_in_dim3A_2514 = vector.broadcast %jit3A_2513 : f32 to vector<16xf32>
        %select_n3A_2515 = arith.select %and3A_2512, %broadcast_in_dim3A_2514, %get3A_2482 : vector<16xi1>, vector<16xf32>
        %swap3A_2516 = arith.constant 208 : index
        %swap3A_2517 = tpu.vector_load %arg12[%swap3A_2516] {strides = array<i32>} : memref<320xf32, #tpu.memory_space<vmem>>, vector<16xf32>,
        tpu.vector_store %arg12[%swap3A_2516], %select_n3A_2515 {strides = array<i32>} : memref<320xf32, #tpu.memory_space<vmem>>, vector<16xf32>,
        %gt3A_2518 = arith.cmpf ogt, %select_n3A_2515, %max3A_2470 : vector<16xf32>
        %select_n3A_2519 = arith.select %gt3A_2518, %add3A_2506, %select_n3A_2469 : vector<16xi1>, vector<16xf32>
        %max3A_2520 = arith.maximumf %max3A_2470, %select_n3A_2515 : vector<16xf32>
        %get3A_2521 = arith.constant 224 : index
        %get3A_2522 = tpu.vector_load %arg9[%get3A_2521] {strides = array<i32>} : memref<1280xf32, #tpu.memory_space<vmem>>, vector<16xf32>,
        %get3A_2523 = arith.constant 544 : index
        %get3A_2524 = tpu.vector_load %arg9[%get3A_2523] {strides = array<i32>} : memref<1280xf32, #tpu.memory_space<vmem>>, vector<16xf32>,
        %get3A_2525 = arith.constant 864 : index
        %get3A_2526 = tpu.vector_load %arg9[%get3A_2525] {strides = array<i32>} : memref<1280xf32, #tpu.memory_space<vmem>>, vector<16xf32>,
        %get3A_2527 = arith.constant 1184 : index
        %get3A_2528 = tpu.vector_load %arg9[%get3A_2527] {strides = array<i32>} : memref<1280xf32, #tpu.memory_space<vmem>>, vector<16xf32>,
        %get3A_2529 = arith.constant 224 : index
        %get3A_2530 = tpu.vector_load %arg11[%get3A_2529] {strides = array<i32>} : memref<320xf32, #tpu.memory_space<vmem>>, vector<16xf32>,
        %get3A_2531 = arith.constant 224 : index
        %get3A_2532 = tpu.vector_load %arg12[%get3A_2531] {strides = array<i32>} : memref<320xf32, #tpu.memory_space<vmem>>, vector<16xf32>,
        %max3A_2533 = arith.maximumf %gather3A_1795, %get3A_2522 : vector<16xf32>
        %max3A_2534 = arith.maximumf %gather3A_1799, %get3A_2524 : vector<16xf32>
        %min3A_2535 = arith.minimumf %gather3A_1803, %get3A_2526 : vector<16xf32>
        %min3A_2536 = arith.minimumf %gather3A_1807, %get3A_2528 : vector<16xf32>
        %sub3A_2537 = arith.subf %min3A_2535, %max3A_2533 : vector<16xf32>
        %max3A_2538 = arith.constant 0.000000e+00 : f32
        %max3A_2539 = vector.broadcast %max3A_2538 : f32 to vector<16xf32>
        %max3A_2540 = arith.maximumf %max3A_2539, %sub3A_2537 : vector<16xf32>
        %sub3A_2541 = arith.subf %min3A_2536, %max3A_2534 : vector<16xf32>
        %max3A_2542 = arith.constant 0.000000e+00 : f32
        %max3A_2543 = vector.broadcast %max3A_2542 : f32 to vector<16xf32>
        %max3A_2544 = arith.maximumf %max3A_2543, %sub3A_2541 : vector<16xf32>
        %mul3A_2545 = arith.mulf %max3A_2540, %max3A_2544 : vector<16xf32>
        %add3A_2546 = arith.addf %gather3A_1811, %get3A_2530 : vector<16xf32>
        %sub3A_2547 = arith.subf %add3A_2546, %mul3A_2545 : vector<16xf32>
        %add3A_2548 = arith.constant 9.99999971E-10 : f32
        %add3A_2549 = vector.broadcast %add3A_2548 : f32 to vector<16xf32>
        %add3A_2550 = arith.addf %sub3A_2547, %add3A_2549 : vector<16xf32>
        %div3A_2551 = arith.divf %mul3A_2545, %add3A_2550 : vector<16xf32>
        %add3A_2552 = arith.constant 224 : i32
        %add3A_2553 = arith.addi %mul3A_2, %add3A_2552 : i32
        %convert_element_type3A_2554 = arith.sitofp %add3A_2553 : i32 to f32
        %add3A_2555 = vector.broadcast %convert_element_type3A_2554 : f32 to vector<16xf32>
        %add3A_2556 = arith.addf %add3A_2555, %convert_element_type3A_4 : vector<16xf32>
        %gt3A_2557 = arith.constant 5.000000e-01 : f32
        %gt3A_2558 = vector.broadcast %gt3A_2557 : f32 to vector<16xf32>
        %gt3A_2559 = arith.cmpf ogt, %div3A_2551, %gt3A_2558 : vector<16xf32>
        %eq3A_2560 = arith.cmpf oeq, %add3A_2556, %min3A_1727 : vector<16xf32>
        %or3A_2561 = arith.ori %gt3A_2559, %eq3A_2560 : vector<16xi1>
        %and3A_2562 = arith.andi %or3A_2561, %gt3A_1818 : vector<16xi1>
        %jit3A_2563 = arith.constant 0xFF800000 : f32
        %broadcast_in_dim3A_2564 = vector.broadcast %jit3A_2563 : f32 to vector<16xf32>
        %select_n3A_2565 = arith.select %and3A_2562, %broadcast_in_dim3A_2564, %get3A_2532 : vector<16xi1>, vector<16xf32>
        %swap3A_2566 = arith.constant 224 : index
        %swap3A_2567 = tpu.vector_load %arg12[%swap3A_2566] {strides = array<i32>} : memref<320xf32, #tpu.memory_space<vmem>>, vector<16xf32>,
        tpu.vector_store %arg12[%swap3A_2566], %select_n3A_2565 {strides = array<i32>} : memref<320xf32, #tpu.memory_space<vmem>>, vector<16xf32>,
        %gt3A_2568 = arith.cmpf ogt, %select_n3A_2565, %max3A_2520 : vector<16xf32>
        %select_n3A_2569 = arith.select %gt3A_2568, %add3A_2556, %select_n3A_2519 : vector<16xi1>, vector<16xf32>
        %max3A_2570 = arith.maximumf %max3A_2520, %select_n3A_2565 : vector<16xf32>
        %get3A_2571 = arith.constant 240 : index
        %get3A_2572 = tpu.vector_load %arg9[%get3A_2571] {strides = array<i32>} : memref<1280xf32, #tpu.memory_space<vmem>>, vector<16xf32>,
        %get3A_2573 = arith.constant 560 : index
        %get3A_2574 = tpu.vector_load %arg9[%get3A_2573] {strides = array<i32>} : memref<1280xf32, #tpu.memory_space<vmem>>, vector<16xf32>,
        %get3A_2575 = arith.constant 880 : index
        %get3A_2576 = tpu.vector_load %arg9[%get3A_2575] {strides = array<i32>} : memref<1280xf32, #tpu.memory_space<vmem>>, vector<16xf32>,
        %get3A_2577 = arith.constant 1200 : index
        %get3A_2578 = tpu.vector_load %arg9[%get3A_2577] {strides = array<i32>} : memref<1280xf32, #tpu.memory_space<vmem>>, vector<16xf32>,
        %get3A_2579 = arith.constant 240 : index
        %get3A_2580 = tpu.vector_load %arg11[%get3A_2579] {strides = array<i32>} : memref<320xf32, #tpu.memory_space<vmem>>, vector<16xf32>,
        %get3A_2581 = arith.constant 240 : index
        %get3A_2582 = tpu.vector_load %arg12[%get3A_2581] {strides = array<i32>} : memref<320xf32, #tpu.memory_space<vmem>>, vector<16xf32>,
        %max3A_2583 = arith.maximumf %gather3A_1795, %get3A_2572 : vector<16xf32>
        %max3A_2584 = arith.maximumf %gather3A_1799, %get3A_2574 : vector<16xf32>
        %min3A_2585 = arith.minimumf %gather3A_1803, %get3A_2576 : vector<16xf32>
        %min3A_2586 = arith.minimumf %gather3A_1807, %get3A_2578 : vector<16xf32>
        %sub3A_2587 = arith.subf %min3A_2585, %max3A_2583 : vector<16xf32>
        %max3A_2588 = arith.constant 0.000000e+00 : f32
        %max3A_2589 = vector.broadcast %max3A_2588 : f32 to vector<16xf32>
        %max3A_2590 = arith.maximumf %max3A_2589, %sub3A_2587 : vector<16xf32>
        %sub3A_2591 = arith.subf %min3A_2586, %max3A_2584 : vector<16xf32>
        %max3A_2592 = arith.constant 0.000000e+00 : f32
        %max3A_2593 = vector.broadcast %max3A_2592 : f32 to vector<16xf32>
        %max3A_2594 = arith.maximumf %max3A_2593, %sub3A_2591 : vector<16xf32>
        %mul3A_2595 = arith.mulf %max3A_2590, %max3A_2594 : vector<16xf32>
        %add3A_2596 = arith.addf %gather3A_1811, %get3A_2580 : vector<16xf32>
        %sub3A_2597 = arith.subf %add3A_2596, %mul3A_2595 : vector<16xf32>
        %add3A_2598 = arith.constant 9.99999971E-10 : f32
        %add3A_2599 = vector.broadcast %add3A_2598 : f32 to vector<16xf32>
        %add3A_2600 = arith.addf %sub3A_2597, %add3A_2599 : vector<16xf32>
        %div3A_2601 = arith.divf %mul3A_2595, %add3A_2600 : vector<16xf32>
        %add3A_2602 = arith.constant 240 : i32
        %add3A_2603 = arith.addi %mul3A_2, %add3A_2602 : i32
        %convert_element_type3A_2604 = arith.sitofp %add3A_2603 : i32 to f32
        %add3A_2605 = vector.broadcast %convert_element_type3A_2604 : f32 to vector<16xf32>
        %add3A_2606 = arith.addf %add3A_2605, %convert_element_type3A_4 : vector<16xf32>
        %gt3A_2607 = arith.constant 5.000000e-01 : f32
        %gt3A_2608 = vector.broadcast %gt3A_2607 : f32 to vector<16xf32>
        %gt3A_2609 = arith.cmpf ogt, %div3A_2601, %gt3A_2608 : vector<16xf32>
        %eq3A_2610 = arith.cmpf oeq, %add3A_2606, %min3A_1727 : vector<16xf32>
        %or3A_2611 = arith.ori %gt3A_2609, %eq3A_2610 : vector<16xi1>
        %and3A_2612 = arith.andi %or3A_2611, %gt3A_1818 : vector<16xi1>
        %jit3A_2613 = arith.constant 0xFF800000 : f32
        %broadcast_in_dim3A_2614 = vector.broadcast %jit3A_2613 : f32 to vector<16xf32>
        %select_n3A_2615 = arith.select %and3A_2612, %broadcast_in_dim3A_2614, %get3A_2582 : vector<16xi1>, vector<16xf32>
        %swap3A_2616 = arith.constant 240 : index
        %swap3A_2617 = tpu.vector_load %arg12[%swap3A_2616] {strides = array<i32>} : memref<320xf32, #tpu.memory_space<vmem>>, vector<16xf32>,
        tpu.vector_store %arg12[%swap3A_2616], %select_n3A_2615 {strides = array<i32>} : memref<320xf32, #tpu.memory_space<vmem>>, vector<16xf32>,
        %gt3A_2618 = arith.cmpf ogt, %select_n3A_2615, %max3A_2570 : vector<16xf32>
        %select_n3A_2619 = arith.select %gt3A_2618, %add3A_2606, %select_n3A_2569 : vector<16xi1>, vector<16xf32>
        %max3A_2620 = arith.maximumf %max3A_2570, %select_n3A_2615 : vector<16xf32>
        %get3A_2621 = arith.constant 256 : index
        %get3A_2622 = tpu.vector_load %arg9[%get3A_2621] {strides = array<i32>} : memref<1280xf32, #tpu.memory_space<vmem>>, vector<16xf32>,
        %get3A_2623 = arith.constant 576 : index
        %get3A_2624 = tpu.vector_load %arg9[%get3A_2623] {strides = array<i32>} : memref<1280xf32, #tpu.memory_space<vmem>>, vector<16xf32>,
        %get3A_2625 = arith.constant 896 : index
        %get3A_2626 = tpu.vector_load %arg9[%get3A_2625] {strides = array<i32>} : memref<1280xf32, #tpu.memory_space<vmem>>, vector<16xf32>,
        %get3A_2627 = arith.constant 1216 : index
        %get3A_2628 = tpu.vector_load %arg9[%get3A_2627] {strides = array<i32>} : memref<1280xf32, #tpu.memory_space<vmem>>, vector<16xf32>,
        %get3A_2629 = arith.constant 256 : index
        %get3A_2630 = tpu.vector_load %arg11[%get3A_2629] {strides = array<i32>} : memref<320xf32, #tpu.memory_space<vmem>>, vector<16xf32>,
        %get3A_2631 = arith.constant 256 : index
        %get3A_2632 = tpu.vector_load %arg12[%get3A_2631] {strides = array<i32>} : memref<320xf32, #tpu.memory_space<vmem>>, vector<16xf32>,
        %max3A_2633 = arith.maximumf %gather3A_1795, %get3A_2622 : vector<16xf32>
        %max3A_2634 = arith.maximumf %gather3A_1799, %get3A_2624 : vector<16xf32>
        %min3A_2635 = arith.minimumf %gather3A_1803, %get3A_2626 : vector<16xf32>
        %min3A_2636 = arith.minimumf %gather3A_1807, %get3A_2628 : vector<16xf32>
        %sub3A_2637 = arith.subf %min3A_2635, %max3A_2633 : vector<16xf32>
        %max3A_2638 = arith.constant 0.000000e+00 : f32
        %max3A_2639 = vector.broadcast %max3A_2638 : f32 to vector<16xf32>
        %max3A_2640 = arith.maximumf %max3A_2639, %sub3A_2637 : vector<16xf32>
        %sub3A_2641 = arith.subf %min3A_2636, %max3A_2634 : vector<16xf32>
        %max3A_2642 = arith.constant 0.000000e+00 : f32
        %max3A_2643 = vector.broadcast %max3A_2642 : f32 to vector<16xf32>
        %max3A_2644 = arith.maximumf %max3A_2643, %sub3A_2641 : vector<16xf32>
        %mul3A_2645 = arith.mulf %max3A_2640, %max3A_2644 : vector<16xf32>
        %add3A_2646 = arith.addf %gather3A_1811, %get3A_2630 : vector<16xf32>
        %sub3A_2647 = arith.subf %add3A_2646, %mul3A_2645 : vector<16xf32>
        %add3A_2648 = arith.constant 9.99999971E-10 : f32
        %add3A_2649 = vector.broadcast %add3A_2648 : f32 to vector<16xf32>
        %add3A_2650 = arith.addf %sub3A_2647, %add3A_2649 : vector<16xf32>
        %div3A_2651 = arith.divf %mul3A_2645, %add3A_2650 : vector<16xf32>
        %add3A_2652 = arith.constant 256 : i32
        %add3A_2653 = arith.addi %mul3A_2, %add3A_2652 : i32
        %convert_element_type3A_2654 = arith.sitofp %add3A_2653 : i32 to f32
        %add3A_2655 = vector.broadcast %convert_element_type3A_2654 : f32 to vector<16xf32>
        %add3A_2656 = arith.addf %add3A_2655, %convert_element_type3A_4 : vector<16xf32>
        %gt3A_2657 = arith.constant 5.000000e-01 : f32
        %gt3A_2658 = vector.broadcast %gt3A_2657 : f32 to vector<16xf32>
        %gt3A_2659 = arith.cmpf ogt, %div3A_2651, %gt3A_2658 : vector<16xf32>
        %eq3A_2660 = arith.cmpf oeq, %add3A_2656, %min3A_1727 : vector<16xf32>
        %or3A_2661 = arith.ori %gt3A_2659, %eq3A_2660 : vector<16xi1>
        %and3A_2662 = arith.andi %or3A_2661, %gt3A_1818 : vector<16xi1>
        %jit3A_2663 = arith.constant 0xFF800000 : f32
        %broadcast_in_dim3A_2664 = vector.broadcast %jit3A_2663 : f32 to vector<16xf32>
        %select_n3A_2665 = arith.select %and3A_2662, %broadcast_in_dim3A_2664, %get3A_2632 : vector<16xi1>, vector<16xf32>
        %swap3A_2666 = arith.constant 256 : index
        %swap3A_2667 = tpu.vector_load %arg12[%swap3A_2666] {strides = array<i32>} : memref<320xf32, #tpu.memory_space<vmem>>, vector<16xf32>,
        tpu.vector_store %arg12[%swap3A_2666], %select_n3A_2665 {strides = array<i32>} : memref<320xf32, #tpu.memory_space<vmem>>, vector<16xf32>,
        %gt3A_2668 = arith.cmpf ogt, %select_n3A_2665, %max3A_2620 : vector<16xf32>
        %select_n3A_2669 = arith.select %gt3A_2668, %add3A_2656, %select_n3A_2619 : vector<16xi1>, vector<16xf32>
        %max3A_2670 = arith.maximumf %max3A_2620, %select_n3A_2665 : vector<16xf32>
        %get3A_2671 = arith.constant 272 : index
        %get3A_2672 = tpu.vector_load %arg9[%get3A_2671] {strides = array<i32>} : memref<1280xf32, #tpu.memory_space<vmem>>, vector<16xf32>,
        %get3A_2673 = arith.constant 592 : index
        %get3A_2674 = tpu.vector_load %arg9[%get3A_2673] {strides = array<i32>} : memref<1280xf32, #tpu.memory_space<vmem>>, vector<16xf32>,
        %get3A_2675 = arith.constant 912 : index
        %get3A_2676 = tpu.vector_load %arg9[%get3A_2675] {strides = array<i32>} : memref<1280xf32, #tpu.memory_space<vmem>>, vector<16xf32>,
        %get3A_2677 = arith.constant 1232 : index
        %get3A_2678 = tpu.vector_load %arg9[%get3A_2677] {strides = array<i32>} : memref<1280xf32, #tpu.memory_space<vmem>>, vector<16xf32>,
        %get3A_2679 = arith.constant 272 : index
        %get3A_2680 = tpu.vector_load %arg11[%get3A_2679] {strides = array<i32>} : memref<320xf32, #tpu.memory_space<vmem>>, vector<16xf32>,
        %get3A_2681 = arith.constant 272 : index
        %get3A_2682 = tpu.vector_load %arg12[%get3A_2681] {strides = array<i32>} : memref<320xf32, #tpu.memory_space<vmem>>, vector<16xf32>,
        %max3A_2683 = arith.maximumf %gather3A_1795, %get3A_2672 : vector<16xf32>
        %max3A_2684 = arith.maximumf %gather3A_1799, %get3A_2674 : vector<16xf32>
        %min3A_2685 = arith.minimumf %gather3A_1803, %get3A_2676 : vector<16xf32>
        %min3A_2686 = arith.minimumf %gather3A_1807, %get3A_2678 : vector<16xf32>
        %sub3A_2687 = arith.subf %min3A_2685, %max3A_2683 : vector<16xf32>
        %max3A_2688 = arith.constant 0.000000e+00 : f32
        %max3A_2689 = vector.broadcast %max3A_2688 : f32 to vector<16xf32>
        %max3A_2690 = arith.maximumf %max3A_2689, %sub3A_2687 : vector<16xf32>
        %sub3A_2691 = arith.subf %min3A_2686, %max3A_2684 : vector<16xf32>
        %max3A_2692 = arith.constant 0.000000e+00 : f32
        %max3A_2693 = vector.broadcast %max3A_2692 : f32 to vector<16xf32>
        %max3A_2694 = arith.maximumf %max3A_2693, %sub3A_2691 : vector<16xf32>
        %mul3A_2695 = arith.mulf %max3A_2690, %max3A_2694 : vector<16xf32>
        %add3A_2696 = arith.addf %gather3A_1811, %get3A_2680 : vector<16xf32>
        %sub3A_2697 = arith.subf %add3A_2696, %mul3A_2695 : vector<16xf32>
        %add3A_2698 = arith.constant 9.99999971E-10 : f32
        %add3A_2699 = vector.broadcast %add3A_2698 : f32 to vector<16xf32>
        %add3A_2700 = arith.addf %sub3A_2697, %add3A_2699 : vector<16xf32>
        %div3A_2701 = arith.divf %mul3A_2695, %add3A_2700 : vector<16xf32>
        %add3A_2702 = arith.constant 272 : i32
        %add3A_2703 = arith.addi %mul3A_2, %add3A_2702 : i32
        %convert_element_type3A_2704 = arith.sitofp %add3A_2703 : i32 to f32
        %add3A_2705 = vector.broadcast %convert_element_type3A_2704 : f32 to vector<16xf32>
        %add3A_2706 = arith.addf %add3A_2705, %convert_element_type3A_4 : vector<16xf32>
        %gt3A_2707 = arith.constant 5.000000e-01 : f32
        %gt3A_2708 = vector.broadcast %gt3A_2707 : f32 to vector<16xf32>
        %gt3A_2709 = arith.cmpf ogt, %div3A_2701, %gt3A_2708 : vector<16xf32>
        %eq3A_2710 = arith.cmpf oeq, %add3A_2706, %min3A_1727 : vector<16xf32>
        %or3A_2711 = arith.ori %gt3A_2709, %eq3A_2710 : vector<16xi1>
        %and3A_2712 = arith.andi %or3A_2711, %gt3A_1818 : vector<16xi1>
        %jit3A_2713 = arith.constant 0xFF800000 : f32
        %broadcast_in_dim3A_2714 = vector.broadcast %jit3A_2713 : f32 to vector<16xf32>
        %select_n3A_2715 = arith.select %and3A_2712, %broadcast_in_dim3A_2714, %get3A_2682 : vector<16xi1>, vector<16xf32>
        %swap3A_2716 = arith.constant 272 : index
        %swap3A_2717 = tpu.vector_load %arg12[%swap3A_2716] {strides = array<i32>} : memref<320xf32, #tpu.memory_space<vmem>>, vector<16xf32>,
        tpu.vector_store %arg12[%swap3A_2716], %select_n3A_2715 {strides = array<i32>} : memref<320xf32, #tpu.memory_space<vmem>>, vector<16xf32>,
        %gt3A_2718 = arith.cmpf ogt, %select_n3A_2715, %max3A_2670 : vector<16xf32>
        %select_n3A_2719 = arith.select %gt3A_2718, %add3A_2706, %select_n3A_2669 : vector<16xi1>, vector<16xf32>
        %max3A_2720 = arith.maximumf %max3A_2670, %select_n3A_2715 : vector<16xf32>
        %get3A_2721 = arith.constant 288 : index
        %get3A_2722 = tpu.vector_load %arg9[%get3A_2721] {strides = array<i32>} : memref<1280xf32, #tpu.memory_space<vmem>>, vector<16xf32>,
        %get3A_2723 = arith.constant 608 : index
        %get3A_2724 = tpu.vector_load %arg9[%get3A_2723] {strides = array<i32>} : memref<1280xf32, #tpu.memory_space<vmem>>, vector<16xf32>,
        %get3A_2725 = arith.constant 928 : index
        %get3A_2726 = tpu.vector_load %arg9[%get3A_2725] {strides = array<i32>} : memref<1280xf32, #tpu.memory_space<vmem>>, vector<16xf32>,
        %get3A_2727 = arith.constant 1248 : index
        %get3A_2728 = tpu.vector_load %arg9[%get3A_2727] {strides = array<i32>} : memref<1280xf32, #tpu.memory_space<vmem>>, vector<16xf32>,
        %get3A_2729 = arith.constant 288 : index
        %get3A_2730 = tpu.vector_load %arg11[%get3A_2729] {strides = array<i32>} : memref<320xf32, #tpu.memory_space<vmem>>, vector<16xf32>,
        %get3A_2731 = arith.constant 288 : index
        %get3A_2732 = tpu.vector_load %arg12[%get3A_2731] {strides = array<i32>} : memref<320xf32, #tpu.memory_space<vmem>>, vector<16xf32>,
        %max3A_2733 = arith.maximumf %gather3A_1795, %get3A_2722 : vector<16xf32>
        %max3A_2734 = arith.maximumf %gather3A_1799, %get3A_2724 : vector<16xf32>
        %min3A_2735 = arith.minimumf %gather3A_1803, %get3A_2726 : vector<16xf32>
        %min3A_2736 = arith.minimumf %gather3A_1807, %get3A_2728 : vector<16xf32>
        %sub3A_2737 = arith.subf %min3A_2735, %max3A_2733 : vector<16xf32>
        %max3A_2738 = arith.constant 0.000000e+00 : f32
        %max3A_2739 = vector.broadcast %max3A_2738 : f32 to vector<16xf32>
        %max3A_2740 = arith.maximumf %max3A_2739, %sub3A_2737 : vector<16xf32>
        %sub3A_2741 = arith.subf %min3A_2736, %max3A_2734 : vector<16xf32>
        %max3A_2742 = arith.constant 0.000000e+00 : f32
        %max3A_2743 = vector.broadcast %max3A_2742 : f32 to vector<16xf32>
        %max3A_2744 = arith.maximumf %max3A_2743, %sub3A_2741 : vector<16xf32>
        %mul3A_2745 = arith.mulf %max3A_2740, %max3A_2744 : vector<16xf32>
        %add3A_2746 = arith.addf %gather3A_1811, %get3A_2730 : vector<16xf32>
        %sub3A_2747 = arith.subf %add3A_2746, %mul3A_2745 : vector<16xf32>
        %add3A_2748 = arith.constant 9.99999971E-10 : f32
        %add3A_2749 = vector.broadcast %add3A_2748 : f32 to vector<16xf32>
        %add3A_2750 = arith.addf %sub3A_2747, %add3A_2749 : vector<16xf32>
        %div3A_2751 = arith.divf %mul3A_2745, %add3A_2750 : vector<16xf32>
        %add3A_2752 = arith.constant 288 : i32
        %add3A_2753 = arith.addi %mul3A_2, %add3A_2752 : i32
        %convert_element_type3A_2754 = arith.sitofp %add3A_2753 : i32 to f32
        %add3A_2755 = vector.broadcast %convert_element_type3A_2754 : f32 to vector<16xf32>
        %add3A_2756 = arith.addf %add3A_2755, %convert_element_type3A_4 : vector<16xf32>
        %gt3A_2757 = arith.constant 5.000000e-01 : f32
        %gt3A_2758 = vector.broadcast %gt3A_2757 : f32 to vector<16xf32>
        %gt3A_2759 = arith.cmpf ogt, %div3A_2751, %gt3A_2758 : vector<16xf32>
        %eq3A_2760 = arith.cmpf oeq, %add3A_2756, %min3A_1727 : vector<16xf32>
        %or3A_2761 = arith.ori %gt3A_2759, %eq3A_2760 : vector<16xi1>
        %and3A_2762 = arith.andi %or3A_2761, %gt3A_1818 : vector<16xi1>
        %jit3A_2763 = arith.constant 0xFF800000 : f32
        %broadcast_in_dim3A_2764 = vector.broadcast %jit3A_2763 : f32 to vector<16xf32>
        %select_n3A_2765 = arith.select %and3A_2762, %broadcast_in_dim3A_2764, %get3A_2732 : vector<16xi1>, vector<16xf32>
        %swap3A_2766 = arith.constant 288 : index
        %swap3A_2767 = tpu.vector_load %arg12[%swap3A_2766] {strides = array<i32>} : memref<320xf32, #tpu.memory_space<vmem>>, vector<16xf32>,
        tpu.vector_store %arg12[%swap3A_2766], %select_n3A_2765 {strides = array<i32>} : memref<320xf32, #tpu.memory_space<vmem>>, vector<16xf32>,
        %gt3A_2768 = arith.cmpf ogt, %select_n3A_2765, %max3A_2720 : vector<16xf32>
        %select_n3A_2769 = arith.select %gt3A_2768, %add3A_2756, %select_n3A_2719 : vector<16xi1>, vector<16xf32>
        %max3A_2770 = arith.maximumf %max3A_2720, %select_n3A_2765 : vector<16xf32>
        %get3A_2771 = arith.constant 304 : index
        %get3A_2772 = tpu.vector_load %arg9[%get3A_2771] {strides = array<i32>} : memref<1280xf32, #tpu.memory_space<vmem>>, vector<16xf32>,
        %get3A_2773 = arith.constant 624 : index
        %get3A_2774 = tpu.vector_load %arg9[%get3A_2773] {strides = array<i32>} : memref<1280xf32, #tpu.memory_space<vmem>>, vector<16xf32>,
        %get3A_2775 = arith.constant 944 : index
        %get3A_2776 = tpu.vector_load %arg9[%get3A_2775] {strides = array<i32>} : memref<1280xf32, #tpu.memory_space<vmem>>, vector<16xf32>,
        %get3A_2777 = arith.constant 1264 : index
        %get3A_2778 = tpu.vector_load %arg9[%get3A_2777] {strides = array<i32>} : memref<1280xf32, #tpu.memory_space<vmem>>, vector<16xf32>,
        %get3A_2779 = arith.constant 304 : index
        %get3A_2780 = tpu.vector_load %arg11[%get3A_2779] {strides = array<i32>} : memref<320xf32, #tpu.memory_space<vmem>>, vector<16xf32>,
        %get3A_2781 = arith.constant 304 : index
        %get3A_2782 = tpu.vector_load %arg12[%get3A_2781] {strides = array<i32>} : memref<320xf32, #tpu.memory_space<vmem>>, vector<16xf32>,
        %max3A_2783 = arith.maximumf %gather3A_1795, %get3A_2772 : vector<16xf32>
        %max3A_2784 = arith.maximumf %gather3A_1799, %get3A_2774 : vector<16xf32>
        %min3A_2785 = arith.minimumf %gather3A_1803, %get3A_2776 : vector<16xf32>
        %min3A_2786 = arith.minimumf %gather3A_1807, %get3A_2778 : vector<16xf32>
        %sub3A_2787 = arith.subf %min3A_2785, %max3A_2783 : vector<16xf32>
        %max3A_2788 = arith.constant 0.000000e+00 : f32
        %max3A_2789 = vector.broadcast %max3A_2788 : f32 to vector<16xf32>
        %max3A_2790 = arith.maximumf %max3A_2789, %sub3A_2787 : vector<16xf32>
        %sub3A_2791 = arith.subf %min3A_2786, %max3A_2784 : vector<16xf32>
        %max3A_2792 = arith.constant 0.000000e+00 : f32
        %max3A_2793 = vector.broadcast %max3A_2792 : f32 to vector<16xf32>
        %max3A_2794 = arith.maximumf %max3A_2793, %sub3A_2791 : vector<16xf32>
        %mul3A_2795 = arith.mulf %max3A_2790, %max3A_2794 : vector<16xf32>
        %add3A_2796 = arith.addf %gather3A_1811, %get3A_2780 : vector<16xf32>
        %sub3A_2797 = arith.subf %add3A_2796, %mul3A_2795 : vector<16xf32>
        %add3A_2798 = arith.constant 9.99999971E-10 : f32
        %add3A_2799 = vector.broadcast %add3A_2798 : f32 to vector<16xf32>
        %add3A_2800 = arith.addf %sub3A_2797, %add3A_2799 : vector<16xf32>
        %div3A_2801 = arith.divf %mul3A_2795, %add3A_2800 : vector<16xf32>
        %add3A_2802 = arith.constant 304 : i32
        %add3A_2803 = arith.addi %mul3A_2, %add3A_2802 : i32
        %convert_element_type3A_2804 = arith.sitofp %add3A_2803 : i32 to f32
        %add3A_2805 = vector.broadcast %convert_element_type3A_2804 : f32 to vector<16xf32>
        %add3A_2806 = arith.addf %add3A_2805, %convert_element_type3A_4 : vector<16xf32>
        %gt3A_2807 = arith.constant 5.000000e-01 : f32
        %gt3A_2808 = vector.broadcast %gt3A_2807 : f32 to vector<16xf32>
        %gt3A_2809 = arith.cmpf ogt, %div3A_2801, %gt3A_2808 : vector<16xf32>
        %eq3A_2810 = arith.cmpf oeq, %add3A_2806, %min3A_1727 : vector<16xf32>
        %or3A_2811 = arith.ori %gt3A_2809, %eq3A_2810 : vector<16xi1>
        %and3A_2812 = arith.andi %or3A_2811, %gt3A_1818 : vector<16xi1>
        %jit3A_2813 = arith.constant 0xFF800000 : f32
        %broadcast_in_dim3A_2814 = vector.broadcast %jit3A_2813 : f32 to vector<16xf32>
        %select_n3A_2815 = arith.select %and3A_2812, %broadcast_in_dim3A_2814, %get3A_2782 : vector<16xi1>, vector<16xf32>
        %swap3A_2816 = arith.constant 304 : index
        %swap3A_2817 = tpu.vector_load %arg12[%swap3A_2816] {strides = array<i32>} : memref<320xf32, #tpu.memory_space<vmem>>, vector<16xf32>,
        tpu.vector_store %arg12[%swap3A_2816], %select_n3A_2815 {strides = array<i32>} : memref<320xf32, #tpu.memory_space<vmem>>, vector<16xf32>,
        %gt3A_2818 = arith.cmpf ogt, %select_n3A_2815, %max3A_2770 : vector<16xf32>
        %select_n3A_2819 = arith.select %gt3A_2818, %add3A_2806, %select_n3A_2769 : vector<16xi1>, vector<16xf32>
        %max3A_2820 = arith.maximumf %max3A_2770, %select_n3A_2815 : vector<16xf32>
        %eq3A_2821 = arith.constant 0 : i32
        %eq3A_2822 = arith.cmpi eq, %arg1, %eq3A_2821 : i32
        %convert_element_type3A_2823 = arith.extui %eq3A_2822 : i1 to i32
        %cond3A_2824 = arith.constant 0 : i32
        %cond3A_2825 = arith.cmpi ne, %convert_element_type3A_2823, %cond3A_2824 : i32
        scf.if %cond3A_2825 {
          %broadcast_in_dim3A_2828 = vector.broadcast %scan3A_1416 : i32 to vector<16xi32>
          %eq3A_2829 = arith.constant 0 : i32
          %eq3A_2830 = vector.broadcast %eq3A_2829 : i32 to vector<16xi32>
          %eq3A_2831 = arith.cmpi eq, %iota3A, %eq3A_2830 : vector<16xi32>
          %and3A_2832 = arith.andi %eq3A_2831, %gt3A_1818 : vector<16xi1>
          tpu.vector_store_idx %arg16[%broadcast_in_dim3A_2828], %max3A_1667 masked %and3A_2832 : memref<128xf32, #tpu.memory_space<vmem>>[vector<16xi32>], vector<16xf32>, vector<16xi1>
          tpu.vector_store_idx %arg17[%broadcast_in_dim3A_2828], %min3A_1727 masked %and3A_2832 : memref<128xf32, #tpu.memory_space<vmem>>[vector<16xi32>], vector<16xf32>, vector<16xi1>
          tpu.vector_store_idx %arg18[%broadcast_in_dim3A_2828], %gather3A_1815 masked %and3A_2832 : memref<128xf32, #tpu.memory_space<vmem>>[vector<16xi32>], vector<16xf32>, vector<16xi1>
        } else {
        }
        %convert_element_type3A_2826 = arith.extui %gt3A_1818 : vector<16xi1> to vector<16xi32>
        %add3A_2827 = arith.addi %scan3A_1417, %convert_element_type3A_2826 : vector<16xi32>
        scf.yield %add3A_2827, %max3A_2820, %select_n3A_2819 : vector<16xi32>, vector<16xf32>, vector<16xf32>
      }
      %scan3A_1410 = arith.constant 100 : i32
      %eq3A_1411 = arith.constant 0 : i32
      %eq3A_1412 = arith.cmpi eq, %arg1, %eq3A_1411 : i32
      %convert_element_type3A_1413 = arith.extui %eq3A_1412 : i1 to i32
      %cond3A_1414 = arith.constant 0 : i32
      %cond3A_1415 = arith.cmpi ne, %convert_element_type3A_1413, %cond3A_1414 : i32
      scf.if %cond3A_1415 {
        %add3A_1416 = arith.constant 0 : i32
        %add3A_1417 = vector.broadcast %add3A_1416 : i32 to vector<16xi32>
        %add3A_1418 = arith.addi %add3A_1417, %iota3A : vector<16xi32>
        %lt3A = arith.cmpi slt, %add3A_1418, %scan3A_1409#0 : vector<16xi32>
        %get3A_1419 = arith.constant 0 : index
        %get3A_1420 = tpu.vector_load %arg16[%get3A_1419] {strides = array<i32>} : memref<128xf32, #tpu.memory_space<vmem>>, vector<16xf32>,
        %get3A_1421 = arith.constant 0 : index
        %get3A_1422 = tpu.vector_load %arg17[%get3A_1421] {strides = array<i32>} : memref<128xf32, #tpu.memory_space<vmem>>, vector<16xf32>,
        %get3A_1423 = arith.constant 0 : index
        %get3A_1424 = tpu.vector_load %arg18[%get3A_1423] {strides = array<i32>} : memref<128xf32, #tpu.memory_space<vmem>>, vector<16xf32>,
        %jit3A_1425 = arith.constant -1.000000e+00 : f32
        %broadcast_in_dim3A_1426 = vector.broadcast %jit3A_1425 : f32 to vector<16xf32>
        %select_n3A_1427 = arith.select %lt3A, %get3A_1420, %broadcast_in_dim3A_1426 : vector<16xi1>, vector<16xf32>
        %swap3A_1428 = arith.constant 0 : index
        %swap3A_1429 = tpu.vector_load %arg21[%swap3A_1428] {strides = array<i32>} : memref<128xf32, #tpu.memory_space<vmem>>, vector<16xf32>,
        tpu.vector_store %arg21[%swap3A_1428], %select_n3A_1427 {strides = array<i32>} : memref<128xf32, #tpu.memory_space<vmem>>, vector<16xf32>,
        %jit3A_1430 = arith.constant -1.000000e+00 : f32
        %broadcast_in_dim3A_1431 = vector.broadcast %jit3A_1430 : f32 to vector<16xf32>
        %select_n3A_1432 = arith.select %lt3A, %get3A_1424, %broadcast_in_dim3A_1431 : vector<16xi1>, vector<16xf32>
        %convert_element_type3A_1433 = arith.fptosi %select_n3A_1432 : vector<16xf32> to vector<16xi32>
        %swap3A_1434 = arith.constant 0 : index
        %swap3A_1435 = tpu.vector_load %arg22[%swap3A_1434] {strides = array<i32>} : memref<128xi32, #tpu.memory_space<vmem>>, vector<16xi32>,
        tpu.vector_store %arg22[%swap3A_1434], %convert_element_type3A_1433 {strides = array<i32>} : memref<128xi32, #tpu.memory_space<vmem>>, vector<16xi32>,
        %convert_element_type3A_1436 = arith.extui %lt3A : vector<16xi1> to vector<16xi32>
        %swap3A_1437 = arith.constant 0 : index
        %swap3A_1438 = tpu.vector_load %arg23[%swap3A_1437] {strides = array<i32>} : memref<128xi32, #tpu.memory_space<vmem>>, vector<16xi32>,
        tpu.vector_store %arg23[%swap3A_1437], %convert_element_type3A_1436 {strides = array<i32>} : memref<128xi32, #tpu.memory_space<vmem>>, vector<16xi32>,
        %convert_element_type3A_1439 = arith.fptosi %get3A_1422 : vector<16xf32> to vector<16xi32>
        %jit3A_1440 = arith.constant 5120 : i32
        %broadcast_in_dim3A_1441 = vector.broadcast %jit3A_1440 : i32 to vector<16xi32>
        %select_n3A_1442 = arith.select %lt3A, %convert_element_type3A_1439, %broadcast_in_dim3A_1441 : vector<16xi1>, vector<16xi32>
        %swap3A_1443 = arith.constant 0 : index
        %swap3A_1444 = tpu.vector_load %arg19[%swap3A_1443] {strides = array<i32>} : memref<128xi32, #tpu.memory_space<vmem>>, vector<16xi32>,
        tpu.vector_store %arg19[%swap3A_1443], %select_n3A_1442 {strides = array<i32>} : memref<128xi32, #tpu.memory_space<vmem>>, vector<16xi32>,
        %add3A_1445 = arith.constant 16 : i32
        %add3A_1446 = vector.broadcast %add3A_1445 : i32 to vector<16xi32>
        %add3A_1447 = arith.addi %add3A_1446, %iota3A : vector<16xi32>
        %lt3A_1448 = arith.cmpi slt, %add3A_1447, %scan3A_1409#0 : vector<16xi32>
        %get3A_1449 = arith.constant 16 : index
        %get3A_1450 = tpu.vector_load %arg16[%get3A_1449] {strides = array<i32>} : memref<128xf32, #tpu.memory_space<vmem>>, vector<16xf32>,
        %get3A_1451 = arith.constant 16 : index
        %get3A_1452 = tpu.vector_load %arg17[%get3A_1451] {strides = array<i32>} : memref<128xf32, #tpu.memory_space<vmem>>, vector<16xf32>,
        %get3A_1453 = arith.constant 16 : index
        %get3A_1454 = tpu.vector_load %arg18[%get3A_1453] {strides = array<i32>} : memref<128xf32, #tpu.memory_space<vmem>>, vector<16xf32>,
        %jit3A_1455 = arith.constant -1.000000e+00 : f32
        %broadcast_in_dim3A_1456 = vector.broadcast %jit3A_1455 : f32 to vector<16xf32>
        %select_n3A_1457 = arith.select %lt3A_1448, %get3A_1450, %broadcast_in_dim3A_1456 : vector<16xi1>, vector<16xf32>
        %swap3A_1458 = arith.constant 16 : index
        %swap3A_1459 = tpu.vector_load %arg21[%swap3A_1458] {strides = array<i32>} : memref<128xf32, #tpu.memory_space<vmem>>, vector<16xf32>,
        tpu.vector_store %arg21[%swap3A_1458], %select_n3A_1457 {strides = array<i32>} : memref<128xf32, #tpu.memory_space<vmem>>, vector<16xf32>,
        %jit3A_1460 = arith.constant -1.000000e+00 : f32
        %broadcast_in_dim3A_1461 = vector.broadcast %jit3A_1460 : f32 to vector<16xf32>
        %select_n3A_1462 = arith.select %lt3A_1448, %get3A_1454, %broadcast_in_dim3A_1461 : vector<16xi1>, vector<16xf32>
        %convert_element_type3A_1463 = arith.fptosi %select_n3A_1462 : vector<16xf32> to vector<16xi32>
        %swap3A_1464 = arith.constant 16 : index
        %swap3A_1465 = tpu.vector_load %arg22[%swap3A_1464] {strides = array<i32>} : memref<128xi32, #tpu.memory_space<vmem>>, vector<16xi32>,
        tpu.vector_store %arg22[%swap3A_1464], %convert_element_type3A_1463 {strides = array<i32>} : memref<128xi32, #tpu.memory_space<vmem>>, vector<16xi32>,
        %convert_element_type3A_1466 = arith.extui %lt3A_1448 : vector<16xi1> to vector<16xi32>
        %swap3A_1467 = arith.constant 16 : index
        %swap3A_1468 = tpu.vector_load %arg23[%swap3A_1467] {strides = array<i32>} : memref<128xi32, #tpu.memory_space<vmem>>, vector<16xi32>,
        tpu.vector_store %arg23[%swap3A_1467], %convert_element_type3A_1466 {strides = array<i32>} : memref<128xi32, #tpu.memory_space<vmem>>, vector<16xi32>,
        %convert_element_type3A_1469 = arith.fptosi %get3A_1452 : vector<16xf32> to vector<16xi32>
        %jit3A_1470 = arith.constant 5120 : i32
        %broadcast_in_dim3A_1471 = vector.broadcast %jit3A_1470 : i32 to vector<16xi32>
        %select_n3A_1472 = arith.select %lt3A_1448, %convert_element_type3A_1469, %broadcast_in_dim3A_1471 : vector<16xi1>, vector<16xi32>
        %swap3A_1473 = arith.constant 16 : index
        %swap3A_1474 = tpu.vector_load %arg19[%swap3A_1473] {strides = array<i32>} : memref<128xi32, #tpu.memory_space<vmem>>, vector<16xi32>,
        tpu.vector_store %arg19[%swap3A_1473], %select_n3A_1472 {strides = array<i32>} : memref<128xi32, #tpu.memory_space<vmem>>, vector<16xi32>,
        %add3A_1475 = arith.constant 32 : i32
        %add3A_1476 = vector.broadcast %add3A_1475 : i32 to vector<16xi32>
        %add3A_1477 = arith.addi %add3A_1476, %iota3A : vector<16xi32>
        %lt3A_1478 = arith.cmpi slt, %add3A_1477, %scan3A_1409#0 : vector<16xi32>
        %get3A_1479 = arith.constant 32 : index
        %get3A_1480 = tpu.vector_load %arg16[%get3A_1479] {strides = array<i32>} : memref<128xf32, #tpu.memory_space<vmem>>, vector<16xf32>,
        %get3A_1481 = arith.constant 32 : index
        %get3A_1482 = tpu.vector_load %arg17[%get3A_1481] {strides = array<i32>} : memref<128xf32, #tpu.memory_space<vmem>>, vector<16xf32>,
        %get3A_1483 = arith.constant 32 : index
        %get3A_1484 = tpu.vector_load %arg18[%get3A_1483] {strides = array<i32>} : memref<128xf32, #tpu.memory_space<vmem>>, vector<16xf32>,
        %jit3A_1485 = arith.constant -1.000000e+00 : f32
        %broadcast_in_dim3A_1486 = vector.broadcast %jit3A_1485 : f32 to vector<16xf32>
        %select_n3A_1487 = arith.select %lt3A_1478, %get3A_1480, %broadcast_in_dim3A_1486 : vector<16xi1>, vector<16xf32>
        %swap3A_1488 = arith.constant 32 : index
        %swap3A_1489 = tpu.vector_load %arg21[%swap3A_1488] {strides = array<i32>} : memref<128xf32, #tpu.memory_space<vmem>>, vector<16xf32>,
        tpu.vector_store %arg21[%swap3A_1488], %select_n3A_1487 {strides = array<i32>} : memref<128xf32, #tpu.memory_space<vmem>>, vector<16xf32>,
        %jit3A_1490 = arith.constant -1.000000e+00 : f32
        %broadcast_in_dim3A_1491 = vector.broadcast %jit3A_1490 : f32 to vector<16xf32>
        %select_n3A_1492 = arith.select %lt3A_1478, %get3A_1484, %broadcast_in_dim3A_1491 : vector<16xi1>, vector<16xf32>
        %convert_element_type3A_1493 = arith.fptosi %select_n3A_1492 : vector<16xf32> to vector<16xi32>
        %swap3A_1494 = arith.constant 32 : index
        %swap3A_1495 = tpu.vector_load %arg22[%swap3A_1494] {strides = array<i32>} : memref<128xi32, #tpu.memory_space<vmem>>, vector<16xi32>,
        tpu.vector_store %arg22[%swap3A_1494], %convert_element_type3A_1493 {strides = array<i32>} : memref<128xi32, #tpu.memory_space<vmem>>, vector<16xi32>,
        %convert_element_type3A_1496 = arith.extui %lt3A_1478 : vector<16xi1> to vector<16xi32>
        %swap3A_1497 = arith.constant 32 : index
        %swap3A_1498 = tpu.vector_load %arg23[%swap3A_1497] {strides = array<i32>} : memref<128xi32, #tpu.memory_space<vmem>>, vector<16xi32>,
        tpu.vector_store %arg23[%swap3A_1497], %convert_element_type3A_1496 {strides = array<i32>} : memref<128xi32, #tpu.memory_space<vmem>>, vector<16xi32>,
        %convert_element_type3A_1499 = arith.fptosi %get3A_1482 : vector<16xf32> to vector<16xi32>
        %jit3A_1500 = arith.constant 5120 : i32
        %broadcast_in_dim3A_1501 = vector.broadcast %jit3A_1500 : i32 to vector<16xi32>
        %select_n3A_1502 = arith.select %lt3A_1478, %convert_element_type3A_1499, %broadcast_in_dim3A_1501 : vector<16xi1>, vector<16xi32>
        %swap3A_1503 = arith.constant 32 : index
        %swap3A_1504 = tpu.vector_load %arg19[%swap3A_1503] {strides = array<i32>} : memref<128xi32, #tpu.memory_space<vmem>>, vector<16xi32>,
        tpu.vector_store %arg19[%swap3A_1503], %select_n3A_1502 {strides = array<i32>} : memref<128xi32, #tpu.memory_space<vmem>>, vector<16xi32>,
        %add3A_1505 = arith.constant 48 : i32
        %add3A_1506 = vector.broadcast %add3A_1505 : i32 to vector<16xi32>
        %add3A_1507 = arith.addi %add3A_1506, %iota3A : vector<16xi32>
        %lt3A_1508 = arith.cmpi slt, %add3A_1507, %scan3A_1409#0 : vector<16xi32>
        %get3A_1509 = arith.constant 48 : index
        %get3A_1510 = tpu.vector_load %arg16[%get3A_1509] {strides = array<i32>} : memref<128xf32, #tpu.memory_space<vmem>>, vector<16xf32>,
        %get3A_1511 = arith.constant 48 : index
        %get3A_1512 = tpu.vector_load %arg17[%get3A_1511] {strides = array<i32>} : memref<128xf32, #tpu.memory_space<vmem>>, vector<16xf32>,
        %get3A_1513 = arith.constant 48 : index
        %get3A_1514 = tpu.vector_load %arg18[%get3A_1513] {strides = array<i32>} : memref<128xf32, #tpu.memory_space<vmem>>, vector<16xf32>,
        %jit3A_1515 = arith.constant -1.000000e+00 : f32
        %broadcast_in_dim3A_1516 = vector.broadcast %jit3A_1515 : f32 to vector<16xf32>
        %select_n3A_1517 = arith.select %lt3A_1508, %get3A_1510, %broadcast_in_dim3A_1516 : vector<16xi1>, vector<16xf32>
        %swap3A_1518 = arith.constant 48 : index
        %swap3A_1519 = tpu.vector_load %arg21[%swap3A_1518] {strides = array<i32>} : memref<128xf32, #tpu.memory_space<vmem>>, vector<16xf32>,
        tpu.vector_store %arg21[%swap3A_1518], %select_n3A_1517 {strides = array<i32>} : memref<128xf32, #tpu.memory_space<vmem>>, vector<16xf32>,
        %jit3A_1520 = arith.constant -1.000000e+00 : f32
        %broadcast_in_dim3A_1521 = vector.broadcast %jit3A_1520 : f32 to vector<16xf32>
        %select_n3A_1522 = arith.select %lt3A_1508, %get3A_1514, %broadcast_in_dim3A_1521 : vector<16xi1>, vector<16xf32>
        %convert_element_type3A_1523 = arith.fptosi %select_n3A_1522 : vector<16xf32> to vector<16xi32>
        %swap3A_1524 = arith.constant 48 : index
        %swap3A_1525 = tpu.vector_load %arg22[%swap3A_1524] {strides = array<i32>} : memref<128xi32, #tpu.memory_space<vmem>>, vector<16xi32>,
        tpu.vector_store %arg22[%swap3A_1524], %convert_element_type3A_1523 {strides = array<i32>} : memref<128xi32, #tpu.memory_space<vmem>>, vector<16xi32>,
        %convert_element_type3A_1526 = arith.extui %lt3A_1508 : vector<16xi1> to vector<16xi32>
        %swap3A_1527 = arith.constant 48 : index
        %swap3A_1528 = tpu.vector_load %arg23[%swap3A_1527] {strides = array<i32>} : memref<128xi32, #tpu.memory_space<vmem>>, vector<16xi32>,
        tpu.vector_store %arg23[%swap3A_1527], %convert_element_type3A_1526 {strides = array<i32>} : memref<128xi32, #tpu.memory_space<vmem>>, vector<16xi32>,
        %convert_element_type3A_1529 = arith.fptosi %get3A_1512 : vector<16xf32> to vector<16xi32>
        %jit3A_1530 = arith.constant 5120 : i32
        %broadcast_in_dim3A_1531 = vector.broadcast %jit3A_1530 : i32 to vector<16xi32>
        %select_n3A_1532 = arith.select %lt3A_1508, %convert_element_type3A_1529, %broadcast_in_dim3A_1531 : vector<16xi1>, vector<16xi32>
        %swap3A_1533 = arith.constant 48 : index
        %swap3A_1534 = tpu.vector_load %arg19[%swap3A_1533] {strides = array<i32>} : memref<128xi32, #tpu.memory_space<vmem>>, vector<16xi32>,
        tpu.vector_store %arg19[%swap3A_1533], %select_n3A_1532 {strides = array<i32>} : memref<128xi32, #tpu.memory_space<vmem>>, vector<16xi32>,
        %add3A_1535 = arith.constant 64 : i32
        %add3A_1536 = vector.broadcast %add3A_1535 : i32 to vector<16xi32>
        %add3A_1537 = arith.addi %add3A_1536, %iota3A : vector<16xi32>
        %lt3A_1538 = arith.cmpi slt, %add3A_1537, %scan3A_1409#0 : vector<16xi32>
        %get3A_1539 = arith.constant 64 : index
        %get3A_1540 = tpu.vector_load %arg16[%get3A_1539] {strides = array<i32>} : memref<128xf32, #tpu.memory_space<vmem>>, vector<16xf32>,
        %get3A_1541 = arith.constant 64 : index
        %get3A_1542 = tpu.vector_load %arg17[%get3A_1541] {strides = array<i32>} : memref<128xf32, #tpu.memory_space<vmem>>, vector<16xf32>,
        %get3A_1543 = arith.constant 64 : index
        %get3A_1544 = tpu.vector_load %arg18[%get3A_1543] {strides = array<i32>} : memref<128xf32, #tpu.memory_space<vmem>>, vector<16xf32>,
        %jit3A_1545 = arith.constant -1.000000e+00 : f32
        %broadcast_in_dim3A_1546 = vector.broadcast %jit3A_1545 : f32 to vector<16xf32>
        %select_n3A_1547 = arith.select %lt3A_1538, %get3A_1540, %broadcast_in_dim3A_1546 : vector<16xi1>, vector<16xf32>
        %swap3A_1548 = arith.constant 64 : index
        %swap3A_1549 = tpu.vector_load %arg21[%swap3A_1548] {strides = array<i32>} : memref<128xf32, #tpu.memory_space<vmem>>, vector<16xf32>,
        tpu.vector_store %arg21[%swap3A_1548], %select_n3A_1547 {strides = array<i32>} : memref<128xf32, #tpu.memory_space<vmem>>, vector<16xf32>,
        %jit3A_1550 = arith.constant -1.000000e+00 : f32
        %broadcast_in_dim3A_1551 = vector.broadcast %jit3A_1550 : f32 to vector<16xf32>
        %select_n3A_1552 = arith.select %lt3A_1538, %get3A_1544, %broadcast_in_dim3A_1551 : vector<16xi1>, vector<16xf32>
        %convert_element_type3A_1553 = arith.fptosi %select_n3A_1552 : vector<16xf32> to vector<16xi32>
        %swap3A_1554 = arith.constant 64 : index
        %swap3A_1555 = tpu.vector_load %arg22[%swap3A_1554] {strides = array<i32>} : memref<128xi32, #tpu.memory_space<vmem>>, vector<16xi32>,
        tpu.vector_store %arg22[%swap3A_1554], %convert_element_type3A_1553 {strides = array<i32>} : memref<128xi32, #tpu.memory_space<vmem>>, vector<16xi32>,
        %convert_element_type3A_1556 = arith.extui %lt3A_1538 : vector<16xi1> to vector<16xi32>
        %swap3A_1557 = arith.constant 64 : index
        %swap3A_1558 = tpu.vector_load %arg23[%swap3A_1557] {strides = array<i32>} : memref<128xi32, #tpu.memory_space<vmem>>, vector<16xi32>,
        tpu.vector_store %arg23[%swap3A_1557], %convert_element_type3A_1556 {strides = array<i32>} : memref<128xi32, #tpu.memory_space<vmem>>, vector<16xi32>,
        %convert_element_type3A_1559 = arith.fptosi %get3A_1542 : vector<16xf32> to vector<16xi32>
        %jit3A_1560 = arith.constant 5120 : i32
        %broadcast_in_dim3A_1561 = vector.broadcast %jit3A_1560 : i32 to vector<16xi32>
        %select_n3A_1562 = arith.select %lt3A_1538, %convert_element_type3A_1559, %broadcast_in_dim3A_1561 : vector<16xi1>, vector<16xi32>
        %swap3A_1563 = arith.constant 64 : index
        %swap3A_1564 = tpu.vector_load %arg19[%swap3A_1563] {strides = array<i32>} : memref<128xi32, #tpu.memory_space<vmem>>, vector<16xi32>,
        tpu.vector_store %arg19[%swap3A_1563], %select_n3A_1562 {strides = array<i32>} : memref<128xi32, #tpu.memory_space<vmem>>, vector<16xi32>,
        %add3A_1565 = arith.constant 80 : i32
        %add3A_1566 = vector.broadcast %add3A_1565 : i32 to vector<16xi32>
        %add3A_1567 = arith.addi %add3A_1566, %iota3A : vector<16xi32>
        %lt3A_1568 = arith.cmpi slt, %add3A_1567, %scan3A_1409#0 : vector<16xi32>
        %get3A_1569 = arith.constant 80 : index
        %get3A_1570 = tpu.vector_load %arg16[%get3A_1569] {strides = array<i32>} : memref<128xf32, #tpu.memory_space<vmem>>, vector<16xf32>,
        %get3A_1571 = arith.constant 80 : index
        %get3A_1572 = tpu.vector_load %arg17[%get3A_1571] {strides = array<i32>} : memref<128xf32, #tpu.memory_space<vmem>>, vector<16xf32>,
        %get3A_1573 = arith.constant 80 : index
        %get3A_1574 = tpu.vector_load %arg18[%get3A_1573] {strides = array<i32>} : memref<128xf32, #tpu.memory_space<vmem>>, vector<16xf32>,
        %jit3A_1575 = arith.constant -1.000000e+00 : f32
        %broadcast_in_dim3A_1576 = vector.broadcast %jit3A_1575 : f32 to vector<16xf32>
        %select_n3A_1577 = arith.select %lt3A_1568, %get3A_1570, %broadcast_in_dim3A_1576 : vector<16xi1>, vector<16xf32>
        %swap3A_1578 = arith.constant 80 : index
        %swap3A_1579 = tpu.vector_load %arg21[%swap3A_1578] {strides = array<i32>} : memref<128xf32, #tpu.memory_space<vmem>>, vector<16xf32>,
        tpu.vector_store %arg21[%swap3A_1578], %select_n3A_1577 {strides = array<i32>} : memref<128xf32, #tpu.memory_space<vmem>>, vector<16xf32>,
        %jit3A_1580 = arith.constant -1.000000e+00 : f32
        %broadcast_in_dim3A_1581 = vector.broadcast %jit3A_1580 : f32 to vector<16xf32>
        %select_n3A_1582 = arith.select %lt3A_1568, %get3A_1574, %broadcast_in_dim3A_1581 : vector<16xi1>, vector<16xf32>
        %convert_element_type3A_1583 = arith.fptosi %select_n3A_1582 : vector<16xf32> to vector<16xi32>
        %swap3A_1584 = arith.constant 80 : index
        %swap3A_1585 = tpu.vector_load %arg22[%swap3A_1584] {strides = array<i32>} : memref<128xi32, #tpu.memory_space<vmem>>, vector<16xi32>,
        tpu.vector_store %arg22[%swap3A_1584], %convert_element_type3A_1583 {strides = array<i32>} : memref<128xi32, #tpu.memory_space<vmem>>, vector<16xi32>,
        %convert_element_type3A_1586 = arith.extui %lt3A_1568 : vector<16xi1> to vector<16xi32>
        %swap3A_1587 = arith.constant 80 : index
        %swap3A_1588 = tpu.vector_load %arg23[%swap3A_1587] {strides = array<i32>} : memref<128xi32, #tpu.memory_space<vmem>>, vector<16xi32>,
        tpu.vector_store %arg23[%swap3A_1587], %convert_element_type3A_1586 {strides = array<i32>} : memref<128xi32, #tpu.memory_space<vmem>>, vector<16xi32>,
        %convert_element_type3A_1589 = arith.fptosi %get3A_1572 : vector<16xf32> to vector<16xi32>
        %jit3A_1590 = arith.constant 5120 : i32
        %broadcast_in_dim3A_1591 = vector.broadcast %jit3A_1590 : i32 to vector<16xi32>
        %select_n3A_1592 = arith.select %lt3A_1568, %convert_element_type3A_1589, %broadcast_in_dim3A_1591 : vector<16xi1>, vector<16xi32>
        %swap3A_1593 = arith.constant 80 : index
        %swap3A_1594 = tpu.vector_load %arg19[%swap3A_1593] {strides = array<i32>} : memref<128xi32, #tpu.memory_space<vmem>>, vector<16xi32>,
        tpu.vector_store %arg19[%swap3A_1593], %select_n3A_1592 {strides = array<i32>} : memref<128xi32, #tpu.memory_space<vmem>>, vector<16xi32>,
        %add3A_1595 = arith.constant 96 : i32
        %add3A_1596 = vector.broadcast %add3A_1595 : i32 to vector<16xi32>
        %add3A_1597 = arith.addi %add3A_1596, %iota3A : vector<16xi32>
        %lt3A_1598 = arith.cmpi slt, %add3A_1597, %scan3A_1409#0 : vector<16xi32>
        %get3A_1599 = arith.constant 96 : index
        %get3A_1600 = tpu.vector_load %arg16[%get3A_1599] {strides = array<i32>} : memref<128xf32, #tpu.memory_space<vmem>>, vector<16xf32>,
        %get3A_1601 = arith.constant 96 : index
        %get3A_1602 = tpu.vector_load %arg17[%get3A_1601] {strides = array<i32>} : memref<128xf32, #tpu.memory_space<vmem>>, vector<16xf32>,
        %get3A_1603 = arith.constant 96 : index
        %get3A_1604 = tpu.vector_load %arg18[%get3A_1603] {strides = array<i32>} : memref<128xf32, #tpu.memory_space<vmem>>, vector<16xf32>,
        %jit3A_1605 = arith.constant -1.000000e+00 : f32
        %broadcast_in_dim3A_1606 = vector.broadcast %jit3A_1605 : f32 to vector<16xf32>
        %select_n3A_1607 = arith.select %lt3A_1598, %get3A_1600, %broadcast_in_dim3A_1606 : vector<16xi1>, vector<16xf32>
        %swap3A_1608 = arith.constant 96 : index
        %swap3A_1609 = tpu.vector_load %arg21[%swap3A_1608] {strides = array<i32>} : memref<128xf32, #tpu.memory_space<vmem>>, vector<16xf32>,
        tpu.vector_store %arg21[%swap3A_1608], %select_n3A_1607 {strides = array<i32>} : memref<128xf32, #tpu.memory_space<vmem>>, vector<16xf32>,
        %jit3A_1610 = arith.constant -1.000000e+00 : f32
        %broadcast_in_dim3A_1611 = vector.broadcast %jit3A_1610 : f32 to vector<16xf32>
        %select_n3A_1612 = arith.select %lt3A_1598, %get3A_1604, %broadcast_in_dim3A_1611 : vector<16xi1>, vector<16xf32>
        %convert_element_type3A_1613 = arith.fptosi %select_n3A_1612 : vector<16xf32> to vector<16xi32>
        %swap3A_1614 = arith.constant 96 : index
        %swap3A_1615 = tpu.vector_load %arg22[%swap3A_1614] {strides = array<i32>} : memref<128xi32, #tpu.memory_space<vmem>>, vector<16xi32>,
        tpu.vector_store %arg22[%swap3A_1614], %convert_element_type3A_1613 {strides = array<i32>} : memref<128xi32, #tpu.memory_space<vmem>>, vector<16xi32>,
        %convert_element_type3A_1616 = arith.extui %lt3A_1598 : vector<16xi1> to vector<16xi32>
        %swap3A_1617 = arith.constant 96 : index
        %swap3A_1618 = tpu.vector_load %arg23[%swap3A_1617] {strides = array<i32>} : memref<128xi32, #tpu.memory_space<vmem>>, vector<16xi32>,
        tpu.vector_store %arg23[%swap3A_1617], %convert_element_type3A_1616 {strides = array<i32>} : memref<128xi32, #tpu.memory_space<vmem>>, vector<16xi32>,
        %convert_element_type3A_1619 = arith.fptosi %get3A_1602 : vector<16xf32> to vector<16xi32>
        %jit3A_1620 = arith.constant 5120 : i32
        %broadcast_in_dim3A_1621 = vector.broadcast %jit3A_1620 : i32 to vector<16xi32>
        %select_n3A_1622 = arith.select %lt3A_1598, %convert_element_type3A_1619, %broadcast_in_dim3A_1621 : vector<16xi1>, vector<16xi32>
        %swap3A_1623 = arith.constant 96 : index
        %swap3A_1624 = tpu.vector_load %arg19[%swap3A_1623] {strides = array<i32>} : memref<128xi32, #tpu.memory_space<vmem>>, vector<16xi32>,
        tpu.vector_store %arg19[%swap3A_1623], %select_n3A_1622 {strides = array<i32>} : memref<128xi32, #tpu.memory_space<vmem>>, vector<16xi32>,
        %add3A_1625 = arith.constant 112 : i32
        %add3A_1626 = vector.broadcast %add3A_1625 : i32 to vector<16xi32>
        %add3A_1627 = arith.addi %add3A_1626, %iota3A : vector<16xi32>
        %lt3A_1628 = arith.cmpi slt, %add3A_1627, %scan3A_1409#0 : vector<16xi32>
        %get3A_1629 = arith.constant 112 : index
        %get3A_1630 = tpu.vector_load %arg16[%get3A_1629] {strides = array<i32>} : memref<128xf32, #tpu.memory_space<vmem>>, vector<16xf32>,
        %get3A_1631 = arith.constant 112 : index
        %get3A_1632 = tpu.vector_load %arg17[%get3A_1631] {strides = array<i32>} : memref<128xf32, #tpu.memory_space<vmem>>, vector<16xf32>,
        %get3A_1633 = arith.constant 112 : index
        %get3A_1634 = tpu.vector_load %arg18[%get3A_1633] {strides = array<i32>} : memref<128xf32, #tpu.memory_space<vmem>>, vector<16xf32>,
        %jit3A_1635 = arith.constant -1.000000e+00 : f32
        %broadcast_in_dim3A_1636 = vector.broadcast %jit3A_1635 : f32 to vector<16xf32>
        %select_n3A_1637 = arith.select %lt3A_1628, %get3A_1630, %broadcast_in_dim3A_1636 : vector<16xi1>, vector<16xf32>
        %swap3A_1638 = arith.constant 112 : index
        %swap3A_1639 = tpu.vector_load %arg21[%swap3A_1638] {strides = array<i32>} : memref<128xf32, #tpu.memory_space<vmem>>, vector<16xf32>,
        tpu.vector_store %arg21[%swap3A_1638], %select_n3A_1637 {strides = array<i32>} : memref<128xf32, #tpu.memory_space<vmem>>, vector<16xf32>,
        %jit3A_1640 = arith.constant -1.000000e+00 : f32
        %broadcast_in_dim3A_1641 = vector.broadcast %jit3A_1640 : f32 to vector<16xf32>
        %select_n3A_1642 = arith.select %lt3A_1628, %get3A_1634, %broadcast_in_dim3A_1641 : vector<16xi1>, vector<16xf32>
        %convert_element_type3A_1643 = arith.fptosi %select_n3A_1642 : vector<16xf32> to vector<16xi32>
        %swap3A_1644 = arith.constant 112 : index
        %swap3A_1645 = tpu.vector_load %arg22[%swap3A_1644] {strides = array<i32>} : memref<128xi32, #tpu.memory_space<vmem>>, vector<16xi32>,
        tpu.vector_store %arg22[%swap3A_1644], %convert_element_type3A_1643 {strides = array<i32>} : memref<128xi32, #tpu.memory_space<vmem>>, vector<16xi32>,
        %convert_element_type3A_1646 = arith.extui %lt3A_1628 : vector<16xi1> to vector<16xi32>
        %swap3A_1647 = arith.constant 112 : index
        %swap3A_1648 = tpu.vector_load %arg23[%swap3A_1647] {strides = array<i32>} : memref<128xi32, #tpu.memory_space<vmem>>, vector<16xi32>,
        tpu.vector_store %arg23[%swap3A_1647], %convert_element_type3A_1646 {strides = array<i32>} : memref<128xi32, #tpu.memory_space<vmem>>, vector<16xi32>,
        %convert_element_type3A_1649 = arith.fptosi %get3A_1632 : vector<16xf32> to vector<16xi32>
        %jit3A_1650 = arith.constant 5120 : i32
        %broadcast_in_dim3A_1651 = vector.broadcast %jit3A_1650 : i32 to vector<16xi32>
        %select_n3A_1652 = arith.select %lt3A_1628, %convert_element_type3A_1649, %broadcast_in_dim3A_1651 : vector<16xi1>, vector<16xi32>
        %swap3A_1653 = arith.constant 112 : index
        %swap3A_1654 = tpu.vector_load %arg19[%swap3A_1653] {strides = array<i32>} : memref<128xi32, #tpu.memory_space<vmem>>, vector<16xi32>,
        tpu.vector_store %arg19[%swap3A_1653], %select_n3A_1652 {strides = array<i32>} : memref<128xi32, #tpu.memory_space<vmem>>, vector<16xi32>,
        %dma_start3A = arith.constant 0 : i32
        %dma_start3A_1655 = arith.constant 0 : i32
        %dma_start3A_1656 = tpu.memref_slice %arg4[%dma_start3A, %dma_start3A_1655] : memref<5128x128xf32, #tpu.memory_space<hbm>> -> memref<5128x128xf32, #tpu.memory_space<hbm>>
        tpu.enqueue_indirect_dma source(%dma_start3A_1656 : memref<5128x128xf32, #tpu.memory_space<hbm>>) target(%arg20 : memref<128x128xf32, #tpu.memory_space<vmem>>) offsets(%arg19 : memref<128xi32, #tpu.memory_space<vmem>>) semaphore(%arg25 : memref<!tpu.dma_semaphore, #tpu.memory_space<semaphore_mem>>)
        %dma_wait3A = arith.constant 0 : i32
        %dma_wait3A_1657 = arith.constant 0 : i32
        %dma_wait3A_1658 = tpu.memref_slice %arg4[%dma_wait3A, %dma_wait3A_1657] : memref<5128x128xf32, #tpu.memory_space<hbm>> -> memref<5128x128xf32, #tpu.memory_space<hbm>>
        tpu.wait_indirect_dma semaphore(%arg25 : memref<!tpu.dma_semaphore, #tpu.memory_space<semaphore_mem>>) src(%dma_wait3A_1658 : memref<5128x128xf32, #tpu.memory_space<hbm>>) dst(%arg20 : memref<128x128xf32, #tpu.memory_space<vmem>>)
        "tpu.region"() ({
          %run_scoped3A = tpu.sem_alloc : memref<!tpu.dma_semaphore, #tpu.memory_space<semaphore_mem>>
          tpu.enqueue_dma source(%arg20 : memref<128x128xf32, #tpu.memory_space<vmem>>) target(%arg5 : memref<128x128xf32, #tpu.memory_space<hbm>>) target_semaphore(%run_scoped3A : memref<!tpu.dma_semaphore, #tpu.memory_space<semaphore_mem>>)
          tpu.wait_dma2 semaphore(%run_scoped3A : memref<!tpu.dma_semaphore, #tpu.memory_space<semaphore_mem>>) src(%arg20 : memref<128x128xf32, #tpu.memory_space<vmem>>) dst(%arg5 : memref<128x128xf32, #tpu.memory_space<hbm>>)
          tpu.yield
        }) : () -> ()
        "tpu.region"() ({
          %run_scoped3A = tpu.sem_alloc : memref<!tpu.dma_semaphore, #tpu.memory_space<semaphore_mem>>
          tpu.enqueue_dma source(%arg21 : memref<128xf32, #tpu.memory_space<vmem>>) target(%arg6 : memref<128xf32, #tpu.memory_space<hbm>>) target_semaphore(%run_scoped3A : memref<!tpu.dma_semaphore, #tpu.memory_space<semaphore_mem>>)
          tpu.wait_dma2 semaphore(%run_scoped3A : memref<!tpu.dma_semaphore, #tpu.memory_space<semaphore_mem>>) src(%arg21 : memref<128xf32, #tpu.memory_space<vmem>>) dst(%arg6 : memref<128xf32, #tpu.memory_space<hbm>>)
          tpu.yield
        }) : () -> ()
        "tpu.region"() ({
          %run_scoped3A = tpu.sem_alloc : memref<!tpu.dma_semaphore, #tpu.memory_space<semaphore_mem>>
          tpu.enqueue_dma source(%arg22 : memref<128xi32, #tpu.memory_space<vmem>>) target(%arg7 : memref<128xi32, #tpu.memory_space<hbm>>) target_semaphore(%run_scoped3A : memref<!tpu.dma_semaphore, #tpu.memory_space<semaphore_mem>>)
          tpu.wait_dma2 semaphore(%run_scoped3A : memref<!tpu.dma_semaphore, #tpu.memory_space<semaphore_mem>>) src(%arg22 : memref<128xi32, #tpu.memory_space<vmem>>) dst(%arg7 : memref<128xi32, #tpu.memory_space<hbm>>)
          tpu.yield
        }) : () -> ()
        "tpu.region"() ({
          %run_scoped3A = tpu.sem_alloc : memref<!tpu.dma_semaphore, #tpu.memory_space<semaphore_mem>>
          tpu.enqueue_dma source(%arg23 : memref<128xi32, #tpu.memory_space<vmem>>) target(%arg8 : memref<128xi32, #tpu.memory_space<hbm>>) target_semaphore(%run_scoped3A : memref<!tpu.dma_semaphore, #tpu.memory_space<semaphore_mem>>)
          tpu.wait_dma2 semaphore(%run_scoped3A : memref<!tpu.dma_semaphore, #tpu.memory_space<semaphore_mem>>) src(%arg23 : memref<128xi32, #tpu.memory_space<vmem>>) dst(%arg8 : memref<128xi32, #tpu.memory_space<hbm>>)
          tpu.yield
        }) : () -> ()
      } else {
      }
    } else {
    }
    return
  }
}

</mosaic_0001>

<sc_bundles>
// kernel: _run.3.cloned.1.call-start
scs
__scs_entry_jumppad:
0x0: {  	(pc) =	sbr.rel $0x88, $3  }
0x1: {  	(tag) =	ssettag $0x0;
	lr =	simm.s32 $0x1  }
0x2: {  	[smem:$0x3F9E] =	sst lr;
	_ =	strace $0xD0000000  }
0x3: {  	_ = 	snop  }
0x4: {  	_ = 	snop  }
0x5: {  	_ = 	snop  }
0x6: {  	_ = 	snop  }
0x7: {  	_ = 	snop  }
__scs_overlays_trampoline_lowered:
0x8: {  	[smem:$0x3FAD] =	sst s0  }
0x9: {  	[smem:$0x3FAE] =	sst s1  }
0xa: {  	[smem:$0x3FAF] =	sst s2  }
0xb: {  	[smem:$0x3FB0] =	sst s3  }
0xc: {  	[smem:$0x3FB1] =	sst s4  }
0xd: {  	[smem:$0x3FB2] =	sst s5  }
0xe: {  	[smem:$0x3FB3] =	sst s6  }
0xf: {  	[smem:$0x3FB4] =	sst s7  }
0x10: {  	[smem:$0x3FB5] =	sst s8  }
0x11: {  	[smem:$0x3FB6] =	sst s9;
	s0 =	simm.s32 @!p0 $0x0  }
0x12: {  	s1 =	sld [smem:$0x3F9C];
	s0 =	simm.s32 @p0 $0x1  }
0x13: {  	[smem:$0x3FB7] =	sst s0;
	s0 =	simm.s32 @!p1 $0x0  }
0x14: {  	s2 =	sld [smem:$0x3F9B];
	s0 =	simm.s32 @p1 $0x1  }
0x15: {  	[smem:$0x3FB8] =	sst s0;
	s0 =	simm.s32 @!p2 $0x0  }
0x16: {  	s3 =	sld [smem:$0x3FDB];
	s0 =	simm.s32 @p2 $0x1  }
0x17: {  	s4 =	simm.s32 $0x1BF5;
	[smem:$0x3FBA] =	sst s0  }
0x18: {  	s0 =	sld [smem:$0x3F9D];
	_ =	swait.ge [sflag:s4], $0x0  }
0x19: {  	s7 =	sld [smem:$0x3F9E]  }
0x1a: {  	s8 =	sadd.s32 $0xFFFFE003, lr  }
0x1b: {  	s9 =	sadd.s32 $0xFFFFFEF7, lr;
	s5 =	simm.s32 $0xFFFFFFFF;
	p2 =	slt.u32 s8, $0xFFFFF086  }
0x1c: {  	p1 =	slt.u32 s9, $0xF7A;
	s5 =	simm.s32 @!p2 $0x0  }
0x1d: {  	s5 =	simm.s32 @p1 $0x1;
	p0 =	seq.s32 s7, s2  }
0x1e: {  	s7 =	smul.u32 @!p0 $0xF7A, s2;
	p2 =	seq.s32 @!p0 s5, $0x0  }
0x1f: {  	s9 =	smul.u32 $0xF7A, s1;
	s8 =	simm.s32 @!p0 $0x1BF5;
	p2 =	por !p2, p0  }
0x20: {  	[sflag:s8] =	ssyncset.s32 @!p0 $0xFFFFF086;
	s6 =	sadd.s32 @!p0 s3, s7;
	s7 =	simm.s32 @!p0 $0x108  }
0x21: {  	s3 =	sadd.s32 s3, s9;
	s6 =	sadd.s32 @!p0 $0x88, s6;
	s7 =	simm.s32 @p2 $0x1082  }
0x22: {  	[simem:s7], [sflag:s8] =	dma.local @!p0 [hbm:s6], $0xF7A  }
0x23: {  	s9 =	sor.u32 $0xD0000000, s2;
	s6 =	simm.s32 $0x108;
	_ =	swait.ge @!p0 [sflag:s8], $0x0  }
0x24: {  	s3 =	sadd.s32 $0x88, s3;
	s6 =	simm.s32 @!p1 $0x1082;
	[sflag:s4] =	ssyncset.s32 $0xFFFFF086  }
0x25: {  	[simem:s6], [sflag:s4] =	dma.local [hbm:s3], $0xF7A  }
0x26: {  	[smem:$0x3F9E] =	sst s1;
	(tag) =	ssettag s2;
	_ =	strace s9  }
0x27: {  	s1 =	sld [smem:$0x3FAE]  }
0x28: {  	s2 =	sld [smem:$0x3FAF]  }
0x29: {  	s4 =	sld [smem:$0x3FB1]  }
0x2a: {  	p0 =	seq.s32 s5, $0x0;
	s5 =	sld [smem:$0x3FB2]  }
0x2b: {  	s6 =	sld [smem:$0x3FB3]  }
0x2c: {  	s7 =	sld [smem:$0x3FB4]  }
0x2d: {  	s3 =	simm.s32 $0x108;
	s8 =	sld [smem:$0x3FB5]  }
0x2e: {  	s3 =	simm.s32 @!p0 $0x1082;
	s9 =	sld [smem:$0x3FB6]  }
0x2f: {  	lr =	sadd.s32 s0, s3;
	s0 =	sld [smem:$0x3FAD]  }
0x30: {  	s3 =	sld [smem:$0x3FB0]  }
0x31: {  	[smem:$0x3FB9] =	sst s10  }
0x32: {  	s10 =	sld [smem:$0x3FB7];
	_ =	sdelay $0x3  }
0x33: {  	p0 =	seq.s32 s10, $0x1;
	s10 =	sld [smem:$0x3FB9];
	_ =	sdelay $0x3  }
0x34: {  	[smem:$0x3FB9] =	sst s10  }
0x35: {  	s10 =	sld [smem:$0x3FB8];
	_ =	sdelay $0x3  }
0x36: {  	p1 =	seq.s32 s10, $0x1;
	s10 =	sld [smem:$0x3FB9];
	_ =	sdelay $0x3  }
0x37: {  	[smem:$0x3FB9] =	sst s10  }
0x38: {  	s10 =	sld [smem:$0x3FBA]  }
0x39: {  	_ = 	snop;
	(pc) =	sbr.ind lr, $3  }
0x3a: {  	_ = 	snop  }
0x3b: {  	_ = 	snop  }
0x3c: {  	p2 =	seq.s32 s10, $0x1;
	s10 =	sld [smem:$0x3FB9]  }
0x3d: {  	_ =	shalt  }
0x3e: {  	_ =	shalt  }
0x3f: {  	_ =	shalt  }
0x40: {  	_ =	shalt  }
0x41: {  	_ =	shalt  }
0x42: {  	_ =	shalt  }
0x43: {  	_ =	shalt  }
0x44: {  	_ =	shalt  }
0x45: {  	_ =	shalt  }
0x46: {  	_ =	shalt  }
0x47: {  	_ =	shalt  }
0x48: {  	_ =	shalt  }
0x49: {  	_ =	shalt  }
0x4a: {  	_ =	shalt  }
0x4b: {  	_ =	shalt  }
0x4c: {  	_ =	shalt  }
0x4d: {  	_ =	shalt  }
0x4e: {  	_ =	shalt  }
0x4f: {  	_ =	shalt  }
0x50: {  	_ =	shalt  }
0x51: {  	_ =	shalt  }
0x52: {  	_ =	shalt  }
0x53: {  	_ =	shalt  }
0x54: {  	_ =	shalt  }
0x55: {  	_ =	shalt  }
0x56: {  	_ =	shalt  }
0x57: {  	_ =	shalt  }
0x58: {  	_ =	shalt  }
0x59: {  	_ =	shalt  }
0x5a: {  	_ =	shalt  }
0x5b: {  	_ =	shalt  }
0x5c: {  	_ =	shalt  }
0x5d: {  	_ =	shalt  }
0x5e: {  	_ =	shalt  }
0x5f: {  	_ =	shalt  }
0x60: {  	_ =	shalt  }
0x61: {  	_ =	shalt  }
0x62: {  	_ =	shalt  }
0x63: {  	_ =	shalt  }
0x64: {  	_ =	shalt  }
0x65: {  	_ =	shalt  }
0x66: {  	_ =	shalt  }
0x67: {  	_ =	shalt  }
0x68: {  	_ =	shalt  }
0x69: {  	_ =	shalt  }
0x6a: {  	_ =	shalt  }
0x6b: {  	_ =	shalt  }
0x6c: {  	_ =	shalt  }
0x6d: {  	_ =	shalt  }
0x6e: {  	_ =	shalt  }
0x6f: {  	_ =	shalt  }
0x70: {  	_ =	shalt  }
0x71: {  	_ =	shalt  }
0x72: {  	_ =	shalt  }
0x73: {  	_ =	shalt  }
0x74: {  	_ =	shalt  }
0x75: {  	_ =	shalt  }
0x76: {  	_ =	shalt  }
0x77: {  	_ =	shalt  }
0x78: {  	_ =	shalt  }
0x79: {  	_ =	shalt  }
0x7a: {  	_ =	shalt  }
0x7b: {  	_ =	shalt  }
0x7c: {  	_ =	shalt  }
0x7d: {  	_ =	shalt  }
0x7e: {  	_ =	shalt  }
0x7f: {  	_ =	shalt  }
0x80: {  	_ =	shalt  }
0x81: {  	_ =	shalt  }
0x82: {  	_ =	shalt  }
0x83: {  	_ =	shalt  }
0x84: {  	_ =	shalt  }
0x85: {  	_ =	shalt  }
0x86: {  	_ =	shalt  }
0x87: {  	_ =	shalt  }
.Lfunc_end0:
.L_simem_size_0:
called_computation_lowered:
.L_overlay_start_0:
0x88: {  	s2 =	sld [smem:$0x3FD9]  }
0x89: {  	s3 =	sld [smem:$0x3FFE];
	_ =	sdelay $0x1  }
0x8a: {  	s1 =	srdreg.scid  }
0x8b: {  	s0 =	sand.u32 $0x1, s1  }
0x8c: {  	s15 =	sshll.u32 s0, $0xA;
	s2 =	sadd.s32 s3, s2  }
0x8d: {  	s2 =	sadd.s32 s2, s15  }
0x8e: {  	[smem:$0x3FC5] =	sst s2  }
0x8f: {  	_ = 	snop  }
0x90: {  	s2 =	sld [smem:$0x3FD0]  }
0x91: {  	s16 =	sld [smem:$0x3FC9]  }
0x92: {  	s4 =	sld [smem:$0x3FC8]  }
0x93: {  	s6 =	simm.s32 $0xA;
	s7 =	simm.s32 $0x10;
	s5 =	sld [smem:$0x3FC7]  }
0x94: {  	[smem:s7], [sflag:s6] =	dma.local [hbm:s2], $0x1  }
0x95: {  	_ =	swait.eq [sflag:s6], $0x1  }
0x96: {  	s17 =	sld [smem:$0x10]  }
0x97: {  	s18 =	sld [smem:$0x11];
	[sflag:s6] =	ssyncset.done $0x0  }
0x98: {  	s8 =	sld [smem:$0x12];
	[sflag:s6] =	ssyncadd.s32 $0xFFFFFFFF  }
0x99: {  	s19 =	sld [smem:$0x13];
	(tm) =	ssettm $0x1  }
0x9a: {  	s9 =	sld [smem:$0x3FFB];
	_ =	sdelay $0x3  }
0x9b: {  	_ =	strace s9  }
0x9c: {  	s9 =	sld [smem:$0x3FFC];
	_ =	sdelay $0x3  }
0x9d: {  	_ =	strace s9  }
0x9e: {  	s9 =	sld [smem:$0x3FFD];
	_ =	sdelay $0x3  }
0x9f: {  	_ =	strace s9  }
0xa0: {  	_ =	strace $0x8FFFFFFF  }
0xa1: {  	s20 =	sld [smem:$0x3FDB];
	_ =	sdelay $0x1  }
0xa2: {  	s10 =	simm.s32 $_scs_section_size  }
0xa3: {  	s11 =	simm.s32 $_size__tile_overlayer_lowered;
	s12 =	simm.s32 $_tile_overlayer_lowered  }
0xa4: {  	s23 =	simm.s32 $0x1BFF;
	s22 =	sshll.u32 s12, $0x1;
	s9 =	sadd.s32 s10, s20  }
0xa5: {  	s13 =	simm.s32 $0x0;
	s21 =	sshll.u32 s11, $0x1;
	s11 =	sadd.s32 s22, s9  }
0xa6: {  	[timem:s13], [sflag:s23] =	dma.local [hbm:s11], s21  }
0xa7: {  	_ =	swait.ge [sflag:s23], s21  }
0xa8: {  	s10 =	ssub.s32 $0x0, s21;
	[sflag:s23] =	ssyncset.done $0x0  }
0xa9: {  	[sflag:s23] =	ssyncadd.s32 s10;
	_ =	sdelay $0x1  }
0xaa: {  	s24 =	simm.s32 $0x1B8B  }
0xab: {  	_ =	swait.ge [sflag:s24], $0x1  }
0xac: {  	[sflag:s24] =	ssyncset.done $0x0  }
0xad: {  	s25 =	simm.s32 $0x1B8E;
	[sflag:s24] =	ssyncadd.s32 $0xFFFFFFFF  }
0xae: {  	s26 =	simm.s32 $execute0_lowered;
	[smem:$0x3FD2] =	sst s25  }
0xaf: {  	s10 =	sshll.u32 s26, $0x1;
	_ =	strace $0x80000046;
	[dreg:$0x1] =	wrdreg $0xFFFFFFFF  }
0xb0: {  	s28 =	simm.s32 $_size_execute0_lowered;
	s9 =	sadd.s32 s9, s10;
	[dreg:$0x0] =	wrdreg $0x0  }
0xb1: {  	s10 =	sshll.u32 s28, $0x1;
	[dreg:$0x2] =	wrdreg s9  }
0xb2: {  	[dreg:$0x3] =	wrdreg s10  }
0xb3: {  	[dreg:$0x4] =	wrdreg $0xC0  }
0xb4: {  	_ =	task [dreg:s13], $0x5FFFF  }
0xb5: {  	[dreg:$0x1] =	wrdreg $0xFFFFFFFF  }
0xb6: {  	[dreg:$0x0] =	wrdreg $0x60  }
0xb7: {  	[dreg:$0x2] =	wrdreg s16  }
0xb8: {  	[dreg:$0x3] =	wrdreg s4  }
0xb9: {  	[dreg:$0x4] =	wrdreg s5  }
0xba: {  	[dreg:$0x5] =	wrdreg s17  }
0xbb: {  	[dreg:$0x6] =	wrdreg s18  }
0xbc: {  	[dreg:$0x7] =	wrdreg s8  }
0xbd: {  	[dreg:$0x8] =	wrdreg s19  }
0xbe: {  	[dreg:$0x9] =	wrdreg $0x58800  }
0xbf: {  	[dreg:$0xa] =	wrdreg $0x9  }
0xc0: {  	_ =	task.clear_ibuf [dreg:s13], $0xBFFFF;
	_ =	strace $0x90000046  }
0xc1: {  	s29 =	simm.s32 $0x9;
	_ =	strace $0x80000048  }
0xc2: {  	_ =	swait.ge [sflag:s29], $0x1  }
0xc3: {  	[sflag:s29] =	ssyncadd.s32 $0xFFFFFFFF  }
0xc4: {  	_ =	strace $0x90000048  }
0xc5: {  	_ =	sfence  }
0xc6: {  	s30 =	sld [smem:$0x0];
	_ =	sdelay $0x2  }
0xc7: {  	s31 =	sshll.u32 s1, $0xD;
	s1 =	sshrl.u32 s1, $0x2  }
0xc8: {  	s3 =	sand.u32 $0x4000, s31;
	s1 =	sadd.s32 s1, s30  }
0xc9: {  	s0 =	sor.u32 s3, s0;
	s1 =	sshll.u32 s1, $0x11  }
0xca: {  	s0 =	sor.u32 s1, s0  }
0xcb: {  	s0 =	sadd.s32 $0x8F2B, s0  }
0xcc: {  	[sflag:s0] =	ssyncadd.remote.s32 $0x1  }
0xcd: {  	_ =	sfence.sel $0xFFFF  }
0xce: {  	[dreg:$0x0] =	wrdreg $0xFFFFFFFF;
	(pc) =	sbr.abs _section_cstart, $3  }
0xcf: {  	[dreg:$0x1] =	wrdreg $0xFFFFFFFF  }
0xd0: {  	_ =	task.clear_ibuf [dreg:s13], $0x2FFFF;
	_ =	strace $0x9FFFFFFF  }
0xd1: {  	(tm) =	ssettm $0x7FFFFFFF  }
tec
execute0_lowered:
.L_overlay_start_1:
0x0: {  	(tag) =	ssettag $0x1  }
0x1: {  	s9 =	rddreg [dreg:$0x0]  }
0x2: {  	s11 =	rddreg [dreg:$0x1]  }
0x3: {  	s6 =	rddreg [dreg:$0x2];
	s2 =	srdreg.scid  }
0x4: {  	s5 =	rddreg [dreg:$0x3];
	s2 =	sand.u32 $0x1, s2  }
0x5: {  	s4 =	rddreg [dreg:$0x4];
	p0 =	seq.s32 s2, $0x1  }
.Ltmp0:
0x6: {  	s3 =	rddreg [dreg:$0x5];
	(pc) =	sbr.rel @p0 .LBB2_8-.Ltmp0, $4  }
0x7: {  	s1 =	rddreg [dreg:$0x6]  }
0x8: {  	s7 =	rddreg [dreg:$0x7];
	s8 =	simm.s32 $0x0  }
0x9: {  	[smem:$0x7FF] =	sst s8  }
0xa: {  	s0 =	rddreg [dreg:$0x8];
	_ =	strace $0x80000047;
	s2 =	stileid.u32  }
0xb: {  	s10 =	smul.u32 $0xA0, s2;
	_ =	sdelay $0x1  }
0xc: {  	s9 =	sadd.s32 s9, s10  }
0xd: {  	[tilespmem:s8], [sflag:$0x2] =	stream.linear.gather [hbm4b:s9+s8], $0x500, $0x38;
	[tilespmem:$0x58A0] =	vst v63  }
0xe: {  	s9 =	simm.s32 $0x2  }
0xf: {  	s10 =	smul.u32 $0x140, s2;
	_ =	swait.ge [sflag:s9], $0x500  }
0x10: {  	[sflag:s9] =	ssyncset.done $0x0  }
0x11: {  	s12 =	simm.s32 $0x500;
	s11 =	sadd.s32 s11, s10;
	[sflag:s9] =	ssyncadd.s32 $0xFFFFFB00  }
0x12: {  	[tilespmem:s12], [sflag:$0x2] =	stream.linear.gather [hbm4b:s11+s8], $0xA00, $0x38;
	[tilespmem:$0x58A0] =	vst v63  }
0x13: {  	_ =	swait.ge [sflag:s9], $0xA00  }
0x14: {  	[sflag:s9] =	ssyncset.done $0x0  }
0x15: {  	[sflag:s9] =	ssyncadd.s32 $0xFFFFF600  }
0x16: {  	v3 =	vld [tilespmem:$0x500]  }
0x17: {  	v4 =	vld [tilespmem:$0xA00]  }
0x18: {  	v5 =	vld [tilespmem:$0x640]  }
0x19: {  	v22 =	vld [tilespmem:$0xB40]  }
0x1a: {  	v40 =	vld [tilespmem:$0x780]  }
0x1b: {  	v41 =	vld [tilespmem:$0xC80]  }
0x1c: {  	v44 =	vld [tilespmem:$0x8C0]  }
0x1d: {  	v51 =	vld [tilespmem:$0xDC0]  }
0x1e: {  	v52 =	vld [tilespmem:$0x0]  }
0x1f: {  	v54 =	vld [tilespmem:$0x140]  }
0x20: {  	v55 =	vld [tilespmem:$0x280]  }
0x21: {  	v58 =	vld [tilespmem:$0x3C0]  }
0x22: {  	v60 =	vld [tilespmem:$0x510]  }
0x23: {  	v61 =	vld [tilespmem:$0xA10]  }
0x24: {  	v6 =	vld [tilespmem:$0x650]  }
0x25: {  	v0 =	vld [tilespmem:$0xB50]  }
0x26: {  	v2 =	vld [tilespmem:$0x790]  }
0x27: {  	v1 =	vld [tilespmem:$0xC90]  }
0x28: {  	v8 =	vld [tilespmem:$0x8D0]  }
0x29: {  	v7 =	vld [tilespmem:$0xDD0]  }
0x2a: {  	v63 =	vld [tilespmem:$0x7D0]  }
0x2b: {  	v11 =	vld [tilespmem:$0x10]  }
0x2c: {  	v12 =	vld [tilespmem:$0x150]  }
0x2d: {  	v9 =	vld [tilespmem:$0x290]  }
0x2e: {  	v10 =	vld [tilespmem:$0x3D0]  }
0x2f: {  	[tilespmem:$0x1FAA0] =	vst v63;
	v63 =	vld [tilespmem:$0xCD0]  }
0x30: {  	v18 =	vld [tilespmem:$0x520]  }
0x31: {  	v15 =	vld [tilespmem:$0xA20]  }
0x32: {  	v17 =	vld [tilespmem:$0x660]  }
0x33: {  	v13 =	vld [tilespmem:$0xB60]  }
0x34: {  	[tilespmem:$0x1FAB0] =	vst v63;
	v63 =	vld [tilespmem:$0x910]  }
0x35: {  	v16 =	vld [tilespmem:$0x7A0]  }
0x36: {  	v14 =	vld [tilespmem:$0xCA0]  }
0x37: {  	v20 =	vld [tilespmem:$0x8E0]  }
0x38: {  	v19 =	vld [tilespmem:$0xDE0]  }
0x39: {  	[tilespmem:$0x1FAC0] =	vst v63;
	v63 =	vld [tilespmem:$0xE10]  }
0x3a: {  	v28 =	vld [tilespmem:$0x20]  }
0x3b: {  	v30 =	vld [tilespmem:$0x160]  }
0x3c: {  	v21 =	vld [tilespmem:$0x2A0]  }
0x3d: {  	v23 =	vld [tilespmem:$0x3E0]  }
0x3e: {  	[tilespmem:$0x1FAD0] =	vst v63;
	v63 =	vld [tilespmem:$0x50]  }
0x3f: {  	v35 =	vld [tilespmem:$0x530]  }
0x40: {  	v31 =	vld [tilespmem:$0xA30]  }
0x41: {  	v27 =	vld [tilespmem:$0x670]  }
0x42: {  	v24 =	vld [tilespmem:$0xB70]  }
0x43: {  	[tilespmem:$0x1FAE0] =	vst v63;
	v63 =	vld [tilespmem:$0x190]  }
0x44: {  	v34 =	vld [tilespmem:$0x7B0]  }
0x45: {  	v3 =	vmax.f32 v3, v4;
	v4 =	vmax.f32 v5, v22;
	v5 =	vld [tilespmem:$0x810]  }
0x46: {  	v29 =	vld [tilespmem:$0xCB0]  }
0x47: {  	v37 =	vld [tilespmem:$0x8F0]  }
0x48: {  	[tilespmem:$0x1FB00] =	vst v63;
	v63 =	vld [tilespmem:$0x2D0]  }
0x49: {  	v0 =	vmax.f32 v6, v0;
	v6 =	vld [tilespmem:$0x90]  }
0x4a: {  	v1 =	vmax.f32 v2, v1;
	v2 =	vld [tilespmem:$0x1D0];
	v22 =	vmax.f32 v3, v4;
	[tilespmem:$0x1FDB0] =	vst v5;
	v5 =	vmax.f32 v40, v41  }
0x4b: {  	v36 =	vld [tilespmem:$0xDF0];
	vm13 =	vgt.f32 v4, v3;
	v3 =	vmax.f32 v44, v51;
	v4 =	vmax.f32 v22, v5  }
0x4c: {  	vm9 =	vgt.f32 v3, v4;
	v3 =	vmax.f32 v4, v3;
	v4 =	vld [tilespmem:$0xE50]  }
0x4d: {  	[tilespmem:$0x1FAF0] =	vst v63;
	v63 =	vld [tilespmem:$0x410]  }
0x4e: {  	v32 =	vld [tilespmem:$0x30];
	[tilespmem:$0x1FE00] =	vst v6;
	vm14 =	vgt.f32 v5, v22;
	v5 =	vmax.f32 v60, v61  }
0x4f: {  	[tilespmem:$0x1FE20] =	vst v2;
	v2 =	vsub.f32 v58, v54;
	v6 =	vld [tilespmem:$0x310];
	vm8 =	vgt.f32 v0, v5;
	v0 =	vmax.f32 v5, v0  }
0x50: {  	v33 =	vld [tilespmem:$0x170];
	v5 =	vmax.f32 v8, v7;
	vm10 =	vgt.f32 v1, v0;
	v0 =	vmax.f32 v0, v1  }
0x51: {  	vm6 =	vgt.f32 v5, v0;
	v5 =	vmax.f32 v0, v5;
	v0 =	vld [tilespmem:$0x5A0];
	[tilespmem:$0x1FDE0] =	vst v4;
	v4 =	vsub.f32 v55, v52  }
0x52: {  	[tilespmem:$0x1FB10] =	vst v63;
	v63 =	vld [tilespmem:$0x560]  }
0x53: {  	v25 =	vld [tilespmem:$0x2B0];
	v2 =	vmul.f32 v2, v4  }
0x54: {  	v1 =	vsub.f32 v9, v11;
	[tilespmem:$0x1FE10] =	vst v6;
	v6 =	vsub.f32 v10, v12;
	v4 =	vld [tilespmem:$0x820]  }
0x55: {  	[tilespmem:$0x1FF30] =	vst v2;
	v2 =	vld [tilespmem:$0xAA0]  }
0x56: {  	v26 =	vld [tilespmem:$0x3F0];
	[tilespmem:$0x1FE30] =	vst v0;
	v0 =	vmul.f32 v6, v1  }
0x57: {  	[tilespmem:$0x1FB20] =	vst v63;
	v63 =	vld [tilespmem:$0xA60]  }
0x58: {  	v39 =	vld [tilespmem:$0x540];
	v1 =	vmax.f32 v17, v13;
	[tilespmem:$0x1FF60] =	vst v0;
	v0 =	vmax.f32 v18, v15  }
0x59: {  	vm4 =	vgt.f32 v1, v0;
	v0 =	vmax.f32 v0, v1;
	v1 =	vld [tilespmem:$0x6E0];
	[tilespmem:$0x1FE70] =	vst v4  }
0x5a: {  	v4 =	vld [tilespmem:$0xD20];
	[tilespmem:$0x1FE40] =	vst v2;
	v2 =	vmax.f32 v16, v14  }
0x5b: {  	vm11 =	vgt.f32 v2, v0;
	v0 =	vmax.f32 v0, v2;
	v2 =	vld [tilespmem:$0xBE0]  }
0x5c: {  	[tilespmem:$0x1FB30] =	vst v63;
	v63 =	vld [tilespmem:$0x6A0]  }
0x5d: {  	v38 =	vld [tilespmem:$0xA40]  }
0x5e: {  	v43 =	vld [tilespmem:$0x680];
	[tilespmem:$0x1FE50] =	vst v1;
	v1 =	vmax.f32 v20, v19  }
0x5f: {  	v42 =	vld [tilespmem:$0xB80];
	v6 =	vsub.f32 v23, v30;
	vm1 =	vgt.f32 v1, v0;
	[tilespmem:$0x1FE80] =	vst v4  }
0x60: {  	v46 =	vld [tilespmem:$0x7C0];
	v9 =	vmax.f32 v0, v1;
	v0 =	vmax.f32 v35, v31;
	v1 =	vmax.f32 v27, v24;
	[tilespmem:$0x1FE60] =	vst v2  }
0x61: {  	vm0 =	vgt.f32 v1, v0;
	v4 =	vimm.s32 $0x0;
	v2 =	vsub.f32 v21, v28;
	[tilespmem:$0x1FB40] =	vst v63;
	v63 =	vld [tilespmem:$0xBA0]  }
0x62: {  	v45 =	vld [tilespmem:$0xCC0];
	v4 =	vsel vm0, $0xFFFFFFFF, v4  }
0x63: {  	[tilespmem:$0x1FD60] =	vst v4;
	v4 =	vld [tilespmem:$0x960];
	v2 =	vmul.f32 v6, v2  }
0x64: {  	v62 =	vld [tilespmem:$0x690]  }
0x65: {  	v48 =	vld [tilespmem:$0x900];
	v7 =	vsub.f32 v26, v33;
	[tilespmem:$0x1FF80] =	vst v2  }
0x66: {  	v0 =	vmax.f32 v0, v1;
	v1 =	vsub.f32 v25, v32;
	v2 =	vmax.f32 v34, v29;
	[tilespmem:$0x1FB50] =	vst v63;
	v63 =	vld [tilespmem:$0x7E0]  }
0x67: {  	v6 =	vmax.f32 v37, v36;
	vm7 =	vgt.f32 v2, v0;
	v0 =	vmax.f32 v0, v2;
	v2 =	vld [tilespmem:$0xA0]  }
0x68: {  	[tilespmem:$0x1FE90] =	vst v4;
	v4 =	vld [tilespmem:$0xE60];
	vm0 =	vgt.f32 v6, v0;
	v6 =	vmax.f32 v0, v6;
	v0 =	vmul.f32 v7, v1  }
0x69: {  	v47 =	vld [tilespmem:$0xE00];
	[tilespmem:$0x1FA90] =	vst v62  }
0x6a: {  	[tilespmem:$0x1FFA0] =	vst v0;
	v0 =	vld [tilespmem:$0x1E0]  }
0x6b: {  	[tilespmem:$0x1FB60] =	vst v63;
	v63 =	vld [tilespmem:$0xCE0]  }
0x6c: {  	v56 =	vld [tilespmem:$0x180];
	[tilespmem:$0x1FEB0] =	vst v2;
	v2 =	vimm.s32 $0x0  }
0x6d: {  	v53 =	vld [tilespmem:$0x400];
	[tilespmem:$0x1FEA0] =	vst v4;
	v2 =	vsel vm0, $0xFFFFFFFF, v2  }
0x6e: {  	v62 =	vld [tilespmem:$0xB90];
	[tilespmem:$0x1FDF0] =	vst v2  }
0x6f: {  	v4 =	vld [tilespmem:$0x5B0];
	[tilespmem:$0x1FEC0] =	vst v0  }
0x70: {  	v1 =	vimm.f32 $1.500000000e+01;
	v2 =	vmax.f32 v43, v42;
	v0 =	vmax.f32 v39, v38;
	[tilespmem:$0x1FB70] =	vst v63;
	v63 =	vld [tilespmem:$0x920]  }
0x71: {  	vm0 =	vcmask $0x300;
	vm3 =	vgt.f32 v2, v0;
	v0 =	vmax.f32 v0, v2;
	v2 =	vld [tilespmem:$0x1FA90]  }
0x72: {  	v50 =	vld [tilespmem:$0x40];
	v1 =	vsel vm0, $0x0, v1;
	vm0 =	vcmask $0x704  }
0x73: {  	v49 =	vld [tilespmem:$0x2C0];
	v8 =	vmax.f32 v48, v47;
	v1 =	vsel vm0, $0x3F800000, v1;
	vm0 =	vcmask $0xB08  }
0x74: {  	v10 =	vsub.f32 v53, v56;
	[tilespmem:$0x1FED0] =	vst v4;
	v1 =	vsel vm0, $0x40000000, v1;
	vm0 =	vcmask $0xF0C;
	v4 =	vld [tilespmem:$0x1FAB0]  }
0x75: {  	v7 =	vmax.f32 v46, v45;
	v1 =	vsel vm0, $0x40400000, v1;
	vm0 =	vcmask $0x1310;
	[tilespmem:$0x1FB80] =	vst v63;
	v63 =	vld [tilespmem:$0xE20]  }
0x76: {  	v1 =	vsel vm0, $0x40800000, v1;
	vm0 =	vcmask $0x1714;
	v12 =	vmax.f32 v2, v62;
	v2 =	vld [tilespmem:$0x1FAA0]  }
0x77: {  	vm2 =	vgt.f32 v7, v0;
	v1 =	vsel vm0, $0x40A00000, v1;
	vm0 =	vcmask $0x1B18  }
0x78: {  	v59 =	vld [tilespmem:$0x550];
	v0 =	vmax.f32 v0, v7;
	v1 =	vsel vm0, $0x40C00000, v1;
	vm0 =	vcmask $0x1F1C  }
0x79: {  	v57 =	vld [tilespmem:$0xA50];
	v7 =	vsub.f32 v49, v50;
	v1 =	vsel vm0, $0x40E00000, v1;
	vm0 =	vcmask $0x2320  }
0x7a: {  	vm5 =	vgt.f32 v8, v0;
	v1 =	vsel vm0, $0x41000000, v1;
	vm0 =	vcmask $0x2724;
	[tilespmem:$0x1FB90] =	vst v63;
	v63 =	vld [tilespmem:$0x60]  }
0x7b: {  	v1 =	vsel vm0, $0x41100000, v1;
	vm0 =	vcmask $0x2B28;
	v16 =	vmax.f32 v2, v4;
	v2 =	vld [tilespmem:$0x1FAC0]  }
0x7c: {  	v8 =	vmax.f32 v0, v8;
	v0 =	vsel vm0, $0x41200000, v1;
	vm0 =	vcmask $0x2F2C;
	v4 =	vld [tilespmem:$0x1FAD0]  }
0x7d: {  	v0 =	vsel vm0, $0x41300000, v0;
	vm0 =	vcmask $0x3330  }
0x7e: {  	v1 =	vmul.f32 v10, v7;
	v0 =	vsel vm0, $0x41400000, v0;
	vm0 =	vcmask $0x3734  }
0x7f: {  	v0 =	vsel vm0, $0x41500000, v0;
	vm0 =	vcmask $0x3B38;
	[tilespmem:$0x1FBA0] =	vst v63;
	v63 =	vld [tilespmem:$0x1A0]  }
0x80: {  	[tilespmem:$0x1FFB0] =	vst v1;
	v1 =	vmax.f32 v59, v57;
	v59 =	vsel vm0, $0x41600000, v0;
	v0 =	vld [tilespmem:$0x1FAE0]  }
0x81: {  	v19 =	vmax.f32 v2, v4;
	v2 =	vld [tilespmem:$0x1FAF0];
	_ =	sdelay $0x2  }
0x82: {  	[tilespmem:$0x1FBC0] =	vst v63;
	v63 =	vld [tilespmem:$0x2E0];
	_ =	sdelay $0x1  }
0x83: {  	v24 =	vsub.f32 v2, v0;
	v0 =	vld [tilespmem:$0x1FB00]  }
0x84: {  	v2 =	vld [tilespmem:$0x1FB10];
	_ =	sdelay $0x1  }
0x85: {  	[tilespmem:$0x1FBB0] =	vst v63;
	v63 =	vld [tilespmem:$0x420];
	_ =	sdelay $0x1  }
0x86: {  	vm15 =	vgt.f32 v12, v1  }
0x87: {  	v1 =	vmax.f32 v1, v12;
	v12 =	vimm.f32 $0.0e+00;
	v28 =	vsub.f32 v2, v0  }
0x88: {  	v23 =	vsel vm13, $0x3F800000, v12  }
0x89: {  	vm13 =	vgt.f32 v16, v1;
	v1 =	vmax.f32 v1, v16;
	v0 =	vmul.f32 v28, v24;
	[tilespmem:$0x1FBD0] =	vst v63;
	v63 =	vld [tilespmem:$0x570]  }
0x8a: {  	v30 =	vsel vm14, $0x40000000, v23;
	vm14 =	vgt.f32 v19, v1;
	v4 =	vmax.f32 v1, v19;
	v1 =	vld [tilespmem:$0x1FB30]  }
0x8b: {  	[tilespmem:$0x1FFC0] =	vst v0;
	v0 =	vld [tilespmem:$0x1FB20];
	_ =	sdelay $0x2  }
0x8c: {  	[tilespmem:$0x1FBE0] =	vst v63;
	v63 =	vld [tilespmem:$0xA70];
	_ =	sdelay $0x1  }
0x8d: {  	v19 =	vmax.f32 v0, v1;
	v0 =	vld [tilespmem:$0x1FB40]  }
0x8e: {  	v1 =	vld [tilespmem:$0x1FB50];
	_ =	sdelay $0x1  }
0x8f: {  	[tilespmem:$0x1FBF0] =	vst v63;
	v63 =	vld [tilespmem:$0x6B0];
	_ =	sdelay $0x2  }
0x90: {  	v28 =	vmax.f32 v0, v1;
	v0 =	vld [tilespmem:$0x1FB60]  }
0x91: {  	v1 =	vld [tilespmem:$0x1FB70]  }
0x92: {  	[tilespmem:$0x1FC00] =	vst v63;
	v63 =	vld [tilespmem:$0xBB0];
	_ =	sdelay $0x3  }
0x93: {  	v45 =	vmax.f32 v0, v1;
	v0 =	vld [tilespmem:$0x1FB80]  }
0x94: {  	[tilespmem:$0x1FC10] =	vst v63;
	v63 =	vld [tilespmem:$0x7F0]  }
0x95: {  	v1 =	vld [tilespmem:$0x1FB90];
	_ =	sdelay $0x3  }
0x96: {  	[tilespmem:$0x1FC20] =	vst v63;
	v63 =	vld [tilespmem:$0xCF0]  }
0x97: {  	vm0 =	vgt.f32 v3, $5.000000070e-02;
	v46 =	vmax.f32 v0, v1;
	v0 =	vsel vm9, $0x40400000, v30  }
0x98: {  	[tilespmem:$0x1FF20] =	vst v0;
	v0 =	vnsel vm0, $0xFF800000, v3;
	v1 =	vld [tilespmem:$0x1FBB0]  }
0x99: {  	[tilespmem:$0x1FF10] =	vst v0;
	v0 =	vld [tilespmem:$0x1FBA0];
	_ =	sdelay $0x1  }
0x9a: {  	[tilespmem:$0x1FC30] =	vst v63;
	v63 =	vld [tilespmem:$0x930];
	_ =	sdelay $0x2  }
0x9b: {  	v47 =	vsub.f32 v1, v0;
	v0 =	vld [tilespmem:$0x1FBC0]  }
0x9c: {  	v1 =	vld [tilespmem:$0x1FBD0]  }
0x9d: {  	[tilespmem:$0x1FC40] =	vst v63;
	v63 =	vld [tilespmem:$0xE30];
	_ =	sdelay $0x4  }
0x9e: {  	v48 =	vsub.f32 v1, v0;
	[tilespmem:$0x1FC50] =	vst v63;
	v63 =	vld [tilespmem:$0x70];
	_ =	sdelay $0x1  }
0x9f: {  	v0 =	vmul.f32 v48, v47;
	_ =	sdelay $0x1  }
0xa0: {  	[tilespmem:$0x1FFD0] =	vst v0;
	v0 =	vld [tilespmem:$0x1FBE0]  }
0xa1: {  	[tilespmem:$0x1FC60] =	vst v63;
	v63 =	vld [tilespmem:$0x1B0]  }
0xa2: {  	v1 =	vld [tilespmem:$0x1FBF0];
	_ =	sdelay $0x3  }
0xa3: {  	[tilespmem:$0x1FC80] =	vst v63;
	v63 =	vld [tilespmem:$0x2F0]  }
0xa4: {  	v53 =	vmax.f32 v0, v1;
	v0 =	vld [tilespmem:$0x1FC00]  }
0xa5: {  	v1 =	vld [tilespmem:$0x1FC10];
	_ =	sdelay $0x2  }
0xa6: {  	[tilespmem:$0x1FC70] =	vst v63;
	v63 =	vld [tilespmem:$0x430];
	_ =	sdelay $0x1  }
0xa7: {  	v56 =	vmax.f32 v0, v1;
	v0 =	vld [tilespmem:$0x1FC20]  }
0xa8: {  	v1 =	vld [tilespmem:$0x1FC30];
	_ =	sdelay $0x1  }
0xa9: {  	[tilespmem:$0x1FC90] =	vst v63;
	v63 =	vld [tilespmem:$0x580];
	_ =	sdelay $0x2  }
0xaa: {  	v57 =	vmax.f32 v0, v1;
	v0 =	vld [tilespmem:$0x1FC40]  }
0xab: {  	v1 =	vld [tilespmem:$0x1FC50]  }
0xac: {  	[tilespmem:$0x1FCA0] =	vst v63;
	v63 =	vld [tilespmem:$0xA80];
	_ =	sdelay $0x2  }
0xad: {  	v30 =	vsel vm8, $0x3F800000, v12  }
0xae: {  	v50 =	vsel vm10, $0x40000000, v30  }
0xaf: {  	vm0 =	vgt.f32 v5, $5.000000070e-02;
	v62 =	vmax.f32 v0, v1;
	v0 =	vsel vm6, $0x40400000, v50;
	[tilespmem:$0x1FCB0] =	vst v63;
	v63 =	vld [tilespmem:$0x6C0]  }
0xb0: {  	[tilespmem:$0x1FF50] =	vst v0;
	v0 =	vnsel vm0, $0xFF800000, v5  }
0xb1: {  	[tilespmem:$0x1FF40] =	vst v0;
	v0 =	vld [tilespmem:$0x1FC60]  }
0xb2: {  	v1 =	vld [tilespmem:$0x1FC70];
	_ =	sdelay $0x1  }
0xb3: {  	[tilespmem:$0x1FCC0] =	vst v63;
	v63 =	vld [tilespmem:$0xBC0];
	_ =	sdelay $0x2  }
0xb4: {  	v50 =	vsub.f32 v1, v0;
	v0 =	vld [tilespmem:$0x1FC80]  }
0xb5: {  	v1 =	vld [tilespmem:$0x1FC90]  }
0xb6: {  	[tilespmem:$0x1FCD0] =	vst v63;
	v63 =	vld [tilespmem:$0x800];
	_ =	sdelay $0x3  }
0xb7: {  	v48 =	vmax.f32 v53, v56;
	vm6 =	vgt.f32 v56, v53;
	v53 =	vsub.f32 v1, v0  }
0xb8: {  	[tilespmem:$0x1FCE0] =	vst v63;
	v63 =	vld [tilespmem:$0xD00]  }
0xb9: {  	v0 =	vmul.f32 v53, v50;
	_ =	sdelay $0x1  }
0xba: {  	[tilespmem:$0x1FFE0] =	vst v0;
	v0 =	vld [tilespmem:$0x1FCA0]  }
0xbb: {  	v1 =	vld [tilespmem:$0x1FCB0]  }
0xbc: {  	[tilespmem:$0x1FCF0] =	vst v63;
	v63 =	vld [tilespmem:$0x940];
	_ =	sdelay $0x2  }
0xbd: {  	v32 =	vmax.f32 v48, v57  }
0xbe: {  	vm12 =	vgt.f32 v62, v32;
	v42 =	vmax.f32 v32, v62;
	v62 =	vmax.f32 v0, v1;
	v0 =	vld [tilespmem:$0x1FCC0]  }
0xbf: {  	[tilespmem:$0x1FD00] =	vst v63;
	v63 =	vld [tilespmem:$0xE40]  }
0xc0: {  	v1 =	vld [tilespmem:$0x1FCD0];
	_ =	sdelay $0x3  }
0xc1: {  	[tilespmem:$0x1FD10] =	vst v63;
	v63 =	vld [tilespmem:$0x80]  }
0xc2: {  	v53 =	vmax.f32 v0, v1;
	v0 =	vld [tilespmem:$0x1FCE0]  }
0xc3: {  	v1 =	vld [tilespmem:$0x1FCF0];
	_ =	sdelay $0x2  }
0xc4: {  	[tilespmem:$0x1FD20] =	vst v63;
	v63 =	vld [tilespmem:$0x1C0];
	_ =	sdelay $0x1  }
0xc5: {  	v36 =	vmax.f32 v0, v1;
	v0 =	vld [tilespmem:$0x1FD00]  }
0xc6: {  	v1 =	vld [tilespmem:$0x1FD10];
	_ =	sdelay $0x1  }
0xc7: {  	[tilespmem:$0x1FD40] =	vst v63;
	v63 =	vld [tilespmem:$0x300]  }
0xc8: {  	v56 =	vsel vm4, $0x3F800000, v12  }
0xc9: {  	v44 =	vld [tilespmem:$0x950];
	vm0 =	vgt.f32 v57, v48;
	v57 =	vsel vm11, $0x40000000, v56  }
0xca: {  	v51 =	vld [tilespmem:$0xD30];
	v38 =	vmax.f32 v0, v1;
	v0 =	vsel vm1, $0x40400000, v57  }
0xcb: {  	[tilespmem:$0x1FF70] =	vst v0;
	v0 =	vld [tilespmem:$0x1FD20]  }
0xcc: {  	[tilespmem:$0x1FD30] =	vst v63;
	v63 =	vld [tilespmem:$0x440]  }
0xcd: {  	v1 =	vld [tilespmem:$0x1FD30]  }
0xce: {  	v58 =	vld [tilespmem:$0x6F0]  }
0xcf: {  	v54 =	vld [tilespmem:$0xBF0]  }
0xd0: {  	v40 =	vld [tilespmem:$0xE70]  }
0xd1: {  	[tilespmem:$0x1FD50] =	vst v63;
	v63 =	vld [tilespmem:$0x590]  }
0xd2: {  	v32 =	vsub.f32 v1, v0;
	v0 =	vld [tilespmem:$0x1FD40]  }
0xd3: {  	v1 =	vld [tilespmem:$0x1FD50]  }
0xd4: {  	v41 =	vld [tilespmem:$0x1F0]  }
0xd5: {  	v60 =	vld [tilespmem:$0x320]  }
0xd6: {  	v61 =	vld [tilespmem:$0xAB0]  }
0xd7: {  	[tilespmem:$0x1FD70] =	vst v63;
	v63 =	vld [tilespmem:$0xA90]  }
0xd8: {  	v57 =	vsub.f32 v1, v0;
	v0 =	vld [tilespmem:$0x1FD60]  }
0xd9: {  	[tilespmem:$0x1FDD0] =	vst v44;
	v44 =	vld [tilespmem:$0x970]  }
0xda: {  	v22 =	vld [tilespmem:$0x470]  }
0xdb: {  	v26 =	vld [tilespmem:$0x330]  }
0xdc: {  	v33 =	vld [tilespmem:$0x5D0];
	v54 =	vmax.f32 v58, v54;
	vm4 =	vgt.f32 v53, v62;
	vm1 =	vgt.f32 v9, $5.000000070e-02  }
0xdd: {  	v5 =	vmax.f32 v62, v53;
	v56 =	vnsel vm1, $0xFF800000, v9;
	[tilespmem:$0x1FD80] =	vst v63;
	v63 =	vld [tilespmem:$0x6D0];
	vm1 =	vnez.u8 v0  }
0xde: {  	v11 =	vld [tilespmem:$0x450];
	v62 =	vsel vm1, $0x3F800000, v12;
	vm1 =	vgt.f32 v36, v5;
	v5 =	vmax.f32 v5, v36  }
0xdf: {  	v58 =	vld [tilespmem:$0x5F0];
	v0 =	vimm.s32 $0x0;
	v50 =	vsel vm7, $0x40000000, v62;
	vm7 =	vgt.f32 v38, v5  }
0xe0: {  	v55 =	vld [tilespmem:$0x460];
	v0 =	vsel vm7, $0xFFFFFFFF, v0  }
0xe1: {  	v1 =	vld [tilespmem:$0x1FD80];
	[tilespmem:$0x1FEE0] =	vst v0;
	v0 =	vmul.f32 v57, v32  }
0xe2: {  	[tilespmem:$0x1FD90] =	vst v63;
	v63 =	vld [tilespmem:$0xBD0]  }
0xe3: {  	[tilespmem:$0x1FFF0] =	vst v0;
	v0 =	vld [tilespmem:$0x1FD70]  }
0xe4: {  	v52 =	vld [tilespmem:$0x830]  }
0xe5: {  	v17 =	vld [tilespmem:$0x210]  }
0xe6: {  	v13 =	vld [tilespmem:$0xC20]  }
0xe7: {  	[tilespmem:$0x1FDA0] =	vst v63;
	v63 =	vld [tilespmem:$0xD10]  }
0xe8: {  	v57 =	vmax.f32 v0, v1;
	v0 =	vld [tilespmem:$0x1FD90]  }
0xe9: {  	v1 =	vld [tilespmem:$0x1FDA0]  }
0xea: {  	v18 =	vld [tilespmem:$0xD0]  }
0xeb: {  	v15 =	vld [tilespmem:$0x350]  }
0xec: {  	v14 =	vld [tilespmem:$0x720]  }
0xed: {  	v20 =	vld [tilespmem:$0xD40]  }
0xee: {  	[tilespmem:$0x1FDC0] =	vst v63;
	v62 =	vmax.f32 v0, v1;
	v0 =	vld [tilespmem:$0x1FDB0]  }
0xef: {  	v1 =	vld [tilespmem:$0x1FDC0]  }
0xf0: {  	v27 =	vld [tilespmem:$0xAC0]  }
0xf1: {  	v31 =	vld [tilespmem:$0xE80]  }
0xf2: {  	v25 =	vld [tilespmem:$0x700]  }
0xf3: {  	v2 =	vld [tilespmem:$0x1FDE0]  }
0xf4: {  	v0 =	vmax.f32 v0, v1;
	v1 =	vld [tilespmem:$0x1FDD0]  }
0xf5: {  	v21 =	vld [tilespmem:$0xC00]  }
0xf6: {  	v37 =	vld [tilespmem:$0xE90]  }
0xf7: {  	v29 =	vld [tilespmem:$0x5C0]  }
0xf8: {  	v49 =	vld [tilespmem:$0xB0]  }
0xf9: {  	v1 =	vmax.f32 v1, v2;
	v2 =	vld [tilespmem:$0x1FDF0]  }
0xfa: {  	v34 =	vld [tilespmem:$0x340]  }
0xfb: {  	v21 =	vmax.f32 v25, v21;
	v25 =	vld [tilespmem:$0xEB0]  }
0xfc: {  	v43 =	vld [tilespmem:$0x850]  }
0xfd: {  	v39 =	vld [tilespmem:$0xC10];
	v3 =	vmax.f32 v19, v28  }
0xfe: {  	v26 =	vsub.f32 v26, v49;
	v49 =	vld [tilespmem:$0xC30];
	vm8 =	vgt.f32 v45, v3;
	vm7 =	vnez.u8 v2  }
0xff: {  	v10 =	vld [tilespmem:$0xD60];
	v3 =	vmax.f32 v3, v45;
	v2 =	vsel vm7, $0x40400000, v50;
	vm7 =	vgt.f32 v6, $5.000000070e-02  }
0x100: {  	v23 =	vld [tilespmem:$0x840];
	[tilespmem:$0x1FF90] =	vst v2;
	v32 =	vnsel vm7, $0xFF800000, v6;
	vm7 =	vgt.f32 v62, v57;
	v2 =	vimm.s32 $0x0  }
0x101: {  	vm10 =	vgt.f32 v46, v3;
	v30 =	vmax.f32 v3, v46;
	v3 =	vld [tilespmem:$0x1FE10];
	v2 =	vsel vm7, $0xFFFFFFFF, v2  }
0x102: {  	[tilespmem:$0x1FEF0] =	vst v2;
	v2 =	vld [tilespmem:$0x1FE00]  }
0x103: {  	v7 =	vld [tilespmem:$0x1FEA0]  }
0x104: {  	v16 =	vld [tilespmem:$0x5E0]  }
0x105: {  	v20 =	vmax.f32 v23, v20;
	v23 =	vld [tilespmem:$0x9B0]  }
0x106: {  	v24 =	vld [tilespmem:$0x980]  }
0x107: {  	v50 =	vsub.f32 v3, v2;
	v2 =	vld [tilespmem:$0x1FE20]  }
0x108: {  	vm9 =	vgt.f32 v28, v19;
	v19 =	vld [tilespmem:$0xC0]  }
0x109: {  	v28 =	vld [tilespmem:$0x200]  }
0x10a: {  	v45 =	vld [tilespmem:$0xAD0]  }
0x10b: {  	v48 =	vld [tilespmem:$0x990]  }
0x10c: {  	v46 =	vld [tilespmem:$0x710];
	v6 =	vmax.f32 v57, v62;
	v57 =	vsub.f32 v11, v2  }
0x10d: {  	v47 =	vld [tilespmem:$0xD50];
	v2 =	vsel vm3, $0x3F800000, v12;
	vm3 =	vgt.f32 v0, v6;
	v0 =	vmax.f32 v6, v0  }
0x10e: {  	v2 =	vsel vm2, $0x40000000, v2;
	vm2 =	vgt.f32 v1, v0;
	v6 =	vmax.f32 v0, v1;
	v0 =	vld [tilespmem:$0x1FE30]  }
0x10f: {  	v1 =	vld [tilespmem:$0x1FE40]  }
0x110: {  	v37 =	vmax.f32 v48, v37;
	v48 =	vld [tilespmem:$0xB00]  }
0x111: {  	v9 =	vld [tilespmem:$0x9A0];
	v3 =	vimm.s32 $0x0  }
0x112: {  	[tilespmem:$0x10A0] =	vst v56;
	v56 =	vld [tilespmem:$0xC70];
	v3 =	vsel vm2, $0xFFFFFFFF, v3  }
0x113: {  	[tilespmem:$0x1FF00] =	vst v3;
	v3 =	vld [tilespmem:$0x1FE60]  }
0x114: {  	v0 =	vmax.f32 v0, v1;
	v1 =	vld [tilespmem:$0x1FE50]  }
0x115: {  	v36 =	vld [tilespmem:$0xAE0]  }
0x116: {  	v5 =	vmax.f32 v5, v38;
	v38 =	vld [tilespmem:$0x490]  }
0x117: {  	v53 =	vmul.f32 v57, v50;
	v50 =	vsel vm5, $0x40400000, v2;
	v2 =	vld [tilespmem:$0x1FEB0]  }
0x118: {  	v63 =	vld [tilespmem:$0x480]  }
0x119: {  	v57 =	vmax.f32 v1, v3;
	v1 =	vld [tilespmem:$0x1FE70]  }
0x11a: {  	v3 =	vld [tilespmem:$0x1FE80]  }
0x11b: {  	v11 =	vld [tilespmem:$0x860]  }
0x11c: {  	vm11 =	vgt.f32 v57, v0;
	v0 =	vmax.f32 v0, v57;
	v57 =	vsub.f32 v60, v2;
	v2 =	vld [tilespmem:$0x1FEC0]  }
0x11d: {  	v28 =	vsub.f32 v63, v28;
	v63 =	vld [tilespmem:$0x600]  }
0x11e: {  	v13 =	vmax.f32 v14, v13;
	v14 =	vld [tilespmem:$0x1FEF0]  }
0x11f: {  	vm2 =	vgt.f32 v8, $5.000000070e-02;
	v1 =	vmax.f32 v1, v3;
	v3 =	vld [tilespmem:$0x1FE90]  }
0x120: {  	v35 =	vnsel vm2, $0xFF800000, v8;
	v8 =	vld [tilespmem:$0xE0]  }
0x121: {  	v10 =	vmax.f32 v11, v10;
	v11 =	vld [tilespmem:$0x9C0];
	v55 =	vsub.f32 v55, v2  }
0x122: {  	v60 =	vld [tilespmem:$0x220]  }
0x123: {  	v55 =	vmul.f32 v55, v57;
	v57 =	vld [tilespmem:$0x4A0]  }
0x124: {  	v22 =	vsub.f32 v22, v41;
	v62 =	vmax.f32 v3, v7;
	v7 =	vld [tilespmem:$0xEA0]  }
0x125: {  	v2 =	vsel vm15, $0x3F800000, v12;
	vm15 =	vgt.f32 v1, v0;
	v0 =	vmax.f32 v0, v1;
	v3 =	vld [tilespmem:$0x360]  }
0x126: {  	v1 =	vsel vm13, $0x40000000, v2;
	vm13 =	vgt.f32 v62, v0;
	v2 =	vmax.f32 v0, v62;
	v0 =	vld [tilespmem:$0x1FED0]  }
0x127: {  	v52 =	vmax.f32 v52, v51;
	v51 =	vsel vm14, $0x40400000, v1;
	v1 =	vld [tilespmem:$0xAF0];
	v62 =	vsel vm9, $0x3F800000, v12  }
0x128: {  	v15 =	vsub.f32 v15, v18;
	v27 =	vmax.f32 v29, v27;
	v41 =	vsel vm8, $0x40000000, v62;
	v62 =	vld [tilespmem:$0x870]  }
0x129: {  	v24 =	vmax.f32 v24, v31;
	v19 =	vsub.f32 v34, v19;
	v7 =	vmax.f32 v9, v7;
	v9 =	vld [tilespmem:$0x1FEE0]  }
0x12a: {  	v29 =	vsel vm6, $0x3F800000, v12;
	v3 =	vsub.f32 v3, v8;
	v8 =	vsub.f32 v57, v60;
	v60 =	vld [tilespmem:$0x4E0]  }
0x12b: {  	v17 =	vsub.f32 v38, v17;
	vm2 =	vgt.f32 v4, $5.000000070e-02;
	v57 =	vld [tilespmem:$0x8B0];
	v61 =	vmax.f32 v0, v61  }
0x12c: {  	v0 =	vnsel vm2, $0xFF800000, v4;
	vm14 =	vgt.f32 v54, v61;
	v4 =	vmax.f32 v61, v54;
	v61 =	vld [tilespmem:$0x730]  }
0x12d: {  	v18 =	vsel vm4, $0x3F800000, v12;
	vm2 =	vgt.f32 v30, $5.000000070e-02;
	v54 =	vmul.f32 v17, v15;
	v15 =	vld [tilespmem:$0xD80]  }
0x12e: {  	vm9 =	vgt.f32 v52, v4;
	v4 =	vmax.f32 v4, v52;
	v52 =	vmul.f32 v22, v26;
	v26 =	vld [tilespmem:$0xD70]  }
0x12f: {  	v22 =	vsel vm10, $0x40400000, v41;
	vm10 =	vgt.f32 v21, v27;
	v21 =	vmax.f32 v27, v21;
	v27 =	vld [tilespmem:$0xF0]  }
0x130: {  	v41 =	vnsel vm2, $0xFF800000, v30;
	v30 =	vld [tilespmem:$0x230];
	vm8 =	vgt.f32 v20, v21;
	v20 =	vmax.f32 v21, v20  }
0x131: {  	v21 =	vsel vm0, $0x40000000, v29;
	v29 =	vld [tilespmem:$0x370];
	vm0 =	vgt.f32 v42, $5.000000070e-02;
	vm6 =	vgt.f32 v24, v20  }
0x132: {  	v34 =	vmax.f32 v20, v24;
	v20 =	vmul.f32 v28, v19;
	v19 =	vld [tilespmem:$0x4B0];
	v24 =	vmax.f32 v33, v45  }
0x133: {  	v28 =	vmax.f32 v46, v39;
	v42 =	vnsel vm0, $0xFF800000, v42;
	vm0 =	vnez.u8 v9;
	v9 =	vld [tilespmem:$0xEC0]  }
0x134: {  	v39 =	vsel vm12, $0x40400000, v21;
	vm12 =	vgt.f32 v28, v24;
	v21 =	vmax.f32 v24, v28;
	v24 =	vld [tilespmem:$0x740]  }
0x135: {  	v40 =	vmax.f32 v44, v40;
	v18 =	vsel vm1, $0x40000000, v18;
	v28 =	vld [tilespmem:$0xC40]  }
0x136: {  	v31 =	vmax.f32 v43, v47;
	v17 =	vmax.f32 v16, v36;
	v16 =	vsel vm0, $0x40400000, v18;
	v18 =	vld [tilespmem:$0x610]  }
0x137: {  	vm0 =	vgt.f32 v5, $5.000000070e-02;
	vm5 =	vgt.f32 v31, v21;
	v21 =	vmax.f32 v21, v31;
	v31 =	vld [tilespmem:$0x880]  }
0x138: {  	vm2 =	vgt.f32 v13, v17;
	v44 =	vnsel vm0, $0xFF800000, v5;
	v5 =	vmax.f32 v17, v13;
	v13 =	vld [tilespmem:$0x100]  }
0x139: {  	v17 =	vld [tilespmem:$0x240]  }
0x13a: {  	vm4 =	vgt.f32 v37, v21;
	v37 =	vmax.f32 v21, v37;
	v21 =	vmul.f32 v8, v3;
	v3 =	vld [tilespmem:$0x4C0]  }
0x13b: {  	vm0 =	vnez.u8 v14;
	v8 =	vmax.f32 v62, v26;
	v26 =	vld [tilespmem:$0x1FF00]  }
0x13c: {  	v14 =	vsel vm0, $0x3F800000, v12;
	v62 =	vld [tilespmem:$0xB10]  }
0x13d: {  	vm1 =	vgt.f32 v10, v5;
	v5 =	vmax.f32 v5, v10;
	v10 =	vsel vm3, $0x40000000, v14;
	v14 =	vld [tilespmem:$0x380]  }
0x13e: {  	vm3 =	vgt.f32 v7, v5;
	v5 =	vmax.f32 v5, v7;
	v7 =	vmax.f32 v61, v49;
	v49 =	vld [tilespmem:$0x770]  }
0x13f: {  	v1 =	vmax.f32 v58, v1;
	vm7 =	vgt.f32 v40, v4;
	v61 =	vld [tilespmem:$0xDB0]  }
0x140: {  	v4 =	vmax.f32 v4, v40;
	v19 =	vsub.f32 v19, v30;
	v30 =	vld [tilespmem:$0xED0];
	vm0 =	vnez.u8 v26  }
0x141: {  	v9 =	vmax.f32 v11, v9;
	v3 =	vsub.f32 v3, v17;
	v17 =	vld [tilespmem:$0x4D0];
	v26 =	vsel vm0, $0x40400000, v10  }
0x142: {  	vm0 =	vgt.f32 v6, $5.000000070e-02;
	v10 =	vmax.f32 v23, v25;
	v23 =	vsub.f32 v29, v27;
	v27 =	vld [tilespmem:$0x890]  }
0x143: {  	v24 =	vmax.f32 v24, v28;
	v29 =	vld [tilespmem:$0x9D0];
	v13 =	vsub.f32 v14, v13;
	v45 =	vnsel vm0, $0xFF800000, v6  }
0x144: {  	v14 =	vld [tilespmem:$0x390];
	vm0 =	vgt.f32 v7, v1;
	v1 =	vmax.f32 v1, v7;
	v7 =	vsel vm11, $0x3F800000, v12  }
0x145: {  	v6 =	vld [tilespmem:$0x750];
	vm11 =	vgt.f32 v8, v1;
	v1 =	vmax.f32 v1, v8;
	v7 =	vsel vm15, $0x40000000, v7  }
0x146: {  	v8 =	vld [tilespmem:$0xC50];
	v23 =	vmul.f32 v19, v23;
	v19 =	vmax.f32 v63, v48;
	vm15 =	vgt.f32 v2, $5.000000070e-02  }
0x147: {  	v63 =	vld [tilespmem:$0x3A0];
	v25 =	vsel vm13, $0x40400000, v7;
	vm13 =	vgt.f32 v10, v1;
	v7 =	vmax.f32 v1, v10  }
0x148: {  	v1 =	vld [tilespmem:$0xD90];
	v10 =	vsel vm14, $0x3F800000, v12;
	v46 =	vnsel vm15, $0xFF800000, v2;
	v2 =	vmax.f32 v31, v15  }
0x149: {  	v11 =	vmax.f32 v19, v24;
	v15 =	vld [tilespmem:$0x250];
	vm14 =	vgt.f32 v4, $5.000000070e-02;
	v10 =	vsel vm9, $0x40000000, v10  }
0x14a: {  	v28 =	vsel vm7, $0x40400000, v10;
	v10 =	vld [tilespmem:$0x110];
	vm7 =	vgt.f32 v24, v19;
	v19 =	vsel vm10, $0x3F800000, v12  }
0x14b: {  	v47 =	vnsel vm14, $0xFF800000, v4;
	v24 =	vmul.f32 v3, v13;
	v3 =	vld [tilespmem:$0xB20];
	v4 =	vsel vm8, $0x40000000, v19  }
0x14c: {  	vm8 =	vgt.f32 v2, v11;
	v2 =	vmax.f32 v11, v2;
	v11 =	vmax.f32 v18, v62;
	v18 =	vld [tilespmem:$0x760]  }
0x14d: {  	v19 =	vld [tilespmem:$0x8A0]  }
0x14e: {  	vm15 =	vgt.f32 v34, $5.000000070e-02;
	v62 =	vld [tilespmem:$0x9F0];
	v31 =	vsel vm6, $0x40400000, v4  }
0x14f: {  	v4 =	vld [tilespmem:$0x620];
	vm6 =	vgt.f32 v9, v2;
	v9 =	vmax.f32 v2, v9;
	v2 =	vsel vm12, $0x3F800000, v12  }
0x150: {  	v48 =	vnsel vm15, $0xFF800000, v34;
	v6 =	vmax.f32 v6, v8;
	v8 =	vld [tilespmem:$0xC60];
	v2 =	vsel vm5, $0x40000000, v2  }
0x151: {  	v34 =	vsel vm4, $0x40400000, v2;
	vm4 =	vgt.f32 v6, v11;
	v6 =	vmax.f32 v11, v6;
	v11 =	vld [tilespmem:$0xDA0]  }
0x152: {  	v2 =	vmax.f32 v29, v30;
	v29 =	vld [tilespmem:$0xEE0]  }
0x153: {  	v1 =	vmax.f32 v27, v1;
	v27 =	vsel vm2, $0x3F800000, v12;
	v30 =	vld [tilespmem:$0x120]  }
0x154: {  	v15 =	vsub.f32 v17, v15;
	vm2 =	vgt.f32 v1, v6;
	v1 =	vmax.f32 v6, v1;
	v6 =	vld [tilespmem:$0x9E0]  }
0x155: {  	v17 =	vsel vm0, $0x3F800000, v12;
	v27 =	vsel vm1, $0x40000000, v27;
	v10 =	vsub.f32 v14, v10;
	v14 =	vld [tilespmem:$0x1FF10]  }
0x156: {  	v17 =	vsel vm11, $0x40000000, v17;
	v40 =	vsel vm3, $0x40400000, v27;
	v27 =	vld [tilespmem:$0x260]  }
0x157: {  	v43 =	vsel vm13, $0x40400000, v17;
	v17 =	vld [tilespmem:$0xB30]  }
0x158: {  	v33 =	vmul.f32 v15, v10;
	v10 =	vmax.f32 v4, v3;
	v3 =	vld [tilespmem:$0x1FF40]  }
0x159: {  	[tilespmem:$0xFC0] =	vst v20;
	v20 =	vimm.s32 $0xDCFE98BA;
	v8 =	vmax.f32 v18, v8;
	v18 =	vld [tilespmem:$0x630]  }
0x15a: {  	[tilespmem:$0x10B0] =	vst v32;
	v20 =	vunpack.c.l.s4.s8 v20;
	vm0 =	vgt.f32 v5, $5.000000070e-02;
	v15 =	vld [tilespmem:$0x1FF60]  }
0x15b: {  	[tilespmem:$0x12A0] =	vst v25;
	vm3 =	vgt.f32 v8, v10;
	v8 =	vmax.f32 v10, v8;
	v10 =	vsub.f32 v63, v30;
	v63 =	vld [tilespmem:$0xEF0]  }
0x15c: {  	v49 =	vmax.f32 v49, v56;
	v25 =	vimm.s32 $0x67452301;
	[tilespmem:$0x1080] =	vst v14;
	v14 =	vnsel vm0, $0xFF800000, v5;
	v5 =	vld [tilespmem:$0x1FF20]  }
0x15d: {  	[tilespmem:$0x1240] =	vst v50;
	vm1 =	vgt.f32 v7, $5.000000070e-02;
	v36 =	vmax.f32 v1, v2;
	vm0 =	vgt.f32 v2, v1;
	v2 =	vld [tilespmem:$0x1FF30]  }
0x15e: {  	[tilespmem:$0x10C0] =	vst v35;
	v11 =	vmax.f32 v19, v11;
	v19 =	vmax.f32 v6, v29;
	v6 =	vsel vm7, $0x3F800000, v12;
	v56 =	vld [tilespmem:$0x1080]  }
0x15f: {  	s14 =	sor.u32 $0x30, s10;
	v25 =	vunpack.c.l.s4.s8 v25;
	[tilespmem:$0xF10] =	vst v15;
	v15 =	vnsel vm1, $0xFF800000, v7;
	v7 =	vsel vm8, $0x40000000, v6;
	v6 =	vld [tilespmem:$0x1FF70]  }
0x160: {  	s14 =	scvt.s32.f32 s14;
	[tilespmem:$0x10D0] =	vst v0;
	v20 =	vunpack.c.0.s8.s32 v20;
	v0 =	vmax.f32 v57, v61;
	v17 =	vmax.f32 v18, v17;
	v18 =	vld [tilespmem:$0x270]  }
0x161: {  	s13 =	sor.u32 $0x20, s10;
	s11 =	scvt.s32.f32 s10;
	v25 =	vunpack.c.0.s8.s32 v25;
	vm5 =	vgt.f32 v37, $5.000000070e-02;
	[tilespmem:$0x1090] =	vst v3;
	v29 =	vsel vm6, $0x40400000, v7;
	v7 =	vld [tilespmem:$0x1FF80]  }
0x162: {  	s30 =	sor.u32 $0x10, s10;
	s13 =	scvt.s32.f32 s13;
	[tilespmem:$0x10E0] =	vst v41;
	v13 =	vnsel vm5, $0xFF800000, v37;
	v4 =	vadd.f32 s14, v59;
	v30 =	vsub.f32 v60, v27;
	v58 =	vld [tilespmem:$0x1090]  }
0x163: {  	s12 =	scvt.s32.f32 s30;
	[tilespmem:$0x1260] =	vst v22;
	v1 =	vadd.f32 s11, v59;
	v60 =	vsel vm3, $0x3F800000, v12;
	v61 =	vmax.f32 v62, v63;
	v63 =	vld [tilespmem:$0x4F0]  }
0x164: {  	s14 =	sadd.s32 $0x50, s10;
	v3 =	vadd.f32 s13, v59;
	vm1 =	vgt.f32 v9, $5.000000070e-02;
	v30 =	vmul.f32 v30, v10;
	[tilespmem:$0x1200] =	vst v5;
	v5 =	vld [tilespmem:$0x1FF50]  }
0x165: {  	vm3 =	vgt.f32 v49, v17;
	v62 =	vmax.f32 v17, v49;
	[tilespmem:$0xF00] =	vst v2;
	v2 =	vadd.f32 s12, v59;
	s12 =	scvt.s32.f32 s14  }
0x166: {  	s15 =	sadd.s32 $0x40, s10;
	v50 =	vld [tilespmem:$0x3B0];
	v32 =	vnsel vm1, $0xFF800000, v9;
	v22 =	vsel vm3, $0x3F800000, v12;
	v17 =	vmax.f32 v62, v0;
	[tilespmem:$0x1220] =	vst v6  }
0x167: {  	s31 =	scvt.s32.f32 s15;
	v57 =	vld [tilespmem:$0x1FFC0];
	vm3 =	vlt.f32 v56, $-Inf;
	v6 =	vadd.f32 s12, v59;
	[tilespmem:$0xF20] =	vst v7;
	v7 =	vsel vm4, $0x3F800000, v12  }
0x168: {  	[tilespmem:$0x10F0] =	vst v42;
	v12 =	vld [tilespmem:$0x1FFD0];
	v38 =	vmax.f32 v56, v58;
	v9 =	vsel vm2, $0x40000000, v7;
	vm2 =	vgt.f32 v11, v8  }
0x169: {  	v7 =	vld [tilespmem:$0x1FF90];
	v11 =	vmax.f32 v8, v11;
	v18 =	vsub.f32 v63, v18;
	[tilespmem:$0x1210] =	vst v5;
	v5 =	vadd.f32 s31, v59  }
0x16a: {  	[tilespmem:$0x1270] =	vst v39;
	v8 =	vld [tilespmem:$0x1FFA0];
	v27 =	vsel vm0, $0x40400000, v9;
	vm0 =	vgt.f32 v36, $5.000000070e-02;
	vm1 =	vgt.f32 v19, v11  }
0x16b: {  	s20 =	sadd.s32 $0xB0, s10;
	[tilespmem:$0x1100] =	vst v44;
	v11 =	vmax.f32 v11, v19;
	v19 =	vld [tilespmem:$0x130];
	v35 =	vnsel vm0, $0xFF800000, v36;
	v36 =	vsel vm2, $0x40000000, v60  }
0x16c: {  	s16 =	sadd.s32 $0x70, s10;
	s15 =	sadd.s32 $0x60, s10;
	s21 =	scvt.s32.f32 s20;
	[tilespmem:$0xF50] =	vst v57;
	v57 =	vld [tilespmem:$0x10E0];
	vm0 =	vgt.f32 v11, $5.000000070e-02;
	vm2 =	vgt.f32 v0, v62;
	v0 =	vmax.f32 v17, v61  }
0x16d: {  	s13 =	scvt.s32.f32 s16;
	s12 =	scvt.s32.f32 s15;
	v41 =	vnsel vm0, $0xFF800000, v11;
	vm0 =	vgt.f32 v61, v17;
	vm4 =	vgt.f32 v0, $5.000000070e-02;
	v17 =	vld [tilespmem:$0x10A0];
	[tilespmem:$0xF60] =	vst v12  }
0x16e: {  	s17 =	sadd.s32 $0x80, s10;
	v60 =	vld [tilespmem:$0x10B0];
	v0 =	vnsel vm4, $0xFF800000, v0;
	vm4 =	vgt.f32 v56, $-Inf;
	v12 =	vadd.f32 s21, v59;
	[tilespmem:$0x1230] =	vst v7  }
0x16f: {  	v61 =	vld [tilespmem:$0x10C0];
	v7 =	vadd.f32 s12, v59;
	[tilespmem:$0xF30] =	vst v8;
	v8 =	vadd.f32 s13, v59;
	s12 =	scvt.s32.f32 s17;
	vm3 =	vmor vm4, vm3  }
0x170: {  	v62 =	vld [tilespmem:$0x10D0];
	[tilespmem:$0x11B0] =	vst v0;
	v0 =	vsel vm1, $0x40400000, v36;
	v19 =	vsub.f32 v50, v19;
	v63 =	vnsel vm3, $0x4E6E6B28, v1  }
0x171: {  	v10 =	vld [tilespmem:$0x1FFB0];
	vm3 =	vgt.f32 v58, v56;
	[tilespmem:$0x1320] =	vst v0;
	v0 =	vlaneseq.u32;
	v9 =	vadd.f32 s12, v59  }
0x172: {  	[tilespmem:$0x1110] =	vst v45;
	v39 =	vsel vm3, v2, v63;
	vm3 =	vgt.f32 v17, v38;
	v17 =	vmax.f32 v38, v17  }
0x173: {  	s18 =	sadd.s32 $0x90, s10;
	[tilespmem:$0x1120] =	vst v46;
	v58 =	vld [tilespmem:$0x10F0];
	v39 =	vsel vm3, v3, v39;
	vm3 =	vgt.f32 v60, v17;
	v17 =	vmax.f32 v17, v60  }
0x174: {  	s19 =	sadd.s32 $0xA0, s10;
	[tilespmem:$0x1130] =	vst v47;
	s13 =	scvt.s32.f32 s18;
	v60 =	vld [tilespmem:$0x1100];
	v39 =	vsel vm3, v4, v39;
	vm3 =	vgt.f32 v61, v17;
	v17 =	vmax.f32 v17, v61  }
0x175: {  	[tilespmem:$0x1140] =	vst v48;
	s12 =	scvt.s32.f32 s19;
	v61 =	vld [tilespmem:$0x1110];
	v39 =	vsel vm3, v5, v39;
	vm3 =	vgt.f32 v62, v17;
	v17 =	vmax.f32 v17, v62  }
0x176: {  	[tilespmem:$0xF40] =	vst v10;
	v10 =	vadd.f32 s13, v59;
	v62 =	vld [tilespmem:$0x1120];
	v39 =	vsel vm3, v6, v39;
	vm3 =	vgt.f32 v57, v17  }
0x177: {  	[tilespmem:$0x1150] =	vst v13;
	v63 =	vld [tilespmem:$0x1130];
	v11 =	vadd.f32 s12, v59;
	v17 =	vmax.f32 v17, v57;
	v13 =	vsel vm3, v7, v39  }
0x178: {  	[tilespmem:$0x1250] =	vst v51;
	v47 =	vld [tilespmem:$0x1140];
	vm3 =	vgt.f32 v58, v17;
	v17 =	vmax.f32 v17, v58;
	v58 =	vsel vm2, $0x40000000, v22  }
0x179: {  	[tilespmem:$0x1160] =	vst v14;
	v13 =	vsel vm3, v8, v13;
	vm3 =	vgt.f32 v60, v17;
	v14 =	vmax.f32 v17, v60;
	v17 =	vld [tilespmem:$0x1150]  }
0x17a: {  	[tilespmem:$0x1170] =	vst v15;
	v15 =	vld [tilespmem:$0x1160];
	v13 =	vsel vm3, v9, v13;
	vm3 =	vgt.f32 v61, v14;
	v14 =	vmax.f32 v14, v61  }
0x17b: {  	s22 =	sadd.s32 $0xC0, s10;
	[tilespmem:$0x1280] =	vst v16;
	v13 =	vsel vm3, v10, v13;
	vm3 =	vgt.f32 v62, v14;
	v14 =	vmax.f32 v14, v62  }
0x17c: {  	[tilespmem:$0xFF0] =	vst v23;
	v48 =	vld [tilespmem:$0x1170];
	s12 =	scvt.s32.f32 s22;
	v61 =	vimm.s32 $0x76543210;
	v50 =	vsel vm3, v11, v13;
	v13 =	vmax.f32 v14, v63  }
0x17d: {  	s23 =	sadd.s32 $0xD0, s10;
	[tilespmem:$0x1180] =	vst v32;
	v23 =	vunpack.c.l.s4.s8 v61;
	vm3 =	vgt.f32 v63, v14;
	v51 =	vmax.f32 v13, v47  }
0x17e: {  	s25 =	sadd.s32 $0xE0, s10;
	s24 =	scvt.s32.f32 s23;
	[tilespmem:$0x1290] =	vst v26;
	v14 =	vld [tilespmem:$0x1180];
	vm5 =	vgt.f32 v47, v13;
	v13 =	vadd.f32 s12, v59;
	v16 =	vmax.f32 v51, v17  }
0x17f: {  	[tilespmem:$0x1190] =	vst v35;
	s13 =	scvt.s32.f32 s25;
	v37 =	vsel vm3, v12, v50;
	vm3 =	vgt.f32 v17, v51;
	vm6 =	vgt.f32 v15, v16  }
0x180: {  	[tilespmem:$0x11A0] =	vst v41;
	v17 =	vld [tilespmem:$0x1190];
	v16 =	vmax.f32 v16, v15;
	v15 =	vadd.f32 s24, v59;
	v26 =	vsel vm5, v13, v37  }
0x181: {  	s28 =	sadd.s32 $0x100, s10;
	v57 =	vld [tilespmem:$0x11A0];
	vm4 =	vgt.f32 v48, v16;
	v32 =	vmax.f32 v16, v48;
	v16 =	vadd.f32 s13, v59  }
0x182: {  	s26 =	sadd.s32 $0xF0, s10;
	[tilespmem:$0xF90] =	vst v53;
	v60 =	vmul.f32 v18, v19;
	v18 =	vimm.s32 $0xEFCDAB89;
	s13 =	scvt.s32.f32 s28;
	v22 =	vsel vm3, v15, v26  }
0x183: {  	[tilespmem:$0xFA0] =	vst v55;
	s12 =	scvt.s32.f32 s26;
	v23 =	vunpack.c.0.s8.s32 v23;
	vm5 =	vgt.f32 v14, v32;
	v19 =	vsel vm6, v16, v22;
	v22 =	vld [tilespmem:$0x11B0]  }
0x184: {  	s29 =	sadd.s32 $0x110, s10;
	[tilespmem:$0xFD0] =	vst v54;
	v14 =	vmax.f32 v32, v14;
	v26 =	vunpack.c.l.s4.s8 v18;
	v18 =	vadd.f32 s13, v59  }
0x185: {  	[tilespmem:$0xFB0] =	vst v52;
	vm3 =	vgt.f32 v17, v14;
	v14 =	vmax.f32 v14, v17;
	v17 =	vadd.f32 s12, v59;
	s12 =	scvt.s32.f32 s29  }
0x186: {  	[tilespmem:$0xFE0] =	vst v21;
	vm6 =	vcmask $0x1B20;
	v26 =	vunpack.c.0.s8.s32 v26;
	vm1 =	vgt.f32 v57, v14  }
0x187: {  	[tilespmem:$0x12B0] =	vst v28;
	v14 =	vmax.f32 v14, v57;
	v28 =	vsel vm4, v17, v19;
	v19 =	vadd.f32 s12, v59  }
0x188: {  	[tilespmem:$0x1000] =	vst v24;
	vm4 =	vcmask $0x1320;
	v28 =	vsel vm5, v18, v28;
	vm2 =	vgt.f32 v22, v14  }
0x189: {  	[tilespmem:$0x12C0] =	vst v31;
	v31 =	vmax.f32 v14, v22;
	v14 =	vcombine.low v25, v26;
	v22 =	vimm.s32 $0x54761032  }
0x18a: {  	[tilespmem:$0x12D0] =	vst v34;
	v25 =	vimm.s32 $0xBA98FEDC;
	v26 =	vimm.s32 $0x32107654;
	v22 =	vunpack.c.l.s4.s8 v22  }
0x18b: {  	s30 =	sadd.s32 $0x120, s10;
	[tilespmem:$0x12E0] =	vst v40;
	v49 =	vld [tilespmem:$0x1FFE0];
	vm5 =	vcmask $0x1720;
	v25 =	vunpack.c.l.s4.s8 v25;
	v26 =	vunpack.c.l.s4.s8 v26  }
0x18c: {  	[tilespmem:$0x12F0] =	vst v43;
	s10 =	sadd.s32 $0x130, s10;
	s12 =	scvt.s32.f32 s30;
	v28 =	vsel vm3, v19, v28;
	vm3 =	vcmask $0xF20;
	v21 =	vunpack.c.0.s8.s32 v22  }
0x18d: {  	s10 =	scvt.s32.f32 s10;
	[tilespmem:$0x1010] =	vst v33;
	v56 =	vld [tilespmem:$0x1FFF0];
	v22 =	vunpack.c.0.s8.s32 v25;
	v25 =	vimm.s32 $0xFEDCBA98;
	v26 =	vunpack.c.0.s8.s32 v26  }
0x18e: {  	[tilespmem:$0x1300] =	vst v29;
	v25 =	vunpack.c.l.s4.s8 v25;
	v62 =	vcombine.low v21, v20;
	v20 =	vadd.f32 s12, v59  }
0x18f: {  	[tilespmem:$0x1020] =	vst v30;
	v63 =	vcombine.low v26, v22;
	v21 =	vadd.f32 s10, v59;
	v22 =	vmov s11  }
.Ltmp1:
0x190: {  	[tilespmem:$0xF70] =	vst v49;
	v25 =	vunpack.c.0.s8.s32 v25;
	v24 =	vsel vm1, v20, v28;
	v28 =	vsel vm0, $0x40400000, v58;
	(pc) =	sbr.rel .LBB2_2-.Ltmp1, $4  }
0x191: {  	p0 =	sne.s32 s2, $0x0;
	s16 =	simm.s32 $0x1580;
	s14 =	simm.s32 $0x1400;
	[tilespmem:$0x1310] =	vst v27;
	v26 =	vand.u32 $0xF, v62;
	v27 =	vand.u32 $0xF, v63;
	vm0 =	vcmask $0x320  }
0x192: {  	s15 =	simm.s32 $0x1500;
	s31 =	sshll.u32 s2, $0x6;
	s17 =	simm.s32 $0x1600;
	[tilespmem:$0xF80] =	vst v56;
	vm1 =	vcmask $0x720;
	v29 =	vsel vm2, v21, v24;
	v24 =	vand.u32 $0xF, v25  }
0x193: {  	s18 =	simm.s32 $0x0;
	s19 =	simm.s32 $0x0;
	s13 =	simm.s32 $0x1380;
	v25 =	vand.u32 $0xF, v14;
	vm2 =	vcmask $0xB20;
	[tilespmem:$0x1330] =	vst v28;
	v28 =	vmul.u32 $0x10, v0  }
0x194: {  	[tilespmem:$0x1030] =	vst v60;
	s10 =	simm.s32 $0xF00;
	s11 =	simm.s32 $0x1200;
	s12 =	sshrl.u32 s31, $0x2;
	v14 =	vimm.s32 $0x0;
	v23 =	vcombine.low v24, v23;
	v24 =	vimm.s32 $0x0  }
.LBB2_3:
0x195: {  	vm7 =	vmand vm8, vm7  }
0x196: {  	v0 =	vmov s19;
	_ =	sdelay $0x1  }
0x197: {  	p1 =	seq.s32 s19, $0x63  }
.Ltmp2:
0x198: {  	_ = 	snop;
	(pc) =	sbr.rel @p1 .LBB2_7-.Ltmp2, $4  }
0x199: {  	_ = 	snop  }
0x19a: {  	[tilespmem:v0+s15+$0x0] =	vst.idx.msk vm7, v29  }
0x19b: {  	v29 =	vsel vm8, $0x1, v24;
	[tilespmem:v0+s16+$0x0] =	vst.idx.msk vm7, v30  }
0x19c: {  	v14 =	vadd.s32 v29, v14;
	[tilespmem:v0+s17+$0x0] =	vst.idx.msk vm7, v35  }
.LBB2_4:
0x19d: {  	vm7 =	vlt.f32 v37, $-Inf;
	vm8 =	vgt.f32 v37, $-Inf  }
0x19e: {  	vm7 =	vmor vm8, vm7  }
0x19f: {  	v29 =	vmax.f32 v37, v38;
	v0 =	vnsel vm7, $0x4E6E6B28, v1;
	vm7 =	vgt.f32 v38, v37  }
0x1a0: {  	v0 =	vsel vm7, v2, v0;
	vm7 =	vgt.f32 v39, v29;
	v29 =	vmax.f32 v29, v39  }
0x1a1: {  	v0 =	vsel vm7, v3, v0;
	vm7 =	vgt.f32 v40, v29;
	v29 =	vmax.f32 v29, v40  }
0x1a2: {  	v0 =	vsel vm7, v4, v0;
	vm7 =	vgt.f32 v41, v29;
	v29 =	vmax.f32 v29, v41  }
0x1a3: {  	v0 =	vsel vm7, v5, v0;
	vm7 =	vgt.f32 v43, v29;
	v29 =	vmax.f32 v29, v43  }
0x1a4: {  	v0 =	vsel vm7, v6, v0;
	vm7 =	vgt.f32 v42, v29;
	v29 =	vmax.f32 v29, v42  }
0x1a5: {  	v0 =	vsel vm7, v7, v0;
	vm7 =	vgt.f32 v44, v29;
	v29 =	vmax.f32 v29, v44  }
0x1a6: {  	v0 =	vsel vm7, v8, v0;
	vm7 =	vgt.f32 v46, v29;
	v29 =	vmax.f32 v29, v46  }
0x1a7: {  	v0 =	vsel vm7, v9, v0;
	vm7 =	vgt.f32 v45, v29;
	v29 =	vmax.f32 v29, v45  }
0x1a8: {  	v0 =	vsel vm7, v10, v0;
	vm7 =	vgt.f32 v31, v29;
	v29 =	vmax.f32 v29, v31  }
0x1a9: {  	v0 =	vsel vm7, v11, v0;
	vm7 =	vgt.f32 v33, v29;
	v29 =	vmax.f32 v29, v33  }
0x1aa: {  	v0 =	vsel vm7, v12, v0;
	vm7 =	vgt.f32 v32, v29;
	v29 =	vmax.f32 v29, v32  }
0x1ab: {  	v0 =	vsel vm7, v13, v0;
	vm7 =	vgt.f32 v34, v29;
	v29 =	vmax.f32 v29, v34  }
0x1ac: {  	v0 =	vsel vm7, v15, v0;
	vm7 =	vgt.f32 v47, v29;
	v29 =	vmax.f32 v29, v47  }
0x1ad: {  	v0 =	vsel vm7, v16, v0;
	vm7 =	vgt.f32 v36, v29;
	v29 =	vmax.f32 v29, v36  }
0x1ae: {  	v0 =	vsel vm7, v17, v0;
	vm7 =	vgt.f32 v48, v29;
	v29 =	vmax.f32 v29, v48  }
0x1af: {  	v0 =	vsel vm7, v18, v0;
	vm7 =	vgt.f32 v49, v29;
	v29 =	vmax.f32 v29, v49  }
0x1b0: {  	v0 =	vsel vm7, v19, v0;
	vm7 =	vgt.f32 v51, v29;
	v30 =	vmax.f32 v29, v51  }
0x1b1: {  	v0 =	vsel vm7, v20, v0;
	vm7 =	vgt.f32 v50, v30  }
0x1b2: {  	s19 =	sadd.s32 $0x1, s19;
	s18 =	sadd.s32 $0x100, s18;
	v31 =	vmax.f32 v30, v50;
	v29 =	vsel vm7, v21, v0  }
.LBB2_2:
0x1b3: {  	v0 =	vperm.xlane v31, v25;
	_ =	sdelay $0x1  }
0x1b4: {  	v0 =	vmax.f32 v31, v0  }
0x1b5: {  	v30 =	vperm.xlane v0, v26;
	_ =	sdelay $0x1  }
0x1b6: {  	v0 =	vmax.f32 v0, v30  }
0x1b7: {  	v30 =	vperm.xlane v0, v27;
	_ =	sdelay $0x1  }
0x1b8: {  	v0 =	vmax.f32 v0, v30  }
0x1b9: {  	v30 =	vperm.xlane v0, v23;
	_ =	sdelay $0x1  }
0x1ba: {  	v0 =	vmax.f32 v0, v30  }
0x1bb: {  	vm7 =	veq.f32 v31, v0  }
0x1bc: {  	v29 =	vnsel vm7, $0x4E6E6B28, v29  }
0x1bd: {  	v30 =	vperm.xlane v29, v25;
	_ =	sdelay $0x1  }
0x1be: {  	v29 =	vmin.f32 v29, v30  }
0x1bf: {  	v30 =	vperm.xlane v29, v26;
	_ =	sdelay $0x1  }
0x1c0: {  	v29 =	vmin.f32 v29, v30  }
0x1c1: {  	v30 =	vperm.xlane v29, v27;
	_ =	sdelay $0x1  }
0x1c2: {  	v29 =	vmin.f32 v29, v30  }
0x1c3: {  	v30 =	vperm.xlane v29, v23;
	_ =	sdelay $0x1  }
0x1c4: {  	v29 =	vmin.f32 v29, v30  }
0x1c5: {  	vm8 =	vgt.f32 v0, $-Inf;
	vm7 =	vlt.f32 v0, $-Inf;
	v30 =	vsub.f32 v29, v22  }
0x1c6: {  	vm7 =	vmor vm8, vm7  }
0x1c7: {  	v30 =	vnsel vm7, $0x0, v30  }
0x1c8: {  	v30 =	vtrunc.f32 v30  }
0x1c9: {  	v30 =	vcvt.f32.s32 v30;
	_ =	sdelay $0x1  }
0x1ca: {  	v31 =	vadd.s32 $0x140, v30  }
0x1cb: {  	v32 =	vadd.s32 $0x280, v30  }
0x1cc: {  	v33 =	vadd.s32 $0x3C0, v30;
	_ =	sdelay $0x1  }
0x1cd: {  	v34 =	vld.idx.msk [tilespmem:v30+s8+$0x0], $0xffff  }
0x1ce: {  	v31 =	vld.idx.msk [tilespmem:v31+s8+$0x0], $0xffff  }
0x1cf: {  	vm7 =	vmmov $0x1;
	v32 =	vld.idx.msk [tilespmem:v32+s8+$0x0], $0xffff  }
0x1d0: {  	v0 =	vnsel vm7, $0x0, v0;
	v33 =	vld.idx.msk [tilespmem:v33+s8+$0x0], $0xffff  }
0x1d1: {  	v0 =	vsel vm0, v0, v29;
	v35 =	vld.idx.msk [tilespmem:v30+s10+$0x0], $0xffff  }
0x1d2: {  	v29 =	vld.idx.msk [tilespmem:v30+s11+$0x0], $0xffff;
	v0 =	vsel vm1, v0, v34  }
0x1d3: {  	v0 =	vsel vm2, v0, v31  }
0x1d4: {  	v0 =	vsel vm3, v0, v32  }
0x1d5: {  	v0 =	vsel vm4, v0, v33  }
0x1d6: {  	s20 =	sand.u32 $0x100, s18;
	v0 =	vsel vm5, v0, v35  }
0x1d7: {  	s20 =	sadd.s32 s20, s7;
	v0 =	vsel vm6, v0, v29  }
0x1d8: {  	s21 =	sadd.s32 s12, s20;
	[tilespmem:$0x1380] =	vst v0  }
0x1d9: {  	[spmem:s21] =	stream.linear.scatter [tilespmem:s13], [sflag:$0x2], $0x10, $0x38;
	[tilespmem:$0x58A0] =	vst v63  }
0x1da: {  	_ =	swait.ge [sflag:s9], $0x10  }
0x1db: {  	[sflag:s9] =	ssyncset.done $0x0  }
0x1dc: {  	[sflag:s9] =	ssyncadd.s32 $0xFFFFFFF0  }
0x1dd: {  	[bflag:$0x0] =	sbarrier.arrive $0xFFFF  }
0x1de: {  	[tilespmem:s14], [sflag:$0x2] =	stream.linear.gather [spmem:s20], $0x100, $0x38;
	[tilespmem:$0x58A0] =	vst v63  }
0x1df: {  	_ =	swait.ge [sflag:s9], $0x100  }
0x1e0: {  	[sflag:s9] =	ssyncset.done $0x0  }
0x1e1: {  	[sflag:s9] =	ssyncadd.s32 $0xFFFFFF00  }
0x1e2: {  	v0 =	vld.idx.msk [tilespmem:v28+s14+$0x0], $0xffff;
	_ =	sdelay $0x4  }
0x1e3: {  	v29 =	vperm.xlane v0, v25;
	_ =	sdelay $0x1  }
0x1e4: {  	v29 =	vmax.f32 v0, v29  }
0x1e5: {  	v30 =	vor.u32 $0x1, v28;
	v31 =	vperm.xlane v29, v26;
	_ =	sdelay $0x1  }
0x1e6: {  	v29 =	vmax.f32 v29, v31  }
0x1e7: {  	v31 =	vperm.xlane v29, v27;
	_ =	sdelay $0x1  }
0x1e8: {  	v47 =	vld.idx.msk [tilespmem:v30+s14+$0x0], $0xffff;
	v29 =	vmax.f32 v29, v31  }
0x1e9: {  	v30 =	vperm.xlane v29, v23;
	_ =	sdelay $0x1  }
0x1ea: {  	v29 =	vmax.f32 v29, v30  }
0x1eb: {  	vm8 =	veq.f32 v0, v29  }
0x1ec: {  	v0 =	vnsel vm8, $0x4E6E6B28, v47  }
0x1ed: {  	v30 =	vperm.xlane v0, v25;
	_ =	sdelay $0x1  }
0x1ee: {  	v0 =	vmin.f32 v0, v30  }
0x1ef: {  	v30 =	vperm.xlane v0, v26;
	_ =	sdelay $0x1  }
0x1f0: {  	v0 =	vmin.f32 v0, v30  }
0x1f1: {  	v30 =	vperm.xlane v0, v27;
	_ =	sdelay $0x1  }
0x1f2: {  	v0 =	vmin.f32 v0, v30  }
0x1f3: {  	v30 =	vperm.xlane v0, v23;
	_ =	sdelay $0x1  }
0x1f4: {  	v30 =	vmin.f32 v0, v30  }
0x1f5: {  	vm8 =	veq.f32 v47, v30  }
0x1f6: {  	v0 =	vnsel vm8, $0x41800000, v59  }
0x1f7: {  	v31 =	vperm.xlane v0, v25;
	_ =	sdelay $0x1  }
0x1f8: {  	v0 =	vmin.f32 v0, v31  }
0x1f9: {  	v31 =	vperm.xlane v0, v26;
	_ =	sdelay $0x1  }
0x1fa: {  	v0 =	vmin.f32 v0, v31  }
0x1fb: {  	v31 =	vperm.xlane v0, v27;
	_ =	sdelay $0x1  }
0x1fc: {  	v0 =	vmin.f32 v0, v31  }
0x1fd: {  	v31 =	vperm.xlane v0, v23  }
0x1fe: {  	v49 =	vld [tilespmem:$0x140]  }
0x1ff: {  	v38 =	vld [tilespmem:$0x280];
	v0 =	vmin.f32 v0, v31  }
0x200: {  	v39 =	vld [tilespmem:$0x3C0];
	v0 =	vtrunc.f32 v0  }
0x201: {  	v40 =	vld [tilespmem:$0xF00];
	v0 =	vcvt.f32.s32 v0  }
0x202: {  	v50 =	vld [tilespmem:$0x10]  }
0x203: {  	v51 =	vld [tilespmem:$0x150];
	v33 =	vshll.u32 v0, $0x4  }
0x204: {  	v41 =	vld [tilespmem:$0x290];
	v0 =	vor.u32 $0x2, v33  }
0x205: {  	v53 =	vld [tilespmem:$0x3D0];
	v31 =	vor.u32 $0x3, v33  }
0x206: {  	v42 =	vld [tilespmem:$0xF10];
	v48 =	vor.u32 $0x4, v33  }
0x207: {  	v43 =	vld [tilespmem:$0x20]  }
0x208: {  	v44 =	vld [tilespmem:$0x160];
	v37 =	vor.u32 $0x5, v33  }
0x209: {  	v36 =	vld.idx.msk [tilespmem:v0+s14+$0x0], $0xffff  }
0x20a: {  	v35 =	vld.idx.msk [tilespmem:v31+s14+$0x0], $0xffff  }
0x20b: {  	v34 =	vld.idx.msk [tilespmem:v48+s14+$0x0], $0xffff  }
0x20c: {  	v0 =	vld [tilespmem:$0x0];
	v31 =	vor.u32 $0x6, v33  }
0x20d: {  	v32 =	vld.idx.msk [tilespmem:v37+s14+$0x0], $0xffff  }
0x20e: {  	v45 =	vld [tilespmem:$0x2A0]  }
0x20f: {  	v54 =	vld [tilespmem:$0x3E0]  }
0x210: {  	v46 =	vld [tilespmem:$0x2B0];
	vm9 =	vgt.f32 v29, $-Inf;
	vm10 =	veq.f32 v1, v30;
	vm11 =	veq.f32 v2, v30  }
0x211: {  	vm12 =	veq.f32 v7, v30;
	vm8 =	vlt.f32 v29, $-Inf;
	v31 =	vld.idx.msk [tilespmem:v31+s14+$0x0], $0xffff;
	v0 =	vmax.f32 v36, v0  }
0x212: {  	v55 =	vld [tilespmem:$0xF20];
	v37 =	vmax.f32 v35, v49;
	v38 =	vmin.f32 v34, v38;
	v39 =	vmin.f32 v32, v39  }
0x213: {  	v47 =	vld [tilespmem:$0x3F0];
	v41 =	vmin.f32 v34, v41;
	v0 =	vsub.f32 v38, v0;
	v37 =	vsub.f32 v39, v37  }
0x214: {  	v58 =	vld [tilespmem:$0x30];
	v43 =	vmax.f32 v36, v43;
	v45 =	vmin.f32 v34, v45;
	v44 =	vmax.f32 v35, v44  }
0x215: {  	v61 =	vld [tilespmem:$0x170];
	v46 =	vmin.f32 v34, v46;
	v0 =	vmax.f32 v0, $0.0e+00;
	v37 =	vmax.f32 v37, $0.0e+00  }
0x216: {  	v62 =	vld [tilespmem:$0xF30];
	v38 =	vmax.f32 v36, v50;
	v0 =	vmul.f32 v37, v0;
	v52 =	vadd.f32 v40, v31  }
0x217: {  	v63 =	vld [tilespmem:$0x40];
	v39 =	vmax.f32 v35, v51;
	v38 =	vsub.f32 v41, v38;
	v40 =	vmin.f32 v32, v53  }
0x218: {  	v48 =	vld [tilespmem:$0x180];
	v47 =	vmin.f32 v32, v47;
	v39 =	vsub.f32 v40, v39;
	v37 =	vsub.f32 v52, v0  }
0x219: {  	v43 =	vsub.f32 v45, v43;
	v50 =	vld [tilespmem:$0x400];
	v56 =	vmax.f32 v38, $0.0e+00;
	v60 =	vadd.f32 v42, v31  }
0x21a: {  	v57 =	vmax.f32 v39, $0.0e+00;
	v39 =	vmax.f32 v36, v58;
	v58 =	vld [tilespmem:$0x410];
	v37 =	vadd.f32 $9.999999710e-10, v37  }
0x21b: {  	v42 =	vmax.f32 v35, v61;
	v40 =	vmin.f32 v32, v54;
	v39 =	vsub.f32 v46, v39;
	v46 =	vld [tilespmem:$0x190]  }
0x21c: {  	v49 =	vld [tilespmem:$0x2C0];
	v40 =	vsub.f32 v40, v44;
	(erf) = vrcp.f32 v37;
	v37 =	vmul.f32 v57, v56  }
0x21d: {  	vm8 =	vmor vm9, vm8;
	v43 =	vmax.f32 v43, $0.0e+00;
	v53 =	vld [tilespmem:$0x2D0];
	v42 =	vsub.f32 v47, v42  }
0x21e: {  	v52 =	vadd.f32 v62, v31;
	v62 =	vld [tilespmem:$0x60];
	v40 =	vmax.f32 v40, $0.0e+00;
	v38 =	vsub.f32 v60, v37  }
0x21f: {  	v44 =	vmax.f32 v36, v63;
	v63 =	vld [tilespmem:$0x1A0];
	v40 =	vmul.f32 v40, v43;
	v57 =	vmin.f32 v32, v50  }
0x220: {  	v43 =	vld [tilespmem:$0xF40];
	v50 =	vmin.f32 v32, v58;
	v46 =	vmax.f32 v35, v46;
	v38 =	vadd.f32 $9.999999710e-10, v38  }
0x221: {  	v41 =	vadd.f32 v55, v31;
	v55 =	vmax.f32 v35, v48;
	v60 =	vld [tilespmem:$0xF50];
	v46 =	vsub.f32 v50, v46  }
0x222: {  	v42 =	vmax.f32 v42, $0.0e+00;
	v39 =	vmax.f32 v39, $0.0e+00;
	(erf) = vrcp.f32 v38;
	v38 =	vld [tilespmem:$0x50]  }
0x223: {  	v56 =	vmin.f32 v34, v49;
	v47 =	vsub.f32 v57, v55;
	v57 =	vmax.f32 v46, $0.0e+00;
	v46 =	vld [tilespmem:$0x2F0]  }
0x224: {  	v54 =	vld [tilespmem:$0x2E0];
	v45 =	vmin.f32 v34, v53;
	v39 =	vmul.f32 v42, v39;
	v44 =	vsub.f32 v56, v44  }
0x225: {  	v41 =	vsub.f32 v41, v40;
	v55 =	vld [tilespmem:$0x420];
	v42 =	vmax.f32 v36, v62;
	v49 =	vmax.f32 v35, v63;
	v51 =	vpop (erf)  }
0x226: {  	v61 =	vsub.f32 v52, v39;
	v44 =	vmax.f32 v44, $0.0e+00;
	v0 =	vmul.f32 v51, v0  }
0x227: {  	v47 =	vmax.f32 v47, $0.0e+00;
	v43 =	vadd.f32 v43, v31;
	v58 =	vadd.f32 v60, v31  }
0x228: {  	v38 =	vmax.f32 v36, v38;
	v46 =	vmin.f32 v34, v46;
	vm9 =	vgt.f32 v0, $5.000000000e-01  }
0x229: {  	v63 =	vld [tilespmem:$0x70];
	v0 =	vadd.f32 $9.999999710e-10, v41;
	v41 =	vmul.f32 v47, v44;
	v38 =	vsub.f32 v45, v38  }
0x22a: {  	v60 =	vld [tilespmem:$0xF60];
	v44 =	vmin.f32 v34, v54;
	v47 =	vmin.f32 v32, v55;
	vm9 =	vmor vm10, vm9  }
0x22b: {  	v45 =	vld [tilespmem:$0x1080];
	v62 =	vsub.f32 v47, v49;
	(erf) = vrcp.f32 v0;
	v0 =	vadd.f32 $9.999999710e-10, v61  }
0x22c: {  	v47 =	vld [tilespmem:$0x1B0];
	v38 =	vmax.f32 v38, $0.0e+00;
	v61 =	vsub.f32 v44, v42;
	vm9 =	vmand vm8, vm9  }
0x22d: {  	v56 =	vpop (erf);
	v42 =	vmax.f32 v62, $0.0e+00;
	(erf) = vrcp.f32 v0;
	v0 =	vsub.f32 v43, v41  }
0x22e: {  	v62 =	vmax.f32 v36, v63;
	v37 =	vmul.f32 v56, v37;
	v43 =	vmul.f32 v57, v38;
	v57 =	vld [tilespmem:$0x430]  }
0x22f: {  	v48 =	vld [tilespmem:$0x10B0];
	v38 =	vmax.f32 v61, $0.0e+00;
	v56 =	vadd.f32 v60, v31;
	v0 =	vadd.f32 $9.999999710e-10, v0  }
0x230: {  	v61 =	vld [tilespmem:$0xF70];
	vm10 =	vgt.f32 v37, $5.000000000e-01;
	v54 =	vsub.f32 v58, v43;
	v37 =	vsel vm9, $0xFF800000, v45  }
0x231: {  	v50 =	vld [tilespmem:$0x1090];
	v47 =	vmax.f32 v35, v47;
	(erf) = vrcp.f32 v0;
	v0 =	vmul.f32 v42, v38  }
0x232: {  	v53 =	vld [tilespmem:$0x10E0];
	vm9 =	vmor vm11, vm10;
	vm11 =	veq.f32 v3, v30;
	v58 =	vadd.f32 $9.999999710e-10, v54  }
0x233: {  	v54 =	vsub.f32 v46, v62;
	v46 =	vld [tilespmem:$0x80];
	v42 =	vmin.f32 v32, v57;
	v38 =	vsub.f32 v56, v0  }
0x234: {  	v51 =	vld [tilespmem:$0x10A0];
	vm9 =	vmand vm8, vm9;
	(erf) = vrcp.f32 v58;
	v42 =	vsub.f32 v42, v47;
	v55 =	vpop (erf)  }
0x235: {  	v47 =	vld [tilespmem:$0x1C0];
	v58 =	vadd.f32 v61, v31;
	v40 =	vmul.f32 v55, v40;
	v60 =	vadd.f32 $9.999999710e-10, v38  }
0x236: {  	v38 =	vsel vm9, $0xFF800000, v50;
	v55 =	vmax.f32 v54, $0.0e+00;
	v56 =	vmax.f32 v42, $0.0e+00;
	v42 =	vld [tilespmem:$0x300];
	v63 =	vpop (erf)  }
0x237: {  	v52 =	vld [tilespmem:$0x10D0];
	v50 =	vmul.f32 v56, v55;
	vm10 =	vgt.f32 v40, $5.000000000e-01;
	v39 =	vmul.f32 v63, v39  }
0x238: {  	v54 =	vld [tilespmem:$0x90];
	v46 =	vmax.f32 v36, v46;
	(erf) = vrcp.f32 v60;
	vm9 =	vmor vm11, vm10  }
0x239: {  	v60 =	vld [tilespmem:$0x440];
	vm11 =	veq.f32 v4, v30;
	v61 =	vsub.f32 v58, v50;
	vm10 =	vgt.f32 v39, $5.000000000e-01  }
0x23a: {  	v44 =	vld [tilespmem:$0xF80];
	v47 =	vmax.f32 v35, v47;
	vm9 =	vmand vm8, vm9;
	vm10 =	vmor vm11, vm10  }
0x23b: {  	v45 =	vld [tilespmem:$0x10C0];
	v57 =	vpop (erf);
	v39 =	vsel vm9, $0xFF800000, v51;
	v63 =	vadd.f32 $9.999999710e-10, v61;
	v42 =	vmin.f32 v34, v42  }
0x23c: {  	v51 =	vld [tilespmem:$0x310];
	vm11 =	veq.f32 v6, v30;
	v41 =	vmul.f32 v57, v41;
	vm9 =	vmand vm8, vm10  }
0x23d: {  	v55 =	vld [tilespmem:$0x450];
	vm10 =	veq.f32 v5, v30;
	v42 =	vsub.f32 v42, v46;
	v40 =	vsel vm9, $0xFF800000, v48  }
0x23e: {  	v46 =	vld [tilespmem:$0xA0];
	v62 =	vpop (erf);
	v49 =	vmin.f32 v32, v60;
	(erf) = vrcp.f32 v63;
	v63 =	vmax.f32 v36, v54  }
0x23f: {  	v48 =	vld [tilespmem:$0x1D0];
	vm9 =	vgt.f32 v41, $5.000000000e-01;
	v41 =	vmul.f32 v62, v43;
	v57 =	vsub.f32 v49, v47  }
0x240: {  	v54 =	vld [tilespmem:$0x320];
	v60 =	vmax.f32 v42, $0.0e+00;
	v62 =	vadd.f32 v44, v31;
	vm9 =	vmor vm10, vm9  }
0x241: {  	v56 =	vld [tilespmem:$0x10F0];
	vm9 =	vmand vm8, vm9;
	v61 =	vmax.f32 v57, $0.0e+00;
	v57 =	vmin.f32 v34, v51  }
0x242: {  	v43 =	vld [tilespmem:$0xF90];
	vm10 =	vgt.f32 v41, $5.000000000e-01;
	v47 =	vmul.f32 v61, v60;
	v42 =	vsub.f32 v57, v63  }
0x243: {  	v44 =	vld [tilespmem:$0x1E0];
	v58 =	vpop (erf);
	vm10 =	vmor vm11, vm10;
	v41 =	vsel vm9, $0xFF800000, v45;
	v46 =	vmax.f32 v36, v46  }
0x244: {  	v49 =	vld [tilespmem:$0x460];
	v0 =	vmul.f32 v58, v0;
	v48 =	vmax.f32 v35, v48;
	v58 =	vmin.f32 v32, v55  }
0x245: {  	v51 =	vld [tilespmem:$0xFA0];
	vm9 =	vmand vm8, vm10;
	v63 =	vmin.f32 v34, v54;
	v48 =	vsub.f32 v58, v48  }
0x246: {  	v45 =	vld [tilespmem:$0x330];
	v60 =	vmax.f32 v42, $0.0e+00;
	vm11 =	vgt.f32 v0, $5.000000000e-01;
	v0 =	vsub.f32 v62, v47  }
0x247: {  	v57 =	vld [tilespmem:$0x1F0];
	v46 =	vsub.f32 v63, v46;
	v62 =	vadd.f32 v43, v31;
	v61 =	vmax.f32 v48, $0.0e+00  }
0x248: {  	v48 =	vld [tilespmem:$0xB0];
	vm10 =	vmor vm12, vm11;
	v0 =	vadd.f32 $9.999999710e-10, v0;
	v55 =	vmul.f32 v61, v60  }
0x249: {  	v43 =	vsel vm9, $0xFF800000, v52;
	v46 =	vmax.f32 v46, $0.0e+00;
	vm10 =	vmand vm8, vm10;
	v58 =	vpop (erf);
	v60 =	vld [tilespmem:$0x470]  }
0x24a: {  	v54 =	vld [tilespmem:$0xC0];
	v50 =	vmul.f32 v58, v50;
	(erf) = vrcp.f32 v0;
	v0 =	vsub.f32 v62, v55  }
0x24b: {  	v45 =	vmin.f32 v34, v45;
	v42 =	vsel vm10, $0xFF800000, v53;
	v58 =	vmin.f32 v32, v49;
	v49 =	vld [tilespmem:$0x340]  }
0x24c: {  	v52 =	vld [tilespmem:$0xFB0];
	vm10 =	veq.f32 v8, v30;
	vm9 =	vgt.f32 v50, $5.000000000e-01;
	v0 =	vadd.f32 $9.999999710e-10, v0  }
0x24d: {  	v53 =	vld [tilespmem:$0xD0];
	v62 =	vmax.f32 v35, v57;
	v61 =	vmax.f32 v36, v48;
	vm9 =	vmor vm10, vm9  }
0x24e: {  	v50 =	vld [tilespmem:$0x200];
	v63 =	vmin.f32 v32, v60;
	vm9 =	vmand vm8, vm9;
	(erf) = vrcp.f32 v0  }
0x24f: {  	v48 =	vld [tilespmem:$0x480];
	v0 =	vmax.f32 v35, v44;
	v44 =	vsub.f32 v45, v61;
	v60 =	vsub.f32 v63, v62  }
0x250: {  	v61 =	vmax.f32 v36, v54;
	v49 =	vmin.f32 v34, v49;
	v54 =	vld [tilespmem:$0xFD0];
	v0 =	vsub.f32 v58, v0  }
0x251: {  	v58 =	vld [tilespmem:$0xFC0];
	v49 =	vsub.f32 v49, v61;
	v44 =	vmax.f32 v44, $0.0e+00;
	v45 =	vmax.f32 v60, $0.0e+00  }
0x252: {  	v52 =	vadd.f32 v52, v31;
	v45 =	vmul.f32 v45, v44;
	v44 =	vsel vm9, $0xFF800000, v56;
	v56 =	vld [tilespmem:$0x360]  }
0x253: {  	v50 =	vmax.f32 v35, v50;
	v0 =	vmax.f32 v0, $0.0e+00;
	v63 =	vmax.f32 v49, $0.0e+00;
	v49 =	vld [tilespmem:$0x4A0]  }
0x254: {  	v48 =	vmin.f32 v32, v48;
	v0 =	vmul.f32 v0, v46;
	v46 =	vadd.f32 v51, v31;
	v51 =	vld [tilespmem:$0x210]  }
0x255: {  	v48 =	vsub.f32 v48, v50;
	v50 =	vld [tilespmem:$0x220];
	v57 =	vpop (erf);
	v52 =	vsub.f32 v52, v45  }
0x256: {  	v53 =	vmax.f32 v36, v53;
	v60 =	vld [tilespmem:$0x350];
	v47 =	vmul.f32 v57, v47;
	v46 =	vsub.f32 v46, v0  }
0x257: {  	v57 =	vld [tilespmem:$0x490];
	v48 =	vmax.f32 v48, $0.0e+00;
	v58 =	vadd.f32 v58, v31;
	v52 =	vadd.f32 $9.999999710e-10, v52  }
0x258: {  	v61 =	vld [tilespmem:$0xE0];
	vm10 =	vgt.f32 v47, $5.000000000e-01;
	v46 =	vadd.f32 $9.999999710e-10, v46;
	v47 =	vmul.f32 v48, v63  }
0x259: {  	v48 =	vld [tilespmem:$0xFE0];
	v56 =	vmin.f32 v34, v56;
	v49 =	vmin.f32 v32, v49;
	v51 =	vmax.f32 v35, v51  }
0x25a: {  	v62 =	vpop (erf);
	v50 =	vmax.f32 v35, v50;
	(erf) = vrcp.f32 v46;
	v46 =	vsub.f32 v58, v47;
	v58 =	vld [tilespmem:$0x230]  }
0x25b: {  	v55 =	vmul.f32 v62, v55;
	v62 =	vmin.f32 v34, v60;
	v60 =	vld [tilespmem:$0x4B0];
	v49 =	vsub.f32 v49, v50  }
0x25c: {  	(erf) = vrcp.f32 v52;
	v52 =	vld [tilespmem:$0xF0];
	v57 =	vmin.f32 v32, v57;
	v53 =	vsub.f32 v62, v53  }
0x25d: {  	vm9 =	vgt.f32 v55, $5.000000000e-01;
	v55 =	vld [tilespmem:$0x370];
	v51 =	vsub.f32 v57, v51;
	v57 =	vmax.f32 v36, v61  }
0x25e: {  	v49 =	vmax.f32 v49, $0.0e+00;
	v56 =	vsub.f32 v56, v57  }
0x25f: {  	v62 =	vld [tilespmem:$0x240];
	v46 =	vadd.f32 $9.999999710e-10, v46;
	v53 =	vmax.f32 v53, $0.0e+00;
	v51 =	vmax.f32 v51, $0.0e+00  }
0x260: {  	v61 =	vld [tilespmem:$0x100];
	v50 =	vmul.f32 v51, v53;
	v51 =	vadd.f32 v54, v31;
	v53 =	vmax.f32 v56, $0.0e+00  }
0x261: {  	v54 =	vld [tilespmem:$0xFF0];
	v56 =	vadd.f32 v48, v31;
	v58 =	vmax.f32 v35, v58;
	v60 =	vmin.f32 v32, v60  }
0x262: {  	v57 =	vld [tilespmem:$0x1100];
	v52 =	vmax.f32 v36, v52;
	v48 =	vmul.f32 v49, v53;
	v55 =	vmin.f32 v34, v55  }
0x263: {  	v63 =	vsub.f32 v60, v58;
	v58 =	vld [tilespmem:$0x110];
	v52 =	vsub.f32 v55, v52  }
0x264: {  	v33 =	vor.u32 $0x7, v33;
	v60 =	vsub.f32 v51, v50;
	v55 =	vld [tilespmem:$0x380];
	v56 =	vsub.f32 v56, v48;
	v49 =	vpop (erf)  }
0x265: {  	v51 =	vld [tilespmem:$0x4C0];
	v53 =	vmax.f32 v63, $0.0e+00;
	v0 =	vmul.f32 v49, v0;
	v52 =	vmax.f32 v52, $0.0e+00  }
0x266: {  	v63 =	vadd.f32 $9.999999710e-10, v56;
	v56 =	vld [tilespmem:$0x4D0];
	v49 =	vmul.f32 v53, v52;
	v52 =	vadd.f32 v54, v31  }
0x267: {  	vm11 =	veq.f32 v9, v30;
	vm12 =	veq.f32 v10, v30;
	v60 =	vadd.f32 $9.999999710e-10, v60;
	v54 =	vld [tilespmem:$0x390]  }
0x268: {  	vm11 =	vmor vm11, vm10;
	(erf) = vrcp.f32 v46;
	v53 =	vld [tilespmem:$0x250];
	v52 =	vsub.f32 v52, v49  }
0x269: {  	(erf) = vrcp.f32 v60;
	v60 =	vld [tilespmem:$0x120];
	vm10 =	vgt.f32 v0, $5.000000000e-01;
	v55 =	vmin.f32 v34, v55;
	v0 =	vpop (erf)  }
0x26a: {  	v0 =	vmul.f32 v0, v45;
	v45 =	vld [tilespmem:$0x1110];
	v46 =	vadd.f32 $9.999999710e-10, v52;
	v52 =	vmax.f32 v36, v61  }
0x26b: {  	v51 =	vmin.f32 v32, v51;
	v61 =	vmax.f32 v35, v62;
	v52 =	vsub.f32 v55, v52;
	v55 =	vld [tilespmem:$0x260]  }
0x26c: {  	v58 =	vmax.f32 v36, v58;
	v51 =	vsub.f32 v51, v61;
	v54 =	vmin.f32 v34, v54;
	v61 =	vld [tilespmem:$0x3A0]  }
0x26d: {  	v56 =	vmin.f32 v32, v56;
	v53 =	vmax.f32 v35, v53;
	v54 =	vsub.f32 v54, v58;
	v58 =	vld [tilespmem:$0x4E0]  }
0x26e: {  	vm11 =	vmand vm8, vm11;
	vm9 =	vmor vm12, vm9;
	v53 =	vsub.f32 v56, v53;
	v56 =	vld [tilespmem:$0x1000]  }
0x26f: {  	vm12 =	veq.f32 v11, v30;
	(erf) = vrcp.f32 v63;
	v63 =	vmax.f32 v52, $0.0e+00;
	v52 =	vld [tilespmem:$0x130]  }
0x270: {  	vm9 =	vmand vm8, vm9;
	v51 =	vmax.f32 v51, $0.0e+00;
	v62 =	vmax.f32 v54, $0.0e+00;
	v54 =	vld [tilespmem:$0x270]  }
0x271: {  	(erf) = vrcp.f32 v46;
	v51 =	vmul.f32 v51, v63;
	v53 =	vmax.f32 v53, $0.0e+00;
	v63 =	vld [tilespmem:$0x1010]  }
0x272: {  	v46 =	vmax.f32 v36, v60;
	v53 =	vmul.f32 v53, v62;
	v62 =	vld [tilespmem:$0x4F0];
	v45 =	vsel vm9, $0xFF800000, v45  }
0x273: {  	vm9 =	vmor vm12, vm10;
	vm10 =	vgt.f32 v0, $5.000000000e-01;
	v60 =	vmin.f32 v34, v61;
	v61 =	vld [tilespmem:$0x3B0]  }
0x274: {  	v55 =	vmax.f32 v35, v55;
	vm9 =	vmand vm8, vm9;
	v58 =	vmin.f32 v32, v58  }
0x275: {  	v60 =	vsub.f32 v60, v46;
	v46 =	vsel vm11, $0xFF800000, v57;
	v57 =	vadd.f32 v56, v31  }
0x276: {  	v55 =	vsub.f32 v58, v55;
	v36 =	vmax.f32 v36, v52;
	v0 =	vmax.f32 v35, v54;
	v35 =	vld [tilespmem:$0x1020]  }
0x277: {  	v52 =	vsub.f32 v57, v51;
	v54 =	vld [tilespmem:$0x1030];
	v63 =	vadd.f32 v63, v31;
	v32 =	vmin.f32 v32, v62  }
0x278: {  	v55 =	vmax.f32 v55, $0.0e+00;
	v34 =	vmin.f32 v34, v61;
	v0 =	vsub.f32 v32, v0  }
0x279: {  	v61 =	vmax.f32 v60, $0.0e+00;
	v62 =	vadd.f32 $9.999999710e-10, v52;
	v34 =	vsub.f32 v34, v36;
	v36 =	vld [tilespmem:$0x1120]  }
0x27a: {  	v63 =	vsub.f32 v63, v53;
	v55 =	vmul.f32 v55, v61;
	v0 =	vmax.f32 v0, $0.0e+00  }
0x27b: {  	v60 =	vpop (erf);
	(erf) = vrcp.f32 v62;
	v56 =	vadd.f32 v35, v31;
	v34 =	vmax.f32 v34, $0.0e+00  }
0x27c: {  	v63 =	vadd.f32 $9.999999710e-10, v63;
	v61 =	vadd.f32 v54, v31;
	v0 =	vmul.f32 v0, v34  }
0x27d: {  	vm11 =	veq.f32 v12, v30;
	v58 =	vld [tilespmem:$0x1130];
	v62 =	vmul.f32 v60, v47;
	v57 =	vsub.f32 v56, v55  }
0x27e: {  	v60 =	vld [tilespmem:$0x1140];
	(erf) = vrcp.f32 v63;
	v31 =	vsel vm9, $0xFF800000, v36;
	v32 =	vsub.f32 v61, v0  }
0x27f: {  	v35 =	vld.idx.msk [tilespmem:v33+s14+$0x0], $0xffff;
	[tilespmem:$0x1080] =	vst v37;
	vm9 =	vmor vm11, vm10;
	vm10 =	vgt.f32 v62, $5.000000000e-01;
	v62 =	vadd.f32 $9.999999710e-10, v57  }
0x280: {  	vm12 =	veq.f32 v15, v30;
	[tilespmem:$0x1090] =	vst v38;
	vm11 =	veq.f32 v13, v30;
	v61 =	vpop (erf);
	v32 =	vadd.f32 $9.999999710e-10, v32  }
0x281: {  	[tilespmem:$0x10A0] =	vst v39;
	v63 =	vld [tilespmem:$0x1150];
	vm10 =	vmor vm11, vm10;
	v33 =	vmul.f32 v61, v50;
	(erf) = vrcp.f32 v62  }
0x282: {  	[tilespmem:$0x10B0] =	vst v40;
	vm9 =	vmand vm8, vm9;
	v54 =	vpop (erf);
	vm10 =	vmand vm8, vm10;
	(erf) = vrcp.f32 v32  }
0x283: {  	[tilespmem:$0x10C0] =	vst v41;
	v56 =	vmul.f32 v54, v48;
	v57 =	vpop (erf);
	vm11 =	vgt.f32 v33, $5.000000000e-01;
	v33 =	vsel vm9, $0xFF800000, v58  }
0x284: {  	[tilespmem:$0x10D0] =	vst v43;
	v61 =	vld [tilespmem:$0x1170];
	v32 =	vsel vm10, $0xFF800000, v60;
	v48 =	vmul.f32 v57, v49;
	vm11 =	vmor vm12, vm11  }
0x285: {  	[tilespmem:$0x10E0] =	vst v42;
	v58 =	vld [tilespmem:$0x1160];
	v60 =	vpop (erf);
	vm10 =	vgt.f32 v56, $5.000000000e-01;
	vm12 =	veq.f32 v18, v30;
	vm9 =	vmand vm8, vm11  }
0x286: {  	[tilespmem:$0x10F0] =	vst v44;
	vm11 =	veq.f32 v16, v30;
	v62 =	vmul.f32 v60, v51;
	v34 =	vsel vm9, $0xFF800000, v63  }
0x287: {  	[tilespmem:$0x1100] =	vst v46;
	vm9 =	vmor vm11, vm10;
	vm10 =	vgt.f32 v48, $5.000000000e-01;
	vm11 =	veq.f32 v17, v30;
	v63 =	vld [tilespmem:$0x1180]  }
0x288: {  	[tilespmem:$0x1110] =	vst v45;
	v56 =	vpop (erf);
	vm9 =	vmand vm8, vm9;
	vm10 =	vmor vm11, vm10;
	vm11 =	vgt.f32 v62, $5.000000000e-01  }
0x289: {  	[tilespmem:$0x1120] =	vst v31;
	v49 =	vmul.f32 v56, v53;
	vm10 =	vmand vm8, vm10;
	vm11 =	vmor vm12, vm11  }
0x28a: {  	[tilespmem:$0x1130] =	vst v33;
	v47 =	vsel vm9, $0xFF800000, v58;
	v58 =	vld [tilespmem:$0x1190];
	vm12 =	veq.f32 v21, v30;
	v36 =	vsel vm10, $0xFF800000, v61;
	v57 =	vpop (erf)  }
0x28b: {  	[tilespmem:$0x1140] =	vst v32;
	v60 =	vld [tilespmem:$0x11A0];
	vm9 =	vmand vm8, vm11;
	vm10 =	vgt.f32 v49, $5.000000000e-01;
	v61 =	vmul.f32 v57, v55;
	v62 =	vpop (erf)  }
0x28c: {  	[tilespmem:$0x1150] =	vst v34;
	vm11 =	veq.f32 v19, v30;
	v48 =	vsel vm9, $0xFF800000, v63;
	v63 =	vld [tilespmem:$0x11B0];
	v0 =	vmul.f32 v62, v0  }
0x28d: {  	[tilespmem:$0x1160] =	vst v47;
	vm9 =	vmor vm11, vm10;
	vm11 =	veq.f32 v20, v30;
	vm10 =	vgt.f32 v61, $5.000000000e-01  }
.Ltmp3:
0x28e: {  	[tilespmem:$0x1170] =	vst v36;
	vm9 =	vmand vm8, vm9;
	vm10 =	vmor vm11, vm10;
	vm11 =	vgt.f32 v0, $5.000000000e-01;
	(pc) =	sbr.rel @!p0 .LBB2_3-.Ltmp3, $4  }
0x28f: {  	[tilespmem:$0x1180] =	vst v48;
	v49 =	vsel vm9, $0xFF800000, v58;
	vm9 =	vmor vm12, vm11;
	vm10 =	vmand vm8, vm10  }
0x290: {  	[tilespmem:$0x1190] =	vst v49;
	v51 =	vsel vm10, $0xFF800000, v60;
	vm9 =	vmand vm8, vm9  }
0x291: {  	[tilespmem:$0x11A0] =	vst v51;
	v50 =	vsel vm9, $0xFF800000, v63  }
0x292: {  	[tilespmem:$0x11B0] =	vst v50  }
0x293: {  	p1 =	seq.s32 s19, $0x63  }
.Ltmp4:
0x294: {  	_ = 	snop;
	(pc) =	sbr.rel @p1 .LBB2_8-.Ltmp4, $1  }
0x295: {  	_ =	sdelay $0x3  }
.Ltmp5:
0x296: {  	(pc) =	sbr.rel .LBB2_4-.Ltmp5, $3  }
0x297: {  	_ =	sdelay $0x1  }
0x298: {  	v0 =	vsel vm8, $0x1, v24  }
0x299: {  	v14 =	vadd.s32 v0, v14  }
.LBB2_7:
0x29a: {  	v1 =	vld [tilespmem:$0x1500]  }
0x29b: {  	v5 =	vld [tilespmem:$0x1510]  }
0x29c: {  	v9 =	vld [tilespmem:$0x1520]  }
0x29d: {  	v4 =	vlaneseq.u32;
	v63 =	vld [tilespmem:$0x1530]  }
0x29e: {  	v20 =	vld [tilespmem:$0x1540];
	vm0 =	vgt.s32 v14, v4;
	v8 =	vor.u32 $0x10, v4  }
0x29f: {  	v30 =	vld [tilespmem:$0x1550];
	v62 =	vor.u32 $0x20, v4;
	vm9 =	vgt.s32 v14, v8;
	v1 =	vnsel vm0, $0xBF800000, v1  }
0x2a0: {  	v19 =	vor.u32 $0x30, v4;
	vm10 =	vgt.s32 v14, v62;
	v56 =	vnsel vm9, $0xBF800000, v5;
	[tilespmem:$0x5700] =	vst v1  }
0x2a1: {  	v29 =	vor.u32 $0x40, v4;
	vm11 =	vgt.s32 v14, v19;
	v13 =	vnsel vm10, $0xBF800000, v9;
	[tilespmem:$0x5710] =	vst v56  }
0x2a2: {  	v39 =	vor.u32 $0x50, v4;
	vm12 =	vgt.s32 v14, v29;
	v24 =	vnsel vm11, $0xBF800000, v63;
	[tilespmem:$0x5720] =	vst v13  }
0x2a3: {  	v0 =	vld [tilespmem:$0x1600];
	vm13 =	vgt.s32 v14, v39;
	v34 =	vnsel vm12, $0xBF800000, v20;
	[tilespmem:$0x5730] =	vst v24  }
0x2a4: {  	v2 =	vld [tilespmem:$0x1580];
	v44 =	vnsel vm13, $0xBF800000, v30;
	v1 =	vimm.s32 $0x0;
	[tilespmem:$0x5740] =	vst v34  }
0x2a5: {  	v6 =	vld [tilespmem:$0x1590];
	[tilespmem:$0x5750] =	vst v44;
	v52 =	vsel vm0, $0x1, v1  }
0x2a6: {  	v61 =	vsel vm9, $0x1, v1;
	[tilespmem:$0x5800] =	vst v52  }
0x2a7: {  	v3 =	vld [tilespmem:$0x1610];
	v49 =	vor.u32 $0x60, v4;
	v18 =	vsel vm10, $0x1, v1;
	[tilespmem:$0x5810] =	vst v61  }
0x2a8: {  	v4 =	vor.u32 $0x70, v4;
	vm14 =	vgt.s32 v14, v49;
	v28 =	vsel vm11, $0x1, v1;
	[tilespmem:$0x5820] =	vst v18  }
0x2a9: {  	v7 =	vld [tilespmem:$0x1620];
	vm15 =	vgt.s32 v14, v4;
	v0 =	vtrunc.f32 v0;
	v38 =	vsel vm12, $0x1, v1;
	[tilespmem:$0x5830] =	vst v28  }
0x2aa: {  	v60 =	vld [tilespmem:$0x1630];
	v2 =	vtrunc.f32 v2;
	v57 =	vtrunc.f32 v6;
	v48 =	vsel vm13, $0x1, v1;
	[tilespmem:$0x5840] =	vst v38  }
0x2ab: {  	v12 =	vld [tilespmem:$0x15B0];
	v0 =	vcvt.f32.s32 v0;
	v59 =	vcvt.f32.s32 v57;
	v57 =	vsel vm14, $0x1, v1;
	[tilespmem:$0x5850] =	vst v48  }
0x2ac: {  	v55 =	vld [tilespmem:$0x15A0];
	v3 =	vtrunc.f32 v3;
	v2 =	vcvt.f32.s32 v2;
	v62 =	vsel vm15, $0x1, v1;
	[tilespmem:$0x5860] =	vst v57  }
0x2ad: {  	v23 =	vld [tilespmem:$0x15C0];
	v54 =	vcvt.f32.s32 v3;
	v0 =	vnsel vm0, $0xFFFFFFFF, v0;
	[tilespmem:$0x5870] =	vst v62  }
0x2ae: {  	v27 =	vld [tilespmem:$0x1650];
	v7 =	vtrunc.f32 v7;
	v53 =	vnsel vm0, $0x1400, v2;
	[tilespmem:$0x5780] =	vst v0  }
0x2af: {  	v40 =	vld [tilespmem:$0x1560];
	v5 =	vtrunc.f32 v60;
	v11 =	vcvt.f32.s32 v7;
	v58 =	vnsel vm9, $0xFFFFFFFF, v54;
	[tilespmem:$0x1680] =	vst v53  }
0x2b0: {  	v50 =	vld [tilespmem:$0x1570];
	v6 =	vtrunc.f32 v12;
	v22 =	vcvt.f32.s32 v5;
	v10 =	vnsel vm9, $0x1400, v59;
	[tilespmem:$0x5790] =	vst v58  }
0x2b1: {  	v17 =	vld [tilespmem:$0x1640];
	v26 =	vcvt.f32.s32 v6;
	v15 =	vnsel vm10, $0xFFFFFFFF, v11;
	[tilespmem:$0x1690] =	vst v10  }
0x2b2: {  	v37 =	vld [tilespmem:$0x1660];
	v25 =	vnsel vm11, $0xFFFFFFFF, v22;
	[tilespmem:$0x57A0] =	vst v15  }
0x2b3: {  	v43 =	vld [tilespmem:$0x15E0];
	v3 =	vtrunc.f32 v55;
	v31 =	vnsel vm11, $0x1400, v26;
	[tilespmem:$0x57B0] =	vst v25  }
0x2b4: {  	v33 =	vld [tilespmem:$0x15D0];
	v5 =	vtrunc.f32 v23;
	v16 =	vcvt.f32.s32 v3;
	v54 =	vnsel vm14, $0xBF800000, v40;
	[tilespmem:$0x16B0] =	vst v31  }
0x2b5: {  	v47 =	vld [tilespmem:$0x1670];
	v6 =	vtrunc.f32 v27;
	v36 =	vcvt.f32.s32 v5;
	v59 =	vnsel vm15, $0xBF800000, v50;
	[tilespmem:$0x5760] =	vst v54  }
0x2b6: {  	v3 =	vtrunc.f32 v17;
	v42 =	vcvt.f32.s32 v6;
	v21 =	vnsel vm10, $0x1400, v16;
	v53 =	vld [tilespmem:$0x15F0];
	[tilespmem:$0x5770] =	vst v59  }
0x2b7: {  	v5 =	vtrunc.f32 v37;
	v32 =	vcvt.f32.s32 v3;
	v41 =	vnsel vm12, $0x1400, v36;
	[tilespmem:$0x16A0] =	vst v21  }
0x2b8: {  	v6 =	vtrunc.f32 v43;
	v52 =	vcvt.f32.s32 v5;
	v45 =	vnsel vm13, $0xFFFFFFFF, v42;
	[tilespmem:$0x16C0] =	vst v41  }
0x2b9: {  	v3 =	vtrunc.f32 v33;
	v56 =	vcvt.f32.s32 v6;
	v35 =	vnsel vm12, $0xFFFFFFFF, v32;
	[tilespmem:$0x57D0] =	vst v45  }
0x2ba: {  	v46 =	vcvt.f32.s32 v3;
	v3 =	vtrunc.f32 v47;
	v55 =	vnsel vm14, $0xFFFFFFFF, v52;
	[tilespmem:$0x57C0] =	vst v35  }
0x2bb: {  	v2 =	vnsel vm14, $0x1400, v56;
	v58 =	vcvt.f32.s32 v3;
	[tilespmem:$0x57E0] =	vst v55;
	v60 =	vtrunc.f32 v53  }
0x2bc: {  	v51 =	vnsel vm13, $0x1400, v46;
	[tilespmem:$0x16E0] =	vst v2;
	v61 =	vcvt.f32.s32 v60  }
0x2bd: {  	[tilespmem:$0x16D0] =	vst v51;
	v0 =	vnsel vm15, $0xFFFFFFFF, v58  }
0x2be: {  	s7 =	simm.s32 $0x80;
	[tilespmem:$0x57F0] =	vst v0;
	v63 =	vnsel vm15, $0x1400, v61  }
0x2bf: {  	s8 =	simm.s32 $0x1680;
	s9 =	simm.s32 $0x1700;
	s25 =	simm.s32 $0x1;
	[tilespmem:$0x16F0] =	vst v63  }
0x2c0: {  	[tilespmem:s9], [sflag:$0x1] =	stream.indirect.gather [hbm4b:s6+s7], $0x80, s8, s7, $0xb8;
	[tilespmem:$0x58A0] =	vst v63  }
0x2c1: {  	_ =	swait.ge [sflag:s25], $0x4000  }
0x2c2: {  	[sflag:s25] =	ssyncset.done $0x0  }
0x2c3: {  	s26 =	simm.s32 $0x0;
	s28 =	simm.s32 $0x2;
	[sflag:s25] =	ssyncadd.s32 $0xFFFFC000  }
0x2c4: {  	[hbm4b:s5+s26] =	stream.linear.scatter [tilespmem:s9], [sflag:$0x2], $0x4000, $0x38;
	[tilespmem:$0x58A0] =	vst v63  }
0x2c5: {  	_ =	swait.ge [sflag:s28], $0x4000  }
0x2c6: {  	[sflag:s28] =	ssyncset.done $0x0  }
0x2c7: {  	s29 =	simm.s32 $0x5700;
	[sflag:s28] =	ssyncadd.s32 $0xFFFFC000  }
0x2c8: {  	[hbm4b:s4+s26] =	stream.linear.scatter [tilespmem:s29], [sflag:$0x2], $0x80, $0x38;
	[tilespmem:$0x58A0] =	vst v63  }
0x2c9: {  	_ =	swait.ge [sflag:s28], $0x80  }
0x2ca: {  	[sflag:s28] =	ssyncset.done $0x0  }
0x2cb: {  	s30 =	simm.s32 $0x5780;
	[sflag:s28] =	ssyncadd.s32 $0xFFFFFF80  }
0x2cc: {  	[hbm4b:s3+s26] =	stream.linear.scatter [tilespmem:s30], [sflag:$0x2], $0x80, $0x38;
	[tilespmem:$0x58A0] =	vst v63  }
0x2cd: {  	_ =	swait.ge [sflag:s28], $0x80  }
0x2ce: {  	[sflag:s28] =	ssyncset.done $0x0  }
0x2cf: {  	s31 =	simm.s32 $0x5800;
	[sflag:s28] =	ssyncadd.s32 $0xFFFFFF80  }
0x2d0: {  	[hbm4b:s1+s26] =	stream.linear.scatter [tilespmem:s31], [sflag:$0x2], $0x80, $0x38;
	[tilespmem:$0x58A0] =	vst v63  }
0x2d1: {  	_ =	swait.ge [sflag:s28], $0x80  }
0x2d2: {  	[sflag:s28] =	ssyncset.done $0x0  }
0x2d3: {  	[sflag:s28] =	ssyncadd.s32 $0xFFFFFF80  }
.LBB2_8:
0x2d4: {  	_ =	sfence.sel $0x180000  }
0x2d5: {  	[bflag:$0x0] =	sbarrier.arrive $0xFFFF  }
0x2d6: {  	p0 =	sne.s32 s2, $0x0;
	_ =	strace $0x90000047  }
0x2d7: {  	s0 =	sadd.s32 @!p0 $0x100000, s0;
	[bflag:$0x2] =	sbarrier.arrive $0xFFFF  }
0x2d8: {  	[sflag:s0] =	ssyncadd.tile.s32 @!p0 $0x1;
	_ =	shalt  }
.Lfunc_end2:
_tile_overlayer_lowered:
.L_overlay_start_2:
0x2d9: {  	(tag) =	ssettag $0x2  }
0x2da: {  	s0 =	rddreg [dreg:$0x0];
	s2 =	stileid.u32  }
0x2db: {  	s1 =	rddreg [dreg:$0x1];
	p0 =	sne.s32 s2, $0x0  }
0x2dc: {  	s3 =	rddreg [dreg:$0x2];
	[bflag:$0x3] =	sbarrier.arrive $0xFFFF;
	s2 =	simm.s32 @!p0 $0x1C02  }
0x2dd: {  	[timem:s3], [sflag:s2] =	dma.local @!p0 [hbm:s0], s1  }
0x2de: {  	s0 =	simm.s32 @!p0 $0x2  }
0x2df: {  	_ =	swait.ge @!p0 [sflag:s0], s1  }
0x2e0: {  	s1 =	ssub.s32 @!p0 $0x0, s1;
	[sflag:s0] =	ssyncset.done @!p0 $0x0  }
0x2e1: {  	[sflag:s0] =	ssyncadd.s32 @!p0 s1  }
0x2e2: {  	[bflag:$0x3] =	sbarrier.arrive $0xFFFF  }
0x2e3: {  	_ =	shalt  }

</sc_bundles>
